<compile_context>
chip_gen: v7x
topology: tpu7x:2x2x1
jax: 0.10.2.dev20260603
libtpu: 0.0.44.dev20260713+nightly
codegen_flags: <defaults>
</compile_context>

<pallas_src>
import jax
import jax.numpy as jnp
from jax import lax
from jax.experimental import pallas as pl
from jax.experimental.pallas import tpu as pltpu
from jax.experimental.pallas import tpu_sc as plsc

N_FD = 50000
E_FD = 800000
L = 24
T = 2048
T_SP = 1024
FD_ITERS = 8
N_PIN = 3072
N_PIN_PAD = 4096

NTILE = 16
COLS = 128
ROWS = 400
N_PAD = ROWS * COLS
ROWS_T = ROWS // NTILE
SGROUPS = ROWS_T * (COLS // 16)
CHUNK = 1280
ECROWS = CHUNK // COLS
NCHUNK = 40
E_TILE = CHUNK * NCHUNK
E_PAD = NTILE * E_TILE
GROUPS = CHUNK // 16
RCHUNKS = 5
RCLEN = ROWS // RCHUNKS
DUMMY = N_PAD - 1


def _fd_body(xs_hbm, loads_hbm, epack_hbm, pins_hbm, zeros_hbm,
             idrows_hbm, ownrows_hbm, outx_hbm, outres_hbm,
             x_cur, s_part, ebuf0, ebuf1, idrows, ownrows, diag_s, a_s,
             b_s, red_s, esem0, esem1, zsem, rsem, spmem_sum):
    c = lax.axis_index("c")
    t = lax.axis_index("s")
    r_off = t * ROWS_T
    ones16 = jnp.full((16,), 1.0, jnp.float32)

    def rc(g):
        return g // 8, (g % 8) * 16

    def start_chunk(k, eb, sem):
        pltpu.async_copy(epack_hbm.at[t * NCHUNK + k], eb, sem)

    def wait_chunk(k, eb, sem):
        pltpu.make_async_copy(epack_hbm.at[t * NCHUNK + k], eb, sem).wait()

    def compute_chunk(eb, with_q_times_x):
        @plsc.parallel_loop(0, GROUPS, unroll=4)
        def _(g):
            r, cb = rc(g)
            sl = pl.ds(cb, 16)
            v = eb[r, sl]
            qv = plsc.bitcast(eb[ECROWS + r, sl], jnp.float32)
            iv = v & 0xFFFF
            jv = lax.shift_right_logical(v, 16)
            ir, ic = iv >> 7, iv & 127
            jr, jc = jv >> 7, jv & 127
            if with_q_times_x:
                xj = plsc.load_gather(x_cur, [jr, jc])
                xi = plsc.load_gather(x_cur, [ir, ic])
                plsc.addupdate_scatter(s_part, [ir, ic], qv * xj)
                plsc.addupdate_scatter(s_part, [jr, jc], qv * xi)
            else:
                plsc.addupdate_scatter(s_part, [ir, ic], qv)
                plsc.addupdate_scatter(s_part, [jr, jc], qv)

    def start_zero():
        pltpu.async_copy(zeros_hbm, s_part, zsem)

    def scatter_pass(with_q_times_x):
        start_chunk(0, ebuf0, esem0)
        pltpu.make_async_copy(zeros_hbm, s_part, zsem).wait()
        pltpu.sync_copy(s_part.at[pl.ds(0, ROWS_T)], spmem_sum.at[ownrows])

        def pair_body(kk, _):
            k0 = 2 * kk
            start_chunk(k0 + 1, ebuf1, esem1)
            wait_chunk(k0, ebuf0, esem0)
            compute_chunk(ebuf0, with_q_times_x)

            @pl.when(k0 + 2 < NCHUNK)
            def _():
                start_chunk(k0 + 2, ebuf0, esem0)

            wait_chunk(k0 + 1, ebuf1, esem1)
            compute_chunk(ebuf1, with_q_times_x)
            return _

        lax.fori_loop(0, NCHUNK // 2, pair_body, None)

    def reduce_to_slice():
        plsc.subcore_barrier()
        for ch in range(RCHUNKS):
            pltpu.async_copy(s_part.at[pl.ds(ch * RCLEN, RCLEN)],
                             spmem_sum.at[idrows.at[ch]], rsem, add=True)
        for ch in range(RCHUNKS):
            pltpu.make_async_copy(s_part.at[pl.ds(ch * RCLEN, RCLEN)],
                                  spmem_sum.at[idrows.at[ch]], rsem).wait()
        start_zero()
        plsc.subcore_barrier()
        pltpu.sync_copy(spmem_sum.at[ownrows], red_s)

    pltpu.sync_copy(idrows_hbm, idrows)
    pltpu.sync_copy(ownrows_hbm.at[t], ownrows)

    pltpu.sync_copy(zeros_hbm, s_part)
    pltpu.sync_copy(pins_hbm.at[0], ebuf0.at[pl.ds(0, 16)])
    pltpu.sync_copy(pins_hbm.at[1], ebuf1.at[pl.ds(0, 16)])

    for eb in (ebuf0, ebuf1):
        def pin_body(g, _, eb=eb):
            r, cb = rc(g)
            pv = eb[r, pl.ds(cb, 16)]
            plsc.addupdate_scatter(s_part, [pv >> 7, pv & 127], ones16)
            return _

        lax.fori_loop(0, (N_PIN_PAD // 2) // 16, pin_body, None)

    def mask_body(g, _):
        r, cb = rc(g)
        a_s[r, pl.ds(cb, 16)] = 1.0 - jnp.minimum(
            s_part[r_off + r, pl.ds(cb, 16)], 1.0)
        return _

    lax.fori_loop(0, SGROUPS, mask_body, None)
    start_zero()

    scatter_pass(with_q_times_x=False)
    reduce_to_slice()

    def diag_body(g, _):
        r, cb = rc(g)
        sl = pl.ds(cb, 16)
        dv = red_s[r, sl] + 1e-6
        diag_s[r, sl] = dv
        a_s[r, sl] = a_s[r, sl] / dv
        return _

    lax.fori_loop(0, SGROUPS, diag_body, None)
    plsc.subcore_barrier()

    for slot in range(2):
        coord = 2 * c + slot

        @pl.when(coord <= 2)
        def _():
            pltpu.sync_copy(xs_hbm.at[coord], x_cur)
            pltpu.sync_copy(loads_hbm.at[coord, t], b_s)

            def b_body(g, _):
                r, cb = rc(g)
                sl = pl.ds(cb, 16)
                m = 1.0 - a_s[r, sl] * diag_s[r, sl]
                x0 = x_cur[r_off + r, sl]
                b_s[r, sl] = m * x0 + b_s[r, sl] * a_s[r, sl]
                return _

            lax.fori_loop(0, SGROUPS, b_body, None)
            plsc.subcore_barrier()

            def iter_body(p, _):
                scatter_pass(with_q_times_x=True)
                reduce_to_slice()

                def upd_body(g, _):
                    r, cb = rc(g)
                    sl = pl.ds(cb, 16)
                    red_s[r, sl] = b_s[r, sl] + a_s[r, sl] * red_s[r, sl]
                    return _

                lax.fori_loop(0, SGROUPS, upd_body, None)
                pltpu.sync_copy(red_s, spmem_sum.at[ownrows])

                @pl.when(p == FD_ITERS - 1)
                def _():
                    pltpu.sync_copy(red_s, outx_hbm.at[coord, t])

                plsc.subcore_barrier()
                pltpu.sync_copy(spmem_sum, x_cur)
                plsc.subcore_barrier()
                return _

            lax.fori_loop(0, FD_ITERS, iter_body, None)

            scatter_pass(with_q_times_x=True)
            reduce_to_slice()
            pltpu.sync_copy(loads_hbm.at[coord, t], b_s)

            def res_body(g, _):
                r, cb = rc(g)
                sl = pl.ds(cb, 16)
                xv = x_cur[r_off + r, sl]
                red_s[r, sl] = (b_s[r, sl] + red_s[r, sl]
                                - diag_s[r, sl] * xv)
                return _

            lax.fori_loop(0, SGROUPS, res_body, None)
            pltpu.sync_copy(red_s, outres_hbm.at[coord, t])

    pltpu.make_async_copy(zeros_hbm, s_part, zsem).wait()


@jax.jit
def _fd_solve(xs, loads, epack, pins, zeros, idrows, ownrows):
    mesh = plsc.VectorSubcoreMesh(core_axis_name="c", subcore_axis_name="s")
    f = pl.kernel(
        _fd_body,
        out_type=(
            jax.ShapeDtypeStruct((3, NTILE, ROWS_T, COLS), jnp.float32),
            jax.ShapeDtypeStruct((3, NTILE, ROWS_T, COLS), jnp.float32),
        ),
        mesh=mesh,
        compiler_params=pltpu.CompilerParams(needs_layout_passes=False),
        scratch_types=[
            pltpu.VMEM((ROWS, COLS), jnp.float32),
            pltpu.VMEM((ROWS, COLS), jnp.float32),
            pltpu.VMEM((2 * ECROWS, COLS), jnp.int32),
            pltpu.VMEM((2 * ECROWS, COLS), jnp.int32),
            pltpu.VMEM((RCHUNKS, RCLEN), jnp.int32),
            pltpu.VMEM((ROWS_T,), jnp.int32),
            pltpu.VMEM((ROWS_T, COLS), jnp.float32),
            pltpu.VMEM((ROWS_T, COLS), jnp.float32),
            pltpu.VMEM((ROWS_T, COLS), jnp.float32),
            pltpu.VMEM((ROWS_T, COLS), jnp.float32),
            pltpu.SemaphoreType.DMA,
            pltpu.SemaphoreType.DMA,
            pltpu.SemaphoreType.DMA,
            pltpu.SemaphoreType.DMA,
            pltpu.VMEM_SHARED((ROWS, COLS), jnp.float32),
        ],
    )
    return f(xs, loads, epack, pins, zeros, idrows, ownrows)



N_CE = L * T
N_SP = L * T_SP
NW_AR = T
NW_SP = T_SP


def _iface_body(res_hbm, x_hbm, cl_hbm, corig_hbm, cl2_hbm,
                icem_hbm, ifdm_hbm, icsp_hbm, ifsp_hbm, zi_hbm,
                loads1_hbm, orig1_hbm, loads2_hbm,
                wbuf, clb, idxb, fdmb, rvals, xvals, origb, wtmp, gsem):
    cx = lax.axis_index("c")
    t = lax.axis_index("s")
    lane = jax.lax.iota(jnp.int32, 16)
    neg1 = jnp.full((16,), -1, jnp.int32)

    def job(n_upd, n_dst, icem_src, ifdm_src, cl_src, out_dst,
            with_origin):
        coord = t
        groups = n_upd // 16
        pltpu.sync_copy(icem_src, idxb.at[pl.ds(0, n_upd)])
        pltpu.sync_copy(ifdm_src, fdmb.at[pl.ds(0, n_upd)])
        pltpu.sync_copy(cl_src.at[coord], clb.at[pl.ds(0, n_dst)])
        pltpu.sync_copy(zi_hbm.at[pl.ds(0, n_dst)], wbuf.at[pl.ds(0, n_dst)])
        wtmp[pl.ds(16, 16)] = neg1

        def gidx_body(g, _):
            sl = pl.ds(g * 16, 16)
            fdmb[sl] = fdmb[sl] + coord * (ROWS * COLS)
            return _

        lax.fori_loop(0, groups, gidx_body, None)
        pltpu.async_copy(res_hbm.at[fdmb.at[pl.ds(0, n_upd)]],
                         rvals.at[pl.ds(0, n_upd)], gsem).wait()
        if with_origin:
            pltpu.async_copy(x_hbm.at[fdmb.at[pl.ds(0, n_upd)]],
                             xvals.at[pl.ds(0, n_upd)], gsem).wait()
            pltpu.sync_copy(corig_hbm.at[coord], origb)

        def w_body(g, _):
            sl = pl.ds(g * 16, 16)
            idxv = idxb[sl]
            key = (idxv << 4) | lane
            sk, _sv = plsc.sort_key_val(key, key)
            kk = lax.shift_right_logical(sk, 4)
            slot = (sk & 15) + g * 16
            wtmp[pl.ds(0, 16)] = kk
            endm = kk != wtmp[pl.ds(1, 16)]
            plsc.store_scatter(wbuf, [kk], slot + 1, mask=endm)
            return _

        lax.fori_loop(0, groups, w_body, None)

        def a_body(g, _):
            sl = pl.ds(g * 16, 16)
            idxv = idxb[sl]
            slot = g * 16 + lane
            wv = plsc.load_gather(wbuf, [idxv])
            keep = wv == slot + 1
            plsc.store_scatter(clb, [idxv], rvals[sl], mask=keep)
            if with_origin:
                keep2 = keep & (idxv < NW_AR)
                plsc.store_scatter(origb, [idxv], xvals[sl], mask=keep2)
            return _

        lax.fori_loop(0, groups, a_body, None)
        pltpu.sync_copy(clb.at[pl.ds(0, n_dst)], out_dst.at[coord])
        if with_origin:
            pltpu.sync_copy(origb, orig1_hbm.at[coord])

    @pl.when((cx == 0) & (t < 3))
    def _():
        job(NW_AR, N_CE, icem_hbm, ifdm_hbm, cl_hbm, loads1_hbm, True)

    @pl.when((cx == 1) & (t < 3))
    def _():
        job(NW_SP, N_SP, icsp_hbm, ifsp_hbm, cl2_hbm, loads2_hbm, False)


@jax.jit
def _iface(res_flat, x_flat, cl, corig, cl2, icem, ifdm, icsp, ifsp, zi):
    mesh = plsc.VectorSubcoreMesh(core_axis_name="c", subcore_axis_name="s")
    f = pl.kernel(
        _iface_body,
        out_type=(
            jax.ShapeDtypeStruct((3, N_CE), jnp.float32),
            jax.ShapeDtypeStruct((3, T), jnp.float32),
            jax.ShapeDtypeStruct((3, N_SP), jnp.float32),
        ),
        mesh=mesh,
        compiler_params=pltpu.CompilerParams(needs_layout_passes=False),
        scratch_types=[
            pltpu.VMEM((N_CE,), jnp.int32),
            pltpu.VMEM((N_CE,), jnp.float32),
            pltpu.VMEM((T,), jnp.int32),
            pltpu.VMEM((T,), jnp.int32),
            pltpu.VMEM((T,), jnp.float32),
            pltpu.VMEM((T,), jnp.float32),
            pltpu.VMEM((T,), jnp.float32),
            pltpu.VMEM((32,), jnp.int32),
            pltpu.SemaphoreType.DMA,
        ],
    )
    return f(res_flat, x_flat, cl, corig, cl2, icem, ifdm, icsp, ifsp, zi)


def _ce_body(lx, ly, lz, ln, ox, oy, oz,
             ysx, ysy, ysz, rx, ry, rz):
    init = (ox[0, :], oy[0, :], oz[0, :],
            jnp.zeros_like(ox[0, :]), jnp.zeros_like(ox[0, :]),
            jnp.zeros_like(ox[0, :]))

    def step(s, carry):
        px, py, pz, ex, ey, ez = carry
        ex = ex + lx[s, :]
        ey = ey + ly[s, :]
        ez = ez + lz[s, :]
        scale = ln[s, :] / (jnp.sqrt(ex * ex + ey * ey + ez * ez) + 1e-8)
        px = px + ex * scale
        py = py + ey * scale
        pz = pz + ez * scale
        ysx[s, :] = px
        ysy[s, :] = py
        ysz[s, :] = pz
        return (px, py, pz, ex, ey, ez)

    px, py, pz, ex, ey, ez = lax.fori_loop(0, L, step, init)
    rx[0, :] = ex
    ry[0, :] = ey
    rz[0, :] = ez


def _ce(loads_soa, origin_soa, lengths, n_trails):
    loads = loads_soa.reshape(3, L, n_trails)
    origin = origin_soa
    f = pl.pallas_call(
        _ce_body,
        out_shape=(
            jax.ShapeDtypeStruct((L, n_trails), jnp.float32),
            jax.ShapeDtypeStruct((L, n_trails), jnp.float32),
            jax.ShapeDtypeStruct((L, n_trails), jnp.float32),
            jax.ShapeDtypeStruct((1, n_trails), jnp.float32),
            jax.ShapeDtypeStruct((1, n_trails), jnp.float32),
            jax.ShapeDtypeStruct((1, n_trails), jnp.float32),
        ),
    )
    ysx, ysy, ysz, rx, ry, rz = f(
        loads[0], loads[1], loads[2], lengths,
        origin[0][None, :], origin[1][None, :], origin[2][None, :])
    ys = jnp.stack([ysx, ysy, ysz], axis=-1)
    res_f = jnp.stack([rx[0], ry[0], rz[0]], axis=-1)
    return ys.reshape(L * n_trails, 3), res_f


def kernel(fd_xyz, fd_loads, fd_edges, fd_q, indices_fdm, indices_spoke_fdm,
           indices_cem, indices_spoke_cem, cem_loads, cem_xyz, ce_lengths,
           cem2_loads, cem2_xyz, ce_spoke_lengths):
    xs = jnp.zeros((3, N_PAD), jnp.float32).at[:, :N_FD].set(fd_xyz.T)
    loads = jnp.zeros((3, N_PAD), jnp.float32).at[:, :N_FD].set(fd_loads.T)
    xs = xs.reshape(3, ROWS, COLS)
    loads = loads.reshape(3, NTILE, ROWS_T, COLS)
    ei = jnp.full((E_PAD,), DUMMY, jnp.int32).at[:E_FD].set(fd_edges[0])
    ej = jnp.full((E_PAD,), DUMMY, jnp.int32).at[:E_FD].set(fd_edges[1])
    eqv = jnp.zeros((E_PAD,), jnp.float32).at[:E_FD].set(fd_q)
    packed = (ej << 16) | ei
    pk = packed.reshape(NTILE * NCHUNK, ECROWS, COLS)
    qk = lax.bitcast_convert_type(eqv, jnp.int32).reshape(
        NTILE * NCHUNK, ECROWS, COLS)
    epack = jnp.concatenate([pk, qk], axis=1)
    pins = jnp.concatenate([indices_fdm, indices_spoke_fdm]).astype(jnp.int32)
    pins = jnp.full((N_PIN_PAD,), DUMMY, jnp.int32).at[:N_PIN].set(pins)
    pins = pins.reshape(2, 16, COLS)
    zeros = jnp.zeros((ROWS, COLS), jnp.float32)
    idrows = jnp.arange(ROWS, dtype=jnp.int32).reshape(RCHUNKS, RCLEN)
    ownrows = jnp.arange(ROWS, dtype=jnp.int32).reshape(NTILE, ROWS_T)

    outx, outres = _fd_solve(xs, loads, epack, pins, zeros, idrows, ownrows)
    fd_xyz_out = outx.reshape(3, N_PAD)[:, :N_FD].T
    fd_res = outres.reshape(3, N_PAD)[:, :N_FD].T

    res_flat = outres.reshape(3 * N_PAD)
    x_flat = outx.reshape(3 * N_PAD)
    cl = cem_loads.T
    corig = cem_xyz[:T].T
    cl2 = cem2_loads.T
    zi = jnp.zeros((N_CE,), jnp.int32)
    loads1, orig1, loads2 = _iface(
        res_flat, x_flat, cl, corig, cl2,
        indices_cem.astype(jnp.int32), indices_fdm.astype(jnp.int32),
        indices_spoke_cem.astype(jnp.int32),
        indices_spoke_fdm.astype(jnp.int32), zi)
    ce_xyz, ce_res = _ce(loads1, orig1, ce_lengths, T)
    orig2 = cem2_xyz[:T_SP].T
    spoke_xyz, spoke_res = _ce(loads2, orig2, ce_spoke_lengths, T_SP)
    return (ce_xyz, ce_res, fd_xyz_out, fd_res, spoke_xyz, spoke_res)

# --- scband reference (transcript-rebuilt; emitter-appended) ---
"""Pipeline reference for scband-mixed-equilibrium-model-74792560493128 (READ-ONLY COPY).

The authoritative reference and input builder live on the scoring server;
editing this copy changes nothing except your own understanding.
"""

import jax, jax.numpy as jnp
import numpy as np

N_FD = 50000
E_FD = 800000
L = 24
T = 2048
T_SP = 1024
N_CE = L * T
N_SP = L * T_SP
N_IF = 2048
N_IF_SP = 1024
FD_ITERS = 8


def setup_inputs(seed: int = 0) -> dict:
    key = jax.random.key(seed)
    ks = jax.random.split(key, 16)
    return {
        "fd_xyz": jax.random.normal(ks[0], (N_FD, 3), dtype=jnp.float32),
        "fd_loads": 0.1 * jax.random.normal(ks[1], (N_FD, 3), dtype=jnp.float32),
        "fd_edges": jax.random.randint(ks[2], (2, E_FD), 0, N_FD),
        "fd_q": jax.random.uniform(ks[3], (E_FD,), dtype=jnp.float32),
        "indices_fdm": jax.random.randint(ks[4], (N_IF,), 0, N_FD),
        "indices_spoke_fdm": jax.random.randint(ks[5], (N_IF_SP,), 0, N_FD),
        "indices_cem": jax.random.randint(ks[6], (N_IF,), 0, N_CE),
        "indices_spoke_cem": jax.random.randint(ks[7], (N_IF_SP,), 0, N_SP),
        "cem_loads": 0.1 * jax.random.normal(ks[8], (N_CE, 3), dtype=jnp.float32),
        "cem_xyz": jax.random.normal(ks[9], (N_CE, 3), dtype=jnp.float32),
        "ce_lengths": jax.random.uniform(ks[10], (L, T), dtype=jnp.float32) + 0.5,
        "cem2_loads": 0.1 * jax.random.normal(ks[11], (N_SP, 3), dtype=jnp.float32),
        "cem2_xyz": jax.random.normal(ks[12], (N_SP, 3), dtype=jnp.float32),
        "ce_spoke_lengths": jax.random.uniform(ks[13], (L, T_SP), dtype=jnp.float32) + 0.5,
    }


def _fd_model(fd_xyz, fd_loads, fd_edges, fd_q, pin_idx):
    # Force-density equilibrium: A = C^T diag(q) C, solved with Jacobi iterations
    # implemented as edge gathers + scatter-adds (SparseCore-friendly).
    i, j = fd_edges[0], fd_edges[1]
    diag = jnp.zeros((N_FD,), jnp.float32).at[i].add(fd_q).at[j].add(fd_q) + 1e-6
    x = fd_xyz
    pinned = fd_xyz[pin_idx]
    for _ in range(FD_ITERS):
        s = jnp.zeros((N_FD, 3), jnp.float32).at[i].add(fd_q[:, None] * x[j]).at[j].add(fd_q[:, None] * x[i])
        x = (fd_loads + s) / diag[:, None]
        x = x.at[pin_idx].set(pinned)
    s = jnp.zeros((N_FD, 3), jnp.float32).at[i].add(fd_q[:, None] * x[j]).at[j].add(fd_q[:, None] * x[i])
    residuals = fd_loads + s - diag[:, None] * x
    return x, residuals


def _ce_model(loads_flat, xyz_flat, lengths, n_trails):
    # Combinatorial-equilibrium trail propagation: sequential scan along trails,
    # residual force accumulates loads, node positions extrude along residual direction.
    loads = loads_flat.reshape(L, n_trails, 3)
    origin = xyz_flat.reshape(L, n_trails, 3)[0]
    def step(carry, inp):
        pos, res = carry
        ld, ln = inp
        res = res + ld
        nrm = jnp.sqrt(jnp.sum(res * res, axis=-1, keepdims=True)) + 1e-8
        pos = pos + res / nrm * ln[:, None]
        return (pos, res), pos
    (pos_f, res_f), ys = jax.lax.scan(step, (origin, jnp.zeros((n_trails, 3), jnp.float32)), (loads, lengths))
    return ys.reshape(L * n_trails, 3), res_f


def reference(fd_xyz, fd_loads, fd_edges, fd_q, indices_fdm, indices_spoke_fdm,
              indices_cem, indices_spoke_cem, cem_loads, cem_xyz, ce_lengths,
              cem2_loads, cem2_xyz, ce_spoke_lengths):
    pin_idx = jnp.concatenate([indices_fdm, indices_spoke_fdm])
    fd_xyz_out, fd_res = _fd_model(fd_xyz, fd_loads, fd_edges, fd_q, pin_idx)
    # wire FD reactions/supports into the arch CEM model (mirrors eqx.tree_at replace)
    fd_reactions = fd_res[indices_fdm, :]
    fd_supports = fd_xyz_out[indices_fdm, :]
    loads1 = cem_loads.at[indices_cem, :].set(fd_reactions)
    xyz1 = cem_xyz.at[indices_cem, :].set(fd_supports)
    ce_xyz, ce_res = _ce_model(loads1, xyz1, ce_lengths, T)
    # wire spoke reactions into the second CEM model
    fd_spoke_reactions = fd_res[indices_spoke_fdm, :]
    loads2 = cem2_loads.at[indices_spoke_cem, :].set(fd_spoke_reactions)
    spoke_xyz, spoke_res = _ce_model(loads2, cem2_xyz, ce_spoke_lengths, T_SP)
    return (ce_xyz, ce_res, fd_xyz_out, fd_res, spoke_xyz, spoke_res)

if __name__ == "__main__":
    import jax
    _d = setup_inputs()
    print(jax.jit(kernel)(*tuple(_d.values())))

</pallas_src>

<mosaic_0001>
#map = affine_map<(d0, d1) -> (0, 0, 0)>
#map1 = affine_map<(d0, d1) -> (0, 0, 0, 0)>
#map2 = affine_map<(d0, d1) -> (0, 0)>
module attributes {stable_mosaic.version = 14 : i64} {
  func.func @_fd_body(%arg0: i32, %arg1: i32, %arg2: memref<3x400x128xf32, #tpu.memory_space<hbm>>, %arg3: memref<3x16x25x128xf32, #tpu.memory_space<hbm>>, %arg4: memref<640x20x128xi32, #tpu.memory_space<hbm>>, %arg5: memref<2x16x128xi32, #tpu.memory_space<hbm>>, %arg6: memref<400x128xf32, #tpu.memory_space<hbm>>, %arg7: memref<5x80xi32, #tpu.memory_space<hbm>>, %arg8: memref<16x25xi32, #tpu.memory_space<hbm>>, %arg9: memref<3x16x25x128xf32, #tpu.memory_space<hbm>>, %arg10: memref<3x16x25x128xf32, #tpu.memory_space<hbm>>, %arg11: memref<400x128xf32, #tpu.memory_space<vmem>>, %arg12: memref<400x128xf32, #tpu.memory_space<vmem>>, %arg13: memref<20x128xi32, #tpu.memory_space<vmem>>, %arg14: memref<20x128xi32, #tpu.memory_space<vmem>>, %arg15: memref<5x80xi32, #tpu.memory_space<vmem>>, %arg16: memref<25xi32, #tpu.memory_space<vmem>>, %arg17: memref<25x128xf32, #tpu.memory_space<vmem>>, %arg18: memref<25x128xf32, #tpu.memory_space<vmem>>, %arg19: memref<25x128xf32, #tpu.memory_space<vmem>>, %arg20: memref<25x128xf32, #tpu.memory_space<vmem>>, %arg21: memref<!tpu.dma_semaphore, #tpu.memory_space<semaphore_mem>>, %arg22: memref<!tpu.dma_semaphore, #tpu.memory_space<semaphore_mem>>, %arg23: memref<!tpu.dma_semaphore, #tpu.memory_space<semaphore_mem>>, %arg24: memref<!tpu.dma_semaphore, #tpu.memory_space<semaphore_mem>>, %arg25: memref<400x128xf32, #tpu.memory_space<vmem_shared>>) attributes {dimension_semantics = [#tpu.dimension_semantics<core_parallel>, #tpu.dimension_semantics<subcore_parallel>], iteration_bounds = array<i64: 2, 16>, scalar_prefetch = 0 : i64, scratch_operands = 15 : i64, tpu.core_type = #tpu.core_type<sc_vector_subcore>, window_params = [{transform_indices = #map}, {transform_indices = #map1}, {transform_indices = #map}, {transform_indices = #map}, {transform_indices = #map2}, {transform_indices = #map2}, {transform_indices = #map2}, {transform_indices = #map1}, {transform_indices = #map1}]} {
    %mul3A = arith.constant 25 : i32
    %mul3A_0 = arith.muli %arg1, %mul3A : i32
    %broadcast_in_dim3A = arith.constant 1.000000e+00 : f32
    %broadcast_in_dim3A_1 = vector.broadcast %broadcast_in_dim3A : f32 to vector<16xf32>
    "tpu.region"() ({
      %run_scoped3A_153 = tpu.sem_alloc : memref<!tpu.dma_semaphore, #tpu.memory_space<semaphore_mem>>
      tpu.enqueue_dma source(%arg7 : memref<5x80xi32, #tpu.memory_space<hbm>>) target(%arg15 : memref<5x80xi32, #tpu.memory_space<vmem>>) target_semaphore(%run_scoped3A_153 : memref<!tpu.dma_semaphore, #tpu.memory_space<semaphore_mem>>)
      tpu.wait_dma2 semaphore(%run_scoped3A_153 : memref<!tpu.dma_semaphore, #tpu.memory_space<semaphore_mem>>) src(%arg7 : memref<5x80xi32, #tpu.memory_space<hbm>>) dst(%arg15 : memref<5x80xi32, #tpu.memory_space<vmem>>)
      tpu.yield
    }) : () -> ()
    "tpu.region"() ({
      %run_scoped3A_153 = tpu.sem_alloc : memref<!tpu.dma_semaphore, #tpu.memory_space<semaphore_mem>>
      %dma_start3A_154 = arith.constant 0 : i32
      %dma_start3A_155 = tpu.memref_slice %arg8[%arg1, %dma_start3A_154] : memref<16x25xi32, #tpu.memory_space<hbm>> -> memref<1x25xi32, #tpu.memory_space<hbm>>
      %dma_start3A_156 = tpu.memref_squeeze %dma_start3A_155 : memref<1x25xi32, #tpu.memory_space<hbm>> -> memref<25xi32, #tpu.memory_space<hbm>>
      %dma_start3A_157 = arith.constant 0 : i32
      %dma_start3A_158 = tpu.memref_slice %arg8[%arg1, %dma_start3A_157] : memref<16x25xi32, #tpu.memory_space<hbm>> -> memref<1x25xi32, #tpu.memory_space<hbm>>
      %dma_start3A_159 = tpu.memref_squeeze %dma_start3A_158 : memref<1x25xi32, #tpu.memory_space<hbm>> -> memref<25xi32, #tpu.memory_space<hbm>>
      tpu.enqueue_dma source(%dma_start3A_159 : memref<25xi32, #tpu.memory_space<hbm>>) target(%arg16 : memref<25xi32, #tpu.memory_space<vmem>>) target_semaphore(%run_scoped3A_153 : memref<!tpu.dma_semaphore, #tpu.memory_space<semaphore_mem>>)
      %dma_wait3A_160 = arith.constant 0 : i32
      %dma_wait3A_161 = tpu.memref_slice %arg8[%arg1, %dma_wait3A_160] : memref<16x25xi32, #tpu.memory_space<hbm>> -> memref<1x25xi32, #tpu.memory_space<hbm>>
      %dma_wait3A_162 = tpu.memref_squeeze %dma_wait3A_161 : memref<1x25xi32, #tpu.memory_space<hbm>> -> memref<25xi32, #tpu.memory_space<hbm>>
      %dma_wait3A_163 = arith.constant 0 : i32
      %dma_wait3A_164 = tpu.memref_slice %arg8[%arg1, %dma_wait3A_163] : memref<16x25xi32, #tpu.memory_space<hbm>> -> memref<1x25xi32, #tpu.memory_space<hbm>>
      %dma_wait3A_165 = tpu.memref_squeeze %dma_wait3A_164 : memref<1x25xi32, #tpu.memory_space<hbm>> -> memref<25xi32, #tpu.memory_space<hbm>>
      tpu.wait_dma2 semaphore(%run_scoped3A_153 : memref<!tpu.dma_semaphore, #tpu.memory_space<semaphore_mem>>) src(%dma_wait3A_165 : memref<25xi32, #tpu.memory_space<hbm>>) dst(%arg16 : memref<25xi32, #tpu.memory_space<vmem>>)
      tpu.yield
    }) : () -> ()
    "tpu.region"() ({
      %run_scoped3A_153 = tpu.sem_alloc : memref<!tpu.dma_semaphore, #tpu.memory_space<semaphore_mem>>
      tpu.enqueue_dma source(%arg6 : memref<400x128xf32, #tpu.memory_space<hbm>>) target(%arg12 : memref<400x128xf32, #tpu.memory_space<vmem>>) target_semaphore(%run_scoped3A_153 : memref<!tpu.dma_semaphore, #tpu.memory_space<semaphore_mem>>)
      tpu.wait_dma2 semaphore(%run_scoped3A_153 : memref<!tpu.dma_semaphore, #tpu.memory_space<semaphore_mem>>) src(%arg6 : memref<400x128xf32, #tpu.memory_space<hbm>>) dst(%arg12 : memref<400x128xf32, #tpu.memory_space<vmem>>)
      tpu.yield
    }) : () -> ()
    %run_scoped3A = arith.constant 0 : i32
    "tpu.region"() ({
      %run_scoped3A_153 = tpu.sem_alloc : memref<!tpu.dma_semaphore, #tpu.memory_space<semaphore_mem>>
      %dma_start3A_154 = arith.constant 0 : i32
      %dma_start3A_155 = arith.constant 0 : i32
      %dma_start3A_156 = tpu.memref_slice %arg13[%dma_start3A_154, %dma_start3A_155] : memref<20x128xi32, #tpu.memory_space<vmem>> -> memref<16x128xi32, #tpu.memory_space<vmem>>
      %dma_start3A_157 = arith.constant 0 : i32
      %dma_start3A_158 = arith.constant 0 : i32
      %dma_start3A_159 = tpu.memref_slice %arg5[%run_scoped3A, %dma_start3A_157, %dma_start3A_158] : memref<2x16x128xi32, #tpu.memory_space<hbm>> -> memref<1x16x128xi32, #tpu.memory_space<hbm>>
      %dma_start3A_160 = tpu.memref_squeeze %dma_start3A_159 : memref<1x16x128xi32, #tpu.memory_space<hbm>> -> memref<16x128xi32, #tpu.memory_space<hbm>>
      %dma_start3A_161 = arith.constant 0 : i32
      %dma_start3A_162 = arith.constant 0 : i32
      %dma_start3A_163 = tpu.memref_slice %arg13[%dma_start3A_161, %dma_start3A_162] : memref<20x128xi32, #tpu.memory_space<vmem>> -> memref<16x128xi32, #tpu.memory_space<vmem>>
      %dma_start3A_164 = arith.constant 0 : i32
      %dma_start3A_165 = arith.constant 0 : i32
      %dma_start3A_166 = tpu.memref_slice %arg5[%run_scoped3A, %dma_start3A_164, %dma_start3A_165] : memref<2x16x128xi32, #tpu.memory_space<hbm>> -> memref<1x16x128xi32, #tpu.memory_space<hbm>>
      %dma_start3A_167 = tpu.memref_squeeze %dma_start3A_166 : memref<1x16x128xi32, #tpu.memory_space<hbm>> -> memref<16x128xi32, #tpu.memory_space<hbm>>
      tpu.enqueue_dma source(%dma_start3A_167 : memref<16x128xi32, #tpu.memory_space<hbm>>) target(%dma_start3A_163 : memref<16x128xi32, #tpu.memory_space<vmem>>) target_semaphore(%run_scoped3A_153 : memref<!tpu.dma_semaphore, #tpu.memory_space<semaphore_mem>>)
      %dma_wait3A_168 = arith.constant 0 : i32
      %dma_wait3A_169 = arith.constant 0 : i32
      %dma_wait3A_170 = tpu.memref_slice %arg13[%dma_wait3A_168, %dma_wait3A_169] : memref<20x128xi32, #tpu.memory_space<vmem>> -> memref<16x128xi32, #tpu.memory_space<vmem>>
      %dma_wait3A_171 = arith.constant 0 : i32
      %dma_wait3A_172 = arith.constant 0 : i32
      %dma_wait3A_173 = tpu.memref_slice %arg5[%run_scoped3A, %dma_wait3A_171, %dma_wait3A_172] : memref<2x16x128xi32, #tpu.memory_space<hbm>> -> memref<1x16x128xi32, #tpu.memory_space<hbm>>
      %dma_wait3A_174 = tpu.memref_squeeze %dma_wait3A_173 : memref<1x16x128xi32, #tpu.memory_space<hbm>> -> memref<16x128xi32, #tpu.memory_space<hbm>>
      %dma_wait3A_175 = arith.constant 0 : i32
      %dma_wait3A_176 = arith.constant 0 : i32
      %dma_wait3A_177 = tpu.memref_slice %arg13[%dma_wait3A_175, %dma_wait3A_176] : memref<20x128xi32, #tpu.memory_space<vmem>> -> memref<16x128xi32, #tpu.memory_space<vmem>>
      %dma_wait3A_178 = arith.constant 0 : i32
      %dma_wait3A_179 = arith.constant 0 : i32
      %dma_wait3A_180 = tpu.memref_slice %arg5[%run_scoped3A, %dma_wait3A_178, %dma_wait3A_179] : memref<2x16x128xi32, #tpu.memory_space<hbm>> -> memref<1x16x128xi32, #tpu.memory_space<hbm>>
      %dma_wait3A_181 = tpu.memref_squeeze %dma_wait3A_180 : memref<1x16x128xi32, #tpu.memory_space<hbm>> -> memref<16x128xi32, #tpu.memory_space<hbm>>
      tpu.wait_dma2 semaphore(%run_scoped3A_153 : memref<!tpu.dma_semaphore, #tpu.memory_space<semaphore_mem>>) src(%dma_wait3A_181 : memref<16x128xi32, #tpu.memory_space<hbm>>) dst(%dma_wait3A_177 : memref<16x128xi32, #tpu.memory_space<vmem>>)
      tpu.yield
    }) : () -> ()
    %run_scoped3A_2 = arith.constant 1 : i32
    "tpu.region"() ({
      %run_scoped3A_153 = tpu.sem_alloc : memref<!tpu.dma_semaphore, #tpu.memory_space<semaphore_mem>>
      %dma_start3A_154 = arith.constant 0 : i32
      %dma_start3A_155 = arith.constant 0 : i32
      %dma_start3A_156 = tpu.memref_slice %arg14[%dma_start3A_154, %dma_start3A_155] : memref<20x128xi32, #tpu.memory_space<vmem>> -> memref<16x128xi32, #tpu.memory_space<vmem>>
      %dma_start3A_157 = arith.constant 0 : i32
      %dma_start3A_158 = arith.constant 0 : i32
      %dma_start3A_159 = tpu.memref_slice %arg5[%run_scoped3A_2, %dma_start3A_157, %dma_start3A_158] : memref<2x16x128xi32, #tpu.memory_space<hbm>> -> memref<1x16x128xi32, #tpu.memory_space<hbm>>
      %dma_start3A_160 = tpu.memref_squeeze %dma_start3A_159 : memref<1x16x128xi32, #tpu.memory_space<hbm>> -> memref<16x128xi32, #tpu.memory_space<hbm>>
      %dma_start3A_161 = arith.constant 0 : i32
      %dma_start3A_162 = arith.constant 0 : i32
      %dma_start3A_163 = tpu.memref_slice %arg14[%dma_start3A_161, %dma_start3A_162] : memref<20x128xi32, #tpu.memory_space<vmem>> -> memref<16x128xi32, #tpu.memory_space<vmem>>
      %dma_start3A_164 = arith.constant 0 : i32
      %dma_start3A_165 = arith.constant 0 : i32
      %dma_start3A_166 = tpu.memref_slice %arg5[%run_scoped3A_2, %dma_start3A_164, %dma_start3A_165] : memref<2x16x128xi32, #tpu.memory_space<hbm>> -> memref<1x16x128xi32, #tpu.memory_space<hbm>>
      %dma_start3A_167 = tpu.memref_squeeze %dma_start3A_166 : memref<1x16x128xi32, #tpu.memory_space<hbm>> -> memref<16x128xi32, #tpu.memory_space<hbm>>
      tpu.enqueue_dma source(%dma_start3A_167 : memref<16x128xi32, #tpu.memory_space<hbm>>) target(%dma_start3A_163 : memref<16x128xi32, #tpu.memory_space<vmem>>) target_semaphore(%run_scoped3A_153 : memref<!tpu.dma_semaphore, #tpu.memory_space<semaphore_mem>>)
      %dma_wait3A_168 = arith.constant 0 : i32
      %dma_wait3A_169 = arith.constant 0 : i32
      %dma_wait3A_170 = tpu.memref_slice %arg14[%dma_wait3A_168, %dma_wait3A_169] : memref<20x128xi32, #tpu.memory_space<vmem>> -> memref<16x128xi32, #tpu.memory_space<vmem>>
      %dma_wait3A_171 = arith.constant 0 : i32
      %dma_wait3A_172 = arith.constant 0 : i32
      %dma_wait3A_173 = tpu.memref_slice %arg5[%run_scoped3A_2, %dma_wait3A_171, %dma_wait3A_172] : memref<2x16x128xi32, #tpu.memory_space<hbm>> -> memref<1x16x128xi32, #tpu.memory_space<hbm>>
      %dma_wait3A_174 = tpu.memref_squeeze %dma_wait3A_173 : memref<1x16x128xi32, #tpu.memory_space<hbm>> -> memref<16x128xi32, #tpu.memory_space<hbm>>
      %dma_wait3A_175 = arith.constant 0 : i32
      %dma_wait3A_176 = arith.constant 0 : i32
      %dma_wait3A_177 = tpu.memref_slice %arg14[%dma_wait3A_175, %dma_wait3A_176] : memref<20x128xi32, #tpu.memory_space<vmem>> -> memref<16x128xi32, #tpu.memory_space<vmem>>
      %dma_wait3A_178 = arith.constant 0 : i32
      %dma_wait3A_179 = arith.constant 0 : i32
      %dma_wait3A_180 = tpu.memref_slice %arg5[%run_scoped3A_2, %dma_wait3A_178, %dma_wait3A_179] : memref<2x16x128xi32, #tpu.memory_space<hbm>> -> memref<1x16x128xi32, #tpu.memory_space<hbm>>
      %dma_wait3A_181 = tpu.memref_squeeze %dma_wait3A_180 : memref<1x16x128xi32, #tpu.memory_space<hbm>> -> memref<16x128xi32, #tpu.memory_space<hbm>>
      tpu.wait_dma2 semaphore(%run_scoped3A_153 : memref<!tpu.dma_semaphore, #tpu.memory_space<semaphore_mem>>) src(%dma_wait3A_181 : memref<16x128xi32, #tpu.memory_space<hbm>>) dst(%dma_wait3A_177 : memref<16x128xi32, #tpu.memory_space<vmem>>)
      tpu.yield
    }) : () -> ()
    %scan3A = arith.constant 0 : i32
    %scan3A_3 = arith.constant 128 : i32
    %scan3A_4 = arith.addi %scan3A, %scan3A_3 : i32
    %scan3A_5 = arith.constant 1 : i32
    scf.for %scan3A_153 = %scan3A to %scan3A_4 step %scan3A_5  : i32 {
      %jit3A = arith.constant 8 : i32
      %div3A = arith.divsi %scan3A_153, %jit3A : i32
      %sign3A = arith.constant 0 : i32
      %sign3A_154 = arith.cmpi sgt, %scan3A_153, %sign3A : i32
      %sign3A_155 = arith.extui %sign3A_154 : i1 to i32
      %sign3A_156 = arith.constant 0 : i32
      %sign3A_157 = arith.cmpi slt, %scan3A_153, %sign3A_156 : i32
      %sign3A_158 = arith.extui %sign3A_157 : i1 to i32
      %sign3A_159 = arith.subi %sign3A_155, %sign3A_158 : i32
      %sign3A_160 = arith.constant 0 : i32
      %sign3A_161 = arith.cmpi sgt, %jit3A, %sign3A_160 : i32
      %sign3A_162 = arith.extui %sign3A_161 : i1 to i32
      %sign3A_163 = arith.constant 0 : i32
      %sign3A_164 = arith.cmpi slt, %jit3A, %sign3A_163 : i32
      %sign3A_165 = arith.extui %sign3A_164 : i1 to i32
      %sign3A_166 = arith.subi %sign3A_162, %sign3A_165 : i32
      %ne3A = arith.cmpi ne, %sign3A_159, %sign3A_166 : i32
      %rem3A = arith.remsi %scan3A_153, %jit3A : i32
      %ne3A_167 = arith.constant 0 : i32
      %ne3A_168 = arith.cmpi ne, %rem3A, %ne3A_167 : i32
      %and3A = arith.andi %ne3A, %ne3A_168 : i1
      %sub3A = arith.constant 1 : i32
      %sub3A_169 = arith.subi %div3A, %sub3A : i32
      %select_n3A = arith.select %and3A, %sub3A_169, %div3A : i32
      %jit3A_170 = arith.constant 8 : i32
      %eq3A = arith.constant 0 : i32
      %eq3A_171 = arith.cmpi eq, %jit3A_170, %eq3A : i32
      %jit3A_172 = arith.constant 1 : i32
      %select_n3A_173 = arith.select %eq3A_171, %jit3A_172, %jit3A_170 : i32
      %rem3A_174 = arith.remsi %scan3A_153, %select_n3A_173 : i32
      %ne3A_175 = arith.constant 0 : i32
      %ne3A_176 = arith.cmpi ne, %rem3A_174, %ne3A_175 : i32
      %lt3A = arith.constant 0 : i32
      %lt3A_177 = arith.cmpi slt, %rem3A_174, %lt3A : i32
      %lt3A_178 = arith.constant 0 : i32
      %lt3A_179 = arith.cmpi slt, %select_n3A_173, %lt3A_178 : i32
      %ne3A_180 = arith.xori %lt3A_177, %lt3A_179 : i1
      %and3A_181 = arith.andi %ne3A_180, %ne3A_176 : i1
      %add3A_182 = arith.addi %rem3A_174, %select_n3A_173 : i32
      %select_n3A_183 = arith.select %and3A_181, %add3A_182, %rem3A_174 : i32
      %mul3A_184 = arith.constant 16 : i32
      %mul3A_185 = arith.muli %select_n3A_183, %mul3A_184 : i32
      %get3A = arith.index_cast %select_n3A : i32 to index
      %get3A_186 = arith.index_cast %mul3A_185 : i32 to index
      %get3A_187 = tpu.vector_load %arg13[%get3A, %get3A_186] {strides = array<i32>} : memref<20x128xi32, #tpu.memory_space<vmem>>, vector<16xi32>,
      %shift_right_arithmetic3A = arith.constant 7 : i32
      %shift_right_arithmetic3A_188 = vector.broadcast %shift_right_arithmetic3A : i32 to vector<16xi32>
      %shift_right_arithmetic3A_189 = arith.shrsi %get3A_187, %shift_right_arithmetic3A_188 : vector<16xi32>
      %and3A_190 = arith.constant 127 : i32
      %and3A_191 = vector.broadcast %and3A_190 : i32 to vector<16xi32>
      %and3A_192 = arith.andi %get3A_187, %and3A_191 : vector<16xi32>
      tpu.vector_store_idx %arg12[%shift_right_arithmetic3A_189, %and3A_192], %broadcast_in_dim3A_1 {add = true} : memref<400x128xf32, #tpu.memory_space<vmem>>[vector<16xi32>, vector<16xi32>], vector<16xf32>,
    }
    %scan3A_6 = arith.constant 128 : i32
    %scan3A_7 = arith.constant 0 : i32
    %scan3A_8 = arith.constant 128 : i32
    %scan3A_9 = arith.addi %scan3A_7, %scan3A_8 : i32
    %scan3A_10 = arith.constant 1 : i32
    scf.for %scan3A_153 = %scan3A_7 to %scan3A_9 step %scan3A_10  : i32 {
      %jit3A = arith.constant 8 : i32
      %div3A = arith.divsi %scan3A_153, %jit3A : i32
      %sign3A = arith.constant 0 : i32
      %sign3A_154 = arith.cmpi sgt, %scan3A_153, %sign3A : i32
      %sign3A_155 = arith.extui %sign3A_154 : i1 to i32
      %sign3A_156 = arith.constant 0 : i32
      %sign3A_157 = arith.cmpi slt, %scan3A_153, %sign3A_156 : i32
      %sign3A_158 = arith.extui %sign3A_157 : i1 to i32
      %sign3A_159 = arith.subi %sign3A_155, %sign3A_158 : i32
      %sign3A_160 = arith.constant 0 : i32
      %sign3A_161 = arith.cmpi sgt, %jit3A, %sign3A_160 : i32
      %sign3A_162 = arith.extui %sign3A_161 : i1 to i32
      %sign3A_163 = arith.constant 0 : i32
      %sign3A_164 = arith.cmpi slt, %jit3A, %sign3A_163 : i32
      %sign3A_165 = arith.extui %sign3A_164 : i1 to i32
      %sign3A_166 = arith.subi %sign3A_162, %sign3A_165 : i32
      %ne3A = arith.cmpi ne, %sign3A_159, %sign3A_166 : i32
      %rem3A = arith.remsi %scan3A_153, %jit3A : i32
      %ne3A_167 = arith.constant 0 : i32
      %ne3A_168 = arith.cmpi ne, %rem3A, %ne3A_167 : i32
      %and3A = arith.andi %ne3A, %ne3A_168 : i1
      %sub3A = arith.constant 1 : i32
      %sub3A_169 = arith.subi %div3A, %sub3A : i32
      %select_n3A = arith.select %and3A, %sub3A_169, %div3A : i32
      %jit3A_170 = arith.constant 8 : i32
      %eq3A = arith.constant 0 : i32
      %eq3A_171 = arith.cmpi eq, %jit3A_170, %eq3A : i32
      %jit3A_172 = arith.constant 1 : i32
      %select_n3A_173 = arith.select %eq3A_171, %jit3A_172, %jit3A_170 : i32
      %rem3A_174 = arith.remsi %scan3A_153, %select_n3A_173 : i32
      %ne3A_175 = arith.constant 0 : i32
      %ne3A_176 = arith.cmpi ne, %rem3A_174, %ne3A_175 : i32
      %lt3A = arith.constant 0 : i32
      %lt3A_177 = arith.cmpi slt, %rem3A_174, %lt3A : i32
      %lt3A_178 = arith.constant 0 : i32
      %lt3A_179 = arith.cmpi slt, %select_n3A_173, %lt3A_178 : i32
      %ne3A_180 = arith.xori %lt3A_177, %lt3A_179 : i1
      %and3A_181 = arith.andi %ne3A_180, %ne3A_176 : i1
      %add3A_182 = arith.addi %rem3A_174, %select_n3A_173 : i32
      %select_n3A_183 = arith.select %and3A_181, %add3A_182, %rem3A_174 : i32
      %mul3A_184 = arith.constant 16 : i32
      %mul3A_185 = arith.muli %select_n3A_183, %mul3A_184 : i32
      %get3A = arith.index_cast %select_n3A : i32 to index
      %get3A_186 = arith.index_cast %mul3A_185 : i32 to index
      %get3A_187 = tpu.vector_load %arg14[%get3A, %get3A_186] {strides = array<i32>} : memref<20x128xi32, #tpu.memory_space<vmem>>, vector<16xi32>,
      %shift_right_arithmetic3A = arith.constant 7 : i32
      %shift_right_arithmetic3A_188 = vector.broadcast %shift_right_arithmetic3A : i32 to vector<16xi32>
      %shift_right_arithmetic3A_189 = arith.shrsi %get3A_187, %shift_right_arithmetic3A_188 : vector<16xi32>
      %and3A_190 = arith.constant 127 : i32
      %and3A_191 = vector.broadcast %and3A_190 : i32 to vector<16xi32>
      %and3A_192 = arith.andi %get3A_187, %and3A_191 : vector<16xi32>
      tpu.vector_store_idx %arg12[%shift_right_arithmetic3A_189, %and3A_192], %broadcast_in_dim3A_1 {add = true} : memref<400x128xf32, #tpu.memory_space<vmem>>[vector<16xi32>, vector<16xi32>], vector<16xf32>,
    }
    %scan3A_11 = arith.constant 128 : i32
    %scan3A_12 = arith.constant 0 : i32
    %scan3A_13 = arith.constant 200 : i32
    %scan3A_14 = arith.addi %scan3A_12, %scan3A_13 : i32
    %scan3A_15 = arith.constant 1 : i32
    scf.for %scan3A_153 = %scan3A_12 to %scan3A_14 step %scan3A_15  : i32 {
      %jit3A = arith.constant 8 : i32
      %div3A = arith.divsi %scan3A_153, %jit3A : i32
      %sign3A = arith.constant 0 : i32
      %sign3A_154 = arith.cmpi sgt, %scan3A_153, %sign3A : i32
      %sign3A_155 = arith.extui %sign3A_154 : i1 to i32
      %sign3A_156 = arith.constant 0 : i32
      %sign3A_157 = arith.cmpi slt, %scan3A_153, %sign3A_156 : i32
      %sign3A_158 = arith.extui %sign3A_157 : i1 to i32
      %sign3A_159 = arith.subi %sign3A_155, %sign3A_158 : i32
      %sign3A_160 = arith.constant 0 : i32
      %sign3A_161 = arith.cmpi sgt, %jit3A, %sign3A_160 : i32
      %sign3A_162 = arith.extui %sign3A_161 : i1 to i32
      %sign3A_163 = arith.constant 0 : i32
      %sign3A_164 = arith.cmpi slt, %jit3A, %sign3A_163 : i32
      %sign3A_165 = arith.extui %sign3A_164 : i1 to i32
      %sign3A_166 = arith.subi %sign3A_162, %sign3A_165 : i32
      %ne3A = arith.cmpi ne, %sign3A_159, %sign3A_166 : i32
      %rem3A = arith.remsi %scan3A_153, %jit3A : i32
      %ne3A_167 = arith.constant 0 : i32
      %ne3A_168 = arith.cmpi ne, %rem3A, %ne3A_167 : i32
      %and3A = arith.andi %ne3A, %ne3A_168 : i1
      %sub3A = arith.constant 1 : i32
      %sub3A_169 = arith.subi %div3A, %sub3A : i32
      %select_n3A = arith.select %and3A, %sub3A_169, %div3A : i32
      %jit3A_170 = arith.constant 8 : i32
      %eq3A = arith.constant 0 : i32
      %eq3A_171 = arith.cmpi eq, %jit3A_170, %eq3A : i32
      %jit3A_172 = arith.constant 1 : i32
      %select_n3A_173 = arith.select %eq3A_171, %jit3A_172, %jit3A_170 : i32
      %rem3A_174 = arith.remsi %scan3A_153, %select_n3A_173 : i32
      %ne3A_175 = arith.constant 0 : i32
      %ne3A_176 = arith.cmpi ne, %rem3A_174, %ne3A_175 : i32
      %lt3A = arith.constant 0 : i32
      %lt3A_177 = arith.cmpi slt, %rem3A_174, %lt3A : i32
      %lt3A_178 = arith.constant 0 : i32
      %lt3A_179 = arith.cmpi slt, %select_n3A_173, %lt3A_178 : i32
      %ne3A_180 = arith.xori %lt3A_177, %lt3A_179 : i1
      %and3A_181 = arith.andi %ne3A_180, %ne3A_176 : i1
      %add3A_182 = arith.addi %rem3A_174, %select_n3A_173 : i32
      %select_n3A_183 = arith.select %and3A_181, %add3A_182, %rem3A_174 : i32
      %mul3A_184 = arith.constant 16 : i32
      %mul3A_185 = arith.muli %select_n3A_183, %mul3A_184 : i32
      %add3A_186 = arith.addi %mul3A_0, %select_n3A : i32
      %get3A = arith.index_cast %add3A_186 : i32 to index
      %get3A_187 = arith.index_cast %mul3A_185 : i32 to index
      %get3A_188 = tpu.vector_load %arg12[%get3A, %get3A_187] {strides = array<i32>} : memref<400x128xf32, #tpu.memory_space<vmem>>, vector<16xf32>,
      %min3A = arith.constant 1.000000e+00 : f32
      %min3A_189 = vector.broadcast %min3A : f32 to vector<16xf32>
      %min3A_190 = arith.minimumf %get3A_188, %min3A_189 : vector<16xf32>
      %sub3A_191 = arith.constant 1.000000e+00 : f32
      %sub3A_192 = vector.broadcast %sub3A_191 : f32 to vector<16xf32>
      %sub3A_193 = arith.subf %sub3A_192, %min3A_190 : vector<16xf32>
      %swap3A = arith.index_cast %select_n3A : i32 to index
      %swap3A_194 = arith.index_cast %mul3A_185 : i32 to index
      %swap3A_195 = tpu.vector_load %arg18[%swap3A, %swap3A_194] {strides = array<i32>} : memref<25x128xf32, #tpu.memory_space<vmem>>, vector<16xf32>,
      tpu.vector_store %arg18[%swap3A, %swap3A_194], %sub3A_193 {strides = array<i32>} : memref<25x128xf32, #tpu.memory_space<vmem>>, vector<16xf32>,
    }
    %scan3A_16 = arith.constant 200 : i32
    tpu.enqueue_dma source(%arg6 : memref<400x128xf32, #tpu.memory_space<hbm>>) target(%arg12 : memref<400x128xf32, #tpu.memory_space<vmem>>) target_semaphore(%arg23 : memref<!tpu.dma_semaphore, #tpu.memory_space<semaphore_mem>>)
    %mul3A_17 = arith.constant 40 : i32
    %mul3A_18 = arith.muli %arg1, %mul3A_17 : i32
    %add3A = arith.constant 0 : i32
    %add3A_19 = arith.addi %mul3A_18, %add3A : i32
    %dma_start3A = arith.constant 0 : i32
    %dma_start3A_20 = arith.constant 0 : i32
    %dma_start3A_21 = tpu.memref_slice %arg4[%add3A_19, %dma_start3A, %dma_start3A_20] : memref<640x20x128xi32, #tpu.memory_space<hbm>> -> memref<1x20x128xi32, #tpu.memory_space<hbm>>
    %dma_start3A_22 = tpu.memref_squeeze %dma_start3A_21 : memref<1x20x128xi32, #tpu.memory_space<hbm>> -> memref<20x128xi32, #tpu.memory_space<hbm>>
    %dma_start3A_23 = arith.constant 0 : i32
    %dma_start3A_24 = arith.constant 0 : i32
    %dma_start3A_25 = tpu.memref_slice %arg4[%add3A_19, %dma_start3A_23, %dma_start3A_24] : memref<640x20x128xi32, #tpu.memory_space<hbm>> -> memref<1x20x128xi32, #tpu.memory_space<hbm>>
    %dma_start3A_26 = tpu.memref_squeeze %dma_start3A_25 : memref<1x20x128xi32, #tpu.memory_space<hbm>> -> memref<20x128xi32, #tpu.memory_space<hbm>>
    tpu.enqueue_dma source(%dma_start3A_26 : memref<20x128xi32, #tpu.memory_space<hbm>>) target(%arg13 : memref<20x128xi32, #tpu.memory_space<vmem>>) target_semaphore(%arg21 : memref<!tpu.dma_semaphore, #tpu.memory_space<semaphore_mem>>)
    tpu.wait_dma2 semaphore(%arg23 : memref<!tpu.dma_semaphore, #tpu.memory_space<semaphore_mem>>) src(%arg6 : memref<400x128xf32, #tpu.memory_space<hbm>>) dst(%arg12 : memref<400x128xf32, #tpu.memory_space<vmem>>)
    "tpu.region"() ({
      %run_scoped3A_153 = tpu.sem_alloc : memref<!tpu.dma_semaphore, #tpu.memory_space<semaphore_mem>>
      %dma_start3A_154 = arith.constant 0 : i32
      %dma_start3A_155 = arith.constant 0 : i32
      %dma_start3A_156 = tpu.memref_slice %arg12[%dma_start3A_154, %dma_start3A_155] : memref<400x128xf32, #tpu.memory_space<vmem>> -> memref<25x128xf32, #tpu.memory_space<vmem>>
      %dma_start3A_157 = arith.constant 0 : i32
      %dma_start3A_158 = arith.constant 0 : i32
      %dma_start3A_159 = tpu.memref_slice %arg25[%dma_start3A_157, %dma_start3A_158] : memref<400x128xf32, #tpu.memory_space<vmem_shared>> -> memref<400x128xf32, #tpu.memory_space<vmem_shared>>
      tpu.enqueue_indirect_dma source(%dma_start3A_156 : memref<25x128xf32, #tpu.memory_space<vmem>>) target(%dma_start3A_159 : memref<400x128xf32, #tpu.memory_space<vmem_shared>>) offsets(%arg16 : memref<25xi32, #tpu.memory_space<vmem>>) semaphore(%run_scoped3A_153 : memref<!tpu.dma_semaphore, #tpu.memory_space<semaphore_mem>>)
      %dma_wait3A_160 = arith.constant 0 : i32
      %dma_wait3A_161 = arith.constant 0 : i32
      %dma_wait3A_162 = tpu.memref_slice %arg12[%dma_wait3A_160, %dma_wait3A_161] : memref<400x128xf32, #tpu.memory_space<vmem>> -> memref<25x128xf32, #tpu.memory_space<vmem>>
      %dma_wait3A_163 = arith.constant 0 : i32
      %dma_wait3A_164 = arith.constant 0 : i32
      %dma_wait3A_165 = tpu.memref_slice %arg25[%dma_wait3A_163, %dma_wait3A_164] : memref<400x128xf32, #tpu.memory_space<vmem_shared>> -> memref<400x128xf32, #tpu.memory_space<vmem_shared>>
      tpu.wait_indirect_dma semaphore(%run_scoped3A_153 : memref<!tpu.dma_semaphore, #tpu.memory_space<semaphore_mem>>) src(%dma_wait3A_162 : memref<25x128xf32, #tpu.memory_space<vmem>>) dst(%dma_wait3A_165 : memref<400x128xf32, #tpu.memory_space<vmem_shared>>)
      tpu.yield
    }) : () -> ()
    %scan3A_27 = arith.constant 0 : i32
    %scan3A_28 = arith.constant 20 : i32
    %scan3A_29 = arith.addi %scan3A_27, %scan3A_28 : i32
    %scan3A_30 = arith.constant 1 : i32
    scf.for %scan3A_153 = %scan3A_27 to %scan3A_29 step %scan3A_30  : i32 {
      %mul3A_154 = arith.constant 2 : i32
      %mul3A_155 = arith.muli %mul3A_154, %scan3A_153 : i32
      %add3A_156 = arith.constant 1 : i32
      %add3A_157 = arith.addi %mul3A_155, %add3A_156 : i32
      %mul3A_158 = arith.constant 40 : i32
      %mul3A_159 = arith.muli %arg1, %mul3A_158 : i32
      %add3A_160 = arith.addi %mul3A_159, %add3A_157 : i32
      %dma_start3A_161 = arith.constant 0 : i32
      %dma_start3A_162 = arith.constant 0 : i32
      %dma_start3A_163 = tpu.memref_slice %arg4[%add3A_160, %dma_start3A_161, %dma_start3A_162] : memref<640x20x128xi32, #tpu.memory_space<hbm>> -> memref<1x20x128xi32, #tpu.memory_space<hbm>>
      %dma_start3A_164 = tpu.memref_squeeze %dma_start3A_163 : memref<1x20x128xi32, #tpu.memory_space<hbm>> -> memref<20x128xi32, #tpu.memory_space<hbm>>
      %dma_start3A_165 = arith.constant 0 : i32
      %dma_start3A_166 = arith.constant 0 : i32
      %dma_start3A_167 = tpu.memref_slice %arg4[%add3A_160, %dma_start3A_165, %dma_start3A_166] : memref<640x20x128xi32, #tpu.memory_space<hbm>> -> memref<1x20x128xi32, #tpu.memory_space<hbm>>
      %dma_start3A_168 = tpu.memref_squeeze %dma_start3A_167 : memref<1x20x128xi32, #tpu.memory_space<hbm>> -> memref<20x128xi32, #tpu.memory_space<hbm>>
      tpu.enqueue_dma source(%dma_start3A_168 : memref<20x128xi32, #tpu.memory_space<hbm>>) target(%arg14 : memref<20x128xi32, #tpu.memory_space<vmem>>) target_semaphore(%arg22 : memref<!tpu.dma_semaphore, #tpu.memory_space<semaphore_mem>>)
      %mul3A_169 = arith.constant 40 : i32
      %mul3A_170 = arith.muli %arg1, %mul3A_169 : i32
      %add3A_171 = arith.addi %mul3A_170, %mul3A_155 : i32
      %dma_wait3A_172 = arith.constant 0 : i32
      %dma_wait3A_173 = arith.constant 0 : i32
      %dma_wait3A_174 = tpu.memref_slice %arg4[%add3A_171, %dma_wait3A_172, %dma_wait3A_173] : memref<640x20x128xi32, #tpu.memory_space<hbm>> -> memref<1x20x128xi32, #tpu.memory_space<hbm>>
      %dma_wait3A_175 = tpu.memref_squeeze %dma_wait3A_174 : memref<1x20x128xi32, #tpu.memory_space<hbm>> -> memref<20x128xi32, #tpu.memory_space<hbm>>
      %dma_wait3A_176 = arith.constant 0 : i32
      %dma_wait3A_177 = arith.constant 0 : i32
      %dma_wait3A_178 = tpu.memref_slice %arg4[%add3A_171, %dma_wait3A_176, %dma_wait3A_177] : memref<640x20x128xi32, #tpu.memory_space<hbm>> -> memref<1x20x128xi32, #tpu.memory_space<hbm>>
      %dma_wait3A_179 = tpu.memref_squeeze %dma_wait3A_178 : memref<1x20x128xi32, #tpu.memory_space<hbm>> -> memref<20x128xi32, #tpu.memory_space<hbm>>
      tpu.wait_dma2 semaphore(%arg21 : memref<!tpu.dma_semaphore, #tpu.memory_space<semaphore_mem>>) src(%dma_wait3A_179 : memref<20x128xi32, #tpu.memory_space<hbm>>) dst(%arg13 : memref<20x128xi32, #tpu.memory_space<vmem>>)
      %parallel_loop3A = arith.constant 0 : i32
      %parallel_loop3A_180 = arith.constant 80 : i32
      %parallel_loop3A_181 = arith.constant 1 : i32
      scf.for %parallel_loop3A_204 = %parallel_loop3A to %parallel_loop3A_180 step %parallel_loop3A_181  : i32 {
        %parallel_loop3A_205 = arith.constant 8 : i32
        %parallel_loop3A_206 = arith.divsi %parallel_loop3A_204, %parallel_loop3A_205 : i32
        %parallel_loop3A_207 = arith.constant 0 : i32
        %parallel_loop3A_208 = arith.cmpi sgt, %parallel_loop3A_204, %parallel_loop3A_207 : i32
        %parallel_loop3A_209 = arith.extui %parallel_loop3A_208 : i1 to i32
        %parallel_loop3A_210 = arith.constant 0 : i32
        %parallel_loop3A_211 = arith.cmpi slt, %parallel_loop3A_204, %parallel_loop3A_210 : i32
        %parallel_loop3A_212 = arith.extui %parallel_loop3A_211 : i1 to i32
        %parallel_loop3A_213 = arith.subi %parallel_loop3A_209, %parallel_loop3A_212 : i32
        %parallel_loop3A_214 = arith.constant 0 : i32
        %parallel_loop3A_215 = arith.cmpi sgt, %parallel_loop3A_205, %parallel_loop3A_214 : i32
        %parallel_loop3A_216 = arith.extui %parallel_loop3A_215 : i1 to i32
        %parallel_loop3A_217 = arith.constant 0 : i32
        %parallel_loop3A_218 = arith.cmpi slt, %parallel_loop3A_205, %parallel_loop3A_217 : i32
        %parallel_loop3A_219 = arith.extui %parallel_loop3A_218 : i1 to i32
        %parallel_loop3A_220 = arith.subi %parallel_loop3A_216, %parallel_loop3A_219 : i32
        %parallel_loop3A_221 = arith.cmpi ne, %parallel_loop3A_213, %parallel_loop3A_220 : i32
        %parallel_loop3A_222 = arith.remsi %parallel_loop3A_204, %parallel_loop3A_205 : i32
        %parallel_loop3A_223 = arith.constant 0 : i32
        %parallel_loop3A_224 = arith.cmpi ne, %parallel_loop3A_222, %parallel_loop3A_223 : i32
        %parallel_loop3A_225 = arith.andi %parallel_loop3A_221, %parallel_loop3A_224 : i1
        %parallel_loop3A_226 = arith.constant 1 : i32
        %parallel_loop3A_227 = arith.subi %parallel_loop3A_206, %parallel_loop3A_226 : i32
        %parallel_loop3A_228 = arith.select %parallel_loop3A_225, %parallel_loop3A_227, %parallel_loop3A_206 : i32
        %parallel_loop3A_229 = arith.constant 8 : i32
        %parallel_loop3A_230 = arith.constant 0 : i32
        %parallel_loop3A_231 = arith.cmpi eq, %parallel_loop3A_229, %parallel_loop3A_230 : i32
        %parallel_loop3A_232 = arith.constant 1 : i32
        %parallel_loop3A_233 = arith.select %parallel_loop3A_231, %parallel_loop3A_232, %parallel_loop3A_229 : i32
        %parallel_loop3A_234 = arith.remsi %parallel_loop3A_204, %parallel_loop3A_233 : i32
        %parallel_loop3A_235 = arith.constant 0 : i32
        %parallel_loop3A_236 = arith.cmpi ne, %parallel_loop3A_234, %parallel_loop3A_235 : i32
        %parallel_loop3A_237 = arith.constant 0 : i32
        %parallel_loop3A_238 = arith.cmpi slt, %parallel_loop3A_234, %parallel_loop3A_237 : i32
        %parallel_loop3A_239 = arith.constant 0 : i32
        %parallel_loop3A_240 = arith.cmpi slt, %parallel_loop3A_233, %parallel_loop3A_239 : i32
        %parallel_loop3A_241 = arith.xori %parallel_loop3A_238, %parallel_loop3A_240 : i1
        %parallel_loop3A_242 = arith.andi %parallel_loop3A_241, %parallel_loop3A_236 : i1
        %parallel_loop3A_243 = arith.addi %parallel_loop3A_234, %parallel_loop3A_233 : i32
        %parallel_loop3A_244 = arith.select %parallel_loop3A_242, %parallel_loop3A_243, %parallel_loop3A_234 : i32
        %parallel_loop3A_245 = arith.constant 16 : i32
        %parallel_loop3A_246 = arith.muli %parallel_loop3A_244, %parallel_loop3A_245 : i32
        %parallel_loop3A_247 = arith.index_cast %parallel_loop3A_228 : i32 to index
        %parallel_loop3A_248 = arith.index_cast %parallel_loop3A_246 : i32 to index
        %parallel_loop3A_249 = tpu.vector_load %arg13[%parallel_loop3A_247, %parallel_loop3A_248] {strides = array<i32>} : memref<20x128xi32, #tpu.memory_space<vmem>>, vector<16xi32>,
        %parallel_loop3A_250 = arith.constant 10 : i32
        %parallel_loop3A_251 = arith.addi %parallel_loop3A_250, %parallel_loop3A_228 : i32
        %parallel_loop3A_252 = arith.index_cast %parallel_loop3A_251 : i32 to index
        %parallel_loop3A_253 = arith.index_cast %parallel_loop3A_246 : i32 to index
        %parallel_loop3A_254 = tpu.vector_load %arg13[%parallel_loop3A_252, %parallel_loop3A_253] {strides = array<i32>} : memref<20x128xi32, #tpu.memory_space<vmem>>, vector<16xi32>,
        %parallel_loop3A_255 = vector.bitcast %parallel_loop3A_254 : vector<16xi32> to vector<16xf32>
        %parallel_loop3A_256 = arith.constant 65535 : i32
        %parallel_loop3A_257 = vector.broadcast %parallel_loop3A_256 : i32 to vector<16xi32>
        %parallel_loop3A_258 = arith.andi %parallel_loop3A_249, %parallel_loop3A_257 : vector<16xi32>
        %parallel_loop3A_259 = arith.constant 16 : i32
        %parallel_loop3A_260 = vector.broadcast %parallel_loop3A_259 : i32 to vector<16xi32>
        %parallel_loop3A_261 = arith.shrui %parallel_loop3A_249, %parallel_loop3A_260 : vector<16xi32>
        %parallel_loop3A_262 = arith.constant 7 : i32
        %parallel_loop3A_263 = vector.broadcast %parallel_loop3A_262 : i32 to vector<16xi32>
        %parallel_loop3A_264 = arith.shrsi %parallel_loop3A_258, %parallel_loop3A_263 : vector<16xi32>
        %parallel_loop3A_265 = arith.constant 127 : i32
        %parallel_loop3A_266 = vector.broadcast %parallel_loop3A_265 : i32 to vector<16xi32>
        %parallel_loop3A_267 = arith.andi %parallel_loop3A_258, %parallel_loop3A_266 : vector<16xi32>
        %parallel_loop3A_268 = arith.constant 7 : i32
        %parallel_loop3A_269 = vector.broadcast %parallel_loop3A_268 : i32 to vector<16xi32>
        %parallel_loop3A_270 = arith.shrsi %parallel_loop3A_261, %parallel_loop3A_269 : vector<16xi32>
        %parallel_loop3A_271 = arith.constant 127 : i32
        %parallel_loop3A_272 = vector.broadcast %parallel_loop3A_271 : i32 to vector<16xi32>
        %parallel_loop3A_273 = arith.andi %parallel_loop3A_261, %parallel_loop3A_272 : vector<16xi32>
        tpu.vector_store_idx %arg12[%parallel_loop3A_264, %parallel_loop3A_267], %parallel_loop3A_255 {add = true} : memref<400x128xf32, #tpu.memory_space<vmem>>[vector<16xi32>, vector<16xi32>], vector<16xf32>,
        tpu.vector_store_idx %arg12[%parallel_loop3A_270, %parallel_loop3A_273], %parallel_loop3A_255 {add = true} : memref<400x128xf32, #tpu.memory_space<vmem>>[vector<16xi32>, vector<16xi32>], vector<16xf32>,
      } {sc.loop_unroll_factor = 4 : i64, sc.parallel_access}
      %add3A_182 = arith.constant 2 : i32
      %add3A_183 = arith.addi %mul3A_155, %add3A_182 : i32
      %lt3A = arith.constant 40 : i32
      %lt3A_184 = arith.cmpi slt, %add3A_183, %lt3A : i32
      %convert_element_type3A_185 = arith.extui %lt3A_184 : i1 to i32
      %cond3A_186 = arith.constant 0 : i32
      %cond3A_187 = arith.cmpi ne, %convert_element_type3A_185, %cond3A_186 : i32
      scf.if %cond3A_187 {
        %add3A_204 = arith.constant 2 : i32
        %add3A_205 = arith.addi %mul3A_155, %add3A_204 : i32
        %mul3A_206 = arith.constant 40 : i32
        %mul3A_207 = arith.muli %arg1, %mul3A_206 : i32
        %add3A_208 = arith.addi %mul3A_207, %add3A_205 : i32
        %dma_start3A_209 = arith.constant 0 : i32
        %dma_start3A_210 = arith.constant 0 : i32
        %dma_start3A_211 = tpu.memref_slice %arg4[%add3A_208, %dma_start3A_209, %dma_start3A_210] : memref<640x20x128xi32, #tpu.memory_space<hbm>> -> memref<1x20x128xi32, #tpu.memory_space<hbm>>
        %dma_start3A_212 = tpu.memref_squeeze %dma_start3A_211 : memref<1x20x128xi32, #tpu.memory_space<hbm>> -> memref<20x128xi32, #tpu.memory_space<hbm>>
        %dma_start3A_213 = arith.constant 0 : i32
        %dma_start3A_214 = arith.constant 0 : i32
        %dma_start3A_215 = tpu.memref_slice %arg4[%add3A_208, %dma_start3A_213, %dma_start3A_214] : memref<640x20x128xi32, #tpu.memory_space<hbm>> -> memref<1x20x128xi32, #tpu.memory_space<hbm>>
        %dma_start3A_216 = tpu.memref_squeeze %dma_start3A_215 : memref<1x20x128xi32, #tpu.memory_space<hbm>> -> memref<20x128xi32, #tpu.memory_space<hbm>>
        tpu.enqueue_dma source(%dma_start3A_216 : memref<20x128xi32, #tpu.memory_space<hbm>>) target(%arg13 : memref<20x128xi32, #tpu.memory_space<vmem>>) target_semaphore(%arg21 : memref<!tpu.dma_semaphore, #tpu.memory_space<semaphore_mem>>)
      } else {
      }
      %add3A_188 = arith.constant 1 : i32
      %add3A_189 = arith.addi %mul3A_155, %add3A_188 : i32
      %mul3A_190 = arith.constant 40 : i32
      %mul3A_191 = arith.muli %arg1, %mul3A_190 : i32
      %add3A_192 = arith.addi %mul3A_191, %add3A_189 : i32
      %dma_wait3A_193 = arith.constant 0 : i32
      %dma_wait3A_194 = arith.constant 0 : i32
      %dma_wait3A_195 = tpu.memref_slice %arg4[%add3A_192, %dma_wait3A_193, %dma_wait3A_194] : memref<640x20x128xi32, #tpu.memory_space<hbm>> -> memref<1x20x128xi32, #tpu.memory_space<hbm>>
      %dma_wait3A_196 = tpu.memref_squeeze %dma_wait3A_195 : memref<1x20x128xi32, #tpu.memory_space<hbm>> -> memref<20x128xi32, #tpu.memory_space<hbm>>
      %dma_wait3A_197 = arith.constant 0 : i32
      %dma_wait3A_198 = arith.constant 0 : i32
      %dma_wait3A_199 = tpu.memref_slice %arg4[%add3A_192, %dma_wait3A_197, %dma_wait3A_198] : memref<640x20x128xi32, #tpu.memory_space<hbm>> -> memref<1x20x128xi32, #tpu.memory_space<hbm>>
      %dma_wait3A_200 = tpu.memref_squeeze %dma_wait3A_199 : memref<1x20x128xi32, #tpu.memory_space<hbm>> -> memref<20x128xi32, #tpu.memory_space<hbm>>
      tpu.wait_dma2 semaphore(%arg22 : memref<!tpu.dma_semaphore, #tpu.memory_space<semaphore_mem>>) src(%dma_wait3A_200 : memref<20x128xi32, #tpu.memory_space<hbm>>) dst(%arg14 : memref<20x128xi32, #tpu.memory_space<vmem>>)
      %parallel_loop3A_201 = arith.constant 0 : i32
      %parallel_loop3A_202 = arith.constant 80 : i32
      %parallel_loop3A_203 = arith.constant 1 : i32
      scf.for %parallel_loop3A_204 = %parallel_loop3A_201 to %parallel_loop3A_202 step %parallel_loop3A_203  : i32 {
        %parallel_loop3A_205 = arith.constant 8 : i32
        %parallel_loop3A_206 = arith.divsi %parallel_loop3A_204, %parallel_loop3A_205 : i32
        %parallel_loop3A_207 = arith.constant 0 : i32
        %parallel_loop3A_208 = arith.cmpi sgt, %parallel_loop3A_204, %parallel_loop3A_207 : i32
        %parallel_loop3A_209 = arith.extui %parallel_loop3A_208 : i1 to i32
        %parallel_loop3A_210 = arith.constant 0 : i32
        %parallel_loop3A_211 = arith.cmpi slt, %parallel_loop3A_204, %parallel_loop3A_210 : i32
        %parallel_loop3A_212 = arith.extui %parallel_loop3A_211 : i1 to i32
        %parallel_loop3A_213 = arith.subi %parallel_loop3A_209, %parallel_loop3A_212 : i32
        %parallel_loop3A_214 = arith.constant 0 : i32
        %parallel_loop3A_215 = arith.cmpi sgt, %parallel_loop3A_205, %parallel_loop3A_214 : i32
        %parallel_loop3A_216 = arith.extui %parallel_loop3A_215 : i1 to i32
        %parallel_loop3A_217 = arith.constant 0 : i32
        %parallel_loop3A_218 = arith.cmpi slt, %parallel_loop3A_205, %parallel_loop3A_217 : i32
        %parallel_loop3A_219 = arith.extui %parallel_loop3A_218 : i1 to i32
        %parallel_loop3A_220 = arith.subi %parallel_loop3A_216, %parallel_loop3A_219 : i32
        %parallel_loop3A_221 = arith.cmpi ne, %parallel_loop3A_213, %parallel_loop3A_220 : i32
        %parallel_loop3A_222 = arith.remsi %parallel_loop3A_204, %parallel_loop3A_205 : i32
        %parallel_loop3A_223 = arith.constant 0 : i32
        %parallel_loop3A_224 = arith.cmpi ne, %parallel_loop3A_222, %parallel_loop3A_223 : i32
        %parallel_loop3A_225 = arith.andi %parallel_loop3A_221, %parallel_loop3A_224 : i1
        %parallel_loop3A_226 = arith.constant 1 : i32
        %parallel_loop3A_227 = arith.subi %parallel_loop3A_206, %parallel_loop3A_226 : i32
        %parallel_loop3A_228 = arith.select %parallel_loop3A_225, %parallel_loop3A_227, %parallel_loop3A_206 : i32
        %parallel_loop3A_229 = arith.constant 8 : i32
        %parallel_loop3A_230 = arith.constant 0 : i32
        %parallel_loop3A_231 = arith.cmpi eq, %parallel_loop3A_229, %parallel_loop3A_230 : i32
        %parallel_loop3A_232 = arith.constant 1 : i32
        %parallel_loop3A_233 = arith.select %parallel_loop3A_231, %parallel_loop3A_232, %parallel_loop3A_229 : i32
        %parallel_loop3A_234 = arith.remsi %parallel_loop3A_204, %parallel_loop3A_233 : i32
        %parallel_loop3A_235 = arith.constant 0 : i32
        %parallel_loop3A_236 = arith.cmpi ne, %parallel_loop3A_234, %parallel_loop3A_235 : i32
        %parallel_loop3A_237 = arith.constant 0 : i32
        %parallel_loop3A_238 = arith.cmpi slt, %parallel_loop3A_234, %parallel_loop3A_237 : i32
        %parallel_loop3A_239 = arith.constant 0 : i32
        %parallel_loop3A_240 = arith.cmpi slt, %parallel_loop3A_233, %parallel_loop3A_239 : i32
        %parallel_loop3A_241 = arith.xori %parallel_loop3A_238, %parallel_loop3A_240 : i1
        %parallel_loop3A_242 = arith.andi %parallel_loop3A_241, %parallel_loop3A_236 : i1
        %parallel_loop3A_243 = arith.addi %parallel_loop3A_234, %parallel_loop3A_233 : i32
        %parallel_loop3A_244 = arith.select %parallel_loop3A_242, %parallel_loop3A_243, %parallel_loop3A_234 : i32
        %parallel_loop3A_245 = arith.constant 16 : i32
        %parallel_loop3A_246 = arith.muli %parallel_loop3A_244, %parallel_loop3A_245 : i32
        %parallel_loop3A_247 = arith.index_cast %parallel_loop3A_228 : i32 to index
        %parallel_loop3A_248 = arith.index_cast %parallel_loop3A_246 : i32 to index
        %parallel_loop3A_249 = tpu.vector_load %arg14[%parallel_loop3A_247, %parallel_loop3A_248] {strides = array<i32>} : memref<20x128xi32, #tpu.memory_space<vmem>>, vector<16xi32>,
        %parallel_loop3A_250 = arith.constant 10 : i32
        %parallel_loop3A_251 = arith.addi %parallel_loop3A_250, %parallel_loop3A_228 : i32
        %parallel_loop3A_252 = arith.index_cast %parallel_loop3A_251 : i32 to index
        %parallel_loop3A_253 = arith.index_cast %parallel_loop3A_246 : i32 to index
        %parallel_loop3A_254 = tpu.vector_load %arg14[%parallel_loop3A_252, %parallel_loop3A_253] {strides = array<i32>} : memref<20x128xi32, #tpu.memory_space<vmem>>, vector<16xi32>,
        %parallel_loop3A_255 = vector.bitcast %parallel_loop3A_254 : vector<16xi32> to vector<16xf32>
        %parallel_loop3A_256 = arith.constant 65535 : i32
        %parallel_loop3A_257 = vector.broadcast %parallel_loop3A_256 : i32 to vector<16xi32>
        %parallel_loop3A_258 = arith.andi %parallel_loop3A_249, %parallel_loop3A_257 : vector<16xi32>
        %parallel_loop3A_259 = arith.constant 16 : i32
        %parallel_loop3A_260 = vector.broadcast %parallel_loop3A_259 : i32 to vector<16xi32>
        %parallel_loop3A_261 = arith.shrui %parallel_loop3A_249, %parallel_loop3A_260 : vector<16xi32>
        %parallel_loop3A_262 = arith.constant 7 : i32
        %parallel_loop3A_263 = vector.broadcast %parallel_loop3A_262 : i32 to vector<16xi32>
        %parallel_loop3A_264 = arith.shrsi %parallel_loop3A_258, %parallel_loop3A_263 : vector<16xi32>
        %parallel_loop3A_265 = arith.constant 127 : i32
        %parallel_loop3A_266 = vector.broadcast %parallel_loop3A_265 : i32 to vector<16xi32>
        %parallel_loop3A_267 = arith.andi %parallel_loop3A_258, %parallel_loop3A_266 : vector<16xi32>
        %parallel_loop3A_268 = arith.constant 7 : i32
        %parallel_loop3A_269 = vector.broadcast %parallel_loop3A_268 : i32 to vector<16xi32>
        %parallel_loop3A_270 = arith.shrsi %parallel_loop3A_261, %parallel_loop3A_269 : vector<16xi32>
        %parallel_loop3A_271 = arith.constant 127 : i32
        %parallel_loop3A_272 = vector.broadcast %parallel_loop3A_271 : i32 to vector<16xi32>
        %parallel_loop3A_273 = arith.andi %parallel_loop3A_261, %parallel_loop3A_272 : vector<16xi32>
        tpu.vector_store_idx %arg12[%parallel_loop3A_264, %parallel_loop3A_267], %parallel_loop3A_255 {add = true} : memref<400x128xf32, #tpu.memory_space<vmem>>[vector<16xi32>, vector<16xi32>], vector<16xf32>,
        tpu.vector_store_idx %arg12[%parallel_loop3A_270, %parallel_loop3A_273], %parallel_loop3A_255 {add = true} : memref<400x128xf32, #tpu.memory_space<vmem>>[vector<16xi32>, vector<16xi32>], vector<16xf32>,
      } {sc.loop_unroll_factor = 4 : i64, sc.parallel_access}
    }
    %scan3A_31 = arith.constant 20 : i32
    %barrier3A = arith.constant 0 : index
    tpu.barrier barrier_id(%barrier3A)
    %dma_start3A_32 = arith.constant 0 : i32
    %dma_start3A_33 = arith.constant 0 : i32
    %dma_start3A_34 = arith.constant 0 : i32
    %dma_start3A_35 = tpu.memref_slice %arg12[%dma_start3A_33, %dma_start3A_34] : memref<400x128xf32, #tpu.memory_space<vmem>> -> memref<80x128xf32, #tpu.memory_space<vmem>>
    %dma_start3A_36 = arith.constant 0 : i32
    %dma_start3A_37 = tpu.memref_slice %arg15[%dma_start3A_32, %dma_start3A_36] : memref<5x80xi32, #tpu.memory_space<vmem>> -> memref<1x80xi32, #tpu.memory_space<vmem>>
    %dma_start3A_38 = tpu.memref_squeeze %dma_start3A_37 : memref<1x80xi32, #tpu.memory_space<vmem>> -> memref<80xi32, #tpu.memory_space<vmem>>
    %dma_start3A_39 = arith.constant 0 : i32
    %dma_start3A_40 = arith.constant 0 : i32
    %dma_start3A_41 = tpu.memref_slice %arg25[%dma_start3A_39, %dma_start3A_40] : memref<400x128xf32, #tpu.memory_space<vmem_shared>> -> memref<400x128xf32, #tpu.memory_space<vmem_shared>>
    tpu.enqueue_indirect_dma source(%dma_start3A_35 : memref<80x128xf32, #tpu.memory_space<vmem>>) target(%dma_start3A_41 : memref<400x128xf32, #tpu.memory_space<vmem_shared>>) offsets(%dma_start3A_38 : memref<80xi32, #tpu.memory_space<vmem>>) semaphore(%arg24 : memref<!tpu.dma_semaphore, #tpu.memory_space<semaphore_mem>>) {add = true}
    %dma_start3A_42 = arith.constant 1 : i32
    %dma_start3A_43 = arith.constant 80 : i32
    %dma_start3A_44 = arith.constant 0 : i32
    %dma_start3A_45 = tpu.memref_slice %arg12[%dma_start3A_43, %dma_start3A_44] : memref<400x128xf32, #tpu.memory_space<vmem>> -> memref<80x128xf32, #tpu.memory_space<vmem>>
    %dma_start3A_46 = arith.constant 0 : i32
    %dma_start3A_47 = tpu.memref_slice %arg15[%dma_start3A_42, %dma_start3A_46] : memref<5x80xi32, #tpu.memory_space<vmem>> -> memref<1x80xi32, #tpu.memory_space<vmem>>
    %dma_start3A_48 = tpu.memref_squeeze %dma_start3A_47 : memref<1x80xi32, #tpu.memory_space<vmem>> -> memref<80xi32, #tpu.memory_space<vmem>>
    %dma_start3A_49 = arith.constant 0 : i32
    %dma_start3A_50 = arith.constant 0 : i32
    %dma_start3A_51 = tpu.memref_slice %arg25[%dma_start3A_49, %dma_start3A_50] : memref<400x128xf32, #tpu.memory_space<vmem_shared>> -> memref<400x128xf32, #tpu.memory_space<vmem_shared>>
    tpu.enqueue_indirect_dma source(%dma_start3A_45 : memref<80x128xf32, #tpu.memory_space<vmem>>) target(%dma_start3A_51 : memref<400x128xf32, #tpu.memory_space<vmem_shared>>) offsets(%dma_start3A_48 : memref<80xi32, #tpu.memory_space<vmem>>) semaphore(%arg24 : memref<!tpu.dma_semaphore, #tpu.memory_space<semaphore_mem>>) {add = true}
    %dma_start3A_52 = arith.constant 2 : i32
    %dma_start3A_53 = arith.constant 160 : i32
    %dma_start3A_54 = arith.constant 0 : i32
    %dma_start3A_55 = tpu.memref_slice %arg12[%dma_start3A_53, %dma_start3A_54] : memref<400x128xf32, #tpu.memory_space<vmem>> -> memref<80x128xf32, #tpu.memory_space<vmem>>
    %dma_start3A_56 = arith.constant 0 : i32
    %dma_start3A_57 = tpu.memref_slice %arg15[%dma_start3A_52, %dma_start3A_56] : memref<5x80xi32, #tpu.memory_space<vmem>> -> memref<1x80xi32, #tpu.memory_space<vmem>>
    %dma_start3A_58 = tpu.memref_squeeze %dma_start3A_57 : memref<1x80xi32, #tpu.memory_space<vmem>> -> memref<80xi32, #tpu.memory_space<vmem>>
    %dma_start3A_59 = arith.constant 0 : i32
    %dma_start3A_60 = arith.constant 0 : i32
    %dma_start3A_61 = tpu.memref_slice %arg25[%dma_start3A_59, %dma_start3A_60] : memref<400x128xf32, #tpu.memory_space<vmem_shared>> -> memref<400x128xf32, #tpu.memory_space<vmem_shared>>
    tpu.enqueue_indirect_dma source(%dma_start3A_55 : memref<80x128xf32, #tpu.memory_space<vmem>>) target(%dma_start3A_61 : memref<400x128xf32, #tpu.memory_space<vmem_shared>>) offsets(%dma_start3A_58 : memref<80xi32, #tpu.memory_space<vmem>>) semaphore(%arg24 : memref<!tpu.dma_semaphore, #tpu.memory_space<semaphore_mem>>) {add = true}
    %dma_start3A_62 = arith.constant 3 : i32
    %dma_start3A_63 = arith.constant 240 : i32
    %dma_start3A_64 = arith.constant 0 : i32
    %dma_start3A_65 = tpu.memref_slice %arg12[%dma_start3A_63, %dma_start3A_64] : memref<400x128xf32, #tpu.memory_space<vmem>> -> memref<80x128xf32, #tpu.memory_space<vmem>>
    %dma_start3A_66 = arith.constant 0 : i32
    %dma_start3A_67 = tpu.memref_slice %arg15[%dma_start3A_62, %dma_start3A_66] : memref<5x80xi32, #tpu.memory_space<vmem>> -> memref<1x80xi32, #tpu.memory_space<vmem>>
    %dma_start3A_68 = tpu.memref_squeeze %dma_start3A_67 : memref<1x80xi32, #tpu.memory_space<vmem>> -> memref<80xi32, #tpu.memory_space<vmem>>
    %dma_start3A_69 = arith.constant 0 : i32
    %dma_start3A_70 = arith.constant 0 : i32
    %dma_start3A_71 = tpu.memref_slice %arg25[%dma_start3A_69, %dma_start3A_70] : memref<400x128xf32, #tpu.memory_space<vmem_shared>> -> memref<400x128xf32, #tpu.memory_space<vmem_shared>>
    tpu.enqueue_indirect_dma source(%dma_start3A_65 : memref<80x128xf32, #tpu.memory_space<vmem>>) target(%dma_start3A_71 : memref<400x128xf32, #tpu.memory_space<vmem_shared>>) offsets(%dma_start3A_68 : memref<80xi32, #tpu.memory_space<vmem>>) semaphore(%arg24 : memref<!tpu.dma_semaphore, #tpu.memory_space<semaphore_mem>>) {add = true}
    %dma_start3A_72 = arith.constant 4 : i32
    %dma_start3A_73 = arith.constant 320 : i32
    %dma_start3A_74 = arith.constant 0 : i32
    %dma_start3A_75 = tpu.memref_slice %arg12[%dma_start3A_73, %dma_start3A_74] : memref<400x128xf32, #tpu.memory_space<vmem>> -> memref<80x128xf32, #tpu.memory_space<vmem>>
    %dma_start3A_76 = arith.constant 0 : i32
    %dma_start3A_77 = tpu.memref_slice %arg15[%dma_start3A_72, %dma_start3A_76] : memref<5x80xi32, #tpu.memory_space<vmem>> -> memref<1x80xi32, #tpu.memory_space<vmem>>
    %dma_start3A_78 = tpu.memref_squeeze %dma_start3A_77 : memref<1x80xi32, #tpu.memory_space<vmem>> -> memref<80xi32, #tpu.memory_space<vmem>>
    %dma_start3A_79 = arith.constant 0 : i32
    %dma_start3A_80 = arith.constant 0 : i32
    %dma_start3A_81 = tpu.memref_slice %arg25[%dma_start3A_79, %dma_start3A_80] : memref<400x128xf32, #tpu.memory_space<vmem_shared>> -> memref<400x128xf32, #tpu.memory_space<vmem_shared>>
    tpu.enqueue_indirect_dma source(%dma_start3A_75 : memref<80x128xf32, #tpu.memory_space<vmem>>) target(%dma_start3A_81 : memref<400x128xf32, #tpu.memory_space<vmem_shared>>) offsets(%dma_start3A_78 : memref<80xi32, #tpu.memory_space<vmem>>) semaphore(%arg24 : memref<!tpu.dma_semaphore, #tpu.memory_space<semaphore_mem>>) {add = true}
    %dma_wait3A = arith.constant 0 : i32
    %dma_wait3A_82 = arith.constant 0 : i32
    %dma_wait3A_83 = arith.constant 0 : i32
    %dma_wait3A_84 = tpu.memref_slice %arg12[%dma_wait3A_82, %dma_wait3A_83] : memref<400x128xf32, #tpu.memory_space<vmem>> -> memref<80x128xf32, #tpu.memory_space<vmem>>
    %dma_wait3A_85 = arith.constant 0 : i32
    %dma_wait3A_86 = tpu.memref_slice %arg15[%dma_wait3A, %dma_wait3A_85] : memref<5x80xi32, #tpu.memory_space<vmem>> -> memref<1x80xi32, #tpu.memory_space<vmem>>
    %dma_wait3A_87 = tpu.memref_squeeze %dma_wait3A_86 : memref<1x80xi32, #tpu.memory_space<vmem>> -> memref<80xi32, #tpu.memory_space<vmem>>
    %dma_wait3A_88 = arith.constant 0 : i32
    %dma_wait3A_89 = arith.constant 0 : i32
    %dma_wait3A_90 = tpu.memref_slice %arg25[%dma_wait3A_88, %dma_wait3A_89] : memref<400x128xf32, #tpu.memory_space<vmem_shared>> -> memref<400x128xf32, #tpu.memory_space<vmem_shared>>
    tpu.wait_indirect_dma semaphore(%arg24 : memref<!tpu.dma_semaphore, #tpu.memory_space<semaphore_mem>>) src(%dma_wait3A_84 : memref<80x128xf32, #tpu.memory_space<vmem>>) dst(%dma_wait3A_90 : memref<400x128xf32, #tpu.memory_space<vmem_shared>>)
    %dma_wait3A_91 = arith.constant 1 : i32
    %dma_wait3A_92 = arith.constant 80 : i32
    %dma_wait3A_93 = arith.constant 0 : i32
    %dma_wait3A_94 = tpu.memref_slice %arg12[%dma_wait3A_92, %dma_wait3A_93] : memref<400x128xf32, #tpu.memory_space<vmem>> -> memref<80x128xf32, #tpu.memory_space<vmem>>
    %dma_wait3A_95 = arith.constant 0 : i32
    %dma_wait3A_96 = tpu.memref_slice %arg15[%dma_wait3A_91, %dma_wait3A_95] : memref<5x80xi32, #tpu.memory_space<vmem>> -> memref<1x80xi32, #tpu.memory_space<vmem>>
    %dma_wait3A_97 = tpu.memref_squeeze %dma_wait3A_96 : memref<1x80xi32, #tpu.memory_space<vmem>> -> memref<80xi32, #tpu.memory_space<vmem>>
    %dma_wait3A_98 = arith.constant 0 : i32
    %dma_wait3A_99 = arith.constant 0 : i32
    %dma_wait3A_100 = tpu.memref_slice %arg25[%dma_wait3A_98, %dma_wait3A_99] : memref<400x128xf32, #tpu.memory_space<vmem_shared>> -> memref<400x128xf32, #tpu.memory_space<vmem_shared>>
    tpu.wait_indirect_dma semaphore(%arg24 : memref<!tpu.dma_semaphore, #tpu.memory_space<semaphore_mem>>) src(%dma_wait3A_94 : memref<80x128xf32, #tpu.memory_space<vmem>>) dst(%dma_wait3A_100 : memref<400x128xf32, #tpu.memory_space<vmem_shared>>)
    %dma_wait3A_101 = arith.constant 2 : i32
    %dma_wait3A_102 = arith.constant 160 : i32
    %dma_wait3A_103 = arith.constant 0 : i32
    %dma_wait3A_104 = tpu.memref_slice %arg12[%dma_wait3A_102, %dma_wait3A_103] : memref<400x128xf32, #tpu.memory_space<vmem>> -> memref<80x128xf32, #tpu.memory_space<vmem>>
    %dma_wait3A_105 = arith.constant 0 : i32
    %dma_wait3A_106 = tpu.memref_slice %arg15[%dma_wait3A_101, %dma_wait3A_105] : memref<5x80xi32, #tpu.memory_space<vmem>> -> memref<1x80xi32, #tpu.memory_space<vmem>>
    %dma_wait3A_107 = tpu.memref_squeeze %dma_wait3A_106 : memref<1x80xi32, #tpu.memory_space<vmem>> -> memref<80xi32, #tpu.memory_space<vmem>>
    %dma_wait3A_108 = arith.constant 0 : i32
    %dma_wait3A_109 = arith.constant 0 : i32
    %dma_wait3A_110 = tpu.memref_slice %arg25[%dma_wait3A_108, %dma_wait3A_109] : memref<400x128xf32, #tpu.memory_space<vmem_shared>> -> memref<400x128xf32, #tpu.memory_space<vmem_shared>>
    tpu.wait_indirect_dma semaphore(%arg24 : memref<!tpu.dma_semaphore, #tpu.memory_space<semaphore_mem>>) src(%dma_wait3A_104 : memref<80x128xf32, #tpu.memory_space<vmem>>) dst(%dma_wait3A_110 : memref<400x128xf32, #tpu.memory_space<vmem_shared>>)
    %dma_wait3A_111 = arith.constant 3 : i32
    %dma_wait3A_112 = arith.constant 240 : i32
    %dma_wait3A_113 = arith.constant 0 : i32
    %dma_wait3A_114 = tpu.memref_slice %arg12[%dma_wait3A_112, %dma_wait3A_113] : memref<400x128xf32, #tpu.memory_space<vmem>> -> memref<80x128xf32, #tpu.memory_space<vmem>>
    %dma_wait3A_115 = arith.constant 0 : i32
    %dma_wait3A_116 = tpu.memref_slice %arg15[%dma_wait3A_111, %dma_wait3A_115] : memref<5x80xi32, #tpu.memory_space<vmem>> -> memref<1x80xi32, #tpu.memory_space<vmem>>
    %dma_wait3A_117 = tpu.memref_squeeze %dma_wait3A_116 : memref<1x80xi32, #tpu.memory_space<vmem>> -> memref<80xi32, #tpu.memory_space<vmem>>
    %dma_wait3A_118 = arith.constant 0 : i32
    %dma_wait3A_119 = arith.constant 0 : i32
    %dma_wait3A_120 = tpu.memref_slice %arg25[%dma_wait3A_118, %dma_wait3A_119] : memref<400x128xf32, #tpu.memory_space<vmem_shared>> -> memref<400x128xf32, #tpu.memory_space<vmem_shared>>
    tpu.wait_indirect_dma semaphore(%arg24 : memref<!tpu.dma_semaphore, #tpu.memory_space<semaphore_mem>>) src(%dma_wait3A_114 : memref<80x128xf32, #tpu.memory_space<vmem>>) dst(%dma_wait3A_120 : memref<400x128xf32, #tpu.memory_space<vmem_shared>>)
    %dma_wait3A_121 = arith.constant 4 : i32
    %dma_wait3A_122 = arith.constant 320 : i32
    %dma_wait3A_123 = arith.constant 0 : i32
    %dma_wait3A_124 = tpu.memref_slice %arg12[%dma_wait3A_122, %dma_wait3A_123] : memref<400x128xf32, #tpu.memory_space<vmem>> -> memref<80x128xf32, #tpu.memory_space<vmem>>
    %dma_wait3A_125 = arith.constant 0 : i32
    %dma_wait3A_126 = tpu.memref_slice %arg15[%dma_wait3A_121, %dma_wait3A_125] : memref<5x80xi32, #tpu.memory_space<vmem>> -> memref<1x80xi32, #tpu.memory_space<vmem>>
    %dma_wait3A_127 = tpu.memref_squeeze %dma_wait3A_126 : memref<1x80xi32, #tpu.memory_space<vmem>> -> memref<80xi32, #tpu.memory_space<vmem>>
    %dma_wait3A_128 = arith.constant 0 : i32
    %dma_wait3A_129 = arith.constant 0 : i32
    %dma_wait3A_130 = tpu.memref_slice %arg25[%dma_wait3A_128, %dma_wait3A_129] : memref<400x128xf32, #tpu.memory_space<vmem_shared>> -> memref<400x128xf32, #tpu.memory_space<vmem_shared>>
    tpu.wait_indirect_dma semaphore(%arg24 : memref<!tpu.dma_semaphore, #tpu.memory_space<semaphore_mem>>) src(%dma_wait3A_124 : memref<80x128xf32, #tpu.memory_space<vmem>>) dst(%dma_wait3A_130 : memref<400x128xf32, #tpu.memory_space<vmem_shared>>)
    tpu.enqueue_dma source(%arg6 : memref<400x128xf32, #tpu.memory_space<hbm>>) target(%arg12 : memref<400x128xf32, #tpu.memory_space<vmem>>) target_semaphore(%arg23 : memref<!tpu.dma_semaphore, #tpu.memory_space<semaphore_mem>>)
    %barrier3A_131 = arith.constant 0 : index
    tpu.barrier barrier_id(%barrier3A_131)
    "tpu.region"() ({
      %run_scoped3A_153 = tpu.sem_alloc : memref<!tpu.dma_semaphore, #tpu.memory_space<semaphore_mem>>
      %dma_start3A_154 = arith.constant 0 : i32
      %dma_start3A_155 = arith.constant 0 : i32
      %dma_start3A_156 = tpu.memref_slice %arg25[%dma_start3A_154, %dma_start3A_155] : memref<400x128xf32, #tpu.memory_space<vmem_shared>> -> memref<400x128xf32, #tpu.memory_space<vmem_shared>>
      tpu.enqueue_indirect_dma source(%dma_start3A_156 : memref<400x128xf32, #tpu.memory_space<vmem_shared>>) target(%arg20 : memref<25x128xf32, #tpu.memory_space<vmem>>) offsets(%arg16 : memref<25xi32, #tpu.memory_space<vmem>>) semaphore(%run_scoped3A_153 : memref<!tpu.dma_semaphore, #tpu.memory_space<semaphore_mem>>)
      %dma_wait3A_157 = arith.constant 0 : i32
      %dma_wait3A_158 = arith.constant 0 : i32
      %dma_wait3A_159 = tpu.memref_slice %arg25[%dma_wait3A_157, %dma_wait3A_158] : memref<400x128xf32, #tpu.memory_space<vmem_shared>> -> memref<400x128xf32, #tpu.memory_space<vmem_shared>>
      tpu.wait_indirect_dma semaphore(%run_scoped3A_153 : memref<!tpu.dma_semaphore, #tpu.memory_space<semaphore_mem>>) src(%dma_wait3A_159 : memref<400x128xf32, #tpu.memory_space<vmem_shared>>) dst(%arg20 : memref<25x128xf32, #tpu.memory_space<vmem>>)
      tpu.yield
    }) : () -> ()
    %scan3A_132 = arith.constant 0 : i32
    %scan3A_133 = arith.constant 200 : i32
    %scan3A_134 = arith.addi %scan3A_132, %scan3A_133 : i32
    %scan3A_135 = arith.constant 1 : i32
    scf.for %scan3A_153 = %scan3A_132 to %scan3A_134 step %scan3A_135  : i32 {
      %jit3A = arith.constant 8 : i32
      %div3A = arith.divsi %scan3A_153, %jit3A : i32
      %sign3A = arith.constant 0 : i32
      %sign3A_154 = arith.cmpi sgt, %scan3A_153, %sign3A : i32
      %sign3A_155 = arith.extui %sign3A_154 : i1 to i32
      %sign3A_156 = arith.constant 0 : i32
      %sign3A_157 = arith.cmpi slt, %scan3A_153, %sign3A_156 : i32
      %sign3A_158 = arith.extui %sign3A_157 : i1 to i32
      %sign3A_159 = arith.subi %sign3A_155, %sign3A_158 : i32
      %sign3A_160 = arith.constant 0 : i32
      %sign3A_161 = arith.cmpi sgt, %jit3A, %sign3A_160 : i32
      %sign3A_162 = arith.extui %sign3A_161 : i1 to i32
      %sign3A_163 = arith.constant 0 : i32
      %sign3A_164 = arith.cmpi slt, %jit3A, %sign3A_163 : i32
      %sign3A_165 = arith.extui %sign3A_164 : i1 to i32
      %sign3A_166 = arith.subi %sign3A_162, %sign3A_165 : i32
      %ne3A = arith.cmpi ne, %sign3A_159, %sign3A_166 : i32
      %rem3A = arith.remsi %scan3A_153, %jit3A : i32
      %ne3A_167 = arith.constant 0 : i32
      %ne3A_168 = arith.cmpi ne, %rem3A, %ne3A_167 : i32
      %and3A = arith.andi %ne3A, %ne3A_168 : i1
      %sub3A = arith.constant 1 : i32
      %sub3A_169 = arith.subi %div3A, %sub3A : i32
      %select_n3A = arith.select %and3A, %sub3A_169, %div3A : i32
      %jit3A_170 = arith.constant 8 : i32
      %eq3A = arith.constant 0 : i32
      %eq3A_171 = arith.cmpi eq, %jit3A_170, %eq3A : i32
      %jit3A_172 = arith.constant 1 : i32
      %select_n3A_173 = arith.select %eq3A_171, %jit3A_172, %jit3A_170 : i32
      %rem3A_174 = arith.remsi %scan3A_153, %select_n3A_173 : i32
      %ne3A_175 = arith.constant 0 : i32
      %ne3A_176 = arith.cmpi ne, %rem3A_174, %ne3A_175 : i32
      %lt3A = arith.constant 0 : i32
      %lt3A_177 = arith.cmpi slt, %rem3A_174, %lt3A : i32
      %lt3A_178 = arith.constant 0 : i32
      %lt3A_179 = arith.cmpi slt, %select_n3A_173, %lt3A_178 : i32
      %ne3A_180 = arith.xori %lt3A_177, %lt3A_179 : i1
      %and3A_181 = arith.andi %ne3A_180, %ne3A_176 : i1
      %add3A_182 = arith.addi %rem3A_174, %select_n3A_173 : i32
      %select_n3A_183 = arith.select %and3A_181, %add3A_182, %rem3A_174 : i32
      %mul3A_184 = arith.constant 16 : i32
      %mul3A_185 = arith.muli %select_n3A_183, %mul3A_184 : i32
      %get3A = arith.index_cast %select_n3A : i32 to index
      %get3A_186 = arith.index_cast %mul3A_185 : i32 to index
      %get3A_187 = tpu.vector_load %arg20[%get3A, %get3A_186] {strides = array<i32>} : memref<25x128xf32, #tpu.memory_space<vmem>>, vector<16xf32>,
      %add3A_188 = arith.constant 9.99999997E-7 : f32
      %add3A_189 = vector.broadcast %add3A_188 : f32 to vector<16xf32>
      %add3A_190 = arith.addf %get3A_187, %add3A_189 : vector<16xf32>
      %swap3A = arith.index_cast %select_n3A : i32 to index
      %swap3A_191 = arith.index_cast %mul3A_185 : i32 to index
      %swap3A_192 = tpu.vector_load %arg17[%swap3A, %swap3A_191] {strides = array<i32>} : memref<25x128xf32, #tpu.memory_space<vmem>>, vector<16xf32>,
      tpu.vector_store %arg17[%swap3A, %swap3A_191], %add3A_190 {strides = array<i32>} : memref<25x128xf32, #tpu.memory_space<vmem>>, vector<16xf32>,
      %get3A_193 = arith.index_cast %select_n3A : i32 to index
      %get3A_194 = arith.index_cast %mul3A_185 : i32 to index
      %get3A_195 = tpu.vector_load %arg18[%get3A_193, %get3A_194] {strides = array<i32>} : memref<25x128xf32, #tpu.memory_space<vmem>>, vector<16xf32>,
      %div3A_196 = arith.divf %get3A_195, %add3A_190 : vector<16xf32>
      %swap3A_197 = arith.index_cast %select_n3A : i32 to index
      %swap3A_198 = arith.index_cast %mul3A_185 : i32 to index
      %swap3A_199 = tpu.vector_load %arg18[%swap3A_197, %swap3A_198] {strides = array<i32>} : memref<25x128xf32, #tpu.memory_space<vmem>>, vector<16xf32>,
      tpu.vector_store %arg18[%swap3A_197, %swap3A_198], %div3A_196 {strides = array<i32>} : memref<25x128xf32, #tpu.memory_space<vmem>>, vector<16xf32>,
    }
    %scan3A_136 = arith.constant 200 : i32
    %barrier3A_137 = arith.constant 0 : index
    tpu.barrier barrier_id(%barrier3A_137)
    %mul3A_138 = arith.constant 2 : i32
    %mul3A_139 = arith.muli %mul3A_138, %arg0 : i32
    %add3A_140 = arith.constant 0 : i32
    %add3A_141 = arith.addi %mul3A_139, %add3A_140 : i32
    %le3A = arith.constant 2 : i32
    %le3A_142 = arith.cmpi sle, %add3A_141, %le3A : i32
    %convert_element_type3A = arith.extui %le3A_142 : i1 to i32
    %cond3A = arith.constant 0 : i32
    %cond3A_143 = arith.cmpi ne, %convert_element_type3A, %cond3A : i32
    scf.if %cond3A_143 {
      "tpu.region"() ({
        %run_scoped3A_288 = tpu.sem_alloc : memref<!tpu.dma_semaphore, #tpu.memory_space<semaphore_mem>>
        %dma_start3A_289 = arith.constant 0 : i32
        %dma_start3A_290 = arith.constant 0 : i32
        %dma_start3A_291 = tpu.memref_slice %arg2[%add3A_141, %dma_start3A_289, %dma_start3A_290] : memref<3x400x128xf32, #tpu.memory_space<hbm>> -> memref<1x400x128xf32, #tpu.memory_space<hbm>>
        %dma_start3A_292 = tpu.memref_squeeze %dma_start3A_291 : memref<1x400x128xf32, #tpu.memory_space<hbm>> -> memref<400x128xf32, #tpu.memory_space<hbm>>
        %dma_start3A_293 = arith.constant 0 : i32
        %dma_start3A_294 = arith.constant 0 : i32
        %dma_start3A_295 = tpu.memref_slice %arg2[%add3A_141, %dma_start3A_293, %dma_start3A_294] : memref<3x400x128xf32, #tpu.memory_space<hbm>> -> memref<1x400x128xf32, #tpu.memory_space<hbm>>
        %dma_start3A_296 = tpu.memref_squeeze %dma_start3A_295 : memref<1x400x128xf32, #tpu.memory_space<hbm>> -> memref<400x128xf32, #tpu.memory_space<hbm>>
        tpu.enqueue_dma source(%dma_start3A_296 : memref<400x128xf32, #tpu.memory_space<hbm>>) target(%arg11 : memref<400x128xf32, #tpu.memory_space<vmem>>) target_semaphore(%run_scoped3A_288 : memref<!tpu.dma_semaphore, #tpu.memory_space<semaphore_mem>>)
        %dma_wait3A_297 = arith.constant 0 : i32
        %dma_wait3A_298 = arith.constant 0 : i32
        %dma_wait3A_299 = tpu.memref_slice %arg2[%add3A_141, %dma_wait3A_297, %dma_wait3A_298] : memref<3x400x128xf32, #tpu.memory_space<hbm>> -> memref<1x400x128xf32, #tpu.memory_space<hbm>>
        %dma_wait3A_300 = tpu.memref_squeeze %dma_wait3A_299 : memref<1x400x128xf32, #tpu.memory_space<hbm>> -> memref<400x128xf32, #tpu.memory_space<hbm>>
        %dma_wait3A_301 = arith.constant 0 : i32
        %dma_wait3A_302 = arith.constant 0 : i32
        %dma_wait3A_303 = tpu.memref_slice %arg2[%add3A_141, %dma_wait3A_301, %dma_wait3A_302] : memref<3x400x128xf32, #tpu.memory_space<hbm>> -> memref<1x400x128xf32, #tpu.memory_space<hbm>>
        %dma_wait3A_304 = tpu.memref_squeeze %dma_wait3A_303 : memref<1x400x128xf32, #tpu.memory_space<hbm>> -> memref<400x128xf32, #tpu.memory_space<hbm>>
        tpu.wait_dma2 semaphore(%run_scoped3A_288 : memref<!tpu.dma_semaphore, #tpu.memory_space<semaphore_mem>>) src(%dma_wait3A_304 : memref<400x128xf32, #tpu.memory_space<hbm>>) dst(%arg11 : memref<400x128xf32, #tpu.memory_space<vmem>>)
        tpu.yield
      }) : () -> ()
      "tpu.region"() ({
        %run_scoped3A_288 = tpu.sem_alloc : memref<!tpu.dma_semaphore, #tpu.memory_space<semaphore_mem>>
        %dma_start3A_289 = arith.constant 0 : i32
        %dma_start3A_290 = arith.constant 0 : i32
        %dma_start3A_291 = tpu.memref_slice %arg3[%add3A_141, %arg1, %dma_start3A_289, %dma_start3A_290] : memref<3x16x25x128xf32, #tpu.memory_space<hbm>> -> memref<1x1x25x128xf32, #tpu.memory_space<hbm>>
        %dma_start3A_292 = tpu.memref_squeeze %dma_start3A_291 : memref<1x1x25x128xf32, #tpu.memory_space<hbm>> -> memref<25x128xf32, #tpu.memory_space<hbm>>
        %dma_start3A_293 = arith.constant 0 : i32
        %dma_start3A_294 = arith.constant 0 : i32
        %dma_start3A_295 = tpu.memref_slice %arg3[%add3A_141, %arg1, %dma_start3A_293, %dma_start3A_294] : memref<3x16x25x128xf32, #tpu.memory_space<hbm>> -> memref<1x1x25x128xf32, #tpu.memory_space<hbm>>
        %dma_start3A_296 = tpu.memref_squeeze %dma_start3A_295 : memref<1x1x25x128xf32, #tpu.memory_space<hbm>> -> memref<25x128xf32, #tpu.memory_space<hbm>>
        tpu.enqueue_dma source(%dma_start3A_296 : memref<25x128xf32, #tpu.memory_space<hbm>>) target(%arg19 : memref<25x128xf32, #tpu.memory_space<vmem>>) target_semaphore(%run_scoped3A_288 : memref<!tpu.dma_semaphore, #tpu.memory_space<semaphore_mem>>)
        %dma_wait3A_297 = arith.constant 0 : i32
        %dma_wait3A_298 = arith.constant 0 : i32
        %dma_wait3A_299 = tpu.memref_slice %arg3[%add3A_141, %arg1, %dma_wait3A_297, %dma_wait3A_298] : memref<3x16x25x128xf32, #tpu.memory_space<hbm>> -> memref<1x1x25x128xf32, #tpu.memory_space<hbm>>
        %dma_wait3A_300 = tpu.memref_squeeze %dma_wait3A_299 : memref<1x1x25x128xf32, #tpu.memory_space<hbm>> -> memref<25x128xf32, #tpu.memory_space<hbm>>
        %dma_wait3A_301 = arith.constant 0 : i32
        %dma_wait3A_302 = arith.constant 0 : i32
        %dma_wait3A_303 = tpu.memref_slice %arg3[%add3A_141, %arg1, %dma_wait3A_301, %dma_wait3A_302] : memref<3x16x25x128xf32, #tpu.memory_space<hbm>> -> memref<1x1x25x128xf32, #tpu.memory_space<hbm>>
        %dma_wait3A_304 = tpu.memref_squeeze %dma_wait3A_303 : memref<1x1x25x128xf32, #tpu.memory_space<hbm>> -> memref<25x128xf32, #tpu.memory_space<hbm>>
        tpu.wait_dma2 semaphore(%run_scoped3A_288 : memref<!tpu.dma_semaphore, #tpu.memory_space<semaphore_mem>>) src(%dma_wait3A_304 : memref<25x128xf32, #tpu.memory_space<hbm>>) dst(%arg19 : memref<25x128xf32, #tpu.memory_space<vmem>>)
        tpu.yield
      }) : () -> ()
      %scan3A_153 = arith.constant 0 : i32
      %scan3A_154 = arith.constant 200 : i32
      %scan3A_155 = arith.addi %scan3A_153, %scan3A_154 : i32
      %scan3A_156 = arith.constant 1 : i32
      scf.for %scan3A_288 = %scan3A_153 to %scan3A_155 step %scan3A_156  : i32 {
        %jit3A = arith.constant 8 : i32
        %div3A = arith.divsi %scan3A_288, %jit3A : i32
        %sign3A = arith.constant 0 : i32
        %sign3A_289 = arith.cmpi sgt, %scan3A_288, %sign3A : i32
        %sign3A_290 = arith.extui %sign3A_289 : i1 to i32
        %sign3A_291 = arith.constant 0 : i32
        %sign3A_292 = arith.cmpi slt, %scan3A_288, %sign3A_291 : i32
        %sign3A_293 = arith.extui %sign3A_292 : i1 to i32
        %sign3A_294 = arith.subi %sign3A_290, %sign3A_293 : i32
        %sign3A_295 = arith.constant 0 : i32
        %sign3A_296 = arith.cmpi sgt, %jit3A, %sign3A_295 : i32
        %sign3A_297 = arith.extui %sign3A_296 : i1 to i32
        %sign3A_298 = arith.constant 0 : i32
        %sign3A_299 = arith.cmpi slt, %jit3A, %sign3A_298 : i32
        %sign3A_300 = arith.extui %sign3A_299 : i1 to i32
        %sign3A_301 = arith.subi %sign3A_297, %sign3A_300 : i32
        %ne3A = arith.cmpi ne, %sign3A_294, %sign3A_301 : i32
        %rem3A = arith.remsi %scan3A_288, %jit3A : i32
        %ne3A_302 = arith.constant 0 : i32
        %ne3A_303 = arith.cmpi ne, %rem3A, %ne3A_302 : i32
        %and3A = arith.andi %ne3A, %ne3A_303 : i1
        %sub3A = arith.constant 1 : i32
        %sub3A_304 = arith.subi %div3A, %sub3A : i32
        %select_n3A = arith.select %and3A, %sub3A_304, %div3A : i32
        %jit3A_305 = arith.constant 8 : i32
        %eq3A = arith.constant 0 : i32
        %eq3A_306 = arith.cmpi eq, %jit3A_305, %eq3A : i32
        %jit3A_307 = arith.constant 1 : i32
        %select_n3A_308 = arith.select %eq3A_306, %jit3A_307, %jit3A_305 : i32
        %rem3A_309 = arith.remsi %scan3A_288, %select_n3A_308 : i32
        %ne3A_310 = arith.constant 0 : i32
        %ne3A_311 = arith.cmpi ne, %rem3A_309, %ne3A_310 : i32
        %lt3A = arith.constant 0 : i32
        %lt3A_312 = arith.cmpi slt, %rem3A_309, %lt3A : i32
        %lt3A_313 = arith.constant 0 : i32
        %lt3A_314 = arith.cmpi slt, %select_n3A_308, %lt3A_313 : i32
        %ne3A_315 = arith.xori %lt3A_312, %lt3A_314 : i1
        %and3A_316 = arith.andi %ne3A_315, %ne3A_311 : i1
        %add3A_317 = arith.addi %rem3A_309, %select_n3A_308 : i32
        %select_n3A_318 = arith.select %and3A_316, %add3A_317, %rem3A_309 : i32
        %mul3A_319 = arith.constant 16 : i32
        %mul3A_320 = arith.muli %select_n3A_318, %mul3A_319 : i32
        %get3A = arith.index_cast %select_n3A : i32 to index
        %get3A_321 = arith.index_cast %mul3A_320 : i32 to index
        %get3A_322 = tpu.vector_load %arg18[%get3A, %get3A_321] {strides = array<i32>} : memref<25x128xf32, #tpu.memory_space<vmem>>, vector<16xf32>,
        %get3A_323 = arith.index_cast %select_n3A : i32 to index
        %get3A_324 = arith.index_cast %mul3A_320 : i32 to index
        %get3A_325 = tpu.vector_load %arg17[%get3A_323, %get3A_324] {strides = array<i32>} : memref<25x128xf32, #tpu.memory_space<vmem>>, vector<16xf32>,
        %mul3A_326 = arith.mulf %get3A_322, %get3A_325 : vector<16xf32>
        %sub3A_327 = arith.constant 1.000000e+00 : f32
        %sub3A_328 = vector.broadcast %sub3A_327 : f32 to vector<16xf32>
        %sub3A_329 = arith.subf %sub3A_328, %mul3A_326 : vector<16xf32>
        %add3A_330 = arith.addi %mul3A_0, %select_n3A : i32
        %get3A_331 = arith.index_cast %add3A_330 : i32 to index
        %get3A_332 = arith.index_cast %mul3A_320 : i32 to index
        %get3A_333 = tpu.vector_load %arg11[%get3A_331, %get3A_332] {strides = array<i32>} : memref<400x128xf32, #tpu.memory_space<vmem>>, vector<16xf32>,
        %mul3A_334 = arith.mulf %sub3A_329, %get3A_333 : vector<16xf32>
        %get3A_335 = arith.index_cast %select_n3A : i32 to index
        %get3A_336 = arith.index_cast %mul3A_320 : i32 to index
        %get3A_337 = tpu.vector_load %arg19[%get3A_335, %get3A_336] {strides = array<i32>} : memref<25x128xf32, #tpu.memory_space<vmem>>, vector<16xf32>,
        %get3A_338 = arith.index_cast %select_n3A : i32 to index
        %get3A_339 = arith.index_cast %mul3A_320 : i32 to index
        %get3A_340 = tpu.vector_load %arg18[%get3A_338, %get3A_339] {strides = array<i32>} : memref<25x128xf32, #tpu.memory_space<vmem>>, vector<16xf32>,
        %mul3A_341 = arith.mulf %get3A_337, %get3A_340 : vector<16xf32>
        %add3A_342 = arith.addf %mul3A_334, %mul3A_341 : vector<16xf32>
        %swap3A = arith.index_cast %select_n3A : i32 to index
        %swap3A_343 = arith.index_cast %mul3A_320 : i32 to index
        %swap3A_344 = tpu.vector_load %arg19[%swap3A, %swap3A_343] {strides = array<i32>} : memref<25x128xf32, #tpu.memory_space<vmem>>, vector<16xf32>,
        tpu.vector_store %arg19[%swap3A, %swap3A_343], %add3A_342 {strides = array<i32>} : memref<25x128xf32, #tpu.memory_space<vmem>>, vector<16xf32>,
      }
      %scan3A_157 = arith.constant 200 : i32
      %barrier3A_158 = arith.constant 0 : index
      tpu.barrier barrier_id(%barrier3A_158)
      %scan3A_159 = arith.constant 0 : i32
      %scan3A_160 = arith.constant 8 : i32
      %scan3A_161 = arith.addi %scan3A_159, %scan3A_160 : i32
      %scan3A_162 = arith.constant 1 : i32
      scf.for %scan3A_288 = %scan3A_159 to %scan3A_161 step %scan3A_162  : i32 {
        %mul3A_289 = arith.constant 40 : i32
        %mul3A_290 = arith.muli %arg1, %mul3A_289 : i32
        %add3A_291 = arith.constant 0 : i32
        %add3A_292 = arith.addi %mul3A_290, %add3A_291 : i32
        %dma_start3A_293 = arith.constant 0 : i32
        %dma_start3A_294 = arith.constant 0 : i32
        %dma_start3A_295 = tpu.memref_slice %arg4[%add3A_292, %dma_start3A_293, %dma_start3A_294] : memref<640x20x128xi32, #tpu.memory_space<hbm>> -> memref<1x20x128xi32, #tpu.memory_space<hbm>>
        %dma_start3A_296 = tpu.memref_squeeze %dma_start3A_295 : memref<1x20x128xi32, #tpu.memory_space<hbm>> -> memref<20x128xi32, #tpu.memory_space<hbm>>
        %dma_start3A_297 = arith.constant 0 : i32
        %dma_start3A_298 = arith.constant 0 : i32
        %dma_start3A_299 = tpu.memref_slice %arg4[%add3A_292, %dma_start3A_297, %dma_start3A_298] : memref<640x20x128xi32, #tpu.memory_space<hbm>> -> memref<1x20x128xi32, #tpu.memory_space<hbm>>
        %dma_start3A_300 = tpu.memref_squeeze %dma_start3A_299 : memref<1x20x128xi32, #tpu.memory_space<hbm>> -> memref<20x128xi32, #tpu.memory_space<hbm>>
        tpu.enqueue_dma source(%dma_start3A_300 : memref<20x128xi32, #tpu.memory_space<hbm>>) target(%arg13 : memref<20x128xi32, #tpu.memory_space<vmem>>) target_semaphore(%arg21 : memref<!tpu.dma_semaphore, #tpu.memory_space<semaphore_mem>>)
        tpu.wait_dma2 semaphore(%arg23 : memref<!tpu.dma_semaphore, #tpu.memory_space<semaphore_mem>>) src(%arg6 : memref<400x128xf32, #tpu.memory_space<hbm>>) dst(%arg12 : memref<400x128xf32, #tpu.memory_space<vmem>>)
        "tpu.region"() ({
          %run_scoped3A_419 = tpu.sem_alloc : memref<!tpu.dma_semaphore, #tpu.memory_space<semaphore_mem>>
          %dma_start3A_420 = arith.constant 0 : i32
          %dma_start3A_421 = arith.constant 0 : i32
          %dma_start3A_422 = tpu.memref_slice %arg12[%dma_start3A_420, %dma_start3A_421] : memref<400x128xf32, #tpu.memory_space<vmem>> -> memref<25x128xf32, #tpu.memory_space<vmem>>
          %dma_start3A_423 = arith.constant 0 : i32
          %dma_start3A_424 = arith.constant 0 : i32
          %dma_start3A_425 = tpu.memref_slice %arg25[%dma_start3A_423, %dma_start3A_424] : memref<400x128xf32, #tpu.memory_space<vmem_shared>> -> memref<400x128xf32, #tpu.memory_space<vmem_shared>>
          tpu.enqueue_indirect_dma source(%dma_start3A_422 : memref<25x128xf32, #tpu.memory_space<vmem>>) target(%dma_start3A_425 : memref<400x128xf32, #tpu.memory_space<vmem_shared>>) offsets(%arg16 : memref<25xi32, #tpu.memory_space<vmem>>) semaphore(%run_scoped3A_419 : memref<!tpu.dma_semaphore, #tpu.memory_space<semaphore_mem>>)
          %dma_wait3A_426 = arith.constant 0 : i32
          %dma_wait3A_427 = arith.constant 0 : i32
          %dma_wait3A_428 = tpu.memref_slice %arg12[%dma_wait3A_426, %dma_wait3A_427] : memref<400x128xf32, #tpu.memory_space<vmem>> -> memref<25x128xf32, #tpu.memory_space<vmem>>
          %dma_wait3A_429 = arith.constant 0 : i32
          %dma_wait3A_430 = arith.constant 0 : i32
          %dma_wait3A_431 = tpu.memref_slice %arg25[%dma_wait3A_429, %dma_wait3A_430] : memref<400x128xf32, #tpu.memory_space<vmem_shared>> -> memref<400x128xf32, #tpu.memory_space<vmem_shared>>
          tpu.wait_indirect_dma semaphore(%run_scoped3A_419 : memref<!tpu.dma_semaphore, #tpu.memory_space<semaphore_mem>>) src(%dma_wait3A_428 : memref<25x128xf32, #tpu.memory_space<vmem>>) dst(%dma_wait3A_431 : memref<400x128xf32, #tpu.memory_space<vmem_shared>>)
          tpu.yield
        }) : () -> ()
        %scan3A_301 = arith.constant 0 : i32
        %scan3A_302 = arith.constant 20 : i32
        %scan3A_303 = arith.addi %scan3A_301, %scan3A_302 : i32
        %scan3A_304 = arith.constant 1 : i32
        scf.for %scan3A_419 = %scan3A_301 to %scan3A_303 step %scan3A_304  : i32 {
          %mul3A_420 = arith.constant 2 : i32
          %mul3A_421 = arith.muli %mul3A_420, %scan3A_419 : i32
          %add3A_422 = arith.constant 1 : i32
          %add3A_423 = arith.addi %mul3A_421, %add3A_422 : i32
          %mul3A_424 = arith.constant 40 : i32
          %mul3A_425 = arith.muli %arg1, %mul3A_424 : i32
          %add3A_426 = arith.addi %mul3A_425, %add3A_423 : i32
          %dma_start3A_427 = arith.constant 0 : i32
          %dma_start3A_428 = arith.constant 0 : i32
          %dma_start3A_429 = tpu.memref_slice %arg4[%add3A_426, %dma_start3A_427, %dma_start3A_428] : memref<640x20x128xi32, #tpu.memory_space<hbm>> -> memref<1x20x128xi32, #tpu.memory_space<hbm>>
          %dma_start3A_430 = tpu.memref_squeeze %dma_start3A_429 : memref<1x20x128xi32, #tpu.memory_space<hbm>> -> memref<20x128xi32, #tpu.memory_space<hbm>>
          %dma_start3A_431 = arith.constant 0 : i32
          %dma_start3A_432 = arith.constant 0 : i32
          %dma_start3A_433 = tpu.memref_slice %arg4[%add3A_426, %dma_start3A_431, %dma_start3A_432] : memref<640x20x128xi32, #tpu.memory_space<hbm>> -> memref<1x20x128xi32, #tpu.memory_space<hbm>>
          %dma_start3A_434 = tpu.memref_squeeze %dma_start3A_433 : memref<1x20x128xi32, #tpu.memory_space<hbm>> -> memref<20x128xi32, #tpu.memory_space<hbm>>
          tpu.enqueue_dma source(%dma_start3A_434 : memref<20x128xi32, #tpu.memory_space<hbm>>) target(%arg14 : memref<20x128xi32, #tpu.memory_space<vmem>>) target_semaphore(%arg22 : memref<!tpu.dma_semaphore, #tpu.memory_space<semaphore_mem>>)
          %mul3A_435 = arith.constant 40 : i32
          %mul3A_436 = arith.muli %arg1, %mul3A_435 : i32
          %add3A_437 = arith.addi %mul3A_436, %mul3A_421 : i32
          %dma_wait3A_438 = arith.constant 0 : i32
          %dma_wait3A_439 = arith.constant 0 : i32
          %dma_wait3A_440 = tpu.memref_slice %arg4[%add3A_437, %dma_wait3A_438, %dma_wait3A_439] : memref<640x20x128xi32, #tpu.memory_space<hbm>> -> memref<1x20x128xi32, #tpu.memory_space<hbm>>
          %dma_wait3A_441 = tpu.memref_squeeze %dma_wait3A_440 : memref<1x20x128xi32, #tpu.memory_space<hbm>> -> memref<20x128xi32, #tpu.memory_space<hbm>>
          %dma_wait3A_442 = arith.constant 0 : i32
          %dma_wait3A_443 = arith.constant 0 : i32
          %dma_wait3A_444 = tpu.memref_slice %arg4[%add3A_437, %dma_wait3A_442, %dma_wait3A_443] : memref<640x20x128xi32, #tpu.memory_space<hbm>> -> memref<1x20x128xi32, #tpu.memory_space<hbm>>
          %dma_wait3A_445 = tpu.memref_squeeze %dma_wait3A_444 : memref<1x20x128xi32, #tpu.memory_space<hbm>> -> memref<20x128xi32, #tpu.memory_space<hbm>>
          tpu.wait_dma2 semaphore(%arg21 : memref<!tpu.dma_semaphore, #tpu.memory_space<semaphore_mem>>) src(%dma_wait3A_445 : memref<20x128xi32, #tpu.memory_space<hbm>>) dst(%arg13 : memref<20x128xi32, #tpu.memory_space<vmem>>)
          %parallel_loop3A = arith.constant 0 : i32
          %parallel_loop3A_446 = arith.constant 80 : i32
          %parallel_loop3A_447 = arith.constant 1 : i32
          scf.for %parallel_loop3A_470 = %parallel_loop3A to %parallel_loop3A_446 step %parallel_loop3A_447  : i32 {
            %parallel_loop3A_471 = arith.constant 8 : i32
            %parallel_loop3A_472 = arith.divsi %parallel_loop3A_470, %parallel_loop3A_471 : i32
            %parallel_loop3A_473 = arith.constant 0 : i32
            %parallel_loop3A_474 = arith.cmpi sgt, %parallel_loop3A_470, %parallel_loop3A_473 : i32
            %parallel_loop3A_475 = arith.extui %parallel_loop3A_474 : i1 to i32
            %parallel_loop3A_476 = arith.constant 0 : i32
            %parallel_loop3A_477 = arith.cmpi slt, %parallel_loop3A_470, %parallel_loop3A_476 : i32
            %parallel_loop3A_478 = arith.extui %parallel_loop3A_477 : i1 to i32
            %parallel_loop3A_479 = arith.subi %parallel_loop3A_475, %parallel_loop3A_478 : i32
            %parallel_loop3A_480 = arith.constant 0 : i32
            %parallel_loop3A_481 = arith.cmpi sgt, %parallel_loop3A_471, %parallel_loop3A_480 : i32
            %parallel_loop3A_482 = arith.extui %parallel_loop3A_481 : i1 to i32
            %parallel_loop3A_483 = arith.constant 0 : i32
            %parallel_loop3A_484 = arith.cmpi slt, %parallel_loop3A_471, %parallel_loop3A_483 : i32
            %parallel_loop3A_485 = arith.extui %parallel_loop3A_484 : i1 to i32
            %parallel_loop3A_486 = arith.subi %parallel_loop3A_482, %parallel_loop3A_485 : i32
            %parallel_loop3A_487 = arith.cmpi ne, %parallel_loop3A_479, %parallel_loop3A_486 : i32
            %parallel_loop3A_488 = arith.remsi %parallel_loop3A_470, %parallel_loop3A_471 : i32
            %parallel_loop3A_489 = arith.constant 0 : i32
            %parallel_loop3A_490 = arith.cmpi ne, %parallel_loop3A_488, %parallel_loop3A_489 : i32
            %parallel_loop3A_491 = arith.andi %parallel_loop3A_487, %parallel_loop3A_490 : i1
            %parallel_loop3A_492 = arith.constant 1 : i32
            %parallel_loop3A_493 = arith.subi %parallel_loop3A_472, %parallel_loop3A_492 : i32
            %parallel_loop3A_494 = arith.select %parallel_loop3A_491, %parallel_loop3A_493, %parallel_loop3A_472 : i32
            %parallel_loop3A_495 = arith.constant 8 : i32
            %parallel_loop3A_496 = arith.constant 0 : i32
            %parallel_loop3A_497 = arith.cmpi eq, %parallel_loop3A_495, %parallel_loop3A_496 : i32
            %parallel_loop3A_498 = arith.constant 1 : i32
            %parallel_loop3A_499 = arith.select %parallel_loop3A_497, %parallel_loop3A_498, %parallel_loop3A_495 : i32
            %parallel_loop3A_500 = arith.remsi %parallel_loop3A_470, %parallel_loop3A_499 : i32
            %parallel_loop3A_501 = arith.constant 0 : i32
            %parallel_loop3A_502 = arith.cmpi ne, %parallel_loop3A_500, %parallel_loop3A_501 : i32
            %parallel_loop3A_503 = arith.constant 0 : i32
            %parallel_loop3A_504 = arith.cmpi slt, %parallel_loop3A_500, %parallel_loop3A_503 : i32
            %parallel_loop3A_505 = arith.constant 0 : i32
            %parallel_loop3A_506 = arith.cmpi slt, %parallel_loop3A_499, %parallel_loop3A_505 : i32
            %parallel_loop3A_507 = arith.xori %parallel_loop3A_504, %parallel_loop3A_506 : i1
            %parallel_loop3A_508 = arith.andi %parallel_loop3A_507, %parallel_loop3A_502 : i1
            %parallel_loop3A_509 = arith.addi %parallel_loop3A_500, %parallel_loop3A_499 : i32
            %parallel_loop3A_510 = arith.select %parallel_loop3A_508, %parallel_loop3A_509, %parallel_loop3A_500 : i32
            %parallel_loop3A_511 = arith.constant 16 : i32
            %parallel_loop3A_512 = arith.muli %parallel_loop3A_510, %parallel_loop3A_511 : i32
            %parallel_loop3A_513 = arith.index_cast %parallel_loop3A_494 : i32 to index
            %parallel_loop3A_514 = arith.index_cast %parallel_loop3A_512 : i32 to index
            %parallel_loop3A_515 = tpu.vector_load %arg13[%parallel_loop3A_513, %parallel_loop3A_514] {strides = array<i32>} : memref<20x128xi32, #tpu.memory_space<vmem>>, vector<16xi32>,
            %parallel_loop3A_516 = arith.constant 10 : i32
            %parallel_loop3A_517 = arith.addi %parallel_loop3A_516, %parallel_loop3A_494 : i32
            %parallel_loop3A_518 = arith.index_cast %parallel_loop3A_517 : i32 to index
            %parallel_loop3A_519 = arith.index_cast %parallel_loop3A_512 : i32 to index
            %parallel_loop3A_520 = tpu.vector_load %arg13[%parallel_loop3A_518, %parallel_loop3A_519] {strides = array<i32>} : memref<20x128xi32, #tpu.memory_space<vmem>>, vector<16xi32>,
            %parallel_loop3A_521 = vector.bitcast %parallel_loop3A_520 : vector<16xi32> to vector<16xf32>
            %parallel_loop3A_522 = arith.constant 65535 : i32
            %parallel_loop3A_523 = vector.broadcast %parallel_loop3A_522 : i32 to vector<16xi32>
            %parallel_loop3A_524 = arith.andi %parallel_loop3A_515, %parallel_loop3A_523 : vector<16xi32>
            %parallel_loop3A_525 = arith.constant 16 : i32
            %parallel_loop3A_526 = vector.broadcast %parallel_loop3A_525 : i32 to vector<16xi32>
            %parallel_loop3A_527 = arith.shrui %parallel_loop3A_515, %parallel_loop3A_526 : vector<16xi32>
            %parallel_loop3A_528 = arith.constant 7 : i32
            %parallel_loop3A_529 = vector.broadcast %parallel_loop3A_528 : i32 to vector<16xi32>
            %parallel_loop3A_530 = arith.shrsi %parallel_loop3A_524, %parallel_loop3A_529 : vector<16xi32>
            %parallel_loop3A_531 = arith.constant 127 : i32
            %parallel_loop3A_532 = vector.broadcast %parallel_loop3A_531 : i32 to vector<16xi32>
            %parallel_loop3A_533 = arith.andi %parallel_loop3A_524, %parallel_loop3A_532 : vector<16xi32>
            %parallel_loop3A_534 = arith.constant 7 : i32
            %parallel_loop3A_535 = vector.broadcast %parallel_loop3A_534 : i32 to vector<16xi32>
            %parallel_loop3A_536 = arith.shrsi %parallel_loop3A_527, %parallel_loop3A_535 : vector<16xi32>
            %parallel_loop3A_537 = arith.constant 127 : i32
            %parallel_loop3A_538 = vector.broadcast %parallel_loop3A_537 : i32 to vector<16xi32>
            %parallel_loop3A_539 = arith.andi %parallel_loop3A_527, %parallel_loop3A_538 : vector<16xi32>
            %parallel_loop3A_540 = tpu.vector_load_idx %arg11[%parallel_loop3A_536, %parallel_loop3A_539] : memref<400x128xf32, #tpu.memory_space<vmem>>[vector<16xi32>, vector<16xi32>], vector<16xf32>,
            %parallel_loop3A_541 = tpu.vector_load_idx %arg11[%parallel_loop3A_530, %parallel_loop3A_533] : memref<400x128xf32, #tpu.memory_space<vmem>>[vector<16xi32>, vector<16xi32>], vector<16xf32>,
            %parallel_loop3A_542 = arith.mulf %parallel_loop3A_521, %parallel_loop3A_540 : vector<16xf32>
            tpu.vector_store_idx %arg12[%parallel_loop3A_530, %parallel_loop3A_533], %parallel_loop3A_542 {add = true} : memref<400x128xf32, #tpu.memory_space<vmem>>[vector<16xi32>, vector<16xi32>], vector<16xf32>,
            %parallel_loop3A_543 = arith.mulf %parallel_loop3A_521, %parallel_loop3A_541 : vector<16xf32>
            tpu.vector_store_idx %arg12[%parallel_loop3A_536, %parallel_loop3A_539], %parallel_loop3A_543 {add = true} : memref<400x128xf32, #tpu.memory_space<vmem>>[vector<16xi32>, vector<16xi32>], vector<16xf32>,
          } {sc.loop_unroll_factor = 4 : i64, sc.parallel_access}
          %add3A_448 = arith.constant 2 : i32
          %add3A_449 = arith.addi %mul3A_421, %add3A_448 : i32
          %lt3A = arith.constant 40 : i32
          %lt3A_450 = arith.cmpi slt, %add3A_449, %lt3A : i32
          %convert_element_type3A_451 = arith.extui %lt3A_450 : i1 to i32
          %cond3A_452 = arith.constant 0 : i32
          %cond3A_453 = arith.cmpi ne, %convert_element_type3A_451, %cond3A_452 : i32
          scf.if %cond3A_453 {
            %add3A_470 = arith.constant 2 : i32
            %add3A_471 = arith.addi %mul3A_421, %add3A_470 : i32
            %mul3A_472 = arith.constant 40 : i32
            %mul3A_473 = arith.muli %arg1, %mul3A_472 : i32
            %add3A_474 = arith.addi %mul3A_473, %add3A_471 : i32
            %dma_start3A_475 = arith.constant 0 : i32
            %dma_start3A_476 = arith.constant 0 : i32
            %dma_start3A_477 = tpu.memref_slice %arg4[%add3A_474, %dma_start3A_475, %dma_start3A_476] : memref<640x20x128xi32, #tpu.memory_space<hbm>> -> memref<1x20x128xi32, #tpu.memory_space<hbm>>
            %dma_start3A_478 = tpu.memref_squeeze %dma_start3A_477 : memref<1x20x128xi32, #tpu.memory_space<hbm>> -> memref<20x128xi32, #tpu.memory_space<hbm>>
            %dma_start3A_479 = arith.constant 0 : i32
            %dma_start3A_480 = arith.constant 0 : i32
            %dma_start3A_481 = tpu.memref_slice %arg4[%add3A_474, %dma_start3A_479, %dma_start3A_480] : memref<640x20x128xi32, #tpu.memory_space<hbm>> -> memref<1x20x128xi32, #tpu.memory_space<hbm>>
            %dma_start3A_482 = tpu.memref_squeeze %dma_start3A_481 : memref<1x20x128xi32, #tpu.memory_space<hbm>> -> memref<20x128xi32, #tpu.memory_space<hbm>>
            tpu.enqueue_dma source(%dma_start3A_482 : memref<20x128xi32, #tpu.memory_space<hbm>>) target(%arg13 : memref<20x128xi32, #tpu.memory_space<vmem>>) target_semaphore(%arg21 : memref<!tpu.dma_semaphore, #tpu.memory_space<semaphore_mem>>)
          } else {
          }
          %add3A_454 = arith.constant 1 : i32
          %add3A_455 = arith.addi %mul3A_421, %add3A_454 : i32
          %mul3A_456 = arith.constant 40 : i32
          %mul3A_457 = arith.muli %arg1, %mul3A_456 : i32
          %add3A_458 = arith.addi %mul3A_457, %add3A_455 : i32
          %dma_wait3A_459 = arith.constant 0 : i32
          %dma_wait3A_460 = arith.constant 0 : i32
          %dma_wait3A_461 = tpu.memref_slice %arg4[%add3A_458, %dma_wait3A_459, %dma_wait3A_460] : memref<640x20x128xi32, #tpu.memory_space<hbm>> -> memref<1x20x128xi32, #tpu.memory_space<hbm>>
          %dma_wait3A_462 = tpu.memref_squeeze %dma_wait3A_461 : memref<1x20x128xi32, #tpu.memory_space<hbm>> -> memref<20x128xi32, #tpu.memory_space<hbm>>
          %dma_wait3A_463 = arith.constant 0 : i32
          %dma_wait3A_464 = arith.constant 0 : i32
          %dma_wait3A_465 = tpu.memref_slice %arg4[%add3A_458, %dma_wait3A_463, %dma_wait3A_464] : memref<640x20x128xi32, #tpu.memory_space<hbm>> -> memref<1x20x128xi32, #tpu.memory_space<hbm>>
          %dma_wait3A_466 = tpu.memref_squeeze %dma_wait3A_465 : memref<1x20x128xi32, #tpu.memory_space<hbm>> -> memref<20x128xi32, #tpu.memory_space<hbm>>
          tpu.wait_dma2 semaphore(%arg22 : memref<!tpu.dma_semaphore, #tpu.memory_space<semaphore_mem>>) src(%dma_wait3A_466 : memref<20x128xi32, #tpu.memory_space<hbm>>) dst(%arg14 : memref<20x128xi32, #tpu.memory_space<vmem>>)
          %parallel_loop3A_467 = arith.constant 0 : i32
          %parallel_loop3A_468 = arith.constant 80 : i32
          %parallel_loop3A_469 = arith.constant 1 : i32
          scf.for %parallel_loop3A_470 = %parallel_loop3A_467 to %parallel_loop3A_468 step %parallel_loop3A_469  : i32 {
            %parallel_loop3A_471 = arith.constant 8 : i32
            %parallel_loop3A_472 = arith.divsi %parallel_loop3A_470, %parallel_loop3A_471 : i32
            %parallel_loop3A_473 = arith.constant 0 : i32
            %parallel_loop3A_474 = arith.cmpi sgt, %parallel_loop3A_470, %parallel_loop3A_473 : i32
            %parallel_loop3A_475 = arith.extui %parallel_loop3A_474 : i1 to i32
            %parallel_loop3A_476 = arith.constant 0 : i32
            %parallel_loop3A_477 = arith.cmpi slt, %parallel_loop3A_470, %parallel_loop3A_476 : i32
            %parallel_loop3A_478 = arith.extui %parallel_loop3A_477 : i1 to i32
            %parallel_loop3A_479 = arith.subi %parallel_loop3A_475, %parallel_loop3A_478 : i32
            %parallel_loop3A_480 = arith.constant 0 : i32
            %parallel_loop3A_481 = arith.cmpi sgt, %parallel_loop3A_471, %parallel_loop3A_480 : i32
            %parallel_loop3A_482 = arith.extui %parallel_loop3A_481 : i1 to i32
            %parallel_loop3A_483 = arith.constant 0 : i32
            %parallel_loop3A_484 = arith.cmpi slt, %parallel_loop3A_471, %parallel_loop3A_483 : i32
            %parallel_loop3A_485 = arith.extui %parallel_loop3A_484 : i1 to i32
            %parallel_loop3A_486 = arith.subi %parallel_loop3A_482, %parallel_loop3A_485 : i32
            %parallel_loop3A_487 = arith.cmpi ne, %parallel_loop3A_479, %parallel_loop3A_486 : i32
            %parallel_loop3A_488 = arith.remsi %parallel_loop3A_470, %parallel_loop3A_471 : i32
            %parallel_loop3A_489 = arith.constant 0 : i32
            %parallel_loop3A_490 = arith.cmpi ne, %parallel_loop3A_488, %parallel_loop3A_489 : i32
            %parallel_loop3A_491 = arith.andi %parallel_loop3A_487, %parallel_loop3A_490 : i1
            %parallel_loop3A_492 = arith.constant 1 : i32
            %parallel_loop3A_493 = arith.subi %parallel_loop3A_472, %parallel_loop3A_492 : i32
            %parallel_loop3A_494 = arith.select %parallel_loop3A_491, %parallel_loop3A_493, %parallel_loop3A_472 : i32
            %parallel_loop3A_495 = arith.constant 8 : i32
            %parallel_loop3A_496 = arith.constant 0 : i32
            %parallel_loop3A_497 = arith.cmpi eq, %parallel_loop3A_495, %parallel_loop3A_496 : i32
            %parallel_loop3A_498 = arith.constant 1 : i32
            %parallel_loop3A_499 = arith.select %parallel_loop3A_497, %parallel_loop3A_498, %parallel_loop3A_495 : i32
            %parallel_loop3A_500 = arith.remsi %parallel_loop3A_470, %parallel_loop3A_499 : i32
            %parallel_loop3A_501 = arith.constant 0 : i32
            %parallel_loop3A_502 = arith.cmpi ne, %parallel_loop3A_500, %parallel_loop3A_501 : i32
            %parallel_loop3A_503 = arith.constant 0 : i32
            %parallel_loop3A_504 = arith.cmpi slt, %parallel_loop3A_500, %parallel_loop3A_503 : i32
            %parallel_loop3A_505 = arith.constant 0 : i32
            %parallel_loop3A_506 = arith.cmpi slt, %parallel_loop3A_499, %parallel_loop3A_505 : i32
            %parallel_loop3A_507 = arith.xori %parallel_loop3A_504, %parallel_loop3A_506 : i1
            %parallel_loop3A_508 = arith.andi %parallel_loop3A_507, %parallel_loop3A_502 : i1
            %parallel_loop3A_509 = arith.addi %parallel_loop3A_500, %parallel_loop3A_499 : i32
            %parallel_loop3A_510 = arith.select %parallel_loop3A_508, %parallel_loop3A_509, %parallel_loop3A_500 : i32
            %parallel_loop3A_511 = arith.constant 16 : i32
            %parallel_loop3A_512 = arith.muli %parallel_loop3A_510, %parallel_loop3A_511 : i32
            %parallel_loop3A_513 = arith.index_cast %parallel_loop3A_494 : i32 to index
            %parallel_loop3A_514 = arith.index_cast %parallel_loop3A_512 : i32 to index
            %parallel_loop3A_515 = tpu.vector_load %arg14[%parallel_loop3A_513, %parallel_loop3A_514] {strides = array<i32>} : memref<20x128xi32, #tpu.memory_space<vmem>>, vector<16xi32>,
            %parallel_loop3A_516 = arith.constant 10 : i32
            %parallel_loop3A_517 = arith.addi %parallel_loop3A_516, %parallel_loop3A_494 : i32
            %parallel_loop3A_518 = arith.index_cast %parallel_loop3A_517 : i32 to index
            %parallel_loop3A_519 = arith.index_cast %parallel_loop3A_512 : i32 to index
            %parallel_loop3A_520 = tpu.vector_load %arg14[%parallel_loop3A_518, %parallel_loop3A_519] {strides = array<i32>} : memref<20x128xi32, #tpu.memory_space<vmem>>, vector<16xi32>,
            %parallel_loop3A_521 = vector.bitcast %parallel_loop3A_520 : vector<16xi32> to vector<16xf32>
            %parallel_loop3A_522 = arith.constant 65535 : i32
            %parallel_loop3A_523 = vector.broadcast %parallel_loop3A_522 : i32 to vector<16xi32>
            %parallel_loop3A_524 = arith.andi %parallel_loop3A_515, %parallel_loop3A_523 : vector<16xi32>
            %parallel_loop3A_525 = arith.constant 16 : i32
            %parallel_loop3A_526 = vector.broadcast %parallel_loop3A_525 : i32 to vector<16xi32>
            %parallel_loop3A_527 = arith.shrui %parallel_loop3A_515, %parallel_loop3A_526 : vector<16xi32>
            %parallel_loop3A_528 = arith.constant 7 : i32
            %parallel_loop3A_529 = vector.broadcast %parallel_loop3A_528 : i32 to vector<16xi32>
            %parallel_loop3A_530 = arith.shrsi %parallel_loop3A_524, %parallel_loop3A_529 : vector<16xi32>
            %parallel_loop3A_531 = arith.constant 127 : i32
            %parallel_loop3A_532 = vector.broadcast %parallel_loop3A_531 : i32 to vector<16xi32>
            %parallel_loop3A_533 = arith.andi %parallel_loop3A_524, %parallel_loop3A_532 : vector<16xi32>
            %parallel_loop3A_534 = arith.constant 7 : i32
            %parallel_loop3A_535 = vector.broadcast %parallel_loop3A_534 : i32 to vector<16xi32>
            %parallel_loop3A_536 = arith.shrsi %parallel_loop3A_527, %parallel_loop3A_535 : vector<16xi32>
            %parallel_loop3A_537 = arith.constant 127 : i32
            %parallel_loop3A_538 = vector.broadcast %parallel_loop3A_537 : i32 to vector<16xi32>
            %parallel_loop3A_539 = arith.andi %parallel_loop3A_527, %parallel_loop3A_538 : vector<16xi32>
            %parallel_loop3A_540 = tpu.vector_load_idx %arg11[%parallel_loop3A_536, %parallel_loop3A_539] : memref<400x128xf32, #tpu.memory_space<vmem>>[vector<16xi32>, vector<16xi32>], vector<16xf32>,
            %parallel_loop3A_541 = tpu.vector_load_idx %arg11[%parallel_loop3A_530, %parallel_loop3A_533] : memref<400x128xf32, #tpu.memory_space<vmem>>[vector<16xi32>, vector<16xi32>], vector<16xf32>,
            %parallel_loop3A_542 = arith.mulf %parallel_loop3A_521, %parallel_loop3A_540 : vector<16xf32>
            tpu.vector_store_idx %arg12[%parallel_loop3A_530, %parallel_loop3A_533], %parallel_loop3A_542 {add = true} : memref<400x128xf32, #tpu.memory_space<vmem>>[vector<16xi32>, vector<16xi32>], vector<16xf32>,
            %parallel_loop3A_543 = arith.mulf %parallel_loop3A_521, %parallel_loop3A_541 : vector<16xf32>
            tpu.vector_store_idx %arg12[%parallel_loop3A_536, %parallel_loop3A_539], %parallel_loop3A_543 {add = true} : memref<400x128xf32, #tpu.memory_space<vmem>>[vector<16xi32>, vector<16xi32>], vector<16xf32>,
          } {sc.loop_unroll_factor = 4 : i64, sc.parallel_access}
        }
        %scan3A_305 = arith.constant 20 : i32
        %barrier3A_306 = arith.constant 0 : index
        tpu.barrier barrier_id(%barrier3A_306)
        %dma_start3A_307 = arith.constant 0 : i32
        %dma_start3A_308 = arith.constant 0 : i32
        %dma_start3A_309 = arith.constant 0 : i32
        %dma_start3A_310 = tpu.memref_slice %arg12[%dma_start3A_308, %dma_start3A_309] : memref<400x128xf32, #tpu.memory_space<vmem>> -> memref<80x128xf32, #tpu.memory_space<vmem>>
        %dma_start3A_311 = arith.constant 0 : i32
        %dma_start3A_312 = tpu.memref_slice %arg15[%dma_start3A_307, %dma_start3A_311] : memref<5x80xi32, #tpu.memory_space<vmem>> -> memref<1x80xi32, #tpu.memory_space<vmem>>
        %dma_start3A_313 = tpu.memref_squeeze %dma_start3A_312 : memref<1x80xi32, #tpu.memory_space<vmem>> -> memref<80xi32, #tpu.memory_space<vmem>>
        %dma_start3A_314 = arith.constant 0 : i32
        %dma_start3A_315 = arith.constant 0 : i32
        %dma_start3A_316 = tpu.memref_slice %arg25[%dma_start3A_314, %dma_start3A_315] : memref<400x128xf32, #tpu.memory_space<vmem_shared>> -> memref<400x128xf32, #tpu.memory_space<vmem_shared>>
        tpu.enqueue_indirect_dma source(%dma_start3A_310 : memref<80x128xf32, #tpu.memory_space<vmem>>) target(%dma_start3A_316 : memref<400x128xf32, #tpu.memory_space<vmem_shared>>) offsets(%dma_start3A_313 : memref<80xi32, #tpu.memory_space<vmem>>) semaphore(%arg24 : memref<!tpu.dma_semaphore, #tpu.memory_space<semaphore_mem>>) {add = true}
        %dma_start3A_317 = arith.constant 1 : i32
        %dma_start3A_318 = arith.constant 80 : i32
        %dma_start3A_319 = arith.constant 0 : i32
        %dma_start3A_320 = tpu.memref_slice %arg12[%dma_start3A_318, %dma_start3A_319] : memref<400x128xf32, #tpu.memory_space<vmem>> -> memref<80x128xf32, #tpu.memory_space<vmem>>
        %dma_start3A_321 = arith.constant 0 : i32
        %dma_start3A_322 = tpu.memref_slice %arg15[%dma_start3A_317, %dma_start3A_321] : memref<5x80xi32, #tpu.memory_space<vmem>> -> memref<1x80xi32, #tpu.memory_space<vmem>>
        %dma_start3A_323 = tpu.memref_squeeze %dma_start3A_322 : memref<1x80xi32, #tpu.memory_space<vmem>> -> memref<80xi32, #tpu.memory_space<vmem>>
        %dma_start3A_324 = arith.constant 0 : i32
        %dma_start3A_325 = arith.constant 0 : i32
        %dma_start3A_326 = tpu.memref_slice %arg25[%dma_start3A_324, %dma_start3A_325] : memref<400x128xf32, #tpu.memory_space<vmem_shared>> -> memref<400x128xf32, #tpu.memory_space<vmem_shared>>
        tpu.enqueue_indirect_dma source(%dma_start3A_320 : memref<80x128xf32, #tpu.memory_space<vmem>>) target(%dma_start3A_326 : memref<400x128xf32, #tpu.memory_space<vmem_shared>>) offsets(%dma_start3A_323 : memref<80xi32, #tpu.memory_space<vmem>>) semaphore(%arg24 : memref<!tpu.dma_semaphore, #tpu.memory_space<semaphore_mem>>) {add = true}
        %dma_start3A_327 = arith.constant 2 : i32
        %dma_start3A_328 = arith.constant 160 : i32
        %dma_start3A_329 = arith.constant 0 : i32
        %dma_start3A_330 = tpu.memref_slice %arg12[%dma_start3A_328, %dma_start3A_329] : memref<400x128xf32, #tpu.memory_space<vmem>> -> memref<80x128xf32, #tpu.memory_space<vmem>>
        %dma_start3A_331 = arith.constant 0 : i32
        %dma_start3A_332 = tpu.memref_slice %arg15[%dma_start3A_327, %dma_start3A_331] : memref<5x80xi32, #tpu.memory_space<vmem>> -> memref<1x80xi32, #tpu.memory_space<vmem>>
        %dma_start3A_333 = tpu.memref_squeeze %dma_start3A_332 : memref<1x80xi32, #tpu.memory_space<vmem>> -> memref<80xi32, #tpu.memory_space<vmem>>
        %dma_start3A_334 = arith.constant 0 : i32
        %dma_start3A_335 = arith.constant 0 : i32
        %dma_start3A_336 = tpu.memref_slice %arg25[%dma_start3A_334, %dma_start3A_335] : memref<400x128xf32, #tpu.memory_space<vmem_shared>> -> memref<400x128xf32, #tpu.memory_space<vmem_shared>>
        tpu.enqueue_indirect_dma source(%dma_start3A_330 : memref<80x128xf32, #tpu.memory_space<vmem>>) target(%dma_start3A_336 : memref<400x128xf32, #tpu.memory_space<vmem_shared>>) offsets(%dma_start3A_333 : memref<80xi32, #tpu.memory_space<vmem>>) semaphore(%arg24 : memref<!tpu.dma_semaphore, #tpu.memory_space<semaphore_mem>>) {add = true}
        %dma_start3A_337 = arith.constant 3 : i32
        %dma_start3A_338 = arith.constant 240 : i32
        %dma_start3A_339 = arith.constant 0 : i32
        %dma_start3A_340 = tpu.memref_slice %arg12[%dma_start3A_338, %dma_start3A_339] : memref<400x128xf32, #tpu.memory_space<vmem>> -> memref<80x128xf32, #tpu.memory_space<vmem>>
        %dma_start3A_341 = arith.constant 0 : i32
        %dma_start3A_342 = tpu.memref_slice %arg15[%dma_start3A_337, %dma_start3A_341] : memref<5x80xi32, #tpu.memory_space<vmem>> -> memref<1x80xi32, #tpu.memory_space<vmem>>
        %dma_start3A_343 = tpu.memref_squeeze %dma_start3A_342 : memref<1x80xi32, #tpu.memory_space<vmem>> -> memref<80xi32, #tpu.memory_space<vmem>>
        %dma_start3A_344 = arith.constant 0 : i32
        %dma_start3A_345 = arith.constant 0 : i32
        %dma_start3A_346 = tpu.memref_slice %arg25[%dma_start3A_344, %dma_start3A_345] : memref<400x128xf32, #tpu.memory_space<vmem_shared>> -> memref<400x128xf32, #tpu.memory_space<vmem_shared>>
        tpu.enqueue_indirect_dma source(%dma_start3A_340 : memref<80x128xf32, #tpu.memory_space<vmem>>) target(%dma_start3A_346 : memref<400x128xf32, #tpu.memory_space<vmem_shared>>) offsets(%dma_start3A_343 : memref<80xi32, #tpu.memory_space<vmem>>) semaphore(%arg24 : memref<!tpu.dma_semaphore, #tpu.memory_space<semaphore_mem>>) {add = true}
        %dma_start3A_347 = arith.constant 4 : i32
        %dma_start3A_348 = arith.constant 320 : i32
        %dma_start3A_349 = arith.constant 0 : i32
        %dma_start3A_350 = tpu.memref_slice %arg12[%dma_start3A_348, %dma_start3A_349] : memref<400x128xf32, #tpu.memory_space<vmem>> -> memref<80x128xf32, #tpu.memory_space<vmem>>
        %dma_start3A_351 = arith.constant 0 : i32
        %dma_start3A_352 = tpu.memref_slice %arg15[%dma_start3A_347, %dma_start3A_351] : memref<5x80xi32, #tpu.memory_space<vmem>> -> memref<1x80xi32, #tpu.memory_space<vmem>>
        %dma_start3A_353 = tpu.memref_squeeze %dma_start3A_352 : memref<1x80xi32, #tpu.memory_space<vmem>> -> memref<80xi32, #tpu.memory_space<vmem>>
        %dma_start3A_354 = arith.constant 0 : i32
        %dma_start3A_355 = arith.constant 0 : i32
        %dma_start3A_356 = tpu.memref_slice %arg25[%dma_start3A_354, %dma_start3A_355] : memref<400x128xf32, #tpu.memory_space<vmem_shared>> -> memref<400x128xf32, #tpu.memory_space<vmem_shared>>
        tpu.enqueue_indirect_dma source(%dma_start3A_350 : memref<80x128xf32, #tpu.memory_space<vmem>>) target(%dma_start3A_356 : memref<400x128xf32, #tpu.memory_space<vmem_shared>>) offsets(%dma_start3A_353 : memref<80xi32, #tpu.memory_space<vmem>>) semaphore(%arg24 : memref<!tpu.dma_semaphore, #tpu.memory_space<semaphore_mem>>) {add = true}
        %dma_wait3A_357 = arith.constant 0 : i32
        %dma_wait3A_358 = arith.constant 0 : i32
        %dma_wait3A_359 = arith.constant 0 : i32
        %dma_wait3A_360 = tpu.memref_slice %arg12[%dma_wait3A_358, %dma_wait3A_359] : memref<400x128xf32, #tpu.memory_space<vmem>> -> memref<80x128xf32, #tpu.memory_space<vmem>>
        %dma_wait3A_361 = arith.constant 0 : i32
        %dma_wait3A_362 = tpu.memref_slice %arg15[%dma_wait3A_357, %dma_wait3A_361] : memref<5x80xi32, #tpu.memory_space<vmem>> -> memref<1x80xi32, #tpu.memory_space<vmem>>
        %dma_wait3A_363 = tpu.memref_squeeze %dma_wait3A_362 : memref<1x80xi32, #tpu.memory_space<vmem>> -> memref<80xi32, #tpu.memory_space<vmem>>
        %dma_wait3A_364 = arith.constant 0 : i32
        %dma_wait3A_365 = arith.constant 0 : i32
        %dma_wait3A_366 = tpu.memref_slice %arg25[%dma_wait3A_364, %dma_wait3A_365] : memref<400x128xf32, #tpu.memory_space<vmem_shared>> -> memref<400x128xf32, #tpu.memory_space<vmem_shared>>
        tpu.wait_indirect_dma semaphore(%arg24 : memref<!tpu.dma_semaphore, #tpu.memory_space<semaphore_mem>>) src(%dma_wait3A_360 : memref<80x128xf32, #tpu.memory_space<vmem>>) dst(%dma_wait3A_366 : memref<400x128xf32, #tpu.memory_space<vmem_shared>>)
        %dma_wait3A_367 = arith.constant 1 : i32
        %dma_wait3A_368 = arith.constant 80 : i32
        %dma_wait3A_369 = arith.constant 0 : i32
        %dma_wait3A_370 = tpu.memref_slice %arg12[%dma_wait3A_368, %dma_wait3A_369] : memref<400x128xf32, #tpu.memory_space<vmem>> -> memref<80x128xf32, #tpu.memory_space<vmem>>
        %dma_wait3A_371 = arith.constant 0 : i32
        %dma_wait3A_372 = tpu.memref_slice %arg15[%dma_wait3A_367, %dma_wait3A_371] : memref<5x80xi32, #tpu.memory_space<vmem>> -> memref<1x80xi32, #tpu.memory_space<vmem>>
        %dma_wait3A_373 = tpu.memref_squeeze %dma_wait3A_372 : memref<1x80xi32, #tpu.memory_space<vmem>> -> memref<80xi32, #tpu.memory_space<vmem>>
        %dma_wait3A_374 = arith.constant 0 : i32
        %dma_wait3A_375 = arith.constant 0 : i32
        %dma_wait3A_376 = tpu.memref_slice %arg25[%dma_wait3A_374, %dma_wait3A_375] : memref<400x128xf32, #tpu.memory_space<vmem_shared>> -> memref<400x128xf32, #tpu.memory_space<vmem_shared>>
        tpu.wait_indirect_dma semaphore(%arg24 : memref<!tpu.dma_semaphore, #tpu.memory_space<semaphore_mem>>) src(%dma_wait3A_370 : memref<80x128xf32, #tpu.memory_space<vmem>>) dst(%dma_wait3A_376 : memref<400x128xf32, #tpu.memory_space<vmem_shared>>)
        %dma_wait3A_377 = arith.constant 2 : i32
        %dma_wait3A_378 = arith.constant 160 : i32
        %dma_wait3A_379 = arith.constant 0 : i32
        %dma_wait3A_380 = tpu.memref_slice %arg12[%dma_wait3A_378, %dma_wait3A_379] : memref<400x128xf32, #tpu.memory_space<vmem>> -> memref<80x128xf32, #tpu.memory_space<vmem>>
        %dma_wait3A_381 = arith.constant 0 : i32
        %dma_wait3A_382 = tpu.memref_slice %arg15[%dma_wait3A_377, %dma_wait3A_381] : memref<5x80xi32, #tpu.memory_space<vmem>> -> memref<1x80xi32, #tpu.memory_space<vmem>>
        %dma_wait3A_383 = tpu.memref_squeeze %dma_wait3A_382 : memref<1x80xi32, #tpu.memory_space<vmem>> -> memref<80xi32, #tpu.memory_space<vmem>>
        %dma_wait3A_384 = arith.constant 0 : i32
        %dma_wait3A_385 = arith.constant 0 : i32
        %dma_wait3A_386 = tpu.memref_slice %arg25[%dma_wait3A_384, %dma_wait3A_385] : memref<400x128xf32, #tpu.memory_space<vmem_shared>> -> memref<400x128xf32, #tpu.memory_space<vmem_shared>>
        tpu.wait_indirect_dma semaphore(%arg24 : memref<!tpu.dma_semaphore, #tpu.memory_space<semaphore_mem>>) src(%dma_wait3A_380 : memref<80x128xf32, #tpu.memory_space<vmem>>) dst(%dma_wait3A_386 : memref<400x128xf32, #tpu.memory_space<vmem_shared>>)
        %dma_wait3A_387 = arith.constant 3 : i32
        %dma_wait3A_388 = arith.constant 240 : i32
        %dma_wait3A_389 = arith.constant 0 : i32
        %dma_wait3A_390 = tpu.memref_slice %arg12[%dma_wait3A_388, %dma_wait3A_389] : memref<400x128xf32, #tpu.memory_space<vmem>> -> memref<80x128xf32, #tpu.memory_space<vmem>>
        %dma_wait3A_391 = arith.constant 0 : i32
        %dma_wait3A_392 = tpu.memref_slice %arg15[%dma_wait3A_387, %dma_wait3A_391] : memref<5x80xi32, #tpu.memory_space<vmem>> -> memref<1x80xi32, #tpu.memory_space<vmem>>
        %dma_wait3A_393 = tpu.memref_squeeze %dma_wait3A_392 : memref<1x80xi32, #tpu.memory_space<vmem>> -> memref<80xi32, #tpu.memory_space<vmem>>
        %dma_wait3A_394 = arith.constant 0 : i32
        %dma_wait3A_395 = arith.constant 0 : i32
        %dma_wait3A_396 = tpu.memref_slice %arg25[%dma_wait3A_394, %dma_wait3A_395] : memref<400x128xf32, #tpu.memory_space<vmem_shared>> -> memref<400x128xf32, #tpu.memory_space<vmem_shared>>
        tpu.wait_indirect_dma semaphore(%arg24 : memref<!tpu.dma_semaphore, #tpu.memory_space<semaphore_mem>>) src(%dma_wait3A_390 : memref<80x128xf32, #tpu.memory_space<vmem>>) dst(%dma_wait3A_396 : memref<400x128xf32, #tpu.memory_space<vmem_shared>>)
        %dma_wait3A_397 = arith.constant 4 : i32
        %dma_wait3A_398 = arith.constant 320 : i32
        %dma_wait3A_399 = arith.constant 0 : i32
        %dma_wait3A_400 = tpu.memref_slice %arg12[%dma_wait3A_398, %dma_wait3A_399] : memref<400x128xf32, #tpu.memory_space<vmem>> -> memref<80x128xf32, #tpu.memory_space<vmem>>
        %dma_wait3A_401 = arith.constant 0 : i32
        %dma_wait3A_402 = tpu.memref_slice %arg15[%dma_wait3A_397, %dma_wait3A_401] : memref<5x80xi32, #tpu.memory_space<vmem>> -> memref<1x80xi32, #tpu.memory_space<vmem>>
        %dma_wait3A_403 = tpu.memref_squeeze %dma_wait3A_402 : memref<1x80xi32, #tpu.memory_space<vmem>> -> memref<80xi32, #tpu.memory_space<vmem>>
        %dma_wait3A_404 = arith.constant 0 : i32
        %dma_wait3A_405 = arith.constant 0 : i32
        %dma_wait3A_406 = tpu.memref_slice %arg25[%dma_wait3A_404, %dma_wait3A_405] : memref<400x128xf32, #tpu.memory_space<vmem_shared>> -> memref<400x128xf32, #tpu.memory_space<vmem_shared>>
        tpu.wait_indirect_dma semaphore(%arg24 : memref<!tpu.dma_semaphore, #tpu.memory_space<semaphore_mem>>) src(%dma_wait3A_400 : memref<80x128xf32, #tpu.memory_space<vmem>>) dst(%dma_wait3A_406 : memref<400x128xf32, #tpu.memory_space<vmem_shared>>)
        tpu.enqueue_dma source(%arg6 : memref<400x128xf32, #tpu.memory_space<hbm>>) target(%arg12 : memref<400x128xf32, #tpu.memory_space<vmem>>) target_semaphore(%arg23 : memref<!tpu.dma_semaphore, #tpu.memory_space<semaphore_mem>>)
        %barrier3A_407 = arith.constant 0 : index
        tpu.barrier barrier_id(%barrier3A_407)
        "tpu.region"() ({
          %run_scoped3A_419 = tpu.sem_alloc : memref<!tpu.dma_semaphore, #tpu.memory_space<semaphore_mem>>
          %dma_start3A_420 = arith.constant 0 : i32
          %dma_start3A_421 = arith.constant 0 : i32
          %dma_start3A_422 = tpu.memref_slice %arg25[%dma_start3A_420, %dma_start3A_421] : memref<400x128xf32, #tpu.memory_space<vmem_shared>> -> memref<400x128xf32, #tpu.memory_space<vmem_shared>>
          tpu.enqueue_indirect_dma source(%dma_start3A_422 : memref<400x128xf32, #tpu.memory_space<vmem_shared>>) target(%arg20 : memref<25x128xf32, #tpu.memory_space<vmem>>) offsets(%arg16 : memref<25xi32, #tpu.memory_space<vmem>>) semaphore(%run_scoped3A_419 : memref<!tpu.dma_semaphore, #tpu.memory_space<semaphore_mem>>)
          %dma_wait3A_423 = arith.constant 0 : i32
          %dma_wait3A_424 = arith.constant 0 : i32
          %dma_wait3A_425 = tpu.memref_slice %arg25[%dma_wait3A_423, %dma_wait3A_424] : memref<400x128xf32, #tpu.memory_space<vmem_shared>> -> memref<400x128xf32, #tpu.memory_space<vmem_shared>>
          tpu.wait_indirect_dma semaphore(%run_scoped3A_419 : memref<!tpu.dma_semaphore, #tpu.memory_space<semaphore_mem>>) src(%dma_wait3A_425 : memref<400x128xf32, #tpu.memory_space<vmem_shared>>) dst(%arg20 : memref<25x128xf32, #tpu.memory_space<vmem>>)
          tpu.yield
        }) : () -> ()
        %scan3A_408 = arith.constant 0 : i32
        %scan3A_409 = arith.constant 200 : i32
        %scan3A_410 = arith.addi %scan3A_408, %scan3A_409 : i32
        %scan3A_411 = arith.constant 1 : i32
        scf.for %scan3A_419 = %scan3A_408 to %scan3A_410 step %scan3A_411  : i32 {
          %jit3A = arith.constant 8 : i32
          %div3A = arith.divsi %scan3A_419, %jit3A : i32
          %sign3A = arith.constant 0 : i32
          %sign3A_420 = arith.cmpi sgt, %scan3A_419, %sign3A : i32
          %sign3A_421 = arith.extui %sign3A_420 : i1 to i32
          %sign3A_422 = arith.constant 0 : i32
          %sign3A_423 = arith.cmpi slt, %scan3A_419, %sign3A_422 : i32
          %sign3A_424 = arith.extui %sign3A_423 : i1 to i32
          %sign3A_425 = arith.subi %sign3A_421, %sign3A_424 : i32
          %sign3A_426 = arith.constant 0 : i32
          %sign3A_427 = arith.cmpi sgt, %jit3A, %sign3A_426 : i32
          %sign3A_428 = arith.extui %sign3A_427 : i1 to i32
          %sign3A_429 = arith.constant 0 : i32
          %sign3A_430 = arith.cmpi slt, %jit3A, %sign3A_429 : i32
          %sign3A_431 = arith.extui %sign3A_430 : i1 to i32
          %sign3A_432 = arith.subi %sign3A_428, %sign3A_431 : i32
          %ne3A = arith.cmpi ne, %sign3A_425, %sign3A_432 : i32
          %rem3A = arith.remsi %scan3A_419, %jit3A : i32
          %ne3A_433 = arith.constant 0 : i32
          %ne3A_434 = arith.cmpi ne, %rem3A, %ne3A_433 : i32
          %and3A = arith.andi %ne3A, %ne3A_434 : i1
          %sub3A = arith.constant 1 : i32
          %sub3A_435 = arith.subi %div3A, %sub3A : i32
          %select_n3A = arith.select %and3A, %sub3A_435, %div3A : i32
          %jit3A_436 = arith.constant 8 : i32
          %eq3A_437 = arith.constant 0 : i32
          %eq3A_438 = arith.cmpi eq, %jit3A_436, %eq3A_437 : i32
          %jit3A_439 = arith.constant 1 : i32
          %select_n3A_440 = arith.select %eq3A_438, %jit3A_439, %jit3A_436 : i32
          %rem3A_441 = arith.remsi %scan3A_419, %select_n3A_440 : i32
          %ne3A_442 = arith.constant 0 : i32
          %ne3A_443 = arith.cmpi ne, %rem3A_441, %ne3A_442 : i32
          %lt3A = arith.constant 0 : i32
          %lt3A_444 = arith.cmpi slt, %rem3A_441, %lt3A : i32
          %lt3A_445 = arith.constant 0 : i32
          %lt3A_446 = arith.cmpi slt, %select_n3A_440, %lt3A_445 : i32
          %ne3A_447 = arith.xori %lt3A_444, %lt3A_446 : i1
          %and3A_448 = arith.andi %ne3A_447, %ne3A_443 : i1
          %add3A_449 = arith.addi %rem3A_441, %select_n3A_440 : i32
          %select_n3A_450 = arith.select %and3A_448, %add3A_449, %rem3A_441 : i32
          %mul3A_451 = arith.constant 16 : i32
          %mul3A_452 = arith.muli %select_n3A_450, %mul3A_451 : i32
          %get3A = arith.index_cast %select_n3A : i32 to index
          %get3A_453 = arith.index_cast %mul3A_452 : i32 to index
          %get3A_454 = tpu.vector_load %arg19[%get3A, %get3A_453] {strides = array<i32>} : memref<25x128xf32, #tpu.memory_space<vmem>>, vector<16xf32>,
          %get3A_455 = arith.index_cast %select_n3A : i32 to index
          %get3A_456 = arith.index_cast %mul3A_452 : i32 to index
          %get3A_457 = tpu.vector_load %arg18[%get3A_455, %get3A_456] {strides = array<i32>} : memref<25x128xf32, #tpu.memory_space<vmem>>, vector<16xf32>,
          %get3A_458 = arith.index_cast %select_n3A : i32 to index
          %get3A_459 = arith.index_cast %mul3A_452 : i32 to index
          %get3A_460 = tpu.vector_load %arg20[%get3A_458, %get3A_459] {strides = array<i32>} : memref<25x128xf32, #tpu.memory_space<vmem>>, vector<16xf32>,
          %mul3A_461 = arith.mulf %get3A_457, %get3A_460 : vector<16xf32>
          %add3A_462 = arith.addf %get3A_454, %mul3A_461 : vector<16xf32>
          %swap3A = arith.index_cast %select_n3A : i32 to index
          %swap3A_463 = arith.index_cast %mul3A_452 : i32 to index
          %swap3A_464 = tpu.vector_load %arg20[%swap3A, %swap3A_463] {strides = array<i32>} : memref<25x128xf32, #tpu.memory_space<vmem>>, vector<16xf32>,
          tpu.vector_store %arg20[%swap3A, %swap3A_463], %add3A_462 {strides = array<i32>} : memref<25x128xf32, #tpu.memory_space<vmem>>, vector<16xf32>,
        }
        %scan3A_412 = arith.constant 200 : i32
        "tpu.region"() ({
          %run_scoped3A_419 = tpu.sem_alloc : memref<!tpu.dma_semaphore, #tpu.memory_space<semaphore_mem>>
          %dma_start3A_420 = arith.constant 0 : i32
          %dma_start3A_421 = arith.constant 0 : i32
          %dma_start3A_422 = tpu.memref_slice %arg25[%dma_start3A_420, %dma_start3A_421] : memref<400x128xf32, #tpu.memory_space<vmem_shared>> -> memref<400x128xf32, #tpu.memory_space<vmem_shared>>
          tpu.enqueue_indirect_dma source(%arg20 : memref<25x128xf32, #tpu.memory_space<vmem>>) target(%dma_start3A_422 : memref<400x128xf32, #tpu.memory_space<vmem_shared>>) offsets(%arg16 : memref<25xi32, #tpu.memory_space<vmem>>) semaphore(%run_scoped3A_419 : memref<!tpu.dma_semaphore, #tpu.memory_space<semaphore_mem>>)
          %dma_wait3A_423 = arith.constant 0 : i32
          %dma_wait3A_424 = arith.constant 0 : i32
          %dma_wait3A_425 = tpu.memref_slice %arg25[%dma_wait3A_423, %dma_wait3A_424] : memref<400x128xf32, #tpu.memory_space<vmem_shared>> -> memref<400x128xf32, #tpu.memory_space<vmem_shared>>
          tpu.wait_indirect_dma semaphore(%run_scoped3A_419 : memref<!tpu.dma_semaphore, #tpu.memory_space<semaphore_mem>>) src(%arg20 : memref<25x128xf32, #tpu.memory_space<vmem>>) dst(%dma_wait3A_425 : memref<400x128xf32, #tpu.memory_space<vmem_shared>>)
          tpu.yield
        }) : () -> ()
        %eq3A = arith.constant 7 : i32
        %eq3A_413 = arith.cmpi eq, %scan3A_288, %eq3A : i32
        %convert_element_type3A_414 = arith.extui %eq3A_413 : i1 to i32
        %cond3A_415 = arith.constant 0 : i32
        %cond3A_416 = arith.cmpi ne, %convert_element_type3A_414, %cond3A_415 : i32
        scf.if %cond3A_416 {
          "tpu.region"() ({
            %run_scoped3A_419 = tpu.sem_alloc : memref<!tpu.dma_semaphore, #tpu.memory_space<semaphore_mem>>
            %dma_start3A_420 = arith.constant 0 : i32
            %dma_start3A_421 = arith.constant 0 : i32
            %dma_start3A_422 = tpu.memref_slice %arg9[%add3A_141, %arg1, %dma_start3A_420, %dma_start3A_421] : memref<3x16x25x128xf32, #tpu.memory_space<hbm>> -> memref<1x1x25x128xf32, #tpu.memory_space<hbm>>
            %dma_start3A_423 = tpu.memref_squeeze %dma_start3A_422 : memref<1x1x25x128xf32, #tpu.memory_space<hbm>> -> memref<25x128xf32, #tpu.memory_space<hbm>>
            %dma_start3A_424 = arith.constant 0 : i32
            %dma_start3A_425 = arith.constant 0 : i32
            %dma_start3A_426 = tpu.memref_slice %arg9[%add3A_141, %arg1, %dma_start3A_424, %dma_start3A_425] : memref<3x16x25x128xf32, #tpu.memory_space<hbm>> -> memref<1x1x25x128xf32, #tpu.memory_space<hbm>>
            %dma_start3A_427 = tpu.memref_squeeze %dma_start3A_426 : memref<1x1x25x128xf32, #tpu.memory_space<hbm>> -> memref<25x128xf32, #tpu.memory_space<hbm>>
            tpu.enqueue_dma source(%arg20 : memref<25x128xf32, #tpu.memory_space<vmem>>) target(%dma_start3A_427 : memref<25x128xf32, #tpu.memory_space<hbm>>) target_semaphore(%run_scoped3A_419 : memref<!tpu.dma_semaphore, #tpu.memory_space<semaphore_mem>>)
            %dma_wait3A_428 = arith.constant 0 : i32
            %dma_wait3A_429 = arith.constant 0 : i32
            %dma_wait3A_430 = tpu.memref_slice %arg9[%add3A_141, %arg1, %dma_wait3A_428, %dma_wait3A_429] : memref<3x16x25x128xf32, #tpu.memory_space<hbm>> -> memref<1x1x25x128xf32, #tpu.memory_space<hbm>>
            %dma_wait3A_431 = tpu.memref_squeeze %dma_wait3A_430 : memref<1x1x25x128xf32, #tpu.memory_space<hbm>> -> memref<25x128xf32, #tpu.memory_space<hbm>>
            %dma_wait3A_432 = arith.constant 0 : i32
            %dma_wait3A_433 = arith.constant 0 : i32
            %dma_wait3A_434 = tpu.memref_slice %arg9[%add3A_141, %arg1, %dma_wait3A_432, %dma_wait3A_433] : memref<3x16x25x128xf32, #tpu.memory_space<hbm>> -> memref<1x1x25x128xf32, #tpu.memory_space<hbm>>
            %dma_wait3A_435 = tpu.memref_squeeze %dma_wait3A_434 : memref<1x1x25x128xf32, #tpu.memory_space<hbm>> -> memref<25x128xf32, #tpu.memory_space<hbm>>
            tpu.wait_dma2 semaphore(%run_scoped3A_419 : memref<!tpu.dma_semaphore, #tpu.memory_space<semaphore_mem>>) src(%arg20 : memref<25x128xf32, #tpu.memory_space<vmem>>) dst(%dma_wait3A_435 : memref<25x128xf32, #tpu.memory_space<hbm>>)
            tpu.yield
          }) : () -> ()
        } else {
        }
        %barrier3A_417 = arith.constant 0 : index
        tpu.barrier barrier_id(%barrier3A_417)
        "tpu.region"() ({
          %run_scoped3A_419 = tpu.sem_alloc : memref<!tpu.dma_semaphore, #tpu.memory_space<semaphore_mem>>
          tpu.enqueue_dma source(%arg25 : memref<400x128xf32, #tpu.memory_space<vmem_shared>>) target(%arg11 : memref<400x128xf32, #tpu.memory_space<vmem>>) target_semaphore(%run_scoped3A_419 : memref<!tpu.dma_semaphore, #tpu.memory_space<semaphore_mem>>)
          tpu.wait_dma2 semaphore(%run_scoped3A_419 : memref<!tpu.dma_semaphore, #tpu.memory_space<semaphore_mem>>) src(%arg25 : memref<400x128xf32, #tpu.memory_space<vmem_shared>>) dst(%arg11 : memref<400x128xf32, #tpu.memory_space<vmem>>)
          tpu.yield
        }) : () -> ()
        %barrier3A_418 = arith.constant 0 : index
        tpu.barrier barrier_id(%barrier3A_418)
      }
      %scan3A_163 = arith.constant 8 : i32
      %mul3A_164 = arith.constant 40 : i32
      %mul3A_165 = arith.muli %arg1, %mul3A_164 : i32
      %add3A_166 = arith.constant 0 : i32
      %add3A_167 = arith.addi %mul3A_165, %add3A_166 : i32
      %dma_start3A_168 = arith.constant 0 : i32
      %dma_start3A_169 = arith.constant 0 : i32
      %dma_start3A_170 = tpu.memref_slice %arg4[%add3A_167, %dma_start3A_168, %dma_start3A_169] : memref<640x20x128xi32, #tpu.memory_space<hbm>> -> memref<1x20x128xi32, #tpu.memory_space<hbm>>
      %dma_start3A_171 = tpu.memref_squeeze %dma_start3A_170 : memref<1x20x128xi32, #tpu.memory_space<hbm>> -> memref<20x128xi32, #tpu.memory_space<hbm>>
      %dma_start3A_172 = arith.constant 0 : i32
      %dma_start3A_173 = arith.constant 0 : i32
      %dma_start3A_174 = tpu.memref_slice %arg4[%add3A_167, %dma_start3A_172, %dma_start3A_173] : memref<640x20x128xi32, #tpu.memory_space<hbm>> -> memref<1x20x128xi32, #tpu.memory_space<hbm>>
      %dma_start3A_175 = tpu.memref_squeeze %dma_start3A_174 : memref<1x20x128xi32, #tpu.memory_space<hbm>> -> memref<20x128xi32, #tpu.memory_space<hbm>>
      tpu.enqueue_dma source(%dma_start3A_175 : memref<20x128xi32, #tpu.memory_space<hbm>>) target(%arg13 : memref<20x128xi32, #tpu.memory_space<vmem>>) target_semaphore(%arg21 : memref<!tpu.dma_semaphore, #tpu.memory_space<semaphore_mem>>)
      tpu.wait_dma2 semaphore(%arg23 : memref<!tpu.dma_semaphore, #tpu.memory_space<semaphore_mem>>) src(%arg6 : memref<400x128xf32, #tpu.memory_space<hbm>>) dst(%arg12 : memref<400x128xf32, #tpu.memory_space<vmem>>)
      "tpu.region"() ({
        %run_scoped3A_288 = tpu.sem_alloc : memref<!tpu.dma_semaphore, #tpu.memory_space<semaphore_mem>>
        %dma_start3A_289 = arith.constant 0 : i32
        %dma_start3A_290 = arith.constant 0 : i32
        %dma_start3A_291 = tpu.memref_slice %arg12[%dma_start3A_289, %dma_start3A_290] : memref<400x128xf32, #tpu.memory_space<vmem>> -> memref<25x128xf32, #tpu.memory_space<vmem>>
        %dma_start3A_292 = arith.constant 0 : i32
        %dma_start3A_293 = arith.constant 0 : i32
        %dma_start3A_294 = tpu.memref_slice %arg25[%dma_start3A_292, %dma_start3A_293] : memref<400x128xf32, #tpu.memory_space<vmem_shared>> -> memref<400x128xf32, #tpu.memory_space<vmem_shared>>
        tpu.enqueue_indirect_dma source(%dma_start3A_291 : memref<25x128xf32, #tpu.memory_space<vmem>>) target(%dma_start3A_294 : memref<400x128xf32, #tpu.memory_space<vmem_shared>>) offsets(%arg16 : memref<25xi32, #tpu.memory_space<vmem>>) semaphore(%run_scoped3A_288 : memref<!tpu.dma_semaphore, #tpu.memory_space<semaphore_mem>>)
        %dma_wait3A_295 = arith.constant 0 : i32
        %dma_wait3A_296 = arith.constant 0 : i32
        %dma_wait3A_297 = tpu.memref_slice %arg12[%dma_wait3A_295, %dma_wait3A_296] : memref<400x128xf32, #tpu.memory_space<vmem>> -> memref<25x128xf32, #tpu.memory_space<vmem>>
        %dma_wait3A_298 = arith.constant 0 : i32
        %dma_wait3A_299 = arith.constant 0 : i32
        %dma_wait3A_300 = tpu.memref_slice %arg25[%dma_wait3A_298, %dma_wait3A_299] : memref<400x128xf32, #tpu.memory_space<vmem_shared>> -> memref<400x128xf32, #tpu.memory_space<vmem_shared>>
        tpu.wait_indirect_dma semaphore(%run_scoped3A_288 : memref<!tpu.dma_semaphore, #tpu.memory_space<semaphore_mem>>) src(%dma_wait3A_297 : memref<25x128xf32, #tpu.memory_space<vmem>>) dst(%dma_wait3A_300 : memref<400x128xf32, #tpu.memory_space<vmem_shared>>)
        tpu.yield
      }) : () -> ()
      %scan3A_176 = arith.constant 0 : i32
      %scan3A_177 = arith.constant 20 : i32
      %scan3A_178 = arith.addi %scan3A_176, %scan3A_177 : i32
      %scan3A_179 = arith.constant 1 : i32
      scf.for %scan3A_288 = %scan3A_176 to %scan3A_178 step %scan3A_179  : i32 {
        %mul3A_289 = arith.constant 2 : i32
        %mul3A_290 = arith.muli %mul3A_289, %scan3A_288 : i32
        %add3A_291 = arith.constant 1 : i32
        %add3A_292 = arith.addi %mul3A_290, %add3A_291 : i32
        %mul3A_293 = arith.constant 40 : i32
        %mul3A_294 = arith.muli %arg1, %mul3A_293 : i32
        %add3A_295 = arith.addi %mul3A_294, %add3A_292 : i32
        %dma_start3A_296 = arith.constant 0 : i32
        %dma_start3A_297 = arith.constant 0 : i32
        %dma_start3A_298 = tpu.memref_slice %arg4[%add3A_295, %dma_start3A_296, %dma_start3A_297] : memref<640x20x128xi32, #tpu.memory_space<hbm>> -> memref<1x20x128xi32, #tpu.memory_space<hbm>>
        %dma_start3A_299 = tpu.memref_squeeze %dma_start3A_298 : memref<1x20x128xi32, #tpu.memory_space<hbm>> -> memref<20x128xi32, #tpu.memory_space<hbm>>
        %dma_start3A_300 = arith.constant 0 : i32
        %dma_start3A_301 = arith.constant 0 : i32
        %dma_start3A_302 = tpu.memref_slice %arg4[%add3A_295, %dma_start3A_300, %dma_start3A_301] : memref<640x20x128xi32, #tpu.memory_space<hbm>> -> memref<1x20x128xi32, #tpu.memory_space<hbm>>
        %dma_start3A_303 = tpu.memref_squeeze %dma_start3A_302 : memref<1x20x128xi32, #tpu.memory_space<hbm>> -> memref<20x128xi32, #tpu.memory_space<hbm>>
        tpu.enqueue_dma source(%dma_start3A_303 : memref<20x128xi32, #tpu.memory_space<hbm>>) target(%arg14 : memref<20x128xi32, #tpu.memory_space<vmem>>) target_semaphore(%arg22 : memref<!tpu.dma_semaphore, #tpu.memory_space<semaphore_mem>>)
        %mul3A_304 = arith.constant 40 : i32
        %mul3A_305 = arith.muli %arg1, %mul3A_304 : i32
        %add3A_306 = arith.addi %mul3A_305, %mul3A_290 : i32
        %dma_wait3A_307 = arith.constant 0 : i32
        %dma_wait3A_308 = arith.constant 0 : i32
        %dma_wait3A_309 = tpu.memref_slice %arg4[%add3A_306, %dma_wait3A_307, %dma_wait3A_308] : memref<640x20x128xi32, #tpu.memory_space<hbm>> -> memref<1x20x128xi32, #tpu.memory_space<hbm>>
        %dma_wait3A_310 = tpu.memref_squeeze %dma_wait3A_309 : memref<1x20x128xi32, #tpu.memory_space<hbm>> -> memref<20x128xi32, #tpu.memory_space<hbm>>
        %dma_wait3A_311 = arith.constant 0 : i32
        %dma_wait3A_312 = arith.constant 0 : i32
        %dma_wait3A_313 = tpu.memref_slice %arg4[%add3A_306, %dma_wait3A_311, %dma_wait3A_312] : memref<640x20x128xi32, #tpu.memory_space<hbm>> -> memref<1x20x128xi32, #tpu.memory_space<hbm>>
        %dma_wait3A_314 = tpu.memref_squeeze %dma_wait3A_313 : memref<1x20x128xi32, #tpu.memory_space<hbm>> -> memref<20x128xi32, #tpu.memory_space<hbm>>
        tpu.wait_dma2 semaphore(%arg21 : memref<!tpu.dma_semaphore, #tpu.memory_space<semaphore_mem>>) src(%dma_wait3A_314 : memref<20x128xi32, #tpu.memory_space<hbm>>) dst(%arg13 : memref<20x128xi32, #tpu.memory_space<vmem>>)
        %parallel_loop3A = arith.constant 0 : i32
        %parallel_loop3A_315 = arith.constant 80 : i32
        %parallel_loop3A_316 = arith.constant 1 : i32
        scf.for %parallel_loop3A_339 = %parallel_loop3A to %parallel_loop3A_315 step %parallel_loop3A_316  : i32 {
          %parallel_loop3A_340 = arith.constant 8 : i32
          %parallel_loop3A_341 = arith.divsi %parallel_loop3A_339, %parallel_loop3A_340 : i32
          %parallel_loop3A_342 = arith.constant 0 : i32
          %parallel_loop3A_343 = arith.cmpi sgt, %parallel_loop3A_339, %parallel_loop3A_342 : i32
          %parallel_loop3A_344 = arith.extui %parallel_loop3A_343 : i1 to i32
          %parallel_loop3A_345 = arith.constant 0 : i32
          %parallel_loop3A_346 = arith.cmpi slt, %parallel_loop3A_339, %parallel_loop3A_345 : i32
          %parallel_loop3A_347 = arith.extui %parallel_loop3A_346 : i1 to i32
          %parallel_loop3A_348 = arith.subi %parallel_loop3A_344, %parallel_loop3A_347 : i32
          %parallel_loop3A_349 = arith.constant 0 : i32
          %parallel_loop3A_350 = arith.cmpi sgt, %parallel_loop3A_340, %parallel_loop3A_349 : i32
          %parallel_loop3A_351 = arith.extui %parallel_loop3A_350 : i1 to i32
          %parallel_loop3A_352 = arith.constant 0 : i32
          %parallel_loop3A_353 = arith.cmpi slt, %parallel_loop3A_340, %parallel_loop3A_352 : i32
          %parallel_loop3A_354 = arith.extui %parallel_loop3A_353 : i1 to i32
          %parallel_loop3A_355 = arith.subi %parallel_loop3A_351, %parallel_loop3A_354 : i32
          %parallel_loop3A_356 = arith.cmpi ne, %parallel_loop3A_348, %parallel_loop3A_355 : i32
          %parallel_loop3A_357 = arith.remsi %parallel_loop3A_339, %parallel_loop3A_340 : i32
          %parallel_loop3A_358 = arith.constant 0 : i32
          %parallel_loop3A_359 = arith.cmpi ne, %parallel_loop3A_357, %parallel_loop3A_358 : i32
          %parallel_loop3A_360 = arith.andi %parallel_loop3A_356, %parallel_loop3A_359 : i1
          %parallel_loop3A_361 = arith.constant 1 : i32
          %parallel_loop3A_362 = arith.subi %parallel_loop3A_341, %parallel_loop3A_361 : i32
          %parallel_loop3A_363 = arith.select %parallel_loop3A_360, %parallel_loop3A_362, %parallel_loop3A_341 : i32
          %parallel_loop3A_364 = arith.constant 8 : i32
          %parallel_loop3A_365 = arith.constant 0 : i32
          %parallel_loop3A_366 = arith.cmpi eq, %parallel_loop3A_364, %parallel_loop3A_365 : i32
          %parallel_loop3A_367 = arith.constant 1 : i32
          %parallel_loop3A_368 = arith.select %parallel_loop3A_366, %parallel_loop3A_367, %parallel_loop3A_364 : i32
          %parallel_loop3A_369 = arith.remsi %parallel_loop3A_339, %parallel_loop3A_368 : i32
          %parallel_loop3A_370 = arith.constant 0 : i32
          %parallel_loop3A_371 = arith.cmpi ne, %parallel_loop3A_369, %parallel_loop3A_370 : i32
          %parallel_loop3A_372 = arith.constant 0 : i32
          %parallel_loop3A_373 = arith.cmpi slt, %parallel_loop3A_369, %parallel_loop3A_372 : i32
          %parallel_loop3A_374 = arith.constant 0 : i32
          %parallel_loop3A_375 = arith.cmpi slt, %parallel_loop3A_368, %parallel_loop3A_374 : i32
          %parallel_loop3A_376 = arith.xori %parallel_loop3A_373, %parallel_loop3A_375 : i1
          %parallel_loop3A_377 = arith.andi %parallel_loop3A_376, %parallel_loop3A_371 : i1
          %parallel_loop3A_378 = arith.addi %parallel_loop3A_369, %parallel_loop3A_368 : i32
          %parallel_loop3A_379 = arith.select %parallel_loop3A_377, %parallel_loop3A_378, %parallel_loop3A_369 : i32
          %parallel_loop3A_380 = arith.constant 16 : i32
          %parallel_loop3A_381 = arith.muli %parallel_loop3A_379, %parallel_loop3A_380 : i32
          %parallel_loop3A_382 = arith.index_cast %parallel_loop3A_363 : i32 to index
          %parallel_loop3A_383 = arith.index_cast %parallel_loop3A_381 : i32 to index
          %parallel_loop3A_384 = tpu.vector_load %arg13[%parallel_loop3A_382, %parallel_loop3A_383] {strides = array<i32>} : memref<20x128xi32, #tpu.memory_space<vmem>>, vector<16xi32>,
          %parallel_loop3A_385 = arith.constant 10 : i32
          %parallel_loop3A_386 = arith.addi %parallel_loop3A_385, %parallel_loop3A_363 : i32
          %parallel_loop3A_387 = arith.index_cast %parallel_loop3A_386 : i32 to index
          %parallel_loop3A_388 = arith.index_cast %parallel_loop3A_381 : i32 to index
          %parallel_loop3A_389 = tpu.vector_load %arg13[%parallel_loop3A_387, %parallel_loop3A_388] {strides = array<i32>} : memref<20x128xi32, #tpu.memory_space<vmem>>, vector<16xi32>,
          %parallel_loop3A_390 = vector.bitcast %parallel_loop3A_389 : vector<16xi32> to vector<16xf32>
          %parallel_loop3A_391 = arith.constant 65535 : i32
          %parallel_loop3A_392 = vector.broadcast %parallel_loop3A_391 : i32 to vector<16xi32>
          %parallel_loop3A_393 = arith.andi %parallel_loop3A_384, %parallel_loop3A_392 : vector<16xi32>
          %parallel_loop3A_394 = arith.constant 16 : i32
          %parallel_loop3A_395 = vector.broadcast %parallel_loop3A_394 : i32 to vector<16xi32>
          %parallel_loop3A_396 = arith.shrui %parallel_loop3A_384, %parallel_loop3A_395 : vector<16xi32>
          %parallel_loop3A_397 = arith.constant 7 : i32
          %parallel_loop3A_398 = vector.broadcast %parallel_loop3A_397 : i32 to vector<16xi32>
          %parallel_loop3A_399 = arith.shrsi %parallel_loop3A_393, %parallel_loop3A_398 : vector<16xi32>
          %parallel_loop3A_400 = arith.constant 127 : i32
          %parallel_loop3A_401 = vector.broadcast %parallel_loop3A_400 : i32 to vector<16xi32>
          %parallel_loop3A_402 = arith.andi %parallel_loop3A_393, %parallel_loop3A_401 : vector<16xi32>
          %parallel_loop3A_403 = arith.constant 7 : i32
          %parallel_loop3A_404 = vector.broadcast %parallel_loop3A_403 : i32 to vector<16xi32>
          %parallel_loop3A_405 = arith.shrsi %parallel_loop3A_396, %parallel_loop3A_404 : vector<16xi32>
          %parallel_loop3A_406 = arith.constant 127 : i32
          %parallel_loop3A_407 = vector.broadcast %parallel_loop3A_406 : i32 to vector<16xi32>
          %parallel_loop3A_408 = arith.andi %parallel_loop3A_396, %parallel_loop3A_407 : vector<16xi32>
          %parallel_loop3A_409 = tpu.vector_load_idx %arg11[%parallel_loop3A_405, %parallel_loop3A_408] : memref<400x128xf32, #tpu.memory_space<vmem>>[vector<16xi32>, vector<16xi32>], vector<16xf32>,
          %parallel_loop3A_410 = tpu.vector_load_idx %arg11[%parallel_loop3A_399, %parallel_loop3A_402] : memref<400x128xf32, #tpu.memory_space<vmem>>[vector<16xi32>, vector<16xi32>], vector<16xf32>,
          %parallel_loop3A_411 = arith.mulf %parallel_loop3A_390, %parallel_loop3A_409 : vector<16xf32>
          tpu.vector_store_idx %arg12[%parallel_loop3A_399, %parallel_loop3A_402], %parallel_loop3A_411 {add = true} : memref<400x128xf32, #tpu.memory_space<vmem>>[vector<16xi32>, vector<16xi32>], vector<16xf32>,
          %parallel_loop3A_412 = arith.mulf %parallel_loop3A_390, %parallel_loop3A_410 : vector<16xf32>
          tpu.vector_store_idx %arg12[%parallel_loop3A_405, %parallel_loop3A_408], %parallel_loop3A_412 {add = true} : memref<400x128xf32, #tpu.memory_space<vmem>>[vector<16xi32>, vector<16xi32>], vector<16xf32>,
        } {sc.loop_unroll_factor = 4 : i64, sc.parallel_access}
        %add3A_317 = arith.constant 2 : i32
        %add3A_318 = arith.addi %mul3A_290, %add3A_317 : i32
        %lt3A = arith.constant 40 : i32
        %lt3A_319 = arith.cmpi slt, %add3A_318, %lt3A : i32
        %convert_element_type3A_320 = arith.extui %lt3A_319 : i1 to i32
        %cond3A_321 = arith.constant 0 : i32
        %cond3A_322 = arith.cmpi ne, %convert_element_type3A_320, %cond3A_321 : i32
        scf.if %cond3A_322 {
          %add3A_339 = arith.constant 2 : i32
          %add3A_340 = arith.addi %mul3A_290, %add3A_339 : i32
          %mul3A_341 = arith.constant 40 : i32
          %mul3A_342 = arith.muli %arg1, %mul3A_341 : i32
          %add3A_343 = arith.addi %mul3A_342, %add3A_340 : i32
          %dma_start3A_344 = arith.constant 0 : i32
          %dma_start3A_345 = arith.constant 0 : i32
          %dma_start3A_346 = tpu.memref_slice %arg4[%add3A_343, %dma_start3A_344, %dma_start3A_345] : memref<640x20x128xi32, #tpu.memory_space<hbm>> -> memref<1x20x128xi32, #tpu.memory_space<hbm>>
          %dma_start3A_347 = tpu.memref_squeeze %dma_start3A_346 : memref<1x20x128xi32, #tpu.memory_space<hbm>> -> memref<20x128xi32, #tpu.memory_space<hbm>>
          %dma_start3A_348 = arith.constant 0 : i32
          %dma_start3A_349 = arith.constant 0 : i32
          %dma_start3A_350 = tpu.memref_slice %arg4[%add3A_343, %dma_start3A_348, %dma_start3A_349] : memref<640x20x128xi32, #tpu.memory_space<hbm>> -> memref<1x20x128xi32, #tpu.memory_space<hbm>>
          %dma_start3A_351 = tpu.memref_squeeze %dma_start3A_350 : memref<1x20x128xi32, #tpu.memory_space<hbm>> -> memref<20x128xi32, #tpu.memory_space<hbm>>
          tpu.enqueue_dma source(%dma_start3A_351 : memref<20x128xi32, #tpu.memory_space<hbm>>) target(%arg13 : memref<20x128xi32, #tpu.memory_space<vmem>>) target_semaphore(%arg21 : memref<!tpu.dma_semaphore, #tpu.memory_space<semaphore_mem>>)
        } else {
        }
        %add3A_323 = arith.constant 1 : i32
        %add3A_324 = arith.addi %mul3A_290, %add3A_323 : i32
        %mul3A_325 = arith.constant 40 : i32
        %mul3A_326 = arith.muli %arg1, %mul3A_325 : i32
        %add3A_327 = arith.addi %mul3A_326, %add3A_324 : i32
        %dma_wait3A_328 = arith.constant 0 : i32
        %dma_wait3A_329 = arith.constant 0 : i32
        %dma_wait3A_330 = tpu.memref_slice %arg4[%add3A_327, %dma_wait3A_328, %dma_wait3A_329] : memref<640x20x128xi32, #tpu.memory_space<hbm>> -> memref<1x20x128xi32, #tpu.memory_space<hbm>>
        %dma_wait3A_331 = tpu.memref_squeeze %dma_wait3A_330 : memref<1x20x128xi32, #tpu.memory_space<hbm>> -> memref<20x128xi32, #tpu.memory_space<hbm>>
        %dma_wait3A_332 = arith.constant 0 : i32
        %dma_wait3A_333 = arith.constant 0 : i32
        %dma_wait3A_334 = tpu.memref_slice %arg4[%add3A_327, %dma_wait3A_332, %dma_wait3A_333] : memref<640x20x128xi32, #tpu.memory_space<hbm>> -> memref<1x20x128xi32, #tpu.memory_space<hbm>>
        %dma_wait3A_335 = tpu.memref_squeeze %dma_wait3A_334 : memref<1x20x128xi32, #tpu.memory_space<hbm>> -> memref<20x128xi32, #tpu.memory_space<hbm>>
        tpu.wait_dma2 semaphore(%arg22 : memref<!tpu.dma_semaphore, #tpu.memory_space<semaphore_mem>>) src(%dma_wait3A_335 : memref<20x128xi32, #tpu.memory_space<hbm>>) dst(%arg14 : memref<20x128xi32, #tpu.memory_space<vmem>>)
        %parallel_loop3A_336 = arith.constant 0 : i32
        %parallel_loop3A_337 = arith.constant 80 : i32
        %parallel_loop3A_338 = arith.constant 1 : i32
        scf.for %parallel_loop3A_339 = %parallel_loop3A_336 to %parallel_loop3A_337 step %parallel_loop3A_338  : i32 {
          %parallel_loop3A_340 = arith.constant 8 : i32
          %parallel_loop3A_341 = arith.divsi %parallel_loop3A_339, %parallel_loop3A_340 : i32
          %parallel_loop3A_342 = arith.constant 0 : i32
          %parallel_loop3A_343 = arith.cmpi sgt, %parallel_loop3A_339, %parallel_loop3A_342 : i32
          %parallel_loop3A_344 = arith.extui %parallel_loop3A_343 : i1 to i32
          %parallel_loop3A_345 = arith.constant 0 : i32
          %parallel_loop3A_346 = arith.cmpi slt, %parallel_loop3A_339, %parallel_loop3A_345 : i32
          %parallel_loop3A_347 = arith.extui %parallel_loop3A_346 : i1 to i32
          %parallel_loop3A_348 = arith.subi %parallel_loop3A_344, %parallel_loop3A_347 : i32
          %parallel_loop3A_349 = arith.constant 0 : i32
          %parallel_loop3A_350 = arith.cmpi sgt, %parallel_loop3A_340, %parallel_loop3A_349 : i32
          %parallel_loop3A_351 = arith.extui %parallel_loop3A_350 : i1 to i32
          %parallel_loop3A_352 = arith.constant 0 : i32
          %parallel_loop3A_353 = arith.cmpi slt, %parallel_loop3A_340, %parallel_loop3A_352 : i32
          %parallel_loop3A_354 = arith.extui %parallel_loop3A_353 : i1 to i32
          %parallel_loop3A_355 = arith.subi %parallel_loop3A_351, %parallel_loop3A_354 : i32
          %parallel_loop3A_356 = arith.cmpi ne, %parallel_loop3A_348, %parallel_loop3A_355 : i32
          %parallel_loop3A_357 = arith.remsi %parallel_loop3A_339, %parallel_loop3A_340 : i32
          %parallel_loop3A_358 = arith.constant 0 : i32
          %parallel_loop3A_359 = arith.cmpi ne, %parallel_loop3A_357, %parallel_loop3A_358 : i32
          %parallel_loop3A_360 = arith.andi %parallel_loop3A_356, %parallel_loop3A_359 : i1
          %parallel_loop3A_361 = arith.constant 1 : i32
          %parallel_loop3A_362 = arith.subi %parallel_loop3A_341, %parallel_loop3A_361 : i32
          %parallel_loop3A_363 = arith.select %parallel_loop3A_360, %parallel_loop3A_362, %parallel_loop3A_341 : i32
          %parallel_loop3A_364 = arith.constant 8 : i32
          %parallel_loop3A_365 = arith.constant 0 : i32
          %parallel_loop3A_366 = arith.cmpi eq, %parallel_loop3A_364, %parallel_loop3A_365 : i32
          %parallel_loop3A_367 = arith.constant 1 : i32
          %parallel_loop3A_368 = arith.select %parallel_loop3A_366, %parallel_loop3A_367, %parallel_loop3A_364 : i32
          %parallel_loop3A_369 = arith.remsi %parallel_loop3A_339, %parallel_loop3A_368 : i32
          %parallel_loop3A_370 = arith.constant 0 : i32
          %parallel_loop3A_371 = arith.cmpi ne, %parallel_loop3A_369, %parallel_loop3A_370 : i32
          %parallel_loop3A_372 = arith.constant 0 : i32
          %parallel_loop3A_373 = arith.cmpi slt, %parallel_loop3A_369, %parallel_loop3A_372 : i32
          %parallel_loop3A_374 = arith.constant 0 : i32
          %parallel_loop3A_375 = arith.cmpi slt, %parallel_loop3A_368, %parallel_loop3A_374 : i32
          %parallel_loop3A_376 = arith.xori %parallel_loop3A_373, %parallel_loop3A_375 : i1
          %parallel_loop3A_377 = arith.andi %parallel_loop3A_376, %parallel_loop3A_371 : i1
          %parallel_loop3A_378 = arith.addi %parallel_loop3A_369, %parallel_loop3A_368 : i32
          %parallel_loop3A_379 = arith.select %parallel_loop3A_377, %parallel_loop3A_378, %parallel_loop3A_369 : i32
          %parallel_loop3A_380 = arith.constant 16 : i32
          %parallel_loop3A_381 = arith.muli %parallel_loop3A_379, %parallel_loop3A_380 : i32
          %parallel_loop3A_382 = arith.index_cast %parallel_loop3A_363 : i32 to index
          %parallel_loop3A_383 = arith.index_cast %parallel_loop3A_381 : i32 to index
          %parallel_loop3A_384 = tpu.vector_load %arg14[%parallel_loop3A_382, %parallel_loop3A_383] {strides = array<i32>} : memref<20x128xi32, #tpu.memory_space<vmem>>, vector<16xi32>,
          %parallel_loop3A_385 = arith.constant 10 : i32
          %parallel_loop3A_386 = arith.addi %parallel_loop3A_385, %parallel_loop3A_363 : i32
          %parallel_loop3A_387 = arith.index_cast %parallel_loop3A_386 : i32 to index
          %parallel_loop3A_388 = arith.index_cast %parallel_loop3A_381 : i32 to index
          %parallel_loop3A_389 = tpu.vector_load %arg14[%parallel_loop3A_387, %parallel_loop3A_388] {strides = array<i32>} : memref<20x128xi32, #tpu.memory_space<vmem>>, vector<16xi32>,
          %parallel_loop3A_390 = vector.bitcast %parallel_loop3A_389 : vector<16xi32> to vector<16xf32>
          %parallel_loop3A_391 = arith.constant 65535 : i32
          %parallel_loop3A_392 = vector.broadcast %parallel_loop3A_391 : i32 to vector<16xi32>
          %parallel_loop3A_393 = arith.andi %parallel_loop3A_384, %parallel_loop3A_392 : vector<16xi32>
          %parallel_loop3A_394 = arith.constant 16 : i32
          %parallel_loop3A_395 = vector.broadcast %parallel_loop3A_394 : i32 to vector<16xi32>
          %parallel_loop3A_396 = arith.shrui %parallel_loop3A_384, %parallel_loop3A_395 : vector<16xi32>
          %parallel_loop3A_397 = arith.constant 7 : i32
          %parallel_loop3A_398 = vector.broadcast %parallel_loop3A_397 : i32 to vector<16xi32>
          %parallel_loop3A_399 = arith.shrsi %parallel_loop3A_393, %parallel_loop3A_398 : vector<16xi32>
          %parallel_loop3A_400 = arith.constant 127 : i32
          %parallel_loop3A_401 = vector.broadcast %parallel_loop3A_400 : i32 to vector<16xi32>
          %parallel_loop3A_402 = arith.andi %parallel_loop3A_393, %parallel_loop3A_401 : vector<16xi32>
          %parallel_loop3A_403 = arith.constant 7 : i32
          %parallel_loop3A_404 = vector.broadcast %parallel_loop3A_403 : i32 to vector<16xi32>
          %parallel_loop3A_405 = arith.shrsi %parallel_loop3A_396, %parallel_loop3A_404 : vector<16xi32>
          %parallel_loop3A_406 = arith.constant 127 : i32
          %parallel_loop3A_407 = vector.broadcast %parallel_loop3A_406 : i32 to vector<16xi32>
          %parallel_loop3A_408 = arith.andi %parallel_loop3A_396, %parallel_loop3A_407 : vector<16xi32>
          %parallel_loop3A_409 = tpu.vector_load_idx %arg11[%parallel_loop3A_405, %parallel_loop3A_408] : memref<400x128xf32, #tpu.memory_space<vmem>>[vector<16xi32>, vector<16xi32>], vector<16xf32>,
          %parallel_loop3A_410 = tpu.vector_load_idx %arg11[%parallel_loop3A_399, %parallel_loop3A_402] : memref<400x128xf32, #tpu.memory_space<vmem>>[vector<16xi32>, vector<16xi32>], vector<16xf32>,
          %parallel_loop3A_411 = arith.mulf %parallel_loop3A_390, %parallel_loop3A_409 : vector<16xf32>
          tpu.vector_store_idx %arg12[%parallel_loop3A_399, %parallel_loop3A_402], %parallel_loop3A_411 {add = true} : memref<400x128xf32, #tpu.memory_space<vmem>>[vector<16xi32>, vector<16xi32>], vector<16xf32>,
          %parallel_loop3A_412 = arith.mulf %parallel_loop3A_390, %parallel_loop3A_410 : vector<16xf32>
          tpu.vector_store_idx %arg12[%parallel_loop3A_405, %parallel_loop3A_408], %parallel_loop3A_412 {add = true} : memref<400x128xf32, #tpu.memory_space<vmem>>[vector<16xi32>, vector<16xi32>], vector<16xf32>,
        } {sc.loop_unroll_factor = 4 : i64, sc.parallel_access}
      }
      %scan3A_180 = arith.constant 20 : i32
      %barrier3A_181 = arith.constant 0 : index
      tpu.barrier barrier_id(%barrier3A_181)
      %dma_start3A_182 = arith.constant 0 : i32
      %dma_start3A_183 = arith.constant 0 : i32
      %dma_start3A_184 = arith.constant 0 : i32
      %dma_start3A_185 = tpu.memref_slice %arg12[%dma_start3A_183, %dma_start3A_184] : memref<400x128xf32, #tpu.memory_space<vmem>> -> memref<80x128xf32, #tpu.memory_space<vmem>>
      %dma_start3A_186 = arith.constant 0 : i32
      %dma_start3A_187 = tpu.memref_slice %arg15[%dma_start3A_182, %dma_start3A_186] : memref<5x80xi32, #tpu.memory_space<vmem>> -> memref<1x80xi32, #tpu.memory_space<vmem>>
      %dma_start3A_188 = tpu.memref_squeeze %dma_start3A_187 : memref<1x80xi32, #tpu.memory_space<vmem>> -> memref<80xi32, #tpu.memory_space<vmem>>
      %dma_start3A_189 = arith.constant 0 : i32
      %dma_start3A_190 = arith.constant 0 : i32
      %dma_start3A_191 = tpu.memref_slice %arg25[%dma_start3A_189, %dma_start3A_190] : memref<400x128xf32, #tpu.memory_space<vmem_shared>> -> memref<400x128xf32, #tpu.memory_space<vmem_shared>>
      tpu.enqueue_indirect_dma source(%dma_start3A_185 : memref<80x128xf32, #tpu.memory_space<vmem>>) target(%dma_start3A_191 : memref<400x128xf32, #tpu.memory_space<vmem_shared>>) offsets(%dma_start3A_188 : memref<80xi32, #tpu.memory_space<vmem>>) semaphore(%arg24 : memref<!tpu.dma_semaphore, #tpu.memory_space<semaphore_mem>>) {add = true}
      %dma_start3A_192 = arith.constant 1 : i32
      %dma_start3A_193 = arith.constant 80 : i32
      %dma_start3A_194 = arith.constant 0 : i32
      %dma_start3A_195 = tpu.memref_slice %arg12[%dma_start3A_193, %dma_start3A_194] : memref<400x128xf32, #tpu.memory_space<vmem>> -> memref<80x128xf32, #tpu.memory_space<vmem>>
      %dma_start3A_196 = arith.constant 0 : i32
      %dma_start3A_197 = tpu.memref_slice %arg15[%dma_start3A_192, %dma_start3A_196] : memref<5x80xi32, #tpu.memory_space<vmem>> -> memref<1x80xi32, #tpu.memory_space<vmem>>
      %dma_start3A_198 = tpu.memref_squeeze %dma_start3A_197 : memref<1x80xi32, #tpu.memory_space<vmem>> -> memref<80xi32, #tpu.memory_space<vmem>>
      %dma_start3A_199 = arith.constant 0 : i32
      %dma_start3A_200 = arith.constant 0 : i32
      %dma_start3A_201 = tpu.memref_slice %arg25[%dma_start3A_199, %dma_start3A_200] : memref<400x128xf32, #tpu.memory_space<vmem_shared>> -> memref<400x128xf32, #tpu.memory_space<vmem_shared>>
      tpu.enqueue_indirect_dma source(%dma_start3A_195 : memref<80x128xf32, #tpu.memory_space<vmem>>) target(%dma_start3A_201 : memref<400x128xf32, #tpu.memory_space<vmem_shared>>) offsets(%dma_start3A_198 : memref<80xi32, #tpu.memory_space<vmem>>) semaphore(%arg24 : memref<!tpu.dma_semaphore, #tpu.memory_space<semaphore_mem>>) {add = true}
      %dma_start3A_202 = arith.constant 2 : i32
      %dma_start3A_203 = arith.constant 160 : i32
      %dma_start3A_204 = arith.constant 0 : i32
      %dma_start3A_205 = tpu.memref_slice %arg12[%dma_start3A_203, %dma_start3A_204] : memref<400x128xf32, #tpu.memory_space<vmem>> -> memref<80x128xf32, #tpu.memory_space<vmem>>
      %dma_start3A_206 = arith.constant 0 : i32
      %dma_start3A_207 = tpu.memref_slice %arg15[%dma_start3A_202, %dma_start3A_206] : memref<5x80xi32, #tpu.memory_space<vmem>> -> memref<1x80xi32, #tpu.memory_space<vmem>>
      %dma_start3A_208 = tpu.memref_squeeze %dma_start3A_207 : memref<1x80xi32, #tpu.memory_space<vmem>> -> memref<80xi32, #tpu.memory_space<vmem>>
      %dma_start3A_209 = arith.constant 0 : i32
      %dma_start3A_210 = arith.constant 0 : i32
      %dma_start3A_211 = tpu.memref_slice %arg25[%dma_start3A_209, %dma_start3A_210] : memref<400x128xf32, #tpu.memory_space<vmem_shared>> -> memref<400x128xf32, #tpu.memory_space<vmem_shared>>
      tpu.enqueue_indirect_dma source(%dma_start3A_205 : memref<80x128xf32, #tpu.memory_space<vmem>>) target(%dma_start3A_211 : memref<400x128xf32, #tpu.memory_space<vmem_shared>>) offsets(%dma_start3A_208 : memref<80xi32, #tpu.memory_space<vmem>>) semaphore(%arg24 : memref<!tpu.dma_semaphore, #tpu.memory_space<semaphore_mem>>) {add = true}
      %dma_start3A_212 = arith.constant 3 : i32
      %dma_start3A_213 = arith.constant 240 : i32
      %dma_start3A_214 = arith.constant 0 : i32
      %dma_start3A_215 = tpu.memref_slice %arg12[%dma_start3A_213, %dma_start3A_214] : memref<400x128xf32, #tpu.memory_space<vmem>> -> memref<80x128xf32, #tpu.memory_space<vmem>>
      %dma_start3A_216 = arith.constant 0 : i32
      %dma_start3A_217 = tpu.memref_slice %arg15[%dma_start3A_212, %dma_start3A_216] : memref<5x80xi32, #tpu.memory_space<vmem>> -> memref<1x80xi32, #tpu.memory_space<vmem>>
      %dma_start3A_218 = tpu.memref_squeeze %dma_start3A_217 : memref<1x80xi32, #tpu.memory_space<vmem>> -> memref<80xi32, #tpu.memory_space<vmem>>
      %dma_start3A_219 = arith.constant 0 : i32
      %dma_start3A_220 = arith.constant 0 : i32
      %dma_start3A_221 = tpu.memref_slice %arg25[%dma_start3A_219, %dma_start3A_220] : memref<400x128xf32, #tpu.memory_space<vmem_shared>> -> memref<400x128xf32, #tpu.memory_space<vmem_shared>>
      tpu.enqueue_indirect_dma source(%dma_start3A_215 : memref<80x128xf32, #tpu.memory_space<vmem>>) target(%dma_start3A_221 : memref<400x128xf32, #tpu.memory_space<vmem_shared>>) offsets(%dma_start3A_218 : memref<80xi32, #tpu.memory_space<vmem>>) semaphore(%arg24 : memref<!tpu.dma_semaphore, #tpu.memory_space<semaphore_mem>>) {add = true}
      %dma_start3A_222 = arith.constant 4 : i32
      %dma_start3A_223 = arith.constant 320 : i32
      %dma_start3A_224 = arith.constant 0 : i32
      %dma_start3A_225 = tpu.memref_slice %arg12[%dma_start3A_223, %dma_start3A_224] : memref<400x128xf32, #tpu.memory_space<vmem>> -> memref<80x128xf32, #tpu.memory_space<vmem>>
      %dma_start3A_226 = arith.constant 0 : i32
      %dma_start3A_227 = tpu.memref_slice %arg15[%dma_start3A_222, %dma_start3A_226] : memref<5x80xi32, #tpu.memory_space<vmem>> -> memref<1x80xi32, #tpu.memory_space<vmem>>
      %dma_start3A_228 = tpu.memref_squeeze %dma_start3A_227 : memref<1x80xi32, #tpu.memory_space<vmem>> -> memref<80xi32, #tpu.memory_space<vmem>>
      %dma_start3A_229 = arith.constant 0 : i32
      %dma_start3A_230 = arith.constant 0 : i32
      %dma_start3A_231 = tpu.memref_slice %arg25[%dma_start3A_229, %dma_start3A_230] : memref<400x128xf32, #tpu.memory_space<vmem_shared>> -> memref<400x128xf32, #tpu.memory_space<vmem_shared>>
      tpu.enqueue_indirect_dma source(%dma_start3A_225 : memref<80x128xf32, #tpu.memory_space<vmem>>) target(%dma_start3A_231 : memref<400x128xf32, #tpu.memory_space<vmem_shared>>) offsets(%dma_start3A_228 : memref<80xi32, #tpu.memory_space<vmem>>) semaphore(%arg24 : memref<!tpu.dma_semaphore, #tpu.memory_space<semaphore_mem>>) {add = true}
      %dma_wait3A_232 = arith.constant 0 : i32
      %dma_wait3A_233 = arith.constant 0 : i32
      %dma_wait3A_234 = arith.constant 0 : i32
      %dma_wait3A_235 = tpu.memref_slice %arg12[%dma_wait3A_233, %dma_wait3A_234] : memref<400x128xf32, #tpu.memory_space<vmem>> -> memref<80x128xf32, #tpu.memory_space<vmem>>
      %dma_wait3A_236 = arith.constant 0 : i32
      %dma_wait3A_237 = tpu.memref_slice %arg15[%dma_wait3A_232, %dma_wait3A_236] : memref<5x80xi32, #tpu.memory_space<vmem>> -> memref<1x80xi32, #tpu.memory_space<vmem>>
      %dma_wait3A_238 = tpu.memref_squeeze %dma_wait3A_237 : memref<1x80xi32, #tpu.memory_space<vmem>> -> memref<80xi32, #tpu.memory_space<vmem>>
      %dma_wait3A_239 = arith.constant 0 : i32
      %dma_wait3A_240 = arith.constant 0 : i32
      %dma_wait3A_241 = tpu.memref_slice %arg25[%dma_wait3A_239, %dma_wait3A_240] : memref<400x128xf32, #tpu.memory_space<vmem_shared>> -> memref<400x128xf32, #tpu.memory_space<vmem_shared>>
      tpu.wait_indirect_dma semaphore(%arg24 : memref<!tpu.dma_semaphore, #tpu.memory_space<semaphore_mem>>) src(%dma_wait3A_235 : memref<80x128xf32, #tpu.memory_space<vmem>>) dst(%dma_wait3A_241 : memref<400x128xf32, #tpu.memory_space<vmem_shared>>)
      %dma_wait3A_242 = arith.constant 1 : i32
      %dma_wait3A_243 = arith.constant 80 : i32
      %dma_wait3A_244 = arith.constant 0 : i32
      %dma_wait3A_245 = tpu.memref_slice %arg12[%dma_wait3A_243, %dma_wait3A_244] : memref<400x128xf32, #tpu.memory_space<vmem>> -> memref<80x128xf32, #tpu.memory_space<vmem>>
      %dma_wait3A_246 = arith.constant 0 : i32
      %dma_wait3A_247 = tpu.memref_slice %arg15[%dma_wait3A_242, %dma_wait3A_246] : memref<5x80xi32, #tpu.memory_space<vmem>> -> memref<1x80xi32, #tpu.memory_space<vmem>>
      %dma_wait3A_248 = tpu.memref_squeeze %dma_wait3A_247 : memref<1x80xi32, #tpu.memory_space<vmem>> -> memref<80xi32, #tpu.memory_space<vmem>>
      %dma_wait3A_249 = arith.constant 0 : i32
      %dma_wait3A_250 = arith.constant 0 : i32
      %dma_wait3A_251 = tpu.memref_slice %arg25[%dma_wait3A_249, %dma_wait3A_250] : memref<400x128xf32, #tpu.memory_space<vmem_shared>> -> memref<400x128xf32, #tpu.memory_space<vmem_shared>>
      tpu.wait_indirect_dma semaphore(%arg24 : memref<!tpu.dma_semaphore, #tpu.memory_space<semaphore_mem>>) src(%dma_wait3A_245 : memref<80x128xf32, #tpu.memory_space<vmem>>) dst(%dma_wait3A_251 : memref<400x128xf32, #tpu.memory_space<vmem_shared>>)
      %dma_wait3A_252 = arith.constant 2 : i32
      %dma_wait3A_253 = arith.constant 160 : i32
      %dma_wait3A_254 = arith.constant 0 : i32
      %dma_wait3A_255 = tpu.memref_slice %arg12[%dma_wait3A_253, %dma_wait3A_254] : memref<400x128xf32, #tpu.memory_space<vmem>> -> memref<80x128xf32, #tpu.memory_space<vmem>>
      %dma_wait3A_256 = arith.constant 0 : i32
      %dma_wait3A_257 = tpu.memref_slice %arg15[%dma_wait3A_252, %dma_wait3A_256] : memref<5x80xi32, #tpu.memory_space<vmem>> -> memref<1x80xi32, #tpu.memory_space<vmem>>
      %dma_wait3A_258 = tpu.memref_squeeze %dma_wait3A_257 : memref<1x80xi32, #tpu.memory_space<vmem>> -> memref<80xi32, #tpu.memory_space<vmem>>
      %dma_wait3A_259 = arith.constant 0 : i32
      %dma_wait3A_260 = arith.constant 0 : i32
      %dma_wait3A_261 = tpu.memref_slice %arg25[%dma_wait3A_259, %dma_wait3A_260] : memref<400x128xf32, #tpu.memory_space<vmem_shared>> -> memref<400x128xf32, #tpu.memory_space<vmem_shared>>
      tpu.wait_indirect_dma semaphore(%arg24 : memref<!tpu.dma_semaphore, #tpu.memory_space<semaphore_mem>>) src(%dma_wait3A_255 : memref<80x128xf32, #tpu.memory_space<vmem>>) dst(%dma_wait3A_261 : memref<400x128xf32, #tpu.memory_space<vmem_shared>>)
      %dma_wait3A_262 = arith.constant 3 : i32
      %dma_wait3A_263 = arith.constant 240 : i32
      %dma_wait3A_264 = arith.constant 0 : i32
      %dma_wait3A_265 = tpu.memref_slice %arg12[%dma_wait3A_263, %dma_wait3A_264] : memref<400x128xf32, #tpu.memory_space<vmem>> -> memref<80x128xf32, #tpu.memory_space<vmem>>
      %dma_wait3A_266 = arith.constant 0 : i32
      %dma_wait3A_267 = tpu.memref_slice %arg15[%dma_wait3A_262, %dma_wait3A_266] : memref<5x80xi32, #tpu.memory_space<vmem>> -> memref<1x80xi32, #tpu.memory_space<vmem>>
      %dma_wait3A_268 = tpu.memref_squeeze %dma_wait3A_267 : memref<1x80xi32, #tpu.memory_space<vmem>> -> memref<80xi32, #tpu.memory_space<vmem>>
      %dma_wait3A_269 = arith.constant 0 : i32
      %dma_wait3A_270 = arith.constant 0 : i32
      %dma_wait3A_271 = tpu.memref_slice %arg25[%dma_wait3A_269, %dma_wait3A_270] : memref<400x128xf32, #tpu.memory_space<vmem_shared>> -> memref<400x128xf32, #tpu.memory_space<vmem_shared>>
      tpu.wait_indirect_dma semaphore(%arg24 : memref<!tpu.dma_semaphore, #tpu.memory_space<semaphore_mem>>) src(%dma_wait3A_265 : memref<80x128xf32, #tpu.memory_space<vmem>>) dst(%dma_wait3A_271 : memref<400x128xf32, #tpu.memory_space<vmem_shared>>)
      %dma_wait3A_272 = arith.constant 4 : i32
      %dma_wait3A_273 = arith.constant 320 : i32
      %dma_wait3A_274 = arith.constant 0 : i32
      %dma_wait3A_275 = tpu.memref_slice %arg12[%dma_wait3A_273, %dma_wait3A_274] : memref<400x128xf32, #tpu.memory_space<vmem>> -> memref<80x128xf32, #tpu.memory_space<vmem>>
      %dma_wait3A_276 = arith.constant 0 : i32
      %dma_wait3A_277 = tpu.memref_slice %arg15[%dma_wait3A_272, %dma_wait3A_276] : memref<5x80xi32, #tpu.memory_space<vmem>> -> memref<1x80xi32, #tpu.memory_space<vmem>>
      %dma_wait3A_278 = tpu.memref_squeeze %dma_wait3A_277 : memref<1x80xi32, #tpu.memory_space<vmem>> -> memref<80xi32, #tpu.memory_space<vmem>>
      %dma_wait3A_279 = arith.constant 0 : i32
      %dma_wait3A_280 = arith.constant 0 : i32
      %dma_wait3A_281 = tpu.memref_slice %arg25[%dma_wait3A_279, %dma_wait3A_280] : memref<400x128xf32, #tpu.memory_space<vmem_shared>> -> memref<400x128xf32, #tpu.memory_space<vmem_shared>>
      tpu.wait_indirect_dma semaphore(%arg24 : memref<!tpu.dma_semaphore, #tpu.memory_space<semaphore_mem>>) src(%dma_wait3A_275 : memref<80x128xf32, #tpu.memory_space<vmem>>) dst(%dma_wait3A_281 : memref<400x128xf32, #tpu.memory_space<vmem_shared>>)
      tpu.enqueue_dma source(%arg6 : memref<400x128xf32, #tpu.memory_space<hbm>>) target(%arg12 : memref<400x128xf32, #tpu.memory_space<vmem>>) target_semaphore(%arg23 : memref<!tpu.dma_semaphore, #tpu.memory_space<semaphore_mem>>)
      %barrier3A_282 = arith.constant 0 : index
      tpu.barrier barrier_id(%barrier3A_282)
      "tpu.region"() ({
        %run_scoped3A_288 = tpu.sem_alloc : memref<!tpu.dma_semaphore, #tpu.memory_space<semaphore_mem>>
        %dma_start3A_289 = arith.constant 0 : i32
        %dma_start3A_290 = arith.constant 0 : i32
        %dma_start3A_291 = tpu.memref_slice %arg25[%dma_start3A_289, %dma_start3A_290] : memref<400x128xf32, #tpu.memory_space<vmem_shared>> -> memref<400x128xf32, #tpu.memory_space<vmem_shared>>
        tpu.enqueue_indirect_dma source(%dma_start3A_291 : memref<400x128xf32, #tpu.memory_space<vmem_shared>>) target(%arg20 : memref<25x128xf32, #tpu.memory_space<vmem>>) offsets(%arg16 : memref<25xi32, #tpu.memory_space<vmem>>) semaphore(%run_scoped3A_288 : memref<!tpu.dma_semaphore, #tpu.memory_space<semaphore_mem>>)
        %dma_wait3A_292 = arith.constant 0 : i32
        %dma_wait3A_293 = arith.constant 0 : i32
        %dma_wait3A_294 = tpu.memref_slice %arg25[%dma_wait3A_292, %dma_wait3A_293] : memref<400x128xf32, #tpu.memory_space<vmem_shared>> -> memref<400x128xf32, #tpu.memory_space<vmem_shared>>
        tpu.wait_indirect_dma semaphore(%run_scoped3A_288 : memref<!tpu.dma_semaphore, #tpu.memory_space<semaphore_mem>>) src(%dma_wait3A_294 : memref<400x128xf32, #tpu.memory_space<vmem_shared>>) dst(%arg20 : memref<25x128xf32, #tpu.memory_space<vmem>>)
        tpu.yield
      }) : () -> ()
      "tpu.region"() ({
        %run_scoped3A_288 = tpu.sem_alloc : memref<!tpu.dma_semaphore, #tpu.memory_space<semaphore_mem>>
        %dma_start3A_289 = arith.constant 0 : i32
        %dma_start3A_290 = arith.constant 0 : i32
        %dma_start3A_291 = tpu.memref_slice %arg3[%add3A_141, %arg1, %dma_start3A_289, %dma_start3A_290] : memref<3x16x25x128xf32, #tpu.memory_space<hbm>> -> memref<1x1x25x128xf32, #tpu.memory_space<hbm>>
        %dma_start3A_292 = tpu.memref_squeeze %dma_start3A_291 : memref<1x1x25x128xf32, #tpu.memory_space<hbm>> -> memref<25x128xf32, #tpu.memory_space<hbm>>
        %dma_start3A_293 = arith.constant 0 : i32
        %dma_start3A_294 = arith.constant 0 : i32
        %dma_start3A_295 = tpu.memref_slice %arg3[%add3A_141, %arg1, %dma_start3A_293, %dma_start3A_294] : memref<3x16x25x128xf32, #tpu.memory_space<hbm>> -> memref<1x1x25x128xf32, #tpu.memory_space<hbm>>
        %dma_start3A_296 = tpu.memref_squeeze %dma_start3A_295 : memref<1x1x25x128xf32, #tpu.memory_space<hbm>> -> memref<25x128xf32, #tpu.memory_space<hbm>>
        tpu.enqueue_dma source(%dma_start3A_296 : memref<25x128xf32, #tpu.memory_space<hbm>>) target(%arg19 : memref<25x128xf32, #tpu.memory_space<vmem>>) target_semaphore(%run_scoped3A_288 : memref<!tpu.dma_semaphore, #tpu.memory_space<semaphore_mem>>)
        %dma_wait3A_297 = arith.constant 0 : i32
        %dma_wait3A_298 = arith.constant 0 : i32
        %dma_wait3A_299 = tpu.memref_slice %arg3[%add3A_141, %arg1, %dma_wait3A_297, %dma_wait3A_298] : memref<3x16x25x128xf32, #tpu.memory_space<hbm>> -> memref<1x1x25x128xf32, #tpu.memory_space<hbm>>
        %dma_wait3A_300 = tpu.memref_squeeze %dma_wait3A_299 : memref<1x1x25x128xf32, #tpu.memory_space<hbm>> -> memref<25x128xf32, #tpu.memory_space<hbm>>
        %dma_wait3A_301 = arith.constant 0 : i32
        %dma_wait3A_302 = arith.constant 0 : i32
        %dma_wait3A_303 = tpu.memref_slice %arg3[%add3A_141, %arg1, %dma_wait3A_301, %dma_wait3A_302] : memref<3x16x25x128xf32, #tpu.memory_space<hbm>> -> memref<1x1x25x128xf32, #tpu.memory_space<hbm>>
        %dma_wait3A_304 = tpu.memref_squeeze %dma_wait3A_303 : memref<1x1x25x128xf32, #tpu.memory_space<hbm>> -> memref<25x128xf32, #tpu.memory_space<hbm>>
        tpu.wait_dma2 semaphore(%run_scoped3A_288 : memref<!tpu.dma_semaphore, #tpu.memory_space<semaphore_mem>>) src(%dma_wait3A_304 : memref<25x128xf32, #tpu.memory_space<hbm>>) dst(%arg19 : memref<25x128xf32, #tpu.memory_space<vmem>>)
        tpu.yield
      }) : () -> ()
      %scan3A_283 = arith.constant 0 : i32
      %scan3A_284 = arith.constant 200 : i32
      %scan3A_285 = arith.addi %scan3A_283, %scan3A_284 : i32
      %scan3A_286 = arith.constant 1 : i32
      scf.for %scan3A_288 = %scan3A_283 to %scan3A_285 step %scan3A_286  : i32 {
        %jit3A = arith.constant 8 : i32
        %div3A = arith.divsi %scan3A_288, %jit3A : i32
        %sign3A = arith.constant 0 : i32
        %sign3A_289 = arith.cmpi sgt, %scan3A_288, %sign3A : i32
        %sign3A_290 = arith.extui %sign3A_289 : i1 to i32
        %sign3A_291 = arith.constant 0 : i32
        %sign3A_292 = arith.cmpi slt, %scan3A_288, %sign3A_291 : i32
        %sign3A_293 = arith.extui %sign3A_292 : i1 to i32
        %sign3A_294 = arith.subi %sign3A_290, %sign3A_293 : i32
        %sign3A_295 = arith.constant 0 : i32
        %sign3A_296 = arith.cmpi sgt, %jit3A, %sign3A_295 : i32
        %sign3A_297 = arith.extui %sign3A_296 : i1 to i32
        %sign3A_298 = arith.constant 0 : i32
        %sign3A_299 = arith.cmpi slt, %jit3A, %sign3A_298 : i32
        %sign3A_300 = arith.extui %sign3A_299 : i1 to i32
        %sign3A_301 = arith.subi %sign3A_297, %sign3A_300 : i32
        %ne3A = arith.cmpi ne, %sign3A_294, %sign3A_301 : i32
        %rem3A = arith.remsi %scan3A_288, %jit3A : i32
        %ne3A_302 = arith.constant 0 : i32
        %ne3A_303 = arith.cmpi ne, %rem3A, %ne3A_302 : i32
        %and3A = arith.andi %ne3A, %ne3A_303 : i1
        %sub3A = arith.constant 1 : i32
        %sub3A_304 = arith.subi %div3A, %sub3A : i32
        %select_n3A = arith.select %and3A, %sub3A_304, %div3A : i32
        %jit3A_305 = arith.constant 8 : i32
        %eq3A = arith.constant 0 : i32
        %eq3A_306 = arith.cmpi eq, %jit3A_305, %eq3A : i32
        %jit3A_307 = arith.constant 1 : i32
        %select_n3A_308 = arith.select %eq3A_306, %jit3A_307, %jit3A_305 : i32
        %rem3A_309 = arith.remsi %scan3A_288, %select_n3A_308 : i32
        %ne3A_310 = arith.constant 0 : i32
        %ne3A_311 = arith.cmpi ne, %rem3A_309, %ne3A_310 : i32
        %lt3A = arith.constant 0 : i32
        %lt3A_312 = arith.cmpi slt, %rem3A_309, %lt3A : i32
        %lt3A_313 = arith.constant 0 : i32
        %lt3A_314 = arith.cmpi slt, %select_n3A_308, %lt3A_313 : i32
        %ne3A_315 = arith.xori %lt3A_312, %lt3A_314 : i1
        %and3A_316 = arith.andi %ne3A_315, %ne3A_311 : i1
        %add3A_317 = arith.addi %rem3A_309, %select_n3A_308 : i32
        %select_n3A_318 = arith.select %and3A_316, %add3A_317, %rem3A_309 : i32
        %mul3A_319 = arith.constant 16 : i32
        %mul3A_320 = arith.muli %select_n3A_318, %mul3A_319 : i32
        %add3A_321 = arith.addi %mul3A_0, %select_n3A : i32
        %get3A = arith.index_cast %add3A_321 : i32 to index
        %get3A_322 = arith.index_cast %mul3A_320 : i32 to index
        %get3A_323 = tpu.vector_load %arg11[%get3A, %get3A_322] {strides = array<i32>} : memref<400x128xf32, #tpu.memory_space<vmem>>, vector<16xf32>,
        %get3A_324 = arith.index_cast %select_n3A : i32 to index
        %get3A_325 = arith.index_cast %mul3A_320 : i32 to index
        %get3A_326 = tpu.vector_load %arg19[%get3A_324, %get3A_325] {strides = array<i32>} : memref<25x128xf32, #tpu.memory_space<vmem>>, vector<16xf32>,
        %get3A_327 = arith.index_cast %select_n3A : i32 to index
        %get3A_328 = arith.index_cast %mul3A_320 : i32 to index
        %get3A_329 = tpu.vector_load %arg20[%get3A_327, %get3A_328] {strides = array<i32>} : memref<25x128xf32, #tpu.memory_space<vmem>>, vector<16xf32>,
        %add3A_330 = arith.addf %get3A_326, %get3A_329 : vector<16xf32>
        %get3A_331 = arith.index_cast %select_n3A : i32 to index
        %get3A_332 = arith.index_cast %mul3A_320 : i32 to index
        %get3A_333 = tpu.vector_load %arg17[%get3A_331, %get3A_332] {strides = array<i32>} : memref<25x128xf32, #tpu.memory_space<vmem>>, vector<16xf32>,
        %mul3A_334 = arith.mulf %get3A_333, %get3A_323 : vector<16xf32>
        %sub3A_335 = arith.subf %add3A_330, %mul3A_334 : vector<16xf32>
        %swap3A = arith.index_cast %select_n3A : i32 to index
        %swap3A_336 = arith.index_cast %mul3A_320 : i32 to index
        %swap3A_337 = tpu.vector_load %arg20[%swap3A, %swap3A_336] {strides = array<i32>} : memref<25x128xf32, #tpu.memory_space<vmem>>, vector<16xf32>,
        tpu.vector_store %arg20[%swap3A, %swap3A_336], %sub3A_335 {strides = array<i32>} : memref<25x128xf32, #tpu.memory_space<vmem>>, vector<16xf32>,
      }
      %scan3A_287 = arith.constant 200 : i32
      "tpu.region"() ({
        %run_scoped3A_288 = tpu.sem_alloc : memref<!tpu.dma_semaphore, #tpu.memory_space<semaphore_mem>>
        %dma_start3A_289 = arith.constant 0 : i32
        %dma_start3A_290 = arith.constant 0 : i32
        %dma_start3A_291 = tpu.memref_slice %arg10[%add3A_141, %arg1, %dma_start3A_289, %dma_start3A_290] : memref<3x16x25x128xf32, #tpu.memory_space<hbm>> -> memref<1x1x25x128xf32, #tpu.memory_space<hbm>>
        %dma_start3A_292 = tpu.memref_squeeze %dma_start3A_291 : memref<1x1x25x128xf32, #tpu.memory_space<hbm>> -> memref<25x128xf32, #tpu.memory_space<hbm>>
        %dma_start3A_293 = arith.constant 0 : i32
        %dma_start3A_294 = arith.constant 0 : i32
        %dma_start3A_295 = tpu.memref_slice %arg10[%add3A_141, %arg1, %dma_start3A_293, %dma_start3A_294] : memref<3x16x25x128xf32, #tpu.memory_space<hbm>> -> memref<1x1x25x128xf32, #tpu.memory_space<hbm>>
        %dma_start3A_296 = tpu.memref_squeeze %dma_start3A_295 : memref<1x1x25x128xf32, #tpu.memory_space<hbm>> -> memref<25x128xf32, #tpu.memory_space<hbm>>
        tpu.enqueue_dma source(%arg20 : memref<25x128xf32, #tpu.memory_space<vmem>>) target(%dma_start3A_296 : memref<25x128xf32, #tpu.memory_space<hbm>>) target_semaphore(%run_scoped3A_288 : memref<!tpu.dma_semaphore, #tpu.memory_space<semaphore_mem>>)
        %dma_wait3A_297 = arith.constant 0 : i32
        %dma_wait3A_298 = arith.constant 0 : i32
        %dma_wait3A_299 = tpu.memref_slice %arg10[%add3A_141, %arg1, %dma_wait3A_297, %dma_wait3A_298] : memref<3x16x25x128xf32, #tpu.memory_space<hbm>> -> memref<1x1x25x128xf32, #tpu.memory_space<hbm>>
        %dma_wait3A_300 = tpu.memref_squeeze %dma_wait3A_299 : memref<1x1x25x128xf32, #tpu.memory_space<hbm>> -> memref<25x128xf32, #tpu.memory_space<hbm>>
        %dma_wait3A_301 = arith.constant 0 : i32
        %dma_wait3A_302 = arith.constant 0 : i32
        %dma_wait3A_303 = tpu.memref_slice %arg10[%add3A_141, %arg1, %dma_wait3A_301, %dma_wait3A_302] : memref<3x16x25x128xf32, #tpu.memory_space<hbm>> -> memref<1x1x25x128xf32, #tpu.memory_space<hbm>>
        %dma_wait3A_304 = tpu.memref_squeeze %dma_wait3A_303 : memref<1x1x25x128xf32, #tpu.memory_space<hbm>> -> memref<25x128xf32, #tpu.memory_space<hbm>>
        tpu.wait_dma2 semaphore(%run_scoped3A_288 : memref<!tpu.dma_semaphore, #tpu.memory_space<semaphore_mem>>) src(%arg20 : memref<25x128xf32, #tpu.memory_space<vmem>>) dst(%dma_wait3A_304 : memref<25x128xf32, #tpu.memory_space<hbm>>)
        tpu.yield
      }) : () -> ()
    } else {
    }
    %mul3A_144 = arith.constant 2 : i32
    %mul3A_145 = arith.muli %mul3A_144, %arg0 : i32
    %add3A_146 = arith.constant 1 : i32
    %add3A_147 = arith.addi %mul3A_145, %add3A_146 : i32
    %le3A_148 = arith.constant 2 : i32
    %le3A_149 = arith.cmpi sle, %add3A_147, %le3A_148 : i32
    %convert_element_type3A_150 = arith.extui %le3A_149 : i1 to i32
    %cond3A_151 = arith.constant 0 : i32
    %cond3A_152 = arith.cmpi ne, %convert_element_type3A_150, %cond3A_151 : i32
    scf.if %cond3A_152 {
      "tpu.region"() ({
        %run_scoped3A_288 = tpu.sem_alloc : memref<!tpu.dma_semaphore, #tpu.memory_space<semaphore_mem>>
        %dma_start3A_289 = arith.constant 0 : i32
        %dma_start3A_290 = arith.constant 0 : i32
        %dma_start3A_291 = tpu.memref_slice %arg2[%add3A_147, %dma_start3A_289, %dma_start3A_290] : memref<3x400x128xf32, #tpu.memory_space<hbm>> -> memref<1x400x128xf32, #tpu.memory_space<hbm>>
        %dma_start3A_292 = tpu.memref_squeeze %dma_start3A_291 : memref<1x400x128xf32, #tpu.memory_space<hbm>> -> memref<400x128xf32, #tpu.memory_space<hbm>>
        %dma_start3A_293 = arith.constant 0 : i32
        %dma_start3A_294 = arith.constant 0 : i32
        %dma_start3A_295 = tpu.memref_slice %arg2[%add3A_147, %dma_start3A_293, %dma_start3A_294] : memref<3x400x128xf32, #tpu.memory_space<hbm>> -> memref<1x400x128xf32, #tpu.memory_space<hbm>>
        %dma_start3A_296 = tpu.memref_squeeze %dma_start3A_295 : memref<1x400x128xf32, #tpu.memory_space<hbm>> -> memref<400x128xf32, #tpu.memory_space<hbm>>
        tpu.enqueue_dma source(%dma_start3A_296 : memref<400x128xf32, #tpu.memory_space<hbm>>) target(%arg11 : memref<400x128xf32, #tpu.memory_space<vmem>>) target_semaphore(%run_scoped3A_288 : memref<!tpu.dma_semaphore, #tpu.memory_space<semaphore_mem>>)
        %dma_wait3A_297 = arith.constant 0 : i32
        %dma_wait3A_298 = arith.constant 0 : i32
        %dma_wait3A_299 = tpu.memref_slice %arg2[%add3A_147, %dma_wait3A_297, %dma_wait3A_298] : memref<3x400x128xf32, #tpu.memory_space<hbm>> -> memref<1x400x128xf32, #tpu.memory_space<hbm>>
        %dma_wait3A_300 = tpu.memref_squeeze %dma_wait3A_299 : memref<1x400x128xf32, #tpu.memory_space<hbm>> -> memref<400x128xf32, #tpu.memory_space<hbm>>
        %dma_wait3A_301 = arith.constant 0 : i32
        %dma_wait3A_302 = arith.constant 0 : i32
        %dma_wait3A_303 = tpu.memref_slice %arg2[%add3A_147, %dma_wait3A_301, %dma_wait3A_302] : memref<3x400x128xf32, #tpu.memory_space<hbm>> -> memref<1x400x128xf32, #tpu.memory_space<hbm>>
        %dma_wait3A_304 = tpu.memref_squeeze %dma_wait3A_303 : memref<1x400x128xf32, #tpu.memory_space<hbm>> -> memref<400x128xf32, #tpu.memory_space<hbm>>
        tpu.wait_dma2 semaphore(%run_scoped3A_288 : memref<!tpu.dma_semaphore, #tpu.memory_space<semaphore_mem>>) src(%dma_wait3A_304 : memref<400x128xf32, #tpu.memory_space<hbm>>) dst(%arg11 : memref<400x128xf32, #tpu.memory_space<vmem>>)
        tpu.yield
      }) : () -> ()
      "tpu.region"() ({
        %run_scoped3A_288 = tpu.sem_alloc : memref<!tpu.dma_semaphore, #tpu.memory_space<semaphore_mem>>
        %dma_start3A_289 = arith.constant 0 : i32
        %dma_start3A_290 = arith.constant 0 : i32
        %dma_start3A_291 = tpu.memref_slice %arg3[%add3A_147, %arg1, %dma_start3A_289, %dma_start3A_290] : memref<3x16x25x128xf32, #tpu.memory_space<hbm>> -> memref<1x1x25x128xf32, #tpu.memory_space<hbm>>
        %dma_start3A_292 = tpu.memref_squeeze %dma_start3A_291 : memref<1x1x25x128xf32, #tpu.memory_space<hbm>> -> memref<25x128xf32, #tpu.memory_space<hbm>>
        %dma_start3A_293 = arith.constant 0 : i32
        %dma_start3A_294 = arith.constant 0 : i32
        %dma_start3A_295 = tpu.memref_slice %arg3[%add3A_147, %arg1, %dma_start3A_293, %dma_start3A_294] : memref<3x16x25x128xf32, #tpu.memory_space<hbm>> -> memref<1x1x25x128xf32, #tpu.memory_space<hbm>>
        %dma_start3A_296 = tpu.memref_squeeze %dma_start3A_295 : memref<1x1x25x128xf32, #tpu.memory_space<hbm>> -> memref<25x128xf32, #tpu.memory_space<hbm>>
        tpu.enqueue_dma source(%dma_start3A_296 : memref<25x128xf32, #tpu.memory_space<hbm>>) target(%arg19 : memref<25x128xf32, #tpu.memory_space<vmem>>) target_semaphore(%run_scoped3A_288 : memref<!tpu.dma_semaphore, #tpu.memory_space<semaphore_mem>>)
        %dma_wait3A_297 = arith.constant 0 : i32
        %dma_wait3A_298 = arith.constant 0 : i32
        %dma_wait3A_299 = tpu.memref_slice %arg3[%add3A_147, %arg1, %dma_wait3A_297, %dma_wait3A_298] : memref<3x16x25x128xf32, #tpu.memory_space<hbm>> -> memref<1x1x25x128xf32, #tpu.memory_space<hbm>>
        %dma_wait3A_300 = tpu.memref_squeeze %dma_wait3A_299 : memref<1x1x25x128xf32, #tpu.memory_space<hbm>> -> memref<25x128xf32, #tpu.memory_space<hbm>>
        %dma_wait3A_301 = arith.constant 0 : i32
        %dma_wait3A_302 = arith.constant 0 : i32
        %dma_wait3A_303 = tpu.memref_slice %arg3[%add3A_147, %arg1, %dma_wait3A_301, %dma_wait3A_302] : memref<3x16x25x128xf32, #tpu.memory_space<hbm>> -> memref<1x1x25x128xf32, #tpu.memory_space<hbm>>
        %dma_wait3A_304 = tpu.memref_squeeze %dma_wait3A_303 : memref<1x1x25x128xf32, #tpu.memory_space<hbm>> -> memref<25x128xf32, #tpu.memory_space<hbm>>
        tpu.wait_dma2 semaphore(%run_scoped3A_288 : memref<!tpu.dma_semaphore, #tpu.memory_space<semaphore_mem>>) src(%dma_wait3A_304 : memref<25x128xf32, #tpu.memory_space<hbm>>) dst(%arg19 : memref<25x128xf32, #tpu.memory_space<vmem>>)
        tpu.yield
      }) : () -> ()
      %scan3A_153 = arith.constant 0 : i32
      %scan3A_154 = arith.constant 200 : i32
      %scan3A_155 = arith.addi %scan3A_153, %scan3A_154 : i32
      %scan3A_156 = arith.constant 1 : i32
      scf.for %scan3A_288 = %scan3A_153 to %scan3A_155 step %scan3A_156  : i32 {
        %jit3A = arith.constant 8 : i32
        %div3A = arith.divsi %scan3A_288, %jit3A : i32
        %sign3A = arith.constant 0 : i32
        %sign3A_289 = arith.cmpi sgt, %scan3A_288, %sign3A : i32
        %sign3A_290 = arith.extui %sign3A_289 : i1 to i32
        %sign3A_291 = arith.constant 0 : i32
        %sign3A_292 = arith.cmpi slt, %scan3A_288, %sign3A_291 : i32
        %sign3A_293 = arith.extui %sign3A_292 : i1 to i32
        %sign3A_294 = arith.subi %sign3A_290, %sign3A_293 : i32
        %sign3A_295 = arith.constant 0 : i32
        %sign3A_296 = arith.cmpi sgt, %jit3A, %sign3A_295 : i32
        %sign3A_297 = arith.extui %sign3A_296 : i1 to i32
        %sign3A_298 = arith.constant 0 : i32
        %sign3A_299 = arith.cmpi slt, %jit3A, %sign3A_298 : i32
        %sign3A_300 = arith.extui %sign3A_299 : i1 to i32
        %sign3A_301 = arith.subi %sign3A_297, %sign3A_300 : i32
        %ne3A = arith.cmpi ne, %sign3A_294, %sign3A_301 : i32
        %rem3A = arith.remsi %scan3A_288, %jit3A : i32
        %ne3A_302 = arith.constant 0 : i32
        %ne3A_303 = arith.cmpi ne, %rem3A, %ne3A_302 : i32
        %and3A = arith.andi %ne3A, %ne3A_303 : i1
        %sub3A = arith.constant 1 : i32
        %sub3A_304 = arith.subi %div3A, %sub3A : i32
        %select_n3A = arith.select %and3A, %sub3A_304, %div3A : i32
        %jit3A_305 = arith.constant 8 : i32
        %eq3A = arith.constant 0 : i32
        %eq3A_306 = arith.cmpi eq, %jit3A_305, %eq3A : i32
        %jit3A_307 = arith.constant 1 : i32
        %select_n3A_308 = arith.select %eq3A_306, %jit3A_307, %jit3A_305 : i32
        %rem3A_309 = arith.remsi %scan3A_288, %select_n3A_308 : i32
        %ne3A_310 = arith.constant 0 : i32
        %ne3A_311 = arith.cmpi ne, %rem3A_309, %ne3A_310 : i32
        %lt3A = arith.constant 0 : i32
        %lt3A_312 = arith.cmpi slt, %rem3A_309, %lt3A : i32
        %lt3A_313 = arith.constant 0 : i32
        %lt3A_314 = arith.cmpi slt, %select_n3A_308, %lt3A_313 : i32
        %ne3A_315 = arith.xori %lt3A_312, %lt3A_314 : i1
        %and3A_316 = arith.andi %ne3A_315, %ne3A_311 : i1
        %add3A_317 = arith.addi %rem3A_309, %select_n3A_308 : i32
        %select_n3A_318 = arith.select %and3A_316, %add3A_317, %rem3A_309 : i32
        %mul3A_319 = arith.constant 16 : i32
        %mul3A_320 = arith.muli %select_n3A_318, %mul3A_319 : i32
        %get3A = arith.index_cast %select_n3A : i32 to index
        %get3A_321 = arith.index_cast %mul3A_320 : i32 to index
        %get3A_322 = tpu.vector_load %arg18[%get3A, %get3A_321] {strides = array<i32>} : memref<25x128xf32, #tpu.memory_space<vmem>>, vector<16xf32>,
        %get3A_323 = arith.index_cast %select_n3A : i32 to index
        %get3A_324 = arith.index_cast %mul3A_320 : i32 to index
        %get3A_325 = tpu.vector_load %arg17[%get3A_323, %get3A_324] {strides = array<i32>} : memref<25x128xf32, #tpu.memory_space<vmem>>, vector<16xf32>,
        %mul3A_326 = arith.mulf %get3A_322, %get3A_325 : vector<16xf32>
        %sub3A_327 = arith.constant 1.000000e+00 : f32
        %sub3A_328 = vector.broadcast %sub3A_327 : f32 to vector<16xf32>
        %sub3A_329 = arith.subf %sub3A_328, %mul3A_326 : vector<16xf32>
        %add3A_330 = arith.addi %mul3A_0, %select_n3A : i32
        %get3A_331 = arith.index_cast %add3A_330 : i32 to index
        %get3A_332 = arith.index_cast %mul3A_320 : i32 to index
        %get3A_333 = tpu.vector_load %arg11[%get3A_331, %get3A_332] {strides = array<i32>} : memref<400x128xf32, #tpu.memory_space<vmem>>, vector<16xf32>,
        %mul3A_334 = arith.mulf %sub3A_329, %get3A_333 : vector<16xf32>
        %get3A_335 = arith.index_cast %select_n3A : i32 to index
        %get3A_336 = arith.index_cast %mul3A_320 : i32 to index
        %get3A_337 = tpu.vector_load %arg19[%get3A_335, %get3A_336] {strides = array<i32>} : memref<25x128xf32, #tpu.memory_space<vmem>>, vector<16xf32>,
        %get3A_338 = arith.index_cast %select_n3A : i32 to index
        %get3A_339 = arith.index_cast %mul3A_320 : i32 to index
        %get3A_340 = tpu.vector_load %arg18[%get3A_338, %get3A_339] {strides = array<i32>} : memref<25x128xf32, #tpu.memory_space<vmem>>, vector<16xf32>,
        %mul3A_341 = arith.mulf %get3A_337, %get3A_340 : vector<16xf32>
        %add3A_342 = arith.addf %mul3A_334, %mul3A_341 : vector<16xf32>
        %swap3A = arith.index_cast %select_n3A : i32 to index
        %swap3A_343 = arith.index_cast %mul3A_320 : i32 to index
        %swap3A_344 = tpu.vector_load %arg19[%swap3A, %swap3A_343] {strides = array<i32>} : memref<25x128xf32, #tpu.memory_space<vmem>>, vector<16xf32>,
        tpu.vector_store %arg19[%swap3A, %swap3A_343], %add3A_342 {strides = array<i32>} : memref<25x128xf32, #tpu.memory_space<vmem>>, vector<16xf32>,
      }
      %scan3A_157 = arith.constant 200 : i32
      %barrier3A_158 = arith.constant 0 : index
      tpu.barrier barrier_id(%barrier3A_158)
      %scan3A_159 = arith.constant 0 : i32
      %scan3A_160 = arith.constant 8 : i32
      %scan3A_161 = arith.addi %scan3A_159, %scan3A_160 : i32
      %scan3A_162 = arith.constant 1 : i32
      scf.for %scan3A_288 = %scan3A_159 to %scan3A_161 step %scan3A_162  : i32 {
        %mul3A_289 = arith.constant 40 : i32
        %mul3A_290 = arith.muli %arg1, %mul3A_289 : i32
        %add3A_291 = arith.constant 0 : i32
        %add3A_292 = arith.addi %mul3A_290, %add3A_291 : i32
        %dma_start3A_293 = arith.constant 0 : i32
        %dma_start3A_294 = arith.constant 0 : i32
        %dma_start3A_295 = tpu.memref_slice %arg4[%add3A_292, %dma_start3A_293, %dma_start3A_294] : memref<640x20x128xi32, #tpu.memory_space<hbm>> -> memref<1x20x128xi32, #tpu.memory_space<hbm>>
        %dma_start3A_296 = tpu.memref_squeeze %dma_start3A_295 : memref<1x20x128xi32, #tpu.memory_space<hbm>> -> memref<20x128xi32, #tpu.memory_space<hbm>>
        %dma_start3A_297 = arith.constant 0 : i32
        %dma_start3A_298 = arith.constant 0 : i32
        %dma_start3A_299 = tpu.memref_slice %arg4[%add3A_292, %dma_start3A_297, %dma_start3A_298] : memref<640x20x128xi32, #tpu.memory_space<hbm>> -> memref<1x20x128xi32, #tpu.memory_space<hbm>>
        %dma_start3A_300 = tpu.memref_squeeze %dma_start3A_299 : memref<1x20x128xi32, #tpu.memory_space<hbm>> -> memref<20x128xi32, #tpu.memory_space<hbm>>
        tpu.enqueue_dma source(%dma_start3A_300 : memref<20x128xi32, #tpu.memory_space<hbm>>) target(%arg13 : memref<20x128xi32, #tpu.memory_space<vmem>>) target_semaphore(%arg21 : memref<!tpu.dma_semaphore, #tpu.memory_space<semaphore_mem>>)
        tpu.wait_dma2 semaphore(%arg23 : memref<!tpu.dma_semaphore, #tpu.memory_space<semaphore_mem>>) src(%arg6 : memref<400x128xf32, #tpu.memory_space<hbm>>) dst(%arg12 : memref<400x128xf32, #tpu.memory_space<vmem>>)
        "tpu.region"() ({
          %run_scoped3A_419 = tpu.sem_alloc : memref<!tpu.dma_semaphore, #tpu.memory_space<semaphore_mem>>
          %dma_start3A_420 = arith.constant 0 : i32
          %dma_start3A_421 = arith.constant 0 : i32
          %dma_start3A_422 = tpu.memref_slice %arg12[%dma_start3A_420, %dma_start3A_421] : memref<400x128xf32, #tpu.memory_space<vmem>> -> memref<25x128xf32, #tpu.memory_space<vmem>>
          %dma_start3A_423 = arith.constant 0 : i32
          %dma_start3A_424 = arith.constant 0 : i32
          %dma_start3A_425 = tpu.memref_slice %arg25[%dma_start3A_423, %dma_start3A_424] : memref<400x128xf32, #tpu.memory_space<vmem_shared>> -> memref<400x128xf32, #tpu.memory_space<vmem_shared>>
          tpu.enqueue_indirect_dma source(%dma_start3A_422 : memref<25x128xf32, #tpu.memory_space<vmem>>) target(%dma_start3A_425 : memref<400x128xf32, #tpu.memory_space<vmem_shared>>) offsets(%arg16 : memref<25xi32, #tpu.memory_space<vmem>>) semaphore(%run_scoped3A_419 : memref<!tpu.dma_semaphore, #tpu.memory_space<semaphore_mem>>)
          %dma_wait3A_426 = arith.constant 0 : i32
          %dma_wait3A_427 = arith.constant 0 : i32
          %dma_wait3A_428 = tpu.memref_slice %arg12[%dma_wait3A_426, %dma_wait3A_427] : memref<400x128xf32, #tpu.memory_space<vmem>> -> memref<25x128xf32, #tpu.memory_space<vmem>>
          %dma_wait3A_429 = arith.constant 0 : i32
          %dma_wait3A_430 = arith.constant 0 : i32
          %dma_wait3A_431 = tpu.memref_slice %arg25[%dma_wait3A_429, %dma_wait3A_430] : memref<400x128xf32, #tpu.memory_space<vmem_shared>> -> memref<400x128xf32, #tpu.memory_space<vmem_shared>>
          tpu.wait_indirect_dma semaphore(%run_scoped3A_419 : memref<!tpu.dma_semaphore, #tpu.memory_space<semaphore_mem>>) src(%dma_wait3A_428 : memref<25x128xf32, #tpu.memory_space<vmem>>) dst(%dma_wait3A_431 : memref<400x128xf32, #tpu.memory_space<vmem_shared>>)
          tpu.yield
        }) : () -> ()
        %scan3A_301 = arith.constant 0 : i32
        %scan3A_302 = arith.constant 20 : i32
        %scan3A_303 = arith.addi %scan3A_301, %scan3A_302 : i32
        %scan3A_304 = arith.constant 1 : i32
        scf.for %scan3A_419 = %scan3A_301 to %scan3A_303 step %scan3A_304  : i32 {
          %mul3A_420 = arith.constant 2 : i32
          %mul3A_421 = arith.muli %mul3A_420, %scan3A_419 : i32
          %add3A_422 = arith.constant 1 : i32
          %add3A_423 = arith.addi %mul3A_421, %add3A_422 : i32
          %mul3A_424 = arith.constant 40 : i32
          %mul3A_425 = arith.muli %arg1, %mul3A_424 : i32
          %add3A_426 = arith.addi %mul3A_425, %add3A_423 : i32
          %dma_start3A_427 = arith.constant 0 : i32
          %dma_start3A_428 = arith.constant 0 : i32
          %dma_start3A_429 = tpu.memref_slice %arg4[%add3A_426, %dma_start3A_427, %dma_start3A_428] : memref<640x20x128xi32, #tpu.memory_space<hbm>> -> memref<1x20x128xi32, #tpu.memory_space<hbm>>
          %dma_start3A_430 = tpu.memref_squeeze %dma_start3A_429 : memref<1x20x128xi32, #tpu.memory_space<hbm>> -> memref<20x128xi32, #tpu.memory_space<hbm>>
          %dma_start3A_431 = arith.constant 0 : i32
          %dma_start3A_432 = arith.constant 0 : i32
          %dma_start3A_433 = tpu.memref_slice %arg4[%add3A_426, %dma_start3A_431, %dma_start3A_432] : memref<640x20x128xi32, #tpu.memory_space<hbm>> -> memref<1x20x128xi32, #tpu.memory_space<hbm>>
          %dma_start3A_434 = tpu.memref_squeeze %dma_start3A_433 : memref<1x20x128xi32, #tpu.memory_space<hbm>> -> memref<20x128xi32, #tpu.memory_space<hbm>>
          tpu.enqueue_dma source(%dma_start3A_434 : memref<20x128xi32, #tpu.memory_space<hbm>>) target(%arg14 : memref<20x128xi32, #tpu.memory_space<vmem>>) target_semaphore(%arg22 : memref<!tpu.dma_semaphore, #tpu.memory_space<semaphore_mem>>)
          %mul3A_435 = arith.constant 40 : i32
          %mul3A_436 = arith.muli %arg1, %mul3A_435 : i32
          %add3A_437 = arith.addi %mul3A_436, %mul3A_421 : i32
          %dma_wait3A_438 = arith.constant 0 : i32
          %dma_wait3A_439 = arith.constant 0 : i32
          %dma_wait3A_440 = tpu.memref_slice %arg4[%add3A_437, %dma_wait3A_438, %dma_wait3A_439] : memref<640x20x128xi32, #tpu.memory_space<hbm>> -> memref<1x20x128xi32, #tpu.memory_space<hbm>>
          %dma_wait3A_441 = tpu.memref_squeeze %dma_wait3A_440 : memref<1x20x128xi32, #tpu.memory_space<hbm>> -> memref<20x128xi32, #tpu.memory_space<hbm>>
          %dma_wait3A_442 = arith.constant 0 : i32
          %dma_wait3A_443 = arith.constant 0 : i32
          %dma_wait3A_444 = tpu.memref_slice %arg4[%add3A_437, %dma_wait3A_442, %dma_wait3A_443] : memref<640x20x128xi32, #tpu.memory_space<hbm>> -> memref<1x20x128xi32, #tpu.memory_space<hbm>>
          %dma_wait3A_445 = tpu.memref_squeeze %dma_wait3A_444 : memref<1x20x128xi32, #tpu.memory_space<hbm>> -> memref<20x128xi32, #tpu.memory_space<hbm>>
          tpu.wait_dma2 semaphore(%arg21 : memref<!tpu.dma_semaphore, #tpu.memory_space<semaphore_mem>>) src(%dma_wait3A_445 : memref<20x128xi32, #tpu.memory_space<hbm>>) dst(%arg13 : memref<20x128xi32, #tpu.memory_space<vmem>>)
          %parallel_loop3A = arith.constant 0 : i32
          %parallel_loop3A_446 = arith.constant 80 : i32
          %parallel_loop3A_447 = arith.constant 1 : i32
          scf.for %parallel_loop3A_470 = %parallel_loop3A to %parallel_loop3A_446 step %parallel_loop3A_447  : i32 {
            %parallel_loop3A_471 = arith.constant 8 : i32
            %parallel_loop3A_472 = arith.divsi %parallel_loop3A_470, %parallel_loop3A_471 : i32
            %parallel_loop3A_473 = arith.constant 0 : i32
            %parallel_loop3A_474 = arith.cmpi sgt, %parallel_loop3A_470, %parallel_loop3A_473 : i32
            %parallel_loop3A_475 = arith.extui %parallel_loop3A_474 : i1 to i32
            %parallel_loop3A_476 = arith.constant 0 : i32
            %parallel_loop3A_477 = arith.cmpi slt, %parallel_loop3A_470, %parallel_loop3A_476 : i32
            %parallel_loop3A_478 = arith.extui %parallel_loop3A_477 : i1 to i32
            %parallel_loop3A_479 = arith.subi %parallel_loop3A_475, %parallel_loop3A_478 : i32
            %parallel_loop3A_480 = arith.constant 0 : i32
            %parallel_loop3A_481 = arith.cmpi sgt, %parallel_loop3A_471, %parallel_loop3A_480 : i32
            %parallel_loop3A_482 = arith.extui %parallel_loop3A_481 : i1 to i32
            %parallel_loop3A_483 = arith.constant 0 : i32
            %parallel_loop3A_484 = arith.cmpi slt, %parallel_loop3A_471, %parallel_loop3A_483 : i32
            %parallel_loop3A_485 = arith.extui %parallel_loop3A_484 : i1 to i32
            %parallel_loop3A_486 = arith.subi %parallel_loop3A_482, %parallel_loop3A_485 : i32
            %parallel_loop3A_487 = arith.cmpi ne, %parallel_loop3A_479, %parallel_loop3A_486 : i32
            %parallel_loop3A_488 = arith.remsi %parallel_loop3A_470, %parallel_loop3A_471 : i32
            %parallel_loop3A_489 = arith.constant 0 : i32
            %parallel_loop3A_490 = arith.cmpi ne, %parallel_loop3A_488, %parallel_loop3A_489 : i32
            %parallel_loop3A_491 = arith.andi %parallel_loop3A_487, %parallel_loop3A_490 : i1
            %parallel_loop3A_492 = arith.constant 1 : i32
            %parallel_loop3A_493 = arith.subi %parallel_loop3A_472, %parallel_loop3A_492 : i32
            %parallel_loop3A_494 = arith.select %parallel_loop3A_491, %parallel_loop3A_493, %parallel_loop3A_472 : i32
            %parallel_loop3A_495 = arith.constant 8 : i32
            %parallel_loop3A_496 = arith.constant 0 : i32
            %parallel_loop3A_497 = arith.cmpi eq, %parallel_loop3A_495, %parallel_loop3A_496 : i32
            %parallel_loop3A_498 = arith.constant 1 : i32
            %parallel_loop3A_499 = arith.select %parallel_loop3A_497, %parallel_loop3A_498, %parallel_loop3A_495 : i32
            %parallel_loop3A_500 = arith.remsi %parallel_loop3A_470, %parallel_loop3A_499 : i32
            %parallel_loop3A_501 = arith.constant 0 : i32
            %parallel_loop3A_502 = arith.cmpi ne, %parallel_loop3A_500, %parallel_loop3A_501 : i32
            %parallel_loop3A_503 = arith.constant 0 : i32
            %parallel_loop3A_504 = arith.cmpi slt, %parallel_loop3A_500, %parallel_loop3A_503 : i32
            %parallel_loop3A_505 = arith.constant 0 : i32
            %parallel_loop3A_506 = arith.cmpi slt, %parallel_loop3A_499, %parallel_loop3A_505 : i32
            %parallel_loop3A_507 = arith.xori %parallel_loop3A_504, %parallel_loop3A_506 : i1
            %parallel_loop3A_508 = arith.andi %parallel_loop3A_507, %parallel_loop3A_502 : i1
            %parallel_loop3A_509 = arith.addi %parallel_loop3A_500, %parallel_loop3A_499 : i32
            %parallel_loop3A_510 = arith.select %parallel_loop3A_508, %parallel_loop3A_509, %parallel_loop3A_500 : i32
            %parallel_loop3A_511 = arith.constant 16 : i32
            %parallel_loop3A_512 = arith.muli %parallel_loop3A_510, %parallel_loop3A_511 : i32
            %parallel_loop3A_513 = arith.index_cast %parallel_loop3A_494 : i32 to index
            %parallel_loop3A_514 = arith.index_cast %parallel_loop3A_512 : i32 to index
            %parallel_loop3A_515 = tpu.vector_load %arg13[%parallel_loop3A_513, %parallel_loop3A_514] {strides = array<i32>} : memref<20x128xi32, #tpu.memory_space<vmem>>, vector<16xi32>,
            %parallel_loop3A_516 = arith.constant 10 : i32
            %parallel_loop3A_517 = arith.addi %parallel_loop3A_516, %parallel_loop3A_494 : i32
            %parallel_loop3A_518 = arith.index_cast %parallel_loop3A_517 : i32 to index
            %parallel_loop3A_519 = arith.index_cast %parallel_loop3A_512 : i32 to index
            %parallel_loop3A_520 = tpu.vector_load %arg13[%parallel_loop3A_518, %parallel_loop3A_519] {strides = array<i32>} : memref<20x128xi32, #tpu.memory_space<vmem>>, vector<16xi32>,
            %parallel_loop3A_521 = vector.bitcast %parallel_loop3A_520 : vector<16xi32> to vector<16xf32>
            %parallel_loop3A_522 = arith.constant 65535 : i32
            %parallel_loop3A_523 = vector.broadcast %parallel_loop3A_522 : i32 to vector<16xi32>
            %parallel_loop3A_524 = arith.andi %parallel_loop3A_515, %parallel_loop3A_523 : vector<16xi32>
            %parallel_loop3A_525 = arith.constant 16 : i32
            %parallel_loop3A_526 = vector.broadcast %parallel_loop3A_525 : i32 to vector<16xi32>
            %parallel_loop3A_527 = arith.shrui %parallel_loop3A_515, %parallel_loop3A_526 : vector<16xi32>
            %parallel_loop3A_528 = arith.constant 7 : i32
            %parallel_loop3A_529 = vector.broadcast %parallel_loop3A_528 : i32 to vector<16xi32>
            %parallel_loop3A_530 = arith.shrsi %parallel_loop3A_524, %parallel_loop3A_529 : vector<16xi32>
            %parallel_loop3A_531 = arith.constant 127 : i32
            %parallel_loop3A_532 = vector.broadcast %parallel_loop3A_531 : i32 to vector<16xi32>
            %parallel_loop3A_533 = arith.andi %parallel_loop3A_524, %parallel_loop3A_532 : vector<16xi32>
            %parallel_loop3A_534 = arith.constant 7 : i32
            %parallel_loop3A_535 = vector.broadcast %parallel_loop3A_534 : i32 to vector<16xi32>
            %parallel_loop3A_536 = arith.shrsi %parallel_loop3A_527, %parallel_loop3A_535 : vector<16xi32>
            %parallel_loop3A_537 = arith.constant 127 : i32
            %parallel_loop3A_538 = vector.broadcast %parallel_loop3A_537 : i32 to vector<16xi32>
            %parallel_loop3A_539 = arith.andi %parallel_loop3A_527, %parallel_loop3A_538 : vector<16xi32>
            %parallel_loop3A_540 = tpu.vector_load_idx %arg11[%parallel_loop3A_536, %parallel_loop3A_539] : memref<400x128xf32, #tpu.memory_space<vmem>>[vector<16xi32>, vector<16xi32>], vector<16xf32>,
            %parallel_loop3A_541 = tpu.vector_load_idx %arg11[%parallel_loop3A_530, %parallel_loop3A_533] : memref<400x128xf32, #tpu.memory_space<vmem>>[vector<16xi32>, vector<16xi32>], vector<16xf32>,
            %parallel_loop3A_542 = arith.mulf %parallel_loop3A_521, %parallel_loop3A_540 : vector<16xf32>
            tpu.vector_store_idx %arg12[%parallel_loop3A_530, %parallel_loop3A_533], %parallel_loop3A_542 {add = true} : memref<400x128xf32, #tpu.memory_space<vmem>>[vector<16xi32>, vector<16xi32>], vector<16xf32>,
            %parallel_loop3A_543 = arith.mulf %parallel_loop3A_521, %parallel_loop3A_541 : vector<16xf32>
            tpu.vector_store_idx %arg12[%parallel_loop3A_536, %parallel_loop3A_539], %parallel_loop3A_543 {add = true} : memref<400x128xf32, #tpu.memory_space<vmem>>[vector<16xi32>, vector<16xi32>], vector<16xf32>,
          } {sc.loop_unroll_factor = 4 : i64, sc.parallel_access}
          %add3A_448 = arith.constant 2 : i32
          %add3A_449 = arith.addi %mul3A_421, %add3A_448 : i32
          %lt3A = arith.constant 40 : i32
          %lt3A_450 = arith.cmpi slt, %add3A_449, %lt3A : i32
          %convert_element_type3A_451 = arith.extui %lt3A_450 : i1 to i32
          %cond3A_452 = arith.constant 0 : i32
          %cond3A_453 = arith.cmpi ne, %convert_element_type3A_451, %cond3A_452 : i32
          scf.if %cond3A_453 {
            %add3A_470 = arith.constant 2 : i32
            %add3A_471 = arith.addi %mul3A_421, %add3A_470 : i32
            %mul3A_472 = arith.constant 40 : i32
            %mul3A_473 = arith.muli %arg1, %mul3A_472 : i32
            %add3A_474 = arith.addi %mul3A_473, %add3A_471 : i32
            %dma_start3A_475 = arith.constant 0 : i32
            %dma_start3A_476 = arith.constant 0 : i32
            %dma_start3A_477 = tpu.memref_slice %arg4[%add3A_474, %dma_start3A_475, %dma_start3A_476] : memref<640x20x128xi32, #tpu.memory_space<hbm>> -> memref<1x20x128xi32, #tpu.memory_space<hbm>>
            %dma_start3A_478 = tpu.memref_squeeze %dma_start3A_477 : memref<1x20x128xi32, #tpu.memory_space<hbm>> -> memref<20x128xi32, #tpu.memory_space<hbm>>
            %dma_start3A_479 = arith.constant 0 : i32
            %dma_start3A_480 = arith.constant 0 : i32
            %dma_start3A_481 = tpu.memref_slice %arg4[%add3A_474, %dma_start3A_479, %dma_start3A_480] : memref<640x20x128xi32, #tpu.memory_space<hbm>> -> memref<1x20x128xi32, #tpu.memory_space<hbm>>
            %dma_start3A_482 = tpu.memref_squeeze %dma_start3A_481 : memref<1x20x128xi32, #tpu.memory_space<hbm>> -> memref<20x128xi32, #tpu.memory_space<hbm>>
            tpu.enqueue_dma source(%dma_start3A_482 : memref<20x128xi32, #tpu.memory_space<hbm>>) target(%arg13 : memref<20x128xi32, #tpu.memory_space<vmem>>) target_semaphore(%arg21 : memref<!tpu.dma_semaphore, #tpu.memory_space<semaphore_mem>>)
          } else {
          }
          %add3A_454 = arith.constant 1 : i32
          %add3A_455 = arith.addi %mul3A_421, %add3A_454 : i32
          %mul3A_456 = arith.constant 40 : i32
          %mul3A_457 = arith.muli %arg1, %mul3A_456 : i32
          %add3A_458 = arith.addi %mul3A_457, %add3A_455 : i32
          %dma_wait3A_459 = arith.constant 0 : i32
          %dma_wait3A_460 = arith.constant 0 : i32
          %dma_wait3A_461 = tpu.memref_slice %arg4[%add3A_458, %dma_wait3A_459, %dma_wait3A_460] : memref<640x20x128xi32, #tpu.memory_space<hbm>> -> memref<1x20x128xi32, #tpu.memory_space<hbm>>
          %dma_wait3A_462 = tpu.memref_squeeze %dma_wait3A_461 : memref<1x20x128xi32, #tpu.memory_space<hbm>> -> memref<20x128xi32, #tpu.memory_space<hbm>>
          %dma_wait3A_463 = arith.constant 0 : i32
          %dma_wait3A_464 = arith.constant 0 : i32
          %dma_wait3A_465 = tpu.memref_slice %arg4[%add3A_458, %dma_wait3A_463, %dma_wait3A_464] : memref<640x20x128xi32, #tpu.memory_space<hbm>> -> memref<1x20x128xi32, #tpu.memory_space<hbm>>
          %dma_wait3A_466 = tpu.memref_squeeze %dma_wait3A_465 : memref<1x20x128xi32, #tpu.memory_space<hbm>> -> memref<20x128xi32, #tpu.memory_space<hbm>>
          tpu.wait_dma2 semaphore(%arg22 : memref<!tpu.dma_semaphore, #tpu.memory_space<semaphore_mem>>) src(%dma_wait3A_466 : memref<20x128xi32, #tpu.memory_space<hbm>>) dst(%arg14 : memref<20x128xi32, #tpu.memory_space<vmem>>)
          %parallel_loop3A_467 = arith.constant 0 : i32
          %parallel_loop3A_468 = arith.constant 80 : i32
          %parallel_loop3A_469 = arith.constant 1 : i32
          scf.for %parallel_loop3A_470 = %parallel_loop3A_467 to %parallel_loop3A_468 step %parallel_loop3A_469  : i32 {
            %parallel_loop3A_471 = arith.constant 8 : i32
            %parallel_loop3A_472 = arith.divsi %parallel_loop3A_470, %parallel_loop3A_471 : i32
            %parallel_loop3A_473 = arith.constant 0 : i32
            %parallel_loop3A_474 = arith.cmpi sgt, %parallel_loop3A_470, %parallel_loop3A_473 : i32
            %parallel_loop3A_475 = arith.extui %parallel_loop3A_474 : i1 to i32
            %parallel_loop3A_476 = arith.constant 0 : i32
            %parallel_loop3A_477 = arith.cmpi slt, %parallel_loop3A_470, %parallel_loop3A_476 : i32
            %parallel_loop3A_478 = arith.extui %parallel_loop3A_477 : i1 to i32
            %parallel_loop3A_479 = arith.subi %parallel_loop3A_475, %parallel_loop3A_478 : i32
            %parallel_loop3A_480 = arith.constant 0 : i32
            %parallel_loop3A_481 = arith.cmpi sgt, %parallel_loop3A_471, %parallel_loop3A_480 : i32
            %parallel_loop3A_482 = arith.extui %parallel_loop3A_481 : i1 to i32
            %parallel_loop3A_483 = arith.constant 0 : i32
            %parallel_loop3A_484 = arith.cmpi slt, %parallel_loop3A_471, %parallel_loop3A_483 : i32
            %parallel_loop3A_485 = arith.extui %parallel_loop3A_484 : i1 to i32
            %parallel_loop3A_486 = arith.subi %parallel_loop3A_482, %parallel_loop3A_485 : i32
            %parallel_loop3A_487 = arith.cmpi ne, %parallel_loop3A_479, %parallel_loop3A_486 : i32
            %parallel_loop3A_488 = arith.remsi %parallel_loop3A_470, %parallel_loop3A_471 : i32
            %parallel_loop3A_489 = arith.constant 0 : i32
            %parallel_loop3A_490 = arith.cmpi ne, %parallel_loop3A_488, %parallel_loop3A_489 : i32
            %parallel_loop3A_491 = arith.andi %parallel_loop3A_487, %parallel_loop3A_490 : i1
            %parallel_loop3A_492 = arith.constant 1 : i32
            %parallel_loop3A_493 = arith.subi %parallel_loop3A_472, %parallel_loop3A_492 : i32
            %parallel_loop3A_494 = arith.select %parallel_loop3A_491, %parallel_loop3A_493, %parallel_loop3A_472 : i32
            %parallel_loop3A_495 = arith.constant 8 : i32
            %parallel_loop3A_496 = arith.constant 0 : i32
            %parallel_loop3A_497 = arith.cmpi eq, %parallel_loop3A_495, %parallel_loop3A_496 : i32
            %parallel_loop3A_498 = arith.constant 1 : i32
            %parallel_loop3A_499 = arith.select %parallel_loop3A_497, %parallel_loop3A_498, %parallel_loop3A_495 : i32
            %parallel_loop3A_500 = arith.remsi %parallel_loop3A_470, %parallel_loop3A_499 : i32
            %parallel_loop3A_501 = arith.constant 0 : i32
            %parallel_loop3A_502 = arith.cmpi ne, %parallel_loop3A_500, %parallel_loop3A_501 : i32
            %parallel_loop3A_503 = arith.constant 0 : i32
            %parallel_loop3A_504 = arith.cmpi slt, %parallel_loop3A_500, %parallel_loop3A_503 : i32
            %parallel_loop3A_505 = arith.constant 0 : i32
            %parallel_loop3A_506 = arith.cmpi slt, %parallel_loop3A_499, %parallel_loop3A_505 : i32
            %parallel_loop3A_507 = arith.xori %parallel_loop3A_504, %parallel_loop3A_506 : i1
            %parallel_loop3A_508 = arith.andi %parallel_loop3A_507, %parallel_loop3A_502 : i1
            %parallel_loop3A_509 = arith.addi %parallel_loop3A_500, %parallel_loop3A_499 : i32
            %parallel_loop3A_510 = arith.select %parallel_loop3A_508, %parallel_loop3A_509, %parallel_loop3A_500 : i32
            %parallel_loop3A_511 = arith.constant 16 : i32
            %parallel_loop3A_512 = arith.muli %parallel_loop3A_510, %parallel_loop3A_511 : i32
            %parallel_loop3A_513 = arith.index_cast %parallel_loop3A_494 : i32 to index
            %parallel_loop3A_514 = arith.index_cast %parallel_loop3A_512 : i32 to index
            %parallel_loop3A_515 = tpu.vector_load %arg14[%parallel_loop3A_513, %parallel_loop3A_514] {strides = array<i32>} : memref<20x128xi32, #tpu.memory_space<vmem>>, vector<16xi32>,
            %parallel_loop3A_516 = arith.constant 10 : i32
            %parallel_loop3A_517 = arith.addi %parallel_loop3A_516, %parallel_loop3A_494 : i32
            %parallel_loop3A_518 = arith.index_cast %parallel_loop3A_517 : i32 to index
            %parallel_loop3A_519 = arith.index_cast %parallel_loop3A_512 : i32 to index
            %parallel_loop3A_520 = tpu.vector_load %arg14[%parallel_loop3A_518, %parallel_loop3A_519] {strides = array<i32>} : memref<20x128xi32, #tpu.memory_space<vmem>>, vector<16xi32>,
            %parallel_loop3A_521 = vector.bitcast %parallel_loop3A_520 : vector<16xi32> to vector<16xf32>
            %parallel_loop3A_522 = arith.constant 65535 : i32
            %parallel_loop3A_523 = vector.broadcast %parallel_loop3A_522 : i32 to vector<16xi32>
            %parallel_loop3A_524 = arith.andi %parallel_loop3A_515, %parallel_loop3A_523 : vector<16xi32>
            %parallel_loop3A_525 = arith.constant 16 : i32
            %parallel_loop3A_526 = vector.broadcast %parallel_loop3A_525 : i32 to vector<16xi32>
            %parallel_loop3A_527 = arith.shrui %parallel_loop3A_515, %parallel_loop3A_526 : vector<16xi32>
            %parallel_loop3A_528 = arith.constant 7 : i32
            %parallel_loop3A_529 = vector.broadcast %parallel_loop3A_528 : i32 to vector<16xi32>
            %parallel_loop3A_530 = arith.shrsi %parallel_loop3A_524, %parallel_loop3A_529 : vector<16xi32>
            %parallel_loop3A_531 = arith.constant 127 : i32
            %parallel_loop3A_532 = vector.broadcast %parallel_loop3A_531 : i32 to vector<16xi32>
            %parallel_loop3A_533 = arith.andi %parallel_loop3A_524, %parallel_loop3A_532 : vector<16xi32>
            %parallel_loop3A_534 = arith.constant 7 : i32
            %parallel_loop3A_535 = vector.broadcast %parallel_loop3A_534 : i32 to vector<16xi32>
            %parallel_loop3A_536 = arith.shrsi %parallel_loop3A_527, %parallel_loop3A_535 : vector<16xi32>
            %parallel_loop3A_537 = arith.constant 127 : i32
            %parallel_loop3A_538 = vector.broadcast %parallel_loop3A_537 : i32 to vector<16xi32>
            %parallel_loop3A_539 = arith.andi %parallel_loop3A_527, %parallel_loop3A_538 : vector<16xi32>
            %parallel_loop3A_540 = tpu.vector_load_idx %arg11[%parallel_loop3A_536, %parallel_loop3A_539] : memref<400x128xf32, #tpu.memory_space<vmem>>[vector<16xi32>, vector<16xi32>], vector<16xf32>,
            %parallel_loop3A_541 = tpu.vector_load_idx %arg11[%parallel_loop3A_530, %parallel_loop3A_533] : memref<400x128xf32, #tpu.memory_space<vmem>>[vector<16xi32>, vector<16xi32>], vector<16xf32>,
            %parallel_loop3A_542 = arith.mulf %parallel_loop3A_521, %parallel_loop3A_540 : vector<16xf32>
            tpu.vector_store_idx %arg12[%parallel_loop3A_530, %parallel_loop3A_533], %parallel_loop3A_542 {add = true} : memref<400x128xf32, #tpu.memory_space<vmem>>[vector<16xi32>, vector<16xi32>], vector<16xf32>,
            %parallel_loop3A_543 = arith.mulf %parallel_loop3A_521, %parallel_loop3A_541 : vector<16xf32>
            tpu.vector_store_idx %arg12[%parallel_loop3A_536, %parallel_loop3A_539], %parallel_loop3A_543 {add = true} : memref<400x128xf32, #tpu.memory_space<vmem>>[vector<16xi32>, vector<16xi32>], vector<16xf32>,
          } {sc.loop_unroll_factor = 4 : i64, sc.parallel_access}
        }
        %scan3A_305 = arith.constant 20 : i32
        %barrier3A_306 = arith.constant 0 : index
        tpu.barrier barrier_id(%barrier3A_306)
        %dma_start3A_307 = arith.constant 0 : i32
        %dma_start3A_308 = arith.constant 0 : i32
        %dma_start3A_309 = arith.constant 0 : i32
        %dma_start3A_310 = tpu.memref_slice %arg12[%dma_start3A_308, %dma_start3A_309] : memref<400x128xf32, #tpu.memory_space<vmem>> -> memref<80x128xf32, #tpu.memory_space<vmem>>
        %dma_start3A_311 = arith.constant 0 : i32
        %dma_start3A_312 = tpu.memref_slice %arg15[%dma_start3A_307, %dma_start3A_311] : memref<5x80xi32, #tpu.memory_space<vmem>> -> memref<1x80xi32, #tpu.memory_space<vmem>>
        %dma_start3A_313 = tpu.memref_squeeze %dma_start3A_312 : memref<1x80xi32, #tpu.memory_space<vmem>> -> memref<80xi32, #tpu.memory_space<vmem>>
        %dma_start3A_314 = arith.constant 0 : i32
        %dma_start3A_315 = arith.constant 0 : i32
        %dma_start3A_316 = tpu.memref_slice %arg25[%dma_start3A_314, %dma_start3A_315] : memref<400x128xf32, #tpu.memory_space<vmem_shared>> -> memref<400x128xf32, #tpu.memory_space<vmem_shared>>
        tpu.enqueue_indirect_dma source(%dma_start3A_310 : memref<80x128xf32, #tpu.memory_space<vmem>>) target(%dma_start3A_316 : memref<400x128xf32, #tpu.memory_space<vmem_shared>>) offsets(%dma_start3A_313 : memref<80xi32, #tpu.memory_space<vmem>>) semaphore(%arg24 : memref<!tpu.dma_semaphore, #tpu.memory_space<semaphore_mem>>) {add = true}
        %dma_start3A_317 = arith.constant 1 : i32
        %dma_start3A_318 = arith.constant 80 : i32
        %dma_start3A_319 = arith.constant 0 : i32
        %dma_start3A_320 = tpu.memref_slice %arg12[%dma_start3A_318, %dma_start3A_319] : memref<400x128xf32, #tpu.memory_space<vmem>> -> memref<80x128xf32, #tpu.memory_space<vmem>>
        %dma_start3A_321 = arith.constant 0 : i32
        %dma_start3A_322 = tpu.memref_slice %arg15[%dma_start3A_317, %dma_start3A_321] : memref<5x80xi32, #tpu.memory_space<vmem>> -> memref<1x80xi32, #tpu.memory_space<vmem>>
        %dma_start3A_323 = tpu.memref_squeeze %dma_start3A_322 : memref<1x80xi32, #tpu.memory_space<vmem>> -> memref<80xi32, #tpu.memory_space<vmem>>
        %dma_start3A_324 = arith.constant 0 : i32
        %dma_start3A_325 = arith.constant 0 : i32
        %dma_start3A_326 = tpu.memref_slice %arg25[%dma_start3A_324, %dma_start3A_325] : memref<400x128xf32, #tpu.memory_space<vmem_shared>> -> memref<400x128xf32, #tpu.memory_space<vmem_shared>>
        tpu.enqueue_indirect_dma source(%dma_start3A_320 : memref<80x128xf32, #tpu.memory_space<vmem>>) target(%dma_start3A_326 : memref<400x128xf32, #tpu.memory_space<vmem_shared>>) offsets(%dma_start3A_323 : memref<80xi32, #tpu.memory_space<vmem>>) semaphore(%arg24 : memref<!tpu.dma_semaphore, #tpu.memory_space<semaphore_mem>>) {add = true}
        %dma_start3A_327 = arith.constant 2 : i32
        %dma_start3A_328 = arith.constant 160 : i32
        %dma_start3A_329 = arith.constant 0 : i32
        %dma_start3A_330 = tpu.memref_slice %arg12[%dma_start3A_328, %dma_start3A_329] : memref<400x128xf32, #tpu.memory_space<vmem>> -> memref<80x128xf32, #tpu.memory_space<vmem>>
        %dma_start3A_331 = arith.constant 0 : i32
        %dma_start3A_332 = tpu.memref_slice %arg15[%dma_start3A_327, %dma_start3A_331] : memref<5x80xi32, #tpu.memory_space<vmem>> -> memref<1x80xi32, #tpu.memory_space<vmem>>
        %dma_start3A_333 = tpu.memref_squeeze %dma_start3A_332 : memref<1x80xi32, #tpu.memory_space<vmem>> -> memref<80xi32, #tpu.memory_space<vmem>>
        %dma_start3A_334 = arith.constant 0 : i32
        %dma_start3A_335 = arith.constant 0 : i32
        %dma_start3A_336 = tpu.memref_slice %arg25[%dma_start3A_334, %dma_start3A_335] : memref<400x128xf32, #tpu.memory_space<vmem_shared>> -> memref<400x128xf32, #tpu.memory_space<vmem_shared>>
        tpu.enqueue_indirect_dma source(%dma_start3A_330 : memref<80x128xf32, #tpu.memory_space<vmem>>) target(%dma_start3A_336 : memref<400x128xf32, #tpu.memory_space<vmem_shared>>) offsets(%dma_start3A_333 : memref<80xi32, #tpu.memory_space<vmem>>) semaphore(%arg24 : memref<!tpu.dma_semaphore, #tpu.memory_space<semaphore_mem>>) {add = true}
        %dma_start3A_337 = arith.constant 3 : i32
        %dma_start3A_338 = arith.constant 240 : i32
        %dma_start3A_339 = arith.constant 0 : i32
        %dma_start3A_340 = tpu.memref_slice %arg12[%dma_start3A_338, %dma_start3A_339] : memref<400x128xf32, #tpu.memory_space<vmem>> -> memref<80x128xf32, #tpu.memory_space<vmem>>
        %dma_start3A_341 = arith.constant 0 : i32
        %dma_start3A_342 = tpu.memref_slice %arg15[%dma_start3A_337, %dma_start3A_341] : memref<5x80xi32, #tpu.memory_space<vmem>> -> memref<1x80xi32, #tpu.memory_space<vmem>>
        %dma_start3A_343 = tpu.memref_squeeze %dma_start3A_342 : memref<1x80xi32, #tpu.memory_space<vmem>> -> memref<80xi32, #tpu.memory_space<vmem>>
        %dma_start3A_344 = arith.constant 0 : i32
        %dma_start3A_345 = arith.constant 0 : i32
        %dma_start3A_346 = tpu.memref_slice %arg25[%dma_start3A_344, %dma_start3A_345] : memref<400x128xf32, #tpu.memory_space<vmem_shared>> -> memref<400x128xf32, #tpu.memory_space<vmem_shared>>
        tpu.enqueue_indirect_dma source(%dma_start3A_340 : memref<80x128xf32, #tpu.memory_space<vmem>>) target(%dma_start3A_346 : memref<400x128xf32, #tpu.memory_space<vmem_shared>>) offsets(%dma_start3A_343 : memref<80xi32, #tpu.memory_space<vmem>>) semaphore(%arg24 : memref<!tpu.dma_semaphore, #tpu.memory_space<semaphore_mem>>) {add = true}
        %dma_start3A_347 = arith.constant 4 : i32
        %dma_start3A_348 = arith.constant 320 : i32
        %dma_start3A_349 = arith.constant 0 : i32
        %dma_start3A_350 = tpu.memref_slice %arg12[%dma_start3A_348, %dma_start3A_349] : memref<400x128xf32, #tpu.memory_space<vmem>> -> memref<80x128xf32, #tpu.memory_space<vmem>>
        %dma_start3A_351 = arith.constant 0 : i32
        %dma_start3A_352 = tpu.memref_slice %arg15[%dma_start3A_347, %dma_start3A_351] : memref<5x80xi32, #tpu.memory_space<vmem>> -> memref<1x80xi32, #tpu.memory_space<vmem>>
        %dma_start3A_353 = tpu.memref_squeeze %dma_start3A_352 : memref<1x80xi32, #tpu.memory_space<vmem>> -> memref<80xi32, #tpu.memory_space<vmem>>
        %dma_start3A_354 = arith.constant 0 : i32
        %dma_start3A_355 = arith.constant 0 : i32
        %dma_start3A_356 = tpu.memref_slice %arg25[%dma_start3A_354, %dma_start3A_355] : memref<400x128xf32, #tpu.memory_space<vmem_shared>> -> memref<400x128xf32, #tpu.memory_space<vmem_shared>>
        tpu.enqueue_indirect_dma source(%dma_start3A_350 : memref<80x128xf32, #tpu.memory_space<vmem>>) target(%dma_start3A_356 : memref<400x128xf32, #tpu.memory_space<vmem_shared>>) offsets(%dma_start3A_353 : memref<80xi32, #tpu.memory_space<vmem>>) semaphore(%arg24 : memref<!tpu.dma_semaphore, #tpu.memory_space<semaphore_mem>>) {add = true}
        %dma_wait3A_357 = arith.constant 0 : i32
        %dma_wait3A_358 = arith.constant 0 : i32
        %dma_wait3A_359 = arith.constant 0 : i32
        %dma_wait3A_360 = tpu.memref_slice %arg12[%dma_wait3A_358, %dma_wait3A_359] : memref<400x128xf32, #tpu.memory_space<vmem>> -> memref<80x128xf32, #tpu.memory_space<vmem>>
        %dma_wait3A_361 = arith.constant 0 : i32
        %dma_wait3A_362 = tpu.memref_slice %arg15[%dma_wait3A_357, %dma_wait3A_361] : memref<5x80xi32, #tpu.memory_space<vmem>> -> memref<1x80xi32, #tpu.memory_space<vmem>>
        %dma_wait3A_363 = tpu.memref_squeeze %dma_wait3A_362 : memref<1x80xi32, #tpu.memory_space<vmem>> -> memref<80xi32, #tpu.memory_space<vmem>>
        %dma_wait3A_364 = arith.constant 0 : i32
        %dma_wait3A_365 = arith.constant 0 : i32
        %dma_wait3A_366 = tpu.memref_slice %arg25[%dma_wait3A_364, %dma_wait3A_365] : memref<400x128xf32, #tpu.memory_space<vmem_shared>> -> memref<400x128xf32, #tpu.memory_space<vmem_shared>>
        tpu.wait_indirect_dma semaphore(%arg24 : memref<!tpu.dma_semaphore, #tpu.memory_space<semaphore_mem>>) src(%dma_wait3A_360 : memref<80x128xf32, #tpu.memory_space<vmem>>) dst(%dma_wait3A_366 : memref<400x128xf32, #tpu.memory_space<vmem_shared>>)
        %dma_wait3A_367 = arith.constant 1 : i32
        %dma_wait3A_368 = arith.constant 80 : i32
        %dma_wait3A_369 = arith.constant 0 : i32
        %dma_wait3A_370 = tpu.memref_slice %arg12[%dma_wait3A_368, %dma_wait3A_369] : memref<400x128xf32, #tpu.memory_space<vmem>> -> memref<80x128xf32, #tpu.memory_space<vmem>>
        %dma_wait3A_371 = arith.constant 0 : i32
        %dma_wait3A_372 = tpu.memref_slice %arg15[%dma_wait3A_367, %dma_wait3A_371] : memref<5x80xi32, #tpu.memory_space<vmem>> -> memref<1x80xi32, #tpu.memory_space<vmem>>
        %dma_wait3A_373 = tpu.memref_squeeze %dma_wait3A_372 : memref<1x80xi32, #tpu.memory_space<vmem>> -> memref<80xi32, #tpu.memory_space<vmem>>
        %dma_wait3A_374 = arith.constant 0 : i32
        %dma_wait3A_375 = arith.constant 0 : i32
        %dma_wait3A_376 = tpu.memref_slice %arg25[%dma_wait3A_374, %dma_wait3A_375] : memref<400x128xf32, #tpu.memory_space<vmem_shared>> -> memref<400x128xf32, #tpu.memory_space<vmem_shared>>
        tpu.wait_indirect_dma semaphore(%arg24 : memref<!tpu.dma_semaphore, #tpu.memory_space<semaphore_mem>>) src(%dma_wait3A_370 : memref<80x128xf32, #tpu.memory_space<vmem>>) dst(%dma_wait3A_376 : memref<400x128xf32, #tpu.memory_space<vmem_shared>>)
        %dma_wait3A_377 = arith.constant 2 : i32
        %dma_wait3A_378 = arith.constant 160 : i32
        %dma_wait3A_379 = arith.constant 0 : i32
        %dma_wait3A_380 = tpu.memref_slice %arg12[%dma_wait3A_378, %dma_wait3A_379] : memref<400x128xf32, #tpu.memory_space<vmem>> -> memref<80x128xf32, #tpu.memory_space<vmem>>
        %dma_wait3A_381 = arith.constant 0 : i32
        %dma_wait3A_382 = tpu.memref_slice %arg15[%dma_wait3A_377, %dma_wait3A_381] : memref<5x80xi32, #tpu.memory_space<vmem>> -> memref<1x80xi32, #tpu.memory_space<vmem>>
        %dma_wait3A_383 = tpu.memref_squeeze %dma_wait3A_382 : memref<1x80xi32, #tpu.memory_space<vmem>> -> memref<80xi32, #tpu.memory_space<vmem>>
        %dma_wait3A_384 = arith.constant 0 : i32
        %dma_wait3A_385 = arith.constant 0 : i32
        %dma_wait3A_386 = tpu.memref_slice %arg25[%dma_wait3A_384, %dma_wait3A_385] : memref<400x128xf32, #tpu.memory_space<vmem_shared>> -> memref<400x128xf32, #tpu.memory_space<vmem_shared>>
        tpu.wait_indirect_dma semaphore(%arg24 : memref<!tpu.dma_semaphore, #tpu.memory_space<semaphore_mem>>) src(%dma_wait3A_380 : memref<80x128xf32, #tpu.memory_space<vmem>>) dst(%dma_wait3A_386 : memref<400x128xf32, #tpu.memory_space<vmem_shared>>)
        %dma_wait3A_387 = arith.constant 3 : i32
        %dma_wait3A_388 = arith.constant 240 : i32
        %dma_wait3A_389 = arith.constant 0 : i32
        %dma_wait3A_390 = tpu.memref_slice %arg12[%dma_wait3A_388, %dma_wait3A_389] : memref<400x128xf32, #tpu.memory_space<vmem>> -> memref<80x128xf32, #tpu.memory_space<vmem>>
        %dma_wait3A_391 = arith.constant 0 : i32
        %dma_wait3A_392 = tpu.memref_slice %arg15[%dma_wait3A_387, %dma_wait3A_391] : memref<5x80xi32, #tpu.memory_space<vmem>> -> memref<1x80xi32, #tpu.memory_space<vmem>>
        %dma_wait3A_393 = tpu.memref_squeeze %dma_wait3A_392 : memref<1x80xi32, #tpu.memory_space<vmem>> -> memref<80xi32, #tpu.memory_space<vmem>>
        %dma_wait3A_394 = arith.constant 0 : i32
        %dma_wait3A_395 = arith.constant 0 : i32
        %dma_wait3A_396 = tpu.memref_slice %arg25[%dma_wait3A_394, %dma_wait3A_395] : memref<400x128xf32, #tpu.memory_space<vmem_shared>> -> memref<400x128xf32, #tpu.memory_space<vmem_shared>>
        tpu.wait_indirect_dma semaphore(%arg24 : memref<!tpu.dma_semaphore, #tpu.memory_space<semaphore_mem>>) src(%dma_wait3A_390 : memref<80x128xf32, #tpu.memory_space<vmem>>) dst(%dma_wait3A_396 : memref<400x128xf32, #tpu.memory_space<vmem_shared>>)
        %dma_wait3A_397 = arith.constant 4 : i32
        %dma_wait3A_398 = arith.constant 320 : i32
        %dma_wait3A_399 = arith.constant 0 : i32
        %dma_wait3A_400 = tpu.memref_slice %arg12[%dma_wait3A_398, %dma_wait3A_399] : memref<400x128xf32, #tpu.memory_space<vmem>> -> memref<80x128xf32, #tpu.memory_space<vmem>>
        %dma_wait3A_401 = arith.constant 0 : i32
        %dma_wait3A_402 = tpu.memref_slice %arg15[%dma_wait3A_397, %dma_wait3A_401] : memref<5x80xi32, #tpu.memory_space<vmem>> -> memref<1x80xi32, #tpu.memory_space<vmem>>
        %dma_wait3A_403 = tpu.memref_squeeze %dma_wait3A_402 : memref<1x80xi32, #tpu.memory_space<vmem>> -> memref<80xi32, #tpu.memory_space<vmem>>
        %dma_wait3A_404 = arith.constant 0 : i32
        %dma_wait3A_405 = arith.constant 0 : i32
        %dma_wait3A_406 = tpu.memref_slice %arg25[%dma_wait3A_404, %dma_wait3A_405] : memref<400x128xf32, #tpu.memory_space<vmem_shared>> -> memref<400x128xf32, #tpu.memory_space<vmem_shared>>
        tpu.wait_indirect_dma semaphore(%arg24 : memref<!tpu.dma_semaphore, #tpu.memory_space<semaphore_mem>>) src(%dma_wait3A_400 : memref<80x128xf32, #tpu.memory_space<vmem>>) dst(%dma_wait3A_406 : memref<400x128xf32, #tpu.memory_space<vmem_shared>>)
        tpu.enqueue_dma source(%arg6 : memref<400x128xf32, #tpu.memory_space<hbm>>) target(%arg12 : memref<400x128xf32, #tpu.memory_space<vmem>>) target_semaphore(%arg23 : memref<!tpu.dma_semaphore, #tpu.memory_space<semaphore_mem>>)
        %barrier3A_407 = arith.constant 0 : index
        tpu.barrier barrier_id(%barrier3A_407)
        "tpu.region"() ({
          %run_scoped3A_419 = tpu.sem_alloc : memref<!tpu.dma_semaphore, #tpu.memory_space<semaphore_mem>>
          %dma_start3A_420 = arith.constant 0 : i32
          %dma_start3A_421 = arith.constant 0 : i32
          %dma_start3A_422 = tpu.memref_slice %arg25[%dma_start3A_420, %dma_start3A_421] : memref<400x128xf32, #tpu.memory_space<vmem_shared>> -> memref<400x128xf32, #tpu.memory_space<vmem_shared>>
          tpu.enqueue_indirect_dma source(%dma_start3A_422 : memref<400x128xf32, #tpu.memory_space<vmem_shared>>) target(%arg20 : memref<25x128xf32, #tpu.memory_space<vmem>>) offsets(%arg16 : memref<25xi32, #tpu.memory_space<vmem>>) semaphore(%run_scoped3A_419 : memref<!tpu.dma_semaphore, #tpu.memory_space<semaphore_mem>>)
          %dma_wait3A_423 = arith.constant 0 : i32
          %dma_wait3A_424 = arith.constant 0 : i32
          %dma_wait3A_425 = tpu.memref_slice %arg25[%dma_wait3A_423, %dma_wait3A_424] : memref<400x128xf32, #tpu.memory_space<vmem_shared>> -> memref<400x128xf32, #tpu.memory_space<vmem_shared>>
          tpu.wait_indirect_dma semaphore(%run_scoped3A_419 : memref<!tpu.dma_semaphore, #tpu.memory_space<semaphore_mem>>) src(%dma_wait3A_425 : memref<400x128xf32, #tpu.memory_space<vmem_shared>>) dst(%arg20 : memref<25x128xf32, #tpu.memory_space<vmem>>)
          tpu.yield
        }) : () -> ()
        %scan3A_408 = arith.constant 0 : i32
        %scan3A_409 = arith.constant 200 : i32
        %scan3A_410 = arith.addi %scan3A_408, %scan3A_409 : i32
        %scan3A_411 = arith.constant 1 : i32
        scf.for %scan3A_419 = %scan3A_408 to %scan3A_410 step %scan3A_411  : i32 {
          %jit3A = arith.constant 8 : i32
          %div3A = arith.divsi %scan3A_419, %jit3A : i32
          %sign3A = arith.constant 0 : i32
          %sign3A_420 = arith.cmpi sgt, %scan3A_419, %sign3A : i32
          %sign3A_421 = arith.extui %sign3A_420 : i1 to i32
          %sign3A_422 = arith.constant 0 : i32
          %sign3A_423 = arith.cmpi slt, %scan3A_419, %sign3A_422 : i32
          %sign3A_424 = arith.extui %sign3A_423 : i1 to i32
          %sign3A_425 = arith.subi %sign3A_421, %sign3A_424 : i32
          %sign3A_426 = arith.constant 0 : i32
          %sign3A_427 = arith.cmpi sgt, %jit3A, %sign3A_426 : i32
          %sign3A_428 = arith.extui %sign3A_427 : i1 to i32
          %sign3A_429 = arith.constant 0 : i32
          %sign3A_430 = arith.cmpi slt, %jit3A, %sign3A_429 : i32
          %sign3A_431 = arith.extui %sign3A_430 : i1 to i32
          %sign3A_432 = arith.subi %sign3A_428, %sign3A_431 : i32
          %ne3A = arith.cmpi ne, %sign3A_425, %sign3A_432 : i32
          %rem3A = arith.remsi %scan3A_419, %jit3A : i32
          %ne3A_433 = arith.constant 0 : i32
          %ne3A_434 = arith.cmpi ne, %rem3A, %ne3A_433 : i32
          %and3A = arith.andi %ne3A, %ne3A_434 : i1
          %sub3A = arith.constant 1 : i32
          %sub3A_435 = arith.subi %div3A, %sub3A : i32
          %select_n3A = arith.select %and3A, %sub3A_435, %div3A : i32
          %jit3A_436 = arith.constant 8 : i32
          %eq3A_437 = arith.constant 0 : i32
          %eq3A_438 = arith.cmpi eq, %jit3A_436, %eq3A_437 : i32
          %jit3A_439 = arith.constant 1 : i32
          %select_n3A_440 = arith.select %eq3A_438, %jit3A_439, %jit3A_436 : i32
          %rem3A_441 = arith.remsi %scan3A_419, %select_n3A_440 : i32
          %ne3A_442 = arith.constant 0 : i32
          %ne3A_443 = arith.cmpi ne, %rem3A_441, %ne3A_442 : i32
          %lt3A = arith.constant 0 : i32
          %lt3A_444 = arith.cmpi slt, %rem3A_441, %lt3A : i32
          %lt3A_445 = arith.constant 0 : i32
          %lt3A_446 = arith.cmpi slt, %select_n3A_440, %lt3A_445 : i32
          %ne3A_447 = arith.xori %lt3A_444, %lt3A_446 : i1
          %and3A_448 = arith.andi %ne3A_447, %ne3A_443 : i1
          %add3A_449 = arith.addi %rem3A_441, %select_n3A_440 : i32
          %select_n3A_450 = arith.select %and3A_448, %add3A_449, %rem3A_441 : i32
          %mul3A_451 = arith.constant 16 : i32
          %mul3A_452 = arith.muli %select_n3A_450, %mul3A_451 : i32
          %get3A = arith.index_cast %select_n3A : i32 to index
          %get3A_453 = arith.index_cast %mul3A_452 : i32 to index
          %get3A_454 = tpu.vector_load %arg19[%get3A, %get3A_453] {strides = array<i32>} : memref<25x128xf32, #tpu.memory_space<vmem>>, vector<16xf32>,
          %get3A_455 = arith.index_cast %select_n3A : i32 to index
          %get3A_456 = arith.index_cast %mul3A_452 : i32 to index
          %get3A_457 = tpu.vector_load %arg18[%get3A_455, %get3A_456] {strides = array<i32>} : memref<25x128xf32, #tpu.memory_space<vmem>>, vector<16xf32>,
          %get3A_458 = arith.index_cast %select_n3A : i32 to index
          %get3A_459 = arith.index_cast %mul3A_452 : i32 to index
          %get3A_460 = tpu.vector_load %arg20[%get3A_458, %get3A_459] {strides = array<i32>} : memref<25x128xf32, #tpu.memory_space<vmem>>, vector<16xf32>,
          %mul3A_461 = arith.mulf %get3A_457, %get3A_460 : vector<16xf32>
          %add3A_462 = arith.addf %get3A_454, %mul3A_461 : vector<16xf32>
          %swap3A = arith.index_cast %select_n3A : i32 to index
          %swap3A_463 = arith.index_cast %mul3A_452 : i32 to index
          %swap3A_464 = tpu.vector_load %arg20[%swap3A, %swap3A_463] {strides = array<i32>} : memref<25x128xf32, #tpu.memory_space<vmem>>, vector<16xf32>,
          tpu.vector_store %arg20[%swap3A, %swap3A_463], %add3A_462 {strides = array<i32>} : memref<25x128xf32, #tpu.memory_space<vmem>>, vector<16xf32>,
        }
        %scan3A_412 = arith.constant 200 : i32
        "tpu.region"() ({
          %run_scoped3A_419 = tpu.sem_alloc : memref<!tpu.dma_semaphore, #tpu.memory_space<semaphore_mem>>
          %dma_start3A_420 = arith.constant 0 : i32
          %dma_start3A_421 = arith.constant 0 : i32
          %dma_start3A_422 = tpu.memref_slice %arg25[%dma_start3A_420, %dma_start3A_421] : memref<400x128xf32, #tpu.memory_space<vmem_shared>> -> memref<400x128xf32, #tpu.memory_space<vmem_shared>>
          tpu.enqueue_indirect_dma source(%arg20 : memref<25x128xf32, #tpu.memory_space<vmem>>) target(%dma_start3A_422 : memref<400x128xf32, #tpu.memory_space<vmem_shared>>) offsets(%arg16 : memref<25xi32, #tpu.memory_space<vmem>>) semaphore(%run_scoped3A_419 : memref<!tpu.dma_semaphore, #tpu.memory_space<semaphore_mem>>)
          %dma_wait3A_423 = arith.constant 0 : i32
          %dma_wait3A_424 = arith.constant 0 : i32
          %dma_wait3A_425 = tpu.memref_slice %arg25[%dma_wait3A_423, %dma_wait3A_424] : memref<400x128xf32, #tpu.memory_space<vmem_shared>> -> memref<400x128xf32, #tpu.memory_space<vmem_shared>>
          tpu.wait_indirect_dma semaphore(%run_scoped3A_419 : memref<!tpu.dma_semaphore, #tpu.memory_space<semaphore_mem>>) src(%arg20 : memref<25x128xf32, #tpu.memory_space<vmem>>) dst(%dma_wait3A_425 : memref<400x128xf32, #tpu.memory_space<vmem_shared>>)
          tpu.yield
        }) : () -> ()
        %eq3A = arith.constant 7 : i32
        %eq3A_413 = arith.cmpi eq, %scan3A_288, %eq3A : i32
        %convert_element_type3A_414 = arith.extui %eq3A_413 : i1 to i32
        %cond3A_415 = arith.constant 0 : i32
        %cond3A_416 = arith.cmpi ne, %convert_element_type3A_414, %cond3A_415 : i32
        scf.if %cond3A_416 {
          "tpu.region"() ({
            %run_scoped3A_419 = tpu.sem_alloc : memref<!tpu.dma_semaphore, #tpu.memory_space<semaphore_mem>>
            %dma_start3A_420 = arith.constant 0 : i32
            %dma_start3A_421 = arith.constant 0 : i32
            %dma_start3A_422 = tpu.memref_slice %arg9[%add3A_147, %arg1, %dma_start3A_420, %dma_start3A_421] : memref<3x16x25x128xf32, #tpu.memory_space<hbm>> -> memref<1x1x25x128xf32, #tpu.memory_space<hbm>>
            %dma_start3A_423 = tpu.memref_squeeze %dma_start3A_422 : memref<1x1x25x128xf32, #tpu.memory_space<hbm>> -> memref<25x128xf32, #tpu.memory_space<hbm>>
            %dma_start3A_424 = arith.constant 0 : i32
            %dma_start3A_425 = arith.constant 0 : i32
            %dma_start3A_426 = tpu.memref_slice %arg9[%add3A_147, %arg1, %dma_start3A_424, %dma_start3A_425] : memref<3x16x25x128xf32, #tpu.memory_space<hbm>> -> memref<1x1x25x128xf32, #tpu.memory_space<hbm>>
            %dma_start3A_427 = tpu.memref_squeeze %dma_start3A_426 : memref<1x1x25x128xf32, #tpu.memory_space<hbm>> -> memref<25x128xf32, #tpu.memory_space<hbm>>
            tpu.enqueue_dma source(%arg20 : memref<25x128xf32, #tpu.memory_space<vmem>>) target(%dma_start3A_427 : memref<25x128xf32, #tpu.memory_space<hbm>>) target_semaphore(%run_scoped3A_419 : memref<!tpu.dma_semaphore, #tpu.memory_space<semaphore_mem>>)
            %dma_wait3A_428 = arith.constant 0 : i32
            %dma_wait3A_429 = arith.constant 0 : i32
            %dma_wait3A_430 = tpu.memref_slice %arg9[%add3A_147, %arg1, %dma_wait3A_428, %dma_wait3A_429] : memref<3x16x25x128xf32, #tpu.memory_space<hbm>> -> memref<1x1x25x128xf32, #tpu.memory_space<hbm>>
            %dma_wait3A_431 = tpu.memref_squeeze %dma_wait3A_430 : memref<1x1x25x128xf32, #tpu.memory_space<hbm>> -> memref<25x128xf32, #tpu.memory_space<hbm>>
            %dma_wait3A_432 = arith.constant 0 : i32
            %dma_wait3A_433 = arith.constant 0 : i32
            %dma_wait3A_434 = tpu.memref_slice %arg9[%add3A_147, %arg1, %dma_wait3A_432, %dma_wait3A_433] : memref<3x16x25x128xf32, #tpu.memory_space<hbm>> -> memref<1x1x25x128xf32, #tpu.memory_space<hbm>>
            %dma_wait3A_435 = tpu.memref_squeeze %dma_wait3A_434 : memref<1x1x25x128xf32, #tpu.memory_space<hbm>> -> memref<25x128xf32, #tpu.memory_space<hbm>>
            tpu.wait_dma2 semaphore(%run_scoped3A_419 : memref<!tpu.dma_semaphore, #tpu.memory_space<semaphore_mem>>) src(%arg20 : memref<25x128xf32, #tpu.memory_space<vmem>>) dst(%dma_wait3A_435 : memref<25x128xf32, #tpu.memory_space<hbm>>)
            tpu.yield
          }) : () -> ()
        } else {
        }
        %barrier3A_417 = arith.constant 0 : index
        tpu.barrier barrier_id(%barrier3A_417)
        "tpu.region"() ({
          %run_scoped3A_419 = tpu.sem_alloc : memref<!tpu.dma_semaphore, #tpu.memory_space<semaphore_mem>>
          tpu.enqueue_dma source(%arg25 : memref<400x128xf32, #tpu.memory_space<vmem_shared>>) target(%arg11 : memref<400x128xf32, #tpu.memory_space<vmem>>) target_semaphore(%run_scoped3A_419 : memref<!tpu.dma_semaphore, #tpu.memory_space<semaphore_mem>>)
          tpu.wait_dma2 semaphore(%run_scoped3A_419 : memref<!tpu.dma_semaphore, #tpu.memory_space<semaphore_mem>>) src(%arg25 : memref<400x128xf32, #tpu.memory_space<vmem_shared>>) dst(%arg11 : memref<400x128xf32, #tpu.memory_space<vmem>>)
          tpu.yield
        }) : () -> ()
        %barrier3A_418 = arith.constant 0 : index
        tpu.barrier barrier_id(%barrier3A_418)
      }
      %scan3A_163 = arith.constant 8 : i32
      %mul3A_164 = arith.constant 40 : i32
      %mul3A_165 = arith.muli %arg1, %mul3A_164 : i32
      %add3A_166 = arith.constant 0 : i32
      %add3A_167 = arith.addi %mul3A_165, %add3A_166 : i32
      %dma_start3A_168 = arith.constant 0 : i32
      %dma_start3A_169 = arith.constant 0 : i32
      %dma_start3A_170 = tpu.memref_slice %arg4[%add3A_167, %dma_start3A_168, %dma_start3A_169] : memref<640x20x128xi32, #tpu.memory_space<hbm>> -> memref<1x20x128xi32, #tpu.memory_space<hbm>>
      %dma_start3A_171 = tpu.memref_squeeze %dma_start3A_170 : memref<1x20x128xi32, #tpu.memory_space<hbm>> -> memref<20x128xi32, #tpu.memory_space<hbm>>
      %dma_start3A_172 = arith.constant 0 : i32
      %dma_start3A_173 = arith.constant 0 : i32
      %dma_start3A_174 = tpu.memref_slice %arg4[%add3A_167, %dma_start3A_172, %dma_start3A_173] : memref<640x20x128xi32, #tpu.memory_space<hbm>> -> memref<1x20x128xi32, #tpu.memory_space<hbm>>
      %dma_start3A_175 = tpu.memref_squeeze %dma_start3A_174 : memref<1x20x128xi32, #tpu.memory_space<hbm>> -> memref<20x128xi32, #tpu.memory_space<hbm>>
      tpu.enqueue_dma source(%dma_start3A_175 : memref<20x128xi32, #tpu.memory_space<hbm>>) target(%arg13 : memref<20x128xi32, #tpu.memory_space<vmem>>) target_semaphore(%arg21 : memref<!tpu.dma_semaphore, #tpu.memory_space<semaphore_mem>>)
      tpu.wait_dma2 semaphore(%arg23 : memref<!tpu.dma_semaphore, #tpu.memory_space<semaphore_mem>>) src(%arg6 : memref<400x128xf32, #tpu.memory_space<hbm>>) dst(%arg12 : memref<400x128xf32, #tpu.memory_space<vmem>>)
      "tpu.region"() ({
        %run_scoped3A_288 = tpu.sem_alloc : memref<!tpu.dma_semaphore, #tpu.memory_space<semaphore_mem>>
        %dma_start3A_289 = arith.constant 0 : i32
        %dma_start3A_290 = arith.constant 0 : i32
        %dma_start3A_291 = tpu.memref_slice %arg12[%dma_start3A_289, %dma_start3A_290] : memref<400x128xf32, #tpu.memory_space<vmem>> -> memref<25x128xf32, #tpu.memory_space<vmem>>
        %dma_start3A_292 = arith.constant 0 : i32
        %dma_start3A_293 = arith.constant 0 : i32
        %dma_start3A_294 = tpu.memref_slice %arg25[%dma_start3A_292, %dma_start3A_293] : memref<400x128xf32, #tpu.memory_space<vmem_shared>> -> memref<400x128xf32, #tpu.memory_space<vmem_shared>>
        tpu.enqueue_indirect_dma source(%dma_start3A_291 : memref<25x128xf32, #tpu.memory_space<vmem>>) target(%dma_start3A_294 : memref<400x128xf32, #tpu.memory_space<vmem_shared>>) offsets(%arg16 : memref<25xi32, #tpu.memory_space<vmem>>) semaphore(%run_scoped3A_288 : memref<!tpu.dma_semaphore, #tpu.memory_space<semaphore_mem>>)
        %dma_wait3A_295 = arith.constant 0 : i32
        %dma_wait3A_296 = arith.constant 0 : i32
        %dma_wait3A_297 = tpu.memref_slice %arg12[%dma_wait3A_295, %dma_wait3A_296] : memref<400x128xf32, #tpu.memory_space<vmem>> -> memref<25x128xf32, #tpu.memory_space<vmem>>
        %dma_wait3A_298 = arith.constant 0 : i32
        %dma_wait3A_299 = arith.constant 0 : i32
        %dma_wait3A_300 = tpu.memref_slice %arg25[%dma_wait3A_298, %dma_wait3A_299] : memref<400x128xf32, #tpu.memory_space<vmem_shared>> -> memref<400x128xf32, #tpu.memory_space<vmem_shared>>
        tpu.wait_indirect_dma semaphore(%run_scoped3A_288 : memref<!tpu.dma_semaphore, #tpu.memory_space<semaphore_mem>>) src(%dma_wait3A_297 : memref<25x128xf32, #tpu.memory_space<vmem>>) dst(%dma_wait3A_300 : memref<400x128xf32, #tpu.memory_space<vmem_shared>>)
        tpu.yield
      }) : () -> ()
      %scan3A_176 = arith.constant 0 : i32
      %scan3A_177 = arith.constant 20 : i32
      %scan3A_178 = arith.addi %scan3A_176, %scan3A_177 : i32
      %scan3A_179 = arith.constant 1 : i32
      scf.for %scan3A_288 = %scan3A_176 to %scan3A_178 step %scan3A_179  : i32 {
        %mul3A_289 = arith.constant 2 : i32
        %mul3A_290 = arith.muli %mul3A_289, %scan3A_288 : i32
        %add3A_291 = arith.constant 1 : i32
        %add3A_292 = arith.addi %mul3A_290, %add3A_291 : i32
        %mul3A_293 = arith.constant 40 : i32
        %mul3A_294 = arith.muli %arg1, %mul3A_293 : i32
        %add3A_295 = arith.addi %mul3A_294, %add3A_292 : i32
        %dma_start3A_296 = arith.constant 0 : i32
        %dma_start3A_297 = arith.constant 0 : i32
        %dma_start3A_298 = tpu.memref_slice %arg4[%add3A_295, %dma_start3A_296, %dma_start3A_297] : memref<640x20x128xi32, #tpu.memory_space<hbm>> -> memref<1x20x128xi32, #tpu.memory_space<hbm>>
        %dma_start3A_299 = tpu.memref_squeeze %dma_start3A_298 : memref<1x20x128xi32, #tpu.memory_space<hbm>> -> memref<20x128xi32, #tpu.memory_space<hbm>>
        %dma_start3A_300 = arith.constant 0 : i32
        %dma_start3A_301 = arith.constant 0 : i32
        %dma_start3A_302 = tpu.memref_slice %arg4[%add3A_295, %dma_start3A_300, %dma_start3A_301] : memref<640x20x128xi32, #tpu.memory_space<hbm>> -> memref<1x20x128xi32, #tpu.memory_space<hbm>>
        %dma_start3A_303 = tpu.memref_squeeze %dma_start3A_302 : memref<1x20x128xi32, #tpu.memory_space<hbm>> -> memref<20x128xi32, #tpu.memory_space<hbm>>
        tpu.enqueue_dma source(%dma_start3A_303 : memref<20x128xi32, #tpu.memory_space<hbm>>) target(%arg14 : memref<20x128xi32, #tpu.memory_space<vmem>>) target_semaphore(%arg22 : memref<!tpu.dma_semaphore, #tpu.memory_space<semaphore_mem>>)
        %mul3A_304 = arith.constant 40 : i32
        %mul3A_305 = arith.muli %arg1, %mul3A_304 : i32
        %add3A_306 = arith.addi %mul3A_305, %mul3A_290 : i32
        %dma_wait3A_307 = arith.constant 0 : i32
        %dma_wait3A_308 = arith.constant 0 : i32
        %dma_wait3A_309 = tpu.memref_slice %arg4[%add3A_306, %dma_wait3A_307, %dma_wait3A_308] : memref<640x20x128xi32, #tpu.memory_space<hbm>> -> memref<1x20x128xi32, #tpu.memory_space<hbm>>
        %dma_wait3A_310 = tpu.memref_squeeze %dma_wait3A_309 : memref<1x20x128xi32, #tpu.memory_space<hbm>> -> memref<20x128xi32, #tpu.memory_space<hbm>>
        %dma_wait3A_311 = arith.constant 0 : i32
        %dma_wait3A_312 = arith.constant 0 : i32
        %dma_wait3A_313 = tpu.memref_slice %arg4[%add3A_306, %dma_wait3A_311, %dma_wait3A_312] : memref<640x20x128xi32, #tpu.memory_space<hbm>> -> memref<1x20x128xi32, #tpu.memory_space<hbm>>
        %dma_wait3A_314 = tpu.memref_squeeze %dma_wait3A_313 : memref<1x20x128xi32, #tpu.memory_space<hbm>> -> memref<20x128xi32, #tpu.memory_space<hbm>>
        tpu.wait_dma2 semaphore(%arg21 : memref<!tpu.dma_semaphore, #tpu.memory_space<semaphore_mem>>) src(%dma_wait3A_314 : memref<20x128xi32, #tpu.memory_space<hbm>>) dst(%arg13 : memref<20x128xi32, #tpu.memory_space<vmem>>)
        %parallel_loop3A = arith.constant 0 : i32
        %parallel_loop3A_315 = arith.constant 80 : i32
        %parallel_loop3A_316 = arith.constant 1 : i32
        scf.for %parallel_loop3A_339 = %parallel_loop3A to %parallel_loop3A_315 step %parallel_loop3A_316  : i32 {
          %parallel_loop3A_340 = arith.constant 8 : i32
          %parallel_loop3A_341 = arith.divsi %parallel_loop3A_339, %parallel_loop3A_340 : i32
          %parallel_loop3A_342 = arith.constant 0 : i32
          %parallel_loop3A_343 = arith.cmpi sgt, %parallel_loop3A_339, %parallel_loop3A_342 : i32
          %parallel_loop3A_344 = arith.extui %parallel_loop3A_343 : i1 to i32
          %parallel_loop3A_345 = arith.constant 0 : i32
          %parallel_loop3A_346 = arith.cmpi slt, %parallel_loop3A_339, %parallel_loop3A_345 : i32
          %parallel_loop3A_347 = arith.extui %parallel_loop3A_346 : i1 to i32
          %parallel_loop3A_348 = arith.subi %parallel_loop3A_344, %parallel_loop3A_347 : i32
          %parallel_loop3A_349 = arith.constant 0 : i32
          %parallel_loop3A_350 = arith.cmpi sgt, %parallel_loop3A_340, %parallel_loop3A_349 : i32
          %parallel_loop3A_351 = arith.extui %parallel_loop3A_350 : i1 to i32
          %parallel_loop3A_352 = arith.constant 0 : i32
          %parallel_loop3A_353 = arith.cmpi slt, %parallel_loop3A_340, %parallel_loop3A_352 : i32
          %parallel_loop3A_354 = arith.extui %parallel_loop3A_353 : i1 to i32
          %parallel_loop3A_355 = arith.subi %parallel_loop3A_351, %parallel_loop3A_354 : i32
          %parallel_loop3A_356 = arith.cmpi ne, %parallel_loop3A_348, %parallel_loop3A_355 : i32
          %parallel_loop3A_357 = arith.remsi %parallel_loop3A_339, %parallel_loop3A_340 : i32
          %parallel_loop3A_358 = arith.constant 0 : i32
          %parallel_loop3A_359 = arith.cmpi ne, %parallel_loop3A_357, %parallel_loop3A_358 : i32
          %parallel_loop3A_360 = arith.andi %parallel_loop3A_356, %parallel_loop3A_359 : i1
          %parallel_loop3A_361 = arith.constant 1 : i32
          %parallel_loop3A_362 = arith.subi %parallel_loop3A_341, %parallel_loop3A_361 : i32
          %parallel_loop3A_363 = arith.select %parallel_loop3A_360, %parallel_loop3A_362, %parallel_loop3A_341 : i32
          %parallel_loop3A_364 = arith.constant 8 : i32
          %parallel_loop3A_365 = arith.constant 0 : i32
          %parallel_loop3A_366 = arith.cmpi eq, %parallel_loop3A_364, %parallel_loop3A_365 : i32
          %parallel_loop3A_367 = arith.constant 1 : i32
          %parallel_loop3A_368 = arith.select %parallel_loop3A_366, %parallel_loop3A_367, %parallel_loop3A_364 : i32
          %parallel_loop3A_369 = arith.remsi %parallel_loop3A_339, %parallel_loop3A_368 : i32
          %parallel_loop3A_370 = arith.constant 0 : i32
          %parallel_loop3A_371 = arith.cmpi ne, %parallel_loop3A_369, %parallel_loop3A_370 : i32
          %parallel_loop3A_372 = arith.constant 0 : i32
          %parallel_loop3A_373 = arith.cmpi slt, %parallel_loop3A_369, %parallel_loop3A_372 : i32
          %parallel_loop3A_374 = arith.constant 0 : i32
          %parallel_loop3A_375 = arith.cmpi slt, %parallel_loop3A_368, %parallel_loop3A_374 : i32
          %parallel_loop3A_376 = arith.xori %parallel_loop3A_373, %parallel_loop3A_375 : i1
          %parallel_loop3A_377 = arith.andi %parallel_loop3A_376, %parallel_loop3A_371 : i1
          %parallel_loop3A_378 = arith.addi %parallel_loop3A_369, %parallel_loop3A_368 : i32
          %parallel_loop3A_379 = arith.select %parallel_loop3A_377, %parallel_loop3A_378, %parallel_loop3A_369 : i32
          %parallel_loop3A_380 = arith.constant 16 : i32
          %parallel_loop3A_381 = arith.muli %parallel_loop3A_379, %parallel_loop3A_380 : i32
          %parallel_loop3A_382 = arith.index_cast %parallel_loop3A_363 : i32 to index
          %parallel_loop3A_383 = arith.index_cast %parallel_loop3A_381 : i32 to index
          %parallel_loop3A_384 = tpu.vector_load %arg13[%parallel_loop3A_382, %parallel_loop3A_383] {strides = array<i32>} : memref<20x128xi32, #tpu.memory_space<vmem>>, vector<16xi32>,
          %parallel_loop3A_385 = arith.constant 10 : i32
          %parallel_loop3A_386 = arith.addi %parallel_loop3A_385, %parallel_loop3A_363 : i32
          %parallel_loop3A_387 = arith.index_cast %parallel_loop3A_386 : i32 to index
          %parallel_loop3A_388 = arith.index_cast %parallel_loop3A_381 : i32 to index
          %parallel_loop3A_389 = tpu.vector_load %arg13[%parallel_loop3A_387, %parallel_loop3A_388] {strides = array<i32>} : memref<20x128xi32, #tpu.memory_space<vmem>>, vector<16xi32>,
          %parallel_loop3A_390 = vector.bitcast %parallel_loop3A_389 : vector<16xi32> to vector<16xf32>
          %parallel_loop3A_391 = arith.constant 65535 : i32
          %parallel_loop3A_392 = vector.broadcast %parallel_loop3A_391 : i32 to vector<16xi32>
          %parallel_loop3A_393 = arith.andi %parallel_loop3A_384, %parallel_loop3A_392 : vector<16xi32>
          %parallel_loop3A_394 = arith.constant 16 : i32
          %parallel_loop3A_395 = vector.broadcast %parallel_loop3A_394 : i32 to vector<16xi32>
          %parallel_loop3A_396 = arith.shrui %parallel_loop3A_384, %parallel_loop3A_395 : vector<16xi32>
          %parallel_loop3A_397 = arith.constant 7 : i32
          %parallel_loop3A_398 = vector.broadcast %parallel_loop3A_397 : i32 to vector<16xi32>
          %parallel_loop3A_399 = arith.shrsi %parallel_loop3A_393, %parallel_loop3A_398 : vector<16xi32>
          %parallel_loop3A_400 = arith.constant 127 : i32
          %parallel_loop3A_401 = vector.broadcast %parallel_loop3A_400 : i32 to vector<16xi32>
          %parallel_loop3A_402 = arith.andi %parallel_loop3A_393, %parallel_loop3A_401 : vector<16xi32>
          %parallel_loop3A_403 = arith.constant 7 : i32
          %parallel_loop3A_404 = vector.broadcast %parallel_loop3A_403 : i32 to vector<16xi32>
          %parallel_loop3A_405 = arith.shrsi %parallel_loop3A_396, %parallel_loop3A_404 : vector<16xi32>
          %parallel_loop3A_406 = arith.constant 127 : i32
          %parallel_loop3A_407 = vector.broadcast %parallel_loop3A_406 : i32 to vector<16xi32>
          %parallel_loop3A_408 = arith.andi %parallel_loop3A_396, %parallel_loop3A_407 : vector<16xi32>
          %parallel_loop3A_409 = tpu.vector_load_idx %arg11[%parallel_loop3A_405, %parallel_loop3A_408] : memref<400x128xf32, #tpu.memory_space<vmem>>[vector<16xi32>, vector<16xi32>], vector<16xf32>,
          %parallel_loop3A_410 = tpu.vector_load_idx %arg11[%parallel_loop3A_399, %parallel_loop3A_402] : memref<400x128xf32, #tpu.memory_space<vmem>>[vector<16xi32>, vector<16xi32>], vector<16xf32>,
          %parallel_loop3A_411 = arith.mulf %parallel_loop3A_390, %parallel_loop3A_409 : vector<16xf32>
          tpu.vector_store_idx %arg12[%parallel_loop3A_399, %parallel_loop3A_402], %parallel_loop3A_411 {add = true} : memref<400x128xf32, #tpu.memory_space<vmem>>[vector<16xi32>, vector<16xi32>], vector<16xf32>,
          %parallel_loop3A_412 = arith.mulf %parallel_loop3A_390, %parallel_loop3A_410 : vector<16xf32>
          tpu.vector_store_idx %arg12[%parallel_loop3A_405, %parallel_loop3A_408], %parallel_loop3A_412 {add = true} : memref<400x128xf32, #tpu.memory_space<vmem>>[vector<16xi32>, vector<16xi32>], vector<16xf32>,
        } {sc.loop_unroll_factor = 4 : i64, sc.parallel_access}
        %add3A_317 = arith.constant 2 : i32
        %add3A_318 = arith.addi %mul3A_290, %add3A_317 : i32
        %lt3A = arith.constant 40 : i32
        %lt3A_319 = arith.cmpi slt, %add3A_318, %lt3A : i32
        %convert_element_type3A_320 = arith.extui %lt3A_319 : i1 to i32
        %cond3A_321 = arith.constant 0 : i32
        %cond3A_322 = arith.cmpi ne, %convert_element_type3A_320, %cond3A_321 : i32
        scf.if %cond3A_322 {
          %add3A_339 = arith.constant 2 : i32
          %add3A_340 = arith.addi %mul3A_290, %add3A_339 : i32
          %mul3A_341 = arith.constant 40 : i32
          %mul3A_342 = arith.muli %arg1, %mul3A_341 : i32
          %add3A_343 = arith.addi %mul3A_342, %add3A_340 : i32
          %dma_start3A_344 = arith.constant 0 : i32
          %dma_start3A_345 = arith.constant 0 : i32
          %dma_start3A_346 = tpu.memref_slice %arg4[%add3A_343, %dma_start3A_344, %dma_start3A_345] : memref<640x20x128xi32, #tpu.memory_space<hbm>> -> memref<1x20x128xi32, #tpu.memory_space<hbm>>
          %dma_start3A_347 = tpu.memref_squeeze %dma_start3A_346 : memref<1x20x128xi32, #tpu.memory_space<hbm>> -> memref<20x128xi32, #tpu.memory_space<hbm>>
          %dma_start3A_348 = arith.constant 0 : i32
          %dma_start3A_349 = arith.constant 0 : i32
          %dma_start3A_350 = tpu.memref_slice %arg4[%add3A_343, %dma_start3A_348, %dma_start3A_349] : memref<640x20x128xi32, #tpu.memory_space<hbm>> -> memref<1x20x128xi32, #tpu.memory_space<hbm>>
          %dma_start3A_351 = tpu.memref_squeeze %dma_start3A_350 : memref<1x20x128xi32, #tpu.memory_space<hbm>> -> memref<20x128xi32, #tpu.memory_space<hbm>>
          tpu.enqueue_dma source(%dma_start3A_351 : memref<20x128xi32, #tpu.memory_space<hbm>>) target(%arg13 : memref<20x128xi32, #tpu.memory_space<vmem>>) target_semaphore(%arg21 : memref<!tpu.dma_semaphore, #tpu.memory_space<semaphore_mem>>)
        } else {
        }
        %add3A_323 = arith.constant 1 : i32
        %add3A_324 = arith.addi %mul3A_290, %add3A_323 : i32
        %mul3A_325 = arith.constant 40 : i32
        %mul3A_326 = arith.muli %arg1, %mul3A_325 : i32
        %add3A_327 = arith.addi %mul3A_326, %add3A_324 : i32
        %dma_wait3A_328 = arith.constant 0 : i32
        %dma_wait3A_329 = arith.constant 0 : i32
        %dma_wait3A_330 = tpu.memref_slice %arg4[%add3A_327, %dma_wait3A_328, %dma_wait3A_329] : memref<640x20x128xi32, #tpu.memory_space<hbm>> -> memref<1x20x128xi32, #tpu.memory_space<hbm>>
        %dma_wait3A_331 = tpu.memref_squeeze %dma_wait3A_330 : memref<1x20x128xi32, #tpu.memory_space<hbm>> -> memref<20x128xi32, #tpu.memory_space<hbm>>
        %dma_wait3A_332 = arith.constant 0 : i32
        %dma_wait3A_333 = arith.constant 0 : i32
        %dma_wait3A_334 = tpu.memref_slice %arg4[%add3A_327, %dma_wait3A_332, %dma_wait3A_333] : memref<640x20x128xi32, #tpu.memory_space<hbm>> -> memref<1x20x128xi32, #tpu.memory_space<hbm>>
        %dma_wait3A_335 = tpu.memref_squeeze %dma_wait3A_334 : memref<1x20x128xi32, #tpu.memory_space<hbm>> -> memref<20x128xi32, #tpu.memory_space<hbm>>
        tpu.wait_dma2 semaphore(%arg22 : memref<!tpu.dma_semaphore, #tpu.memory_space<semaphore_mem>>) src(%dma_wait3A_335 : memref<20x128xi32, #tpu.memory_space<hbm>>) dst(%arg14 : memref<20x128xi32, #tpu.memory_space<vmem>>)
        %parallel_loop3A_336 = arith.constant 0 : i32
        %parallel_loop3A_337 = arith.constant 80 : i32
        %parallel_loop3A_338 = arith.constant 1 : i32
        scf.for %parallel_loop3A_339 = %parallel_loop3A_336 to %parallel_loop3A_337 step %parallel_loop3A_338  : i32 {
          %parallel_loop3A_340 = arith.constant 8 : i32
          %parallel_loop3A_341 = arith.divsi %parallel_loop3A_339, %parallel_loop3A_340 : i32
          %parallel_loop3A_342 = arith.constant 0 : i32
          %parallel_loop3A_343 = arith.cmpi sgt, %parallel_loop3A_339, %parallel_loop3A_342 : i32
          %parallel_loop3A_344 = arith.extui %parallel_loop3A_343 : i1 to i32
          %parallel_loop3A_345 = arith.constant 0 : i32
          %parallel_loop3A_346 = arith.cmpi slt, %parallel_loop3A_339, %parallel_loop3A_345 : i32
          %parallel_loop3A_347 = arith.extui %parallel_loop3A_346 : i1 to i32
          %parallel_loop3A_348 = arith.subi %parallel_loop3A_344, %parallel_loop3A_347 : i32
          %parallel_loop3A_349 = arith.constant 0 : i32
          %parallel_loop3A_350 = arith.cmpi sgt, %parallel_loop3A_340, %parallel_loop3A_349 : i32
          %parallel_loop3A_351 = arith.extui %parallel_loop3A_350 : i1 to i32
          %parallel_loop3A_352 = arith.constant 0 : i32
          %parallel_loop3A_353 = arith.cmpi slt, %parallel_loop3A_340, %parallel_loop3A_352 : i32
          %parallel_loop3A_354 = arith.extui %parallel_loop3A_353 : i1 to i32
          %parallel_loop3A_355 = arith.subi %parallel_loop3A_351, %parallel_loop3A_354 : i32
          %parallel_loop3A_356 = arith.cmpi ne, %parallel_loop3A_348, %parallel_loop3A_355 : i32
          %parallel_loop3A_357 = arith.remsi %parallel_loop3A_339, %parallel_loop3A_340 : i32
          %parallel_loop3A_358 = arith.constant 0 : i32
          %parallel_loop3A_359 = arith.cmpi ne, %parallel_loop3A_357, %parallel_loop3A_358 : i32
          %parallel_loop3A_360 = arith.andi %parallel_loop3A_356, %parallel_loop3A_359 : i1
          %parallel_loop3A_361 = arith.constant 1 : i32
          %parallel_loop3A_362 = arith.subi %parallel_loop3A_341, %parallel_loop3A_361 : i32
          %parallel_loop3A_363 = arith.select %parallel_loop3A_360, %parallel_loop3A_362, %parallel_loop3A_341 : i32
          %parallel_loop3A_364 = arith.constant 8 : i32
          %parallel_loop3A_365 = arith.constant 0 : i32
          %parallel_loop3A_366 = arith.cmpi eq, %parallel_loop3A_364, %parallel_loop3A_365 : i32
          %parallel_loop3A_367 = arith.constant 1 : i32
          %parallel_loop3A_368 = arith.select %parallel_loop3A_366, %parallel_loop3A_367, %parallel_loop3A_364 : i32
          %parallel_loop3A_369 = arith.remsi %parallel_loop3A_339, %parallel_loop3A_368 : i32
          %parallel_loop3A_370 = arith.constant 0 : i32
          %parallel_loop3A_371 = arith.cmpi ne, %parallel_loop3A_369, %parallel_loop3A_370 : i32
          %parallel_loop3A_372 = arith.constant 0 : i32
          %parallel_loop3A_373 = arith.cmpi slt, %parallel_loop3A_369, %parallel_loop3A_372 : i32
          %parallel_loop3A_374 = arith.constant 0 : i32
          %parallel_loop3A_375 = arith.cmpi slt, %parallel_loop3A_368, %parallel_loop3A_374 : i32
          %parallel_loop3A_376 = arith.xori %parallel_loop3A_373, %parallel_loop3A_375 : i1
          %parallel_loop3A_377 = arith.andi %parallel_loop3A_376, %parallel_loop3A_371 : i1
          %parallel_loop3A_378 = arith.addi %parallel_loop3A_369, %parallel_loop3A_368 : i32
          %parallel_loop3A_379 = arith.select %parallel_loop3A_377, %parallel_loop3A_378, %parallel_loop3A_369 : i32
          %parallel_loop3A_380 = arith.constant 16 : i32
          %parallel_loop3A_381 = arith.muli %parallel_loop3A_379, %parallel_loop3A_380 : i32
          %parallel_loop3A_382 = arith.index_cast %parallel_loop3A_363 : i32 to index
          %parallel_loop3A_383 = arith.index_cast %parallel_loop3A_381 : i32 to index
          %parallel_loop3A_384 = tpu.vector_load %arg14[%parallel_loop3A_382, %parallel_loop3A_383] {strides = array<i32>} : memref<20x128xi32, #tpu.memory_space<vmem>>, vector<16xi32>,
          %parallel_loop3A_385 = arith.constant 10 : i32
          %parallel_loop3A_386 = arith.addi %parallel_loop3A_385, %parallel_loop3A_363 : i32
          %parallel_loop3A_387 = arith.index_cast %parallel_loop3A_386 : i32 to index
          %parallel_loop3A_388 = arith.index_cast %parallel_loop3A_381 : i32 to index
          %parallel_loop3A_389 = tpu.vector_load %arg14[%parallel_loop3A_387, %parallel_loop3A_388] {strides = array<i32>} : memref<20x128xi32, #tpu.memory_space<vmem>>, vector<16xi32>,
          %parallel_loop3A_390 = vector.bitcast %parallel_loop3A_389 : vector<16xi32> to vector<16xf32>
          %parallel_loop3A_391 = arith.constant 65535 : i32
          %parallel_loop3A_392 = vector.broadcast %parallel_loop3A_391 : i32 to vector<16xi32>
          %parallel_loop3A_393 = arith.andi %parallel_loop3A_384, %parallel_loop3A_392 : vector<16xi32>
          %parallel_loop3A_394 = arith.constant 16 : i32
          %parallel_loop3A_395 = vector.broadcast %parallel_loop3A_394 : i32 to vector<16xi32>
          %parallel_loop3A_396 = arith.shrui %parallel_loop3A_384, %parallel_loop3A_395 : vector<16xi32>
          %parallel_loop3A_397 = arith.constant 7 : i32
          %parallel_loop3A_398 = vector.broadcast %parallel_loop3A_397 : i32 to vector<16xi32>
          %parallel_loop3A_399 = arith.shrsi %parallel_loop3A_393, %parallel_loop3A_398 : vector<16xi32>
          %parallel_loop3A_400 = arith.constant 127 : i32
          %parallel_loop3A_401 = vector.broadcast %parallel_loop3A_400 : i32 to vector<16xi32>
          %parallel_loop3A_402 = arith.andi %parallel_loop3A_393, %parallel_loop3A_401 : vector<16xi32>
          %parallel_loop3A_403 = arith.constant 7 : i32
          %parallel_loop3A_404 = vector.broadcast %parallel_loop3A_403 : i32 to vector<16xi32>
          %parallel_loop3A_405 = arith.shrsi %parallel_loop3A_396, %parallel_loop3A_404 : vector<16xi32>
          %parallel_loop3A_406 = arith.constant 127 : i32
          %parallel_loop3A_407 = vector.broadcast %parallel_loop3A_406 : i32 to vector<16xi32>
          %parallel_loop3A_408 = arith.andi %parallel_loop3A_396, %parallel_loop3A_407 : vector<16xi32>
          %parallel_loop3A_409 = tpu.vector_load_idx %arg11[%parallel_loop3A_405, %parallel_loop3A_408] : memref<400x128xf32, #tpu.memory_space<vmem>>[vector<16xi32>, vector<16xi32>], vector<16xf32>,
          %parallel_loop3A_410 = tpu.vector_load_idx %arg11[%parallel_loop3A_399, %parallel_loop3A_402] : memref<400x128xf32, #tpu.memory_space<vmem>>[vector<16xi32>, vector<16xi32>], vector<16xf32>,
          %parallel_loop3A_411 = arith.mulf %parallel_loop3A_390, %parallel_loop3A_409 : vector<16xf32>
          tpu.vector_store_idx %arg12[%parallel_loop3A_399, %parallel_loop3A_402], %parallel_loop3A_411 {add = true} : memref<400x128xf32, #tpu.memory_space<vmem>>[vector<16xi32>, vector<16xi32>], vector<16xf32>,
          %parallel_loop3A_412 = arith.mulf %parallel_loop3A_390, %parallel_loop3A_410 : vector<16xf32>
          tpu.vector_store_idx %arg12[%parallel_loop3A_405, %parallel_loop3A_408], %parallel_loop3A_412 {add = true} : memref<400x128xf32, #tpu.memory_space<vmem>>[vector<16xi32>, vector<16xi32>], vector<16xf32>,
        } {sc.loop_unroll_factor = 4 : i64, sc.parallel_access}
      }
      %scan3A_180 = arith.constant 20 : i32
      %barrier3A_181 = arith.constant 0 : index
      tpu.barrier barrier_id(%barrier3A_181)
      %dma_start3A_182 = arith.constant 0 : i32
      %dma_start3A_183 = arith.constant 0 : i32
      %dma_start3A_184 = arith.constant 0 : i32
      %dma_start3A_185 = tpu.memref_slice %arg12[%dma_start3A_183, %dma_start3A_184] : memref<400x128xf32, #tpu.memory_space<vmem>> -> memref<80x128xf32, #tpu.memory_space<vmem>>
      %dma_start3A_186 = arith.constant 0 : i32
      %dma_start3A_187 = tpu.memref_slice %arg15[%dma_start3A_182, %dma_start3A_186] : memref<5x80xi32, #tpu.memory_space<vmem>> -> memref<1x80xi32, #tpu.memory_space<vmem>>
      %dma_start3A_188 = tpu.memref_squeeze %dma_start3A_187 : memref<1x80xi32, #tpu.memory_space<vmem>> -> memref<80xi32, #tpu.memory_space<vmem>>
      %dma_start3A_189 = arith.constant 0 : i32
      %dma_start3A_190 = arith.constant 0 : i32
      %dma_start3A_191 = tpu.memref_slice %arg25[%dma_start3A_189, %dma_start3A_190] : memref<400x128xf32, #tpu.memory_space<vmem_shared>> -> memref<400x128xf32, #tpu.memory_space<vmem_shared>>
      tpu.enqueue_indirect_dma source(%dma_start3A_185 : memref<80x128xf32, #tpu.memory_space<vmem>>) target(%dma_start3A_191 : memref<400x128xf32, #tpu.memory_space<vmem_shared>>) offsets(%dma_start3A_188 : memref<80xi32, #tpu.memory_space<vmem>>) semaphore(%arg24 : memref<!tpu.dma_semaphore, #tpu.memory_space<semaphore_mem>>) {add = true}
      %dma_start3A_192 = arith.constant 1 : i32
      %dma_start3A_193 = arith.constant 80 : i32
      %dma_start3A_194 = arith.constant 0 : i32
      %dma_start3A_195 = tpu.memref_slice %arg12[%dma_start3A_193, %dma_start3A_194] : memref<400x128xf32, #tpu.memory_space<vmem>> -> memref<80x128xf32, #tpu.memory_space<vmem>>
      %dma_start3A_196 = arith.constant 0 : i32
      %dma_start3A_197 = tpu.memref_slice %arg15[%dma_start3A_192, %dma_start3A_196] : memref<5x80xi32, #tpu.memory_space<vmem>> -> memref<1x80xi32, #tpu.memory_space<vmem>>
      %dma_start3A_198 = tpu.memref_squeeze %dma_start3A_197 : memref<1x80xi32, #tpu.memory_space<vmem>> -> memref<80xi32, #tpu.memory_space<vmem>>
      %dma_start3A_199 = arith.constant 0 : i32
      %dma_start3A_200 = arith.constant 0 : i32
      %dma_start3A_201 = tpu.memref_slice %arg25[%dma_start3A_199, %dma_start3A_200] : memref<400x128xf32, #tpu.memory_space<vmem_shared>> -> memref<400x128xf32, #tpu.memory_space<vmem_shared>>
      tpu.enqueue_indirect_dma source(%dma_start3A_195 : memref<80x128xf32, #tpu.memory_space<vmem>>) target(%dma_start3A_201 : memref<400x128xf32, #tpu.memory_space<vmem_shared>>) offsets(%dma_start3A_198 : memref<80xi32, #tpu.memory_space<vmem>>) semaphore(%arg24 : memref<!tpu.dma_semaphore, #tpu.memory_space<semaphore_mem>>) {add = true}
      %dma_start3A_202 = arith.constant 2 : i32
      %dma_start3A_203 = arith.constant 160 : i32
      %dma_start3A_204 = arith.constant 0 : i32
      %dma_start3A_205 = tpu.memref_slice %arg12[%dma_start3A_203, %dma_start3A_204] : memref<400x128xf32, #tpu.memory_space<vmem>> -> memref<80x128xf32, #tpu.memory_space<vmem>>
      %dma_start3A_206 = arith.constant 0 : i32
      %dma_start3A_207 = tpu.memref_slice %arg15[%dma_start3A_202, %dma_start3A_206] : memref<5x80xi32, #tpu.memory_space<vmem>> -> memref<1x80xi32, #tpu.memory_space<vmem>>
      %dma_start3A_208 = tpu.memref_squeeze %dma_start3A_207 : memref<1x80xi32, #tpu.memory_space<vmem>> -> memref<80xi32, #tpu.memory_space<vmem>>
      %dma_start3A_209 = arith.constant 0 : i32
      %dma_start3A_210 = arith.constant 0 : i32
      %dma_start3A_211 = tpu.memref_slice %arg25[%dma_start3A_209, %dma_start3A_210] : memref<400x128xf32, #tpu.memory_space<vmem_shared>> -> memref<400x128xf32, #tpu.memory_space<vmem_shared>>
      tpu.enqueue_indirect_dma source(%dma_start3A_205 : memref<80x128xf32, #tpu.memory_space<vmem>>) target(%dma_start3A_211 : memref<400x128xf32, #tpu.memory_space<vmem_shared>>) offsets(%dma_start3A_208 : memref<80xi32, #tpu.memory_space<vmem>>) semaphore(%arg24 : memref<!tpu.dma_semaphore, #tpu.memory_space<semaphore_mem>>) {add = true}
      %dma_start3A_212 = arith.constant 3 : i32
      %dma_start3A_213 = arith.constant 240 : i32
      %dma_start3A_214 = arith.constant 0 : i32
      %dma_start3A_215 = tpu.memref_slice %arg12[%dma_start3A_213, %dma_start3A_214] : memref<400x128xf32, #tpu.memory_space<vmem>> -> memref<80x128xf32, #tpu.memory_space<vmem>>
      %dma_start3A_216 = arith.constant 0 : i32
      %dma_start3A_217 = tpu.memref_slice %arg15[%dma_start3A_212, %dma_start3A_216] : memref<5x80xi32, #tpu.memory_space<vmem>> -> memref<1x80xi32, #tpu.memory_space<vmem>>
      %dma_start3A_218 = tpu.memref_squeeze %dma_start3A_217 : memref<1x80xi32, #tpu.memory_space<vmem>> -> memref<80xi32, #tpu.memory_space<vmem>>
      %dma_start3A_219 = arith.constant 0 : i32
      %dma_start3A_220 = arith.constant 0 : i32
      %dma_start3A_221 = tpu.memref_slice %arg25[%dma_start3A_219, %dma_start3A_220] : memref<400x128xf32, #tpu.memory_space<vmem_shared>> -> memref<400x128xf32, #tpu.memory_space<vmem_shared>>
      tpu.enqueue_indirect_dma source(%dma_start3A_215 : memref<80x128xf32, #tpu.memory_space<vmem>>) target(%dma_start3A_221 : memref<400x128xf32, #tpu.memory_space<vmem_shared>>) offsets(%dma_start3A_218 : memref<80xi32, #tpu.memory_space<vmem>>) semaphore(%arg24 : memref<!tpu.dma_semaphore, #tpu.memory_space<semaphore_mem>>) {add = true}
      %dma_start3A_222 = arith.constant 4 : i32
      %dma_start3A_223 = arith.constant 320 : i32
      %dma_start3A_224 = arith.constant 0 : i32
      %dma_start3A_225 = tpu.memref_slice %arg12[%dma_start3A_223, %dma_start3A_224] : memref<400x128xf32, #tpu.memory_space<vmem>> -> memref<80x128xf32, #tpu.memory_space<vmem>>
      %dma_start3A_226 = arith.constant 0 : i32
      %dma_start3A_227 = tpu.memref_slice %arg15[%dma_start3A_222, %dma_start3A_226] : memref<5x80xi32, #tpu.memory_space<vmem>> -> memref<1x80xi32, #tpu.memory_space<vmem>>
      %dma_start3A_228 = tpu.memref_squeeze %dma_start3A_227 : memref<1x80xi32, #tpu.memory_space<vmem>> -> memref<80xi32, #tpu.memory_space<vmem>>
      %dma_start3A_229 = arith.constant 0 : i32
      %dma_start3A_230 = arith.constant 0 : i32
      %dma_start3A_231 = tpu.memref_slice %arg25[%dma_start3A_229, %dma_start3A_230] : memref<400x128xf32, #tpu.memory_space<vmem_shared>> -> memref<400x128xf32, #tpu.memory_space<vmem_shared>>
      tpu.enqueue_indirect_dma source(%dma_start3A_225 : memref<80x128xf32, #tpu.memory_space<vmem>>) target(%dma_start3A_231 : memref<400x128xf32, #tpu.memory_space<vmem_shared>>) offsets(%dma_start3A_228 : memref<80xi32, #tpu.memory_space<vmem>>) semaphore(%arg24 : memref<!tpu.dma_semaphore, #tpu.memory_space<semaphore_mem>>) {add = true}
      %dma_wait3A_232 = arith.constant 0 : i32
      %dma_wait3A_233 = arith.constant 0 : i32
      %dma_wait3A_234 = arith.constant 0 : i32
      %dma_wait3A_235 = tpu.memref_slice %arg12[%dma_wait3A_233, %dma_wait3A_234] : memref<400x128xf32, #tpu.memory_space<vmem>> -> memref<80x128xf32, #tpu.memory_space<vmem>>
      %dma_wait3A_236 = arith.constant 0 : i32
      %dma_wait3A_237 = tpu.memref_slice %arg15[%dma_wait3A_232, %dma_wait3A_236] : memref<5x80xi32, #tpu.memory_space<vmem>> -> memref<1x80xi32, #tpu.memory_space<vmem>>
      %dma_wait3A_238 = tpu.memref_squeeze %dma_wait3A_237 : memref<1x80xi32, #tpu.memory_space<vmem>> -> memref<80xi32, #tpu.memory_space<vmem>>
      %dma_wait3A_239 = arith.constant 0 : i32
      %dma_wait3A_240 = arith.constant 0 : i32
      %dma_wait3A_241 = tpu.memref_slice %arg25[%dma_wait3A_239, %dma_wait3A_240] : memref<400x128xf32, #tpu.memory_space<vmem_shared>> -> memref<400x128xf32, #tpu.memory_space<vmem_shared>>
      tpu.wait_indirect_dma semaphore(%arg24 : memref<!tpu.dma_semaphore, #tpu.memory_space<semaphore_mem>>) src(%dma_wait3A_235 : memref<80x128xf32, #tpu.memory_space<vmem>>) dst(%dma_wait3A_241 : memref<400x128xf32, #tpu.memory_space<vmem_shared>>)
      %dma_wait3A_242 = arith.constant 1 : i32
      %dma_wait3A_243 = arith.constant 80 : i32
      %dma_wait3A_244 = arith.constant 0 : i32
      %dma_wait3A_245 = tpu.memref_slice %arg12[%dma_wait3A_243, %dma_wait3A_244] : memref<400x128xf32, #tpu.memory_space<vmem>> -> memref<80x128xf32, #tpu.memory_space<vmem>>
      %dma_wait3A_246 = arith.constant 0 : i32
      %dma_wait3A_247 = tpu.memref_slice %arg15[%dma_wait3A_242, %dma_wait3A_246] : memref<5x80xi32, #tpu.memory_space<vmem>> -> memref<1x80xi32, #tpu.memory_space<vmem>>
      %dma_wait3A_248 = tpu.memref_squeeze %dma_wait3A_247 : memref<1x80xi32, #tpu.memory_space<vmem>> -> memref<80xi32, #tpu.memory_space<vmem>>
      %dma_wait3A_249 = arith.constant 0 : i32
      %dma_wait3A_250 = arith.constant 0 : i32
      %dma_wait3A_251 = tpu.memref_slice %arg25[%dma_wait3A_249, %dma_wait3A_250] : memref<400x128xf32, #tpu.memory_space<vmem_shared>> -> memref<400x128xf32, #tpu.memory_space<vmem_shared>>
      tpu.wait_indirect_dma semaphore(%arg24 : memref<!tpu.dma_semaphore, #tpu.memory_space<semaphore_mem>>) src(%dma_wait3A_245 : memref<80x128xf32, #tpu.memory_space<vmem>>) dst(%dma_wait3A_251 : memref<400x128xf32, #tpu.memory_space<vmem_shared>>)
      %dma_wait3A_252 = arith.constant 2 : i32
      %dma_wait3A_253 = arith.constant 160 : i32
      %dma_wait3A_254 = arith.constant 0 : i32
      %dma_wait3A_255 = tpu.memref_slice %arg12[%dma_wait3A_253, %dma_wait3A_254] : memref<400x128xf32, #tpu.memory_space<vmem>> -> memref<80x128xf32, #tpu.memory_space<vmem>>
      %dma_wait3A_256 = arith.constant 0 : i32
      %dma_wait3A_257 = tpu.memref_slice %arg15[%dma_wait3A_252, %dma_wait3A_256] : memref<5x80xi32, #tpu.memory_space<vmem>> -> memref<1x80xi32, #tpu.memory_space<vmem>>
      %dma_wait3A_258 = tpu.memref_squeeze %dma_wait3A_257 : memref<1x80xi32, #tpu.memory_space<vmem>> -> memref<80xi32, #tpu.memory_space<vmem>>
      %dma_wait3A_259 = arith.constant 0 : i32
      %dma_wait3A_260 = arith.constant 0 : i32
      %dma_wait3A_261 = tpu.memref_slice %arg25[%dma_wait3A_259, %dma_wait3A_260] : memref<400x128xf32, #tpu.memory_space<vmem_shared>> -> memref<400x128xf32, #tpu.memory_space<vmem_shared>>
      tpu.wait_indirect_dma semaphore(%arg24 : memref<!tpu.dma_semaphore, #tpu.memory_space<semaphore_mem>>) src(%dma_wait3A_255 : memref<80x128xf32, #tpu.memory_space<vmem>>) dst(%dma_wait3A_261 : memref<400x128xf32, #tpu.memory_space<vmem_shared>>)
      %dma_wait3A_262 = arith.constant 3 : i32
      %dma_wait3A_263 = arith.constant 240 : i32
      %dma_wait3A_264 = arith.constant 0 : i32
      %dma_wait3A_265 = tpu.memref_slice %arg12[%dma_wait3A_263, %dma_wait3A_264] : memref<400x128xf32, #tpu.memory_space<vmem>> -> memref<80x128xf32, #tpu.memory_space<vmem>>
      %dma_wait3A_266 = arith.constant 0 : i32
      %dma_wait3A_267 = tpu.memref_slice %arg15[%dma_wait3A_262, %dma_wait3A_266] : memref<5x80xi32, #tpu.memory_space<vmem>> -> memref<1x80xi32, #tpu.memory_space<vmem>>
      %dma_wait3A_268 = tpu.memref_squeeze %dma_wait3A_267 : memref<1x80xi32, #tpu.memory_space<vmem>> -> memref<80xi32, #tpu.memory_space<vmem>>
      %dma_wait3A_269 = arith.constant 0 : i32
      %dma_wait3A_270 = arith.constant 0 : i32
      %dma_wait3A_271 = tpu.memref_slice %arg25[%dma_wait3A_269, %dma_wait3A_270] : memref<400x128xf32, #tpu.memory_space<vmem_shared>> -> memref<400x128xf32, #tpu.memory_space<vmem_shared>>
      tpu.wait_indirect_dma semaphore(%arg24 : memref<!tpu.dma_semaphore, #tpu.memory_space<semaphore_mem>>) src(%dma_wait3A_265 : memref<80x128xf32, #tpu.memory_space<vmem>>) dst(%dma_wait3A_271 : memref<400x128xf32, #tpu.memory_space<vmem_shared>>)
      %dma_wait3A_272 = arith.constant 4 : i32
      %dma_wait3A_273 = arith.constant 320 : i32
      %dma_wait3A_274 = arith.constant 0 : i32
      %dma_wait3A_275 = tpu.memref_slice %arg12[%dma_wait3A_273, %dma_wait3A_274] : memref<400x128xf32, #tpu.memory_space<vmem>> -> memref<80x128xf32, #tpu.memory_space<vmem>>
      %dma_wait3A_276 = arith.constant 0 : i32
      %dma_wait3A_277 = tpu.memref_slice %arg15[%dma_wait3A_272, %dma_wait3A_276] : memref<5x80xi32, #tpu.memory_space<vmem>> -> memref<1x80xi32, #tpu.memory_space<vmem>>
      %dma_wait3A_278 = tpu.memref_squeeze %dma_wait3A_277 : memref<1x80xi32, #tpu.memory_space<vmem>> -> memref<80xi32, #tpu.memory_space<vmem>>
      %dma_wait3A_279 = arith.constant 0 : i32
      %dma_wait3A_280 = arith.constant 0 : i32
      %dma_wait3A_281 = tpu.memref_slice %arg25[%dma_wait3A_279, %dma_wait3A_280] : memref<400x128xf32, #tpu.memory_space<vmem_shared>> -> memref<400x128xf32, #tpu.memory_space<vmem_shared>>
      tpu.wait_indirect_dma semaphore(%arg24 : memref<!tpu.dma_semaphore, #tpu.memory_space<semaphore_mem>>) src(%dma_wait3A_275 : memref<80x128xf32, #tpu.memory_space<vmem>>) dst(%dma_wait3A_281 : memref<400x128xf32, #tpu.memory_space<vmem_shared>>)
      tpu.enqueue_dma source(%arg6 : memref<400x128xf32, #tpu.memory_space<hbm>>) target(%arg12 : memref<400x128xf32, #tpu.memory_space<vmem>>) target_semaphore(%arg23 : memref<!tpu.dma_semaphore, #tpu.memory_space<semaphore_mem>>)
      %barrier3A_282 = arith.constant 0 : index
      tpu.barrier barrier_id(%barrier3A_282)
      "tpu.region"() ({
        %run_scoped3A_288 = tpu.sem_alloc : memref<!tpu.dma_semaphore, #tpu.memory_space<semaphore_mem>>
        %dma_start3A_289 = arith.constant 0 : i32
        %dma_start3A_290 = arith.constant 0 : i32
        %dma_start3A_291 = tpu.memref_slice %arg25[%dma_start3A_289, %dma_start3A_290] : memref<400x128xf32, #tpu.memory_space<vmem_shared>> -> memref<400x128xf32, #tpu.memory_space<vmem_shared>>
        tpu.enqueue_indirect_dma source(%dma_start3A_291 : memref<400x128xf32, #tpu.memory_space<vmem_shared>>) target(%arg20 : memref<25x128xf32, #tpu.memory_space<vmem>>) offsets(%arg16 : memref<25xi32, #tpu.memory_space<vmem>>) semaphore(%run_scoped3A_288 : memref<!tpu.dma_semaphore, #tpu.memory_space<semaphore_mem>>)
        %dma_wait3A_292 = arith.constant 0 : i32
        %dma_wait3A_293 = arith.constant 0 : i32
        %dma_wait3A_294 = tpu.memref_slice %arg25[%dma_wait3A_292, %dma_wait3A_293] : memref<400x128xf32, #tpu.memory_space<vmem_shared>> -> memref<400x128xf32, #tpu.memory_space<vmem_shared>>
        tpu.wait_indirect_dma semaphore(%run_scoped3A_288 : memref<!tpu.dma_semaphore, #tpu.memory_space<semaphore_mem>>) src(%dma_wait3A_294 : memref<400x128xf32, #tpu.memory_space<vmem_shared>>) dst(%arg20 : memref<25x128xf32, #tpu.memory_space<vmem>>)
        tpu.yield
      }) : () -> ()
      "tpu.region"() ({
        %run_scoped3A_288 = tpu.sem_alloc : memref<!tpu.dma_semaphore, #tpu.memory_space<semaphore_mem>>
        %dma_start3A_289 = arith.constant 0 : i32
        %dma_start3A_290 = arith.constant 0 : i32
        %dma_start3A_291 = tpu.memref_slice %arg3[%add3A_147, %arg1, %dma_start3A_289, %dma_start3A_290] : memref<3x16x25x128xf32, #tpu.memory_space<hbm>> -> memref<1x1x25x128xf32, #tpu.memory_space<hbm>>
        %dma_start3A_292 = tpu.memref_squeeze %dma_start3A_291 : memref<1x1x25x128xf32, #tpu.memory_space<hbm>> -> memref<25x128xf32, #tpu.memory_space<hbm>>
        %dma_start3A_293 = arith.constant 0 : i32
        %dma_start3A_294 = arith.constant 0 : i32
        %dma_start3A_295 = tpu.memref_slice %arg3[%add3A_147, %arg1, %dma_start3A_293, %dma_start3A_294] : memref<3x16x25x128xf32, #tpu.memory_space<hbm>> -> memref<1x1x25x128xf32, #tpu.memory_space<hbm>>
        %dma_start3A_296 = tpu.memref_squeeze %dma_start3A_295 : memref<1x1x25x128xf32, #tpu.memory_space<hbm>> -> memref<25x128xf32, #tpu.memory_space<hbm>>
        tpu.enqueue_dma source(%dma_start3A_296 : memref<25x128xf32, #tpu.memory_space<hbm>>) target(%arg19 : memref<25x128xf32, #tpu.memory_space<vmem>>) target_semaphore(%run_scoped3A_288 : memref<!tpu.dma_semaphore, #tpu.memory_space<semaphore_mem>>)
        %dma_wait3A_297 = arith.constant 0 : i32
        %dma_wait3A_298 = arith.constant 0 : i32
        %dma_wait3A_299 = tpu.memref_slice %arg3[%add3A_147, %arg1, %dma_wait3A_297, %dma_wait3A_298] : memref<3x16x25x128xf32, #tpu.memory_space<hbm>> -> memref<1x1x25x128xf32, #tpu.memory_space<hbm>>
        %dma_wait3A_300 = tpu.memref_squeeze %dma_wait3A_299 : memref<1x1x25x128xf32, #tpu.memory_space<hbm>> -> memref<25x128xf32, #tpu.memory_space<hbm>>
        %dma_wait3A_301 = arith.constant 0 : i32
        %dma_wait3A_302 = arith.constant 0 : i32
        %dma_wait3A_303 = tpu.memref_slice %arg3[%add3A_147, %arg1, %dma_wait3A_301, %dma_wait3A_302] : memref<3x16x25x128xf32, #tpu.memory_space<hbm>> -> memref<1x1x25x128xf32, #tpu.memory_space<hbm>>
        %dma_wait3A_304 = tpu.memref_squeeze %dma_wait3A_303 : memref<1x1x25x128xf32, #tpu.memory_space<hbm>> -> memref<25x128xf32, #tpu.memory_space<hbm>>
        tpu.wait_dma2 semaphore(%run_scoped3A_288 : memref<!tpu.dma_semaphore, #tpu.memory_space<semaphore_mem>>) src(%dma_wait3A_304 : memref<25x128xf32, #tpu.memory_space<hbm>>) dst(%arg19 : memref<25x128xf32, #tpu.memory_space<vmem>>)
        tpu.yield
      }) : () -> ()
      %scan3A_283 = arith.constant 0 : i32
      %scan3A_284 = arith.constant 200 : i32
      %scan3A_285 = arith.addi %scan3A_283, %scan3A_284 : i32
      %scan3A_286 = arith.constant 1 : i32
      scf.for %scan3A_288 = %scan3A_283 to %scan3A_285 step %scan3A_286  : i32 {
        %jit3A = arith.constant 8 : i32
        %div3A = arith.divsi %scan3A_288, %jit3A : i32
        %sign3A = arith.constant 0 : i32
        %sign3A_289 = arith.cmpi sgt, %scan3A_288, %sign3A : i32
        %sign3A_290 = arith.extui %sign3A_289 : i1 to i32
        %sign3A_291 = arith.constant 0 : i32
        %sign3A_292 = arith.cmpi slt, %scan3A_288, %sign3A_291 : i32
        %sign3A_293 = arith.extui %sign3A_292 : i1 to i32
        %sign3A_294 = arith.subi %sign3A_290, %sign3A_293 : i32
        %sign3A_295 = arith.constant 0 : i32
        %sign3A_296 = arith.cmpi sgt, %jit3A, %sign3A_295 : i32
        %sign3A_297 = arith.extui %sign3A_296 : i1 to i32
        %sign3A_298 = arith.constant 0 : i32
        %sign3A_299 = arith.cmpi slt, %jit3A, %sign3A_298 : i32
        %sign3A_300 = arith.extui %sign3A_299 : i1 to i32
        %sign3A_301 = arith.subi %sign3A_297, %sign3A_300 : i32
        %ne3A = arith.cmpi ne, %sign3A_294, %sign3A_301 : i32
        %rem3A = arith.remsi %scan3A_288, %jit3A : i32
        %ne3A_302 = arith.constant 0 : i32
        %ne3A_303 = arith.cmpi ne, %rem3A, %ne3A_302 : i32
        %and3A = arith.andi %ne3A, %ne3A_303 : i1
        %sub3A = arith.constant 1 : i32
        %sub3A_304 = arith.subi %div3A, %sub3A : i32
        %select_n3A = arith.select %and3A, %sub3A_304, %div3A : i32
        %jit3A_305 = arith.constant 8 : i32
        %eq3A = arith.constant 0 : i32
        %eq3A_306 = arith.cmpi eq, %jit3A_305, %eq3A : i32
        %jit3A_307 = arith.constant 1 : i32
        %select_n3A_308 = arith.select %eq3A_306, %jit3A_307, %jit3A_305 : i32
        %rem3A_309 = arith.remsi %scan3A_288, %select_n3A_308 : i32
        %ne3A_310 = arith.constant 0 : i32
        %ne3A_311 = arith.cmpi ne, %rem3A_309, %ne3A_310 : i32
        %lt3A = arith.constant 0 : i32
        %lt3A_312 = arith.cmpi slt, %rem3A_309, %lt3A : i32
        %lt3A_313 = arith.constant 0 : i32
        %lt3A_314 = arith.cmpi slt, %select_n3A_308, %lt3A_313 : i32
        %ne3A_315 = arith.xori %lt3A_312, %lt3A_314 : i1
        %and3A_316 = arith.andi %ne3A_315, %ne3A_311 : i1
        %add3A_317 = arith.addi %rem3A_309, %select_n3A_308 : i32
        %select_n3A_318 = arith.select %and3A_316, %add3A_317, %rem3A_309 : i32
        %mul3A_319 = arith.constant 16 : i32
        %mul3A_320 = arith.muli %select_n3A_318, %mul3A_319 : i32
        %add3A_321 = arith.addi %mul3A_0, %select_n3A : i32
        %get3A = arith.index_cast %add3A_321 : i32 to index
        %get3A_322 = arith.index_cast %mul3A_320 : i32 to index
        %get3A_323 = tpu.vector_load %arg11[%get3A, %get3A_322] {strides = array<i32>} : memref<400x128xf32, #tpu.memory_space<vmem>>, vector<16xf32>,
        %get3A_324 = arith.index_cast %select_n3A : i32 to index
        %get3A_325 = arith.index_cast %mul3A_320 : i32 to index
        %get3A_326 = tpu.vector_load %arg19[%get3A_324, %get3A_325] {strides = array<i32>} : memref<25x128xf32, #tpu.memory_space<vmem>>, vector<16xf32>,
        %get3A_327 = arith.index_cast %select_n3A : i32 to index
        %get3A_328 = arith.index_cast %mul3A_320 : i32 to index
        %get3A_329 = tpu.vector_load %arg20[%get3A_327, %get3A_328] {strides = array<i32>} : memref<25x128xf32, #tpu.memory_space<vmem>>, vector<16xf32>,
        %add3A_330 = arith.addf %get3A_326, %get3A_329 : vector<16xf32>
        %get3A_331 = arith.index_cast %select_n3A : i32 to index
        %get3A_332 = arith.index_cast %mul3A_320 : i32 to index
        %get3A_333 = tpu.vector_load %arg17[%get3A_331, %get3A_332] {strides = array<i32>} : memref<25x128xf32, #tpu.memory_space<vmem>>, vector<16xf32>,
        %mul3A_334 = arith.mulf %get3A_333, %get3A_323 : vector<16xf32>
        %sub3A_335 = arith.subf %add3A_330, %mul3A_334 : vector<16xf32>
        %swap3A = arith.index_cast %select_n3A : i32 to index
        %swap3A_336 = arith.index_cast %mul3A_320 : i32 to index
        %swap3A_337 = tpu.vector_load %arg20[%swap3A, %swap3A_336] {strides = array<i32>} : memref<25x128xf32, #tpu.memory_space<vmem>>, vector<16xf32>,
        tpu.vector_store %arg20[%swap3A, %swap3A_336], %sub3A_335 {strides = array<i32>} : memref<25x128xf32, #tpu.memory_space<vmem>>, vector<16xf32>,
      }
      %scan3A_287 = arith.constant 200 : i32
      "tpu.region"() ({
        %run_scoped3A_288 = tpu.sem_alloc : memref<!tpu.dma_semaphore, #tpu.memory_space<semaphore_mem>>
        %dma_start3A_289 = arith.constant 0 : i32
        %dma_start3A_290 = arith.constant 0 : i32
        %dma_start3A_291 = tpu.memref_slice %arg10[%add3A_147, %arg1, %dma_start3A_289, %dma_start3A_290] : memref<3x16x25x128xf32, #tpu.memory_space<hbm>> -> memref<1x1x25x128xf32, #tpu.memory_space<hbm>>
        %dma_start3A_292 = tpu.memref_squeeze %dma_start3A_291 : memref<1x1x25x128xf32, #tpu.memory_space<hbm>> -> memref<25x128xf32, #tpu.memory_space<hbm>>
        %dma_start3A_293 = arith.constant 0 : i32
        %dma_start3A_294 = arith.constant 0 : i32
        %dma_start3A_295 = tpu.memref_slice %arg10[%add3A_147, %arg1, %dma_start3A_293, %dma_start3A_294] : memref<3x16x25x128xf32, #tpu.memory_space<hbm>> -> memref<1x1x25x128xf32, #tpu.memory_space<hbm>>
        %dma_start3A_296 = tpu.memref_squeeze %dma_start3A_295 : memref<1x1x25x128xf32, #tpu.memory_space<hbm>> -> memref<25x128xf32, #tpu.memory_space<hbm>>
        tpu.enqueue_dma source(%arg20 : memref<25x128xf32, #tpu.memory_space<vmem>>) target(%dma_start3A_296 : memref<25x128xf32, #tpu.memory_space<hbm>>) target_semaphore(%run_scoped3A_288 : memref<!tpu.dma_semaphore, #tpu.memory_space<semaphore_mem>>)
        %dma_wait3A_297 = arith.constant 0 : i32
        %dma_wait3A_298 = arith.constant 0 : i32
        %dma_wait3A_299 = tpu.memref_slice %arg10[%add3A_147, %arg1, %dma_wait3A_297, %dma_wait3A_298] : memref<3x16x25x128xf32, #tpu.memory_space<hbm>> -> memref<1x1x25x128xf32, #tpu.memory_space<hbm>>
        %dma_wait3A_300 = tpu.memref_squeeze %dma_wait3A_299 : memref<1x1x25x128xf32, #tpu.memory_space<hbm>> -> memref<25x128xf32, #tpu.memory_space<hbm>>
        %dma_wait3A_301 = arith.constant 0 : i32
        %dma_wait3A_302 = arith.constant 0 : i32
        %dma_wait3A_303 = tpu.memref_slice %arg10[%add3A_147, %arg1, %dma_wait3A_301, %dma_wait3A_302] : memref<3x16x25x128xf32, #tpu.memory_space<hbm>> -> memref<1x1x25x128xf32, #tpu.memory_space<hbm>>
        %dma_wait3A_304 = tpu.memref_squeeze %dma_wait3A_303 : memref<1x1x25x128xf32, #tpu.memory_space<hbm>> -> memref<25x128xf32, #tpu.memory_space<hbm>>
        tpu.wait_dma2 semaphore(%run_scoped3A_288 : memref<!tpu.dma_semaphore, #tpu.memory_space<semaphore_mem>>) src(%arg20 : memref<25x128xf32, #tpu.memory_space<vmem>>) dst(%dma_wait3A_304 : memref<25x128xf32, #tpu.memory_space<hbm>>)
        tpu.yield
      }) : () -> ()
    } else {
    }
    tpu.wait_dma2 semaphore(%arg23 : memref<!tpu.dma_semaphore, #tpu.memory_space<semaphore_mem>>) src(%arg6 : memref<400x128xf32, #tpu.memory_space<hbm>>) dst(%arg12 : memref<400x128xf32, #tpu.memory_space<vmem>>)
    return
  }
}

</mosaic_0001>

<sc_bundles>
// kernel: _fd_solve.3.cloned.1.call-start
scs
__scs_entry_jumppad:
0x0: {  	(pc) =	sbr.rel $0x88, $3  }
0x1: {  	(tag) =	ssettag $0x0;
	lr =	simm.s32 $0x1  }
0x2: {  	[smem:$0x3F9A] =	sst lr;
	_ =	strace $0xD0000000  }
0x3: {  	_ = 	snop  }
0x4: {  	_ = 	snop  }
0x5: {  	_ = 	snop  }
0x6: {  	_ = 	snop  }
0x7: {  	_ = 	snop  }
__scs_overlays_trampoline_lowered:
0x8: {  	[smem:$0x3FA9] =	sst s0  }
0x9: {  	[smem:$0x3FAA] =	sst s1  }
0xa: {  	[smem:$0x3FAB] =	sst s2  }
0xb: {  	[smem:$0x3FAC] =	sst s3  }
0xc: {  	[smem:$0x3FAD] =	sst s4  }
0xd: {  	[smem:$0x3FAE] =	sst s5  }
0xe: {  	[smem:$0x3FAF] =	sst s6  }
0xf: {  	[smem:$0x3FB0] =	sst s7  }
0x10: {  	[smem:$0x3FB1] =	sst s8  }
0x11: {  	[smem:$0x3FB2] =	sst s9;
	s0 =	simm.s32 @!p0 $0x0  }
0x12: {  	s1 =	sld [smem:$0x3F98];
	s0 =	simm.s32 @p0 $0x1  }
0x13: {  	[smem:$0x3FB3] =	sst s0;
	s0 =	simm.s32 @!p1 $0x0  }
0x14: {  	s2 =	sld [smem:$0x3F97];
	s0 =	simm.s32 @p1 $0x1  }
0x15: {  	[smem:$0x3FB4] =	sst s0;
	s0 =	simm.s32 @!p2 $0x0  }
0x16: {  	s3 =	sld [smem:$0x3FDB];
	s0 =	simm.s32 @p2 $0x1  }
0x17: {  	s4 =	simm.s32 $0x1BF5;
	[smem:$0x3FB6] =	sst s0  }
0x18: {  	s0 =	sld [smem:$0x3F99];
	_ =	swait.ge [sflag:s4], $0x0  }
0x19: {  	s7 =	sld [smem:$0x3F9A]  }
0x1a: {  	s8 =	sadd.s32 $0xFFFFE003, lr  }
0x1b: {  	s9 =	sadd.s32 $0xFFFFFEF7, lr;
	s5 =	simm.s32 $0xFFFFFFFF;
	p2 =	slt.u32 s8, $0xFFFFF086  }
0x1c: {  	p1 =	slt.u32 s9, $0xF7A;
	s5 =	simm.s32 @!p2 $0x0  }
0x1d: {  	s5 =	simm.s32 @p1 $0x1;
	p0 =	seq.s32 s7, s2  }
0x1e: {  	s7 =	smul.u32 @!p0 $0xF7A, s2;
	p2 =	seq.s32 @!p0 s5, $0x0  }
0x1f: {  	s9 =	smul.u32 $0xF7A, s1;
	s8 =	simm.s32 @!p0 $0x1BF5;
	p2 =	por !p2, p0  }
0x20: {  	[sflag:s8] =	ssyncset.s32 @!p0 $0xFFFFF086;
	s6 =	sadd.s32 @!p0 s3, s7;
	s7 =	simm.s32 @!p0 $0x108  }
0x21: {  	s3 =	sadd.s32 s3, s9;
	s6 =	sadd.s32 @!p0 $0x88, s6;
	s7 =	simm.s32 @p2 $0x1082  }
0x22: {  	[simem:s7], [sflag:s8] =	dma.local @!p0 [hbm:s6], $0xF7A  }
0x23: {  	s9 =	sor.u32 $0xD0000000, s2;
	s6 =	simm.s32 $0x108;
	_ =	swait.ge @!p0 [sflag:s8], $0x0  }
0x24: {  	s3 =	sadd.s32 $0x88, s3;
	s6 =	simm.s32 @!p1 $0x1082;
	[sflag:s4] =	ssyncset.s32 $0xFFFFF086  }
0x25: {  	[simem:s6], [sflag:s4] =	dma.local [hbm:s3], $0xF7A  }
0x26: {  	[smem:$0x3F9A] =	sst s1;
	(tag) =	ssettag s2;
	_ =	strace s9  }
0x27: {  	s1 =	sld [smem:$0x3FAA]  }
0x28: {  	s2 =	sld [smem:$0x3FAB]  }
0x29: {  	s4 =	sld [smem:$0x3FAD]  }
0x2a: {  	p0 =	seq.s32 s5, $0x0;
	s5 =	sld [smem:$0x3FAE]  }
0x2b: {  	s6 =	sld [smem:$0x3FAF]  }
0x2c: {  	s7 =	sld [smem:$0x3FB0]  }
0x2d: {  	s3 =	simm.s32 $0x108;
	s8 =	sld [smem:$0x3FB1]  }
0x2e: {  	s3 =	simm.s32 @!p0 $0x1082;
	s9 =	sld [smem:$0x3FB2]  }
0x2f: {  	lr =	sadd.s32 s0, s3;
	s0 =	sld [smem:$0x3FA9]  }
0x30: {  	s3 =	sld [smem:$0x3FAC]  }
0x31: {  	[smem:$0x3FB5] =	sst s10  }
0x32: {  	s10 =	sld [smem:$0x3FB3];
	_ =	sdelay $0x3  }
0x33: {  	p0 =	seq.s32 s10, $0x1;
	s10 =	sld [smem:$0x3FB5];
	_ =	sdelay $0x3  }
0x34: {  	[smem:$0x3FB5] =	sst s10  }
0x35: {  	s10 =	sld [smem:$0x3FB4];
	_ =	sdelay $0x3  }
0x36: {  	p1 =	seq.s32 s10, $0x1;
	s10 =	sld [smem:$0x3FB5];
	_ =	sdelay $0x3  }
0x37: {  	[smem:$0x3FB5] =	sst s10  }
0x38: {  	s10 =	sld [smem:$0x3FB6]  }
0x39: {  	_ = 	snop;
	(pc) =	sbr.ind lr, $3  }
0x3a: {  	_ = 	snop  }
0x3b: {  	_ = 	snop  }
0x3c: {  	p2 =	seq.s32 s10, $0x1;
	s10 =	sld [smem:$0x3FB5]  }
0x3d: {  	_ =	shalt  }
0x3e: {  	_ =	shalt  }
0x3f: {  	_ =	shalt  }
0x40: {  	_ =	shalt  }
0x41: {  	_ =	shalt  }
0x42: {  	_ =	shalt  }
0x43: {  	_ =	shalt  }
0x44: {  	_ =	shalt  }
0x45: {  	_ =	shalt  }
0x46: {  	_ =	shalt  }
0x47: {  	_ =	shalt  }
0x48: {  	_ =	shalt  }
0x49: {  	_ =	shalt  }
0x4a: {  	_ =	shalt  }
0x4b: {  	_ =	shalt  }
0x4c: {  	_ =	shalt  }
0x4d: {  	_ =	shalt  }
0x4e: {  	_ =	shalt  }
0x4f: {  	_ =	shalt  }
0x50: {  	_ =	shalt  }
0x51: {  	_ =	shalt  }
0x52: {  	_ =	shalt  }
0x53: {  	_ =	shalt  }
0x54: {  	_ =	shalt  }
0x55: {  	_ =	shalt  }
0x56: {  	_ =	shalt  }
0x57: {  	_ =	shalt  }
0x58: {  	_ =	shalt  }
0x59: {  	_ =	shalt  }
0x5a: {  	_ =	shalt  }
0x5b: {  	_ =	shalt  }
0x5c: {  	_ =	shalt  }
0x5d: {  	_ =	shalt  }
0x5e: {  	_ =	shalt  }
0x5f: {  	_ =	shalt  }
0x60: {  	_ =	shalt  }
0x61: {  	_ =	shalt  }
0x62: {  	_ =	shalt  }
0x63: {  	_ =	shalt  }
0x64: {  	_ =	shalt  }
0x65: {  	_ =	shalt  }
0x66: {  	_ =	shalt  }
0x67: {  	_ =	shalt  }
0x68: {  	_ =	shalt  }
0x69: {  	_ =	shalt  }
0x6a: {  	_ =	shalt  }
0x6b: {  	_ =	shalt  }
0x6c: {  	_ =	shalt  }
0x6d: {  	_ =	shalt  }
0x6e: {  	_ =	shalt  }
0x6f: {  	_ =	shalt  }
0x70: {  	_ =	shalt  }
0x71: {  	_ =	shalt  }
0x72: {  	_ =	shalt  }
0x73: {  	_ =	shalt  }
0x74: {  	_ =	shalt  }
0x75: {  	_ =	shalt  }
0x76: {  	_ =	shalt  }
0x77: {  	_ =	shalt  }
0x78: {  	_ =	shalt  }
0x79: {  	_ =	shalt  }
0x7a: {  	_ =	shalt  }
0x7b: {  	_ =	shalt  }
0x7c: {  	_ =	shalt  }
0x7d: {  	_ =	shalt  }
0x7e: {  	_ =	shalt  }
0x7f: {  	_ =	shalt  }
0x80: {  	_ =	shalt  }
0x81: {  	_ =	shalt  }
0x82: {  	_ =	shalt  }
0x83: {  	_ =	shalt  }
0x84: {  	_ =	shalt  }
0x85: {  	_ =	shalt  }
0x86: {  	_ =	shalt  }
0x87: {  	_ =	shalt  }
.Lfunc_end0:
.L_simem_size_0:
called_computation_lowered:
.L_overlay_start_0:
0x88: {  	s2 =	sld [smem:$0x3FD9]  }
0x89: {  	s3 =	sld [smem:$0x3FFE];
	_ =	sdelay $0x1  }
0x8a: {  	s1 =	srdreg.scid  }
0x8b: {  	s0 =	sand.u32 $0x1, s1  }
0x8c: {  	s17 =	sshll.u32 s0, $0xA;
	s2 =	sadd.s32 s3, s2  }
0x8d: {  	s2 =	sadd.s32 s2, s17  }
0x8e: {  	[smem:$0x3FC1] =	sst s2  }
0x8f: {  	_ = 	snop  }
0x90: {  	s2 =	sld [smem:$0x3FC9]  }
0x91: {  	s18 =	sld [smem:$0x3FC6]  }
0x92: {  	s4 =	sld [smem:$0x3FC5]  }
0x93: {  	s5 =	sld [smem:$0x3FC4]  }
0x94: {  	s6 =	sld [smem:$0x3FC3];
	(tm) =	ssettm $0x1  }
0x95: {  	s7 =	sld [smem:$0x3FFB];
	_ =	sdelay $0x3  }
0x96: {  	_ =	strace s7  }
0x97: {  	s7 =	sld [smem:$0x3FFC];
	_ =	sdelay $0x3  }
0x98: {  	_ =	strace s7  }
0x99: {  	s7 =	sld [smem:$0x3FFD];
	_ =	sdelay $0x3  }
0x9a: {  	_ =	strace s7  }
0x9b: {  	_ =	strace $0x8FFFFFFF  }
0x9c: {  	s19 =	sld [smem:$0x3FDB];
	_ =	sdelay $0x1  }
0x9d: {  	s8 =	simm.s32 $_scs_section_size  }
0x9e: {  	s9 =	simm.s32 $_size__tile_overlayer_lowered;
	s10 =	simm.s32 $_tile_overlayer_lowered  }
0x9f: {  	s22 =	simm.s32 $0x1BFF;
	s21 =	sshll.u32 s10, $0x1;
	s7 =	sadd.s32 s8, s19  }
0xa0: {  	s11 =	simm.s32 $0x0;
	s20 =	sshll.u32 s9, $0x1;
	s9 =	sadd.s32 s21, s7  }
0xa1: {  	[timem:s11], [sflag:s22] =	dma.local [hbm:s9], s20  }
0xa2: {  	_ =	swait.ge [sflag:s22], s20  }
0xa3: {  	s8 =	ssub.s32 $0x0, s20;
	[sflag:s22] =	ssyncset.done $0x0  }
0xa4: {  	[sflag:s22] =	ssyncadd.s32 s8;
	_ =	sdelay $0x1  }
0xa5: {  	s23 =	simm.s32 $0x1B8B  }
0xa6: {  	_ =	swait.ge [sflag:s23], $0x1  }
0xa7: {  	[sflag:s23] =	ssyncset.done $0x0  }
0xa8: {  	s25 =	simm.s32 $0x1B8E;
	s24 =	sld [smem:$0x3FFE];
	[sflag:s23] =	ssyncadd.s32 $0xFFFFFFFF  }
0xa9: {  	s26 =	simm.s32 $execute0_lowered;
	[smem:$0x3FD2] =	sst s25  }
0xaa: {  	s9 =	sshll.u32 s26, $0x1;
	_ =	strace $0x80000046;
	[dreg:$0x1] =	wrdreg $0xFFFFFFFF  }
0xab: {  	s28 =	simm.s32 $_size_execute0_lowered;
	s7 =	sadd.s32 s7, s9;
	[dreg:$0x0] =	wrdreg $0x0  }
0xac: {  	s9 =	sshll.u32 s28, $0x1;
	[dreg:$0x2] =	wrdreg s7  }
0xad: {  	[dreg:$0x3] =	wrdreg s9  }
0xae: {  	[dreg:$0x4] =	wrdreg $0xC0  }
0xaf: {  	_ =	task [dreg:s11], $0x5FFFF  }
0xb0: {  	[dreg:$0x1] =	wrdreg $0xFFFFFFFF  }
0xb1: {  	[dreg:$0x0] =	wrdreg $0x60  }
0xb2: {  	[dreg:$0x2] =	wrdreg s2  }
0xb3: {  	[dreg:$0x3] =	wrdreg s24  }
0xb4: {  	[dreg:$0x4] =	wrdreg s18  }
0xb5: {  	[dreg:$0x5] =	wrdreg s4  }
0xb6: {  	[dreg:$0x6] =	wrdreg s5  }
0xb7: {  	[dreg:$0x7] =	wrdreg s6  }
0xb8: {  	[dreg:$0x8] =	wrdreg $0x1EC800  }
0xb9: {  	[dreg:$0x9] =	wrdreg $0x9  }
0xba: {  	_ =	task.clear_ibuf [dreg:s11], $0xAFFFF;
	_ =	strace $0x90000046  }
0xbb: {  	s29 =	simm.s32 $0x9;
	_ =	strace $0x80000048  }
0xbc: {  	_ =	swait.ge [sflag:s29], $0x1  }
0xbd: {  	[sflag:s29] =	ssyncadd.s32 $0xFFFFFFFF  }
0xbe: {  	_ =	strace $0x90000048  }
0xbf: {  	_ =	sfence  }
0xc0: {  	s30 =	sld [smem:$0x0];
	_ =	sdelay $0x2  }
0xc1: {  	s31 =	sshll.u32 s1, $0xD;
	s1 =	sshrl.u32 s1, $0x2  }
0xc2: {  	s3 =	sand.u32 $0x4000, s31;
	s1 =	sadd.s32 s1, s30  }
0xc3: {  	s0 =	sor.u32 s3, s0;
	s1 =	sshll.u32 s1, $0x11  }
0xc4: {  	s0 =	sor.u32 s1, s0  }
0xc5: {  	s0 =	sadd.s32 $0x8F2B, s0  }
0xc6: {  	[sflag:s0] =	ssyncadd.remote.s32 $0x1  }
0xc7: {  	_ =	sfence.sel $0xFFFF  }
0xc8: {  	[dreg:$0x0] =	wrdreg $0xFFFFFFFF;
	(pc) =	sbr.abs _section_cstart, $3  }
0xc9: {  	[dreg:$0x1] =	wrdreg $0xFFFFFFFF  }
0xca: {  	_ =	task.clear_ibuf [dreg:s11], $0x2FFFF;
	_ =	strace $0x9FFFFFFF  }
0xcb: {  	(tm) =	ssettm $0x7FFFFFFF  }
tec
execute0_lowered:
.L_overlay_start_1:
0x0: {  	(tag) =	ssettag $0x1  }
0x1: {  	s0 =	rddreg [dreg:$0x0]  }
0x2: {  	s1 =	rddreg [dreg:$0x1]  }
0x3: {  	s2 =	rddreg [dreg:$0x2]  }
0x4: {  	s3 =	rddreg [dreg:$0x5]  }
0x5: {  	s4 =	rddreg [dreg:$0x6];
	s5 =	simm.s32 $0x0  }
0x6: {  	s8 =	srdreg.scid;
	s17 =	stileid.u32;
	s29 =	simm.s32 $0x19C00  }
0x7: {  	s30 =	simm.s32 $0x3;
	s31 =	simm.s32 $0x19;
	[smem:$0x7FF] =	sst s5  }
0x8: {  	s6 =	sadd.s32 $0x800, s1;
	s10 =	sand.u32 $0x1, s8;
	s8 =	smul.u32 $0x19, s17  }
0x9: {  	s7 =	sadd.s32 $0x6800, s1;
	s9 =	sadd.s32 $0x42800, s1;
	s14 =	smul.u32 $0x3C00, s17  }
0xa: {  	s1 =	sadd.s32 $0x48800, s1;
	s13 =	sshll.u32 s17, $0x4;
	s26 =	smul.u32 $0x28, s17  }
0xb: {  	s2 =	sadd.s32 $0x100, s2;
	s17 =	sshll.u32 s17, $0x9;
	_ =	strace $0x80000047  }
0xc: {  	s11 =	ssub.s32 $0x2, s10;
	s3 =	sadd.s32 s3, s13;
	[dreg:$0x9] =	wrdreg s2  }
0xd: {  	s16 =	sshll.u32 s10, $0xE;
	s22 =	sor.u32 $0x2000, s17;
	p0 =	sne.s32 s10, $0x0  }
0xe: {  	s2 =	simm.s32 $0x0;
	s12 =	sshrl.u32 s11, $0x1;
	[dreg:$0x8] =	wrdreg s3  }
0xf: {  	s28 =	sadd.s32 s7, s14;
	s13 =	sor.u32 $0x2, s26;
	s19 =	sor.u32 s17, s16  }
0x10: {  	s24 =	sadd.s32 s6, s22;
	s25 =	sadd.s32 s9, s22;
	[dreg:$0xa] =	wrdreg s28  }
0x11: {  	s3 =	simm.s32 $0x50;
	s15 =	ssub.s32 s11, s12;
	[dreg:$0x10] =	wrdreg s24  }
0x12: {  	s11 =	smul.u32 $0x3200, s10;
	s20 =	sadd.s32 s6, s19;
	[dreg:$0x11] =	wrdreg s25  }
0x13: {  	s12 =	sor.u32 $0x1, s26;
	s21 =	sadd.s32 s9, s19;
	[dreg:$0xc] =	wrdreg s20  }
0x14: {  	s23 =	sadd.s32 s1, s19;
	s26 =	sadd.s32 s1, s22;
	[dreg:$0xd] =	wrdreg s21  }
.Ltmp0:
0x15: {  	s24 =	simm.s32 $0x5;
	[dreg:$0xe] =	wrdreg s23;
	(pc) =	sbr.rel .LBB2_1-.Ltmp0, $4  }
0x16: {  	s25 =	simm.s32 $0x1AC00;
	[dreg:$0x12] =	wrdreg s26;
	s28 =	smax.u32 s15, $0x1  }
0x17: {  	s6 =	simm.s32 $0x2;
	s18 =	sadd.s32 s0, s11;
	[dreg:$0x13] =	wrdreg s28  }
0x18: {  	s22 =	simm.s32 $0x4;
	s0 =	sadd.s32 $0x1900, s0;
	[dreg:$0xb] =	wrdreg s18  }
0x19: {  	v0 =	vimm.f32 $1.000000000e+00;
	s26 =	simm.s32 $0xC800;
	[dreg:$0xf] =	wrdreg s0;
	s0 =	simm.s32 $0x1  }
.LBB2_57:
0x1a: {  	_ =	swait.ge [sflag:s30], $0xC800  }
0x1b: {  	s2 =	sadd.s32 $0x1, s2;
	s1 =	rddreg [dreg:$0x13]  }
0x1c: {  	p1 =	sne.s32 s2, s1  }
.Ltmp1:
0x1d: {  	_ = 	snop;
	(pc) =	sbr.rel @!p1 .LBB2_58-.Ltmp1, $3  }
0x1e: {  	_ =	sdelay $0x1  }
0x1f: {  	[sflag:s30] =	ssyncset.done $0x0  }
0x20: {  	[sflag:s30] =	ssyncadd.s32 $0xFFFF3800  }
.LBB2_1:
0x21: {  	[dreg:$0x14] =	wrdreg s2  }
0x22: {  	s1 =	rddreg [dreg:$0x4];
	s17 =	simm.s32 $0x1A800  }
0x23: {  	[tilespmem:s17], [sflag:$0x5] =	stream.linear.gather [hbm4b:s1+s5], $0x280, $0x38;
	[tilespmem:$0x1F900] =	vst v63  }
0x24: {  	_ =	swait.ge [sflag:s24], $0x280  }
0x25: {  	[sflag:s24] =	ssyncset.done $0x0  }
0x26: {  	s18 =	rddreg [dreg:$0x8];
	[sflag:s24] =	ssyncadd.s32 $0xFFFFFD80  }
0x27: {  	[tilespmem:s25], [sflag:$0x5] =	stream.linear.gather [hbm4b:s18+s5], $0x80, $0x38;
	[tilespmem:$0x1F900] =	vst v63  }
0x28: {  	_ =	swait.ge [sflag:s24], $0x80  }
0x29: {  	[sflag:s24] =	ssyncset.done $0x0  }
0x2a: {  	[sflag:s24] =	ssyncadd.s32 $0xFFFFFF80  }
0x2b: {  	s19 =	rddreg [dreg:$0x3]  }
0x2c: {  	[tilespmem:s26], [sflag:$0x5] =	stream.linear.gather [hbm4b:s19+s5], $0xC800, $0x38;
	[tilespmem:$0x1F900] =	vst v63  }
0x2d: {  	_ =	swait.ge [sflag:s24], $0xC800  }
0x2e: {  	[sflag:s24] =	ssyncset.done $0x0  }
0x2f: {  	[sflag:s24] =	ssyncadd.s32 $0xFFFF3800  }
0x30: {  	s21 =	simm.s32 $0x19000;
	s20 =	rddreg [dreg:$0x2]  }
0x31: {  	[tilespmem:s21], [sflag:$0x5] =	stream.linear.gather [hbm4b:s20+s5], $0x800, $0x38;
	[tilespmem:$0x1F900] =	vst v63  }
0x32: {  	_ =	swait.ge [sflag:s24], $0x800  }
0x33: {  	[sflag:s24] =	ssyncset.done $0x0  }
0x34: {  	s23 =	rddreg [dreg:$0x9];
	[sflag:s24] =	ssyncadd.s32 $0xFFFFF800  }
0x35: {  	[tilespmem:s29], [sflag:$0x5] =	stream.linear.gather [hbm4b:s23+s5], $0x800, $0x38;
	[tilespmem:$0x1F900] =	vst v63  }
0x36: {  	s28 =	sand.u32 $0x1E00, s5;
	_ =	swait.ge [sflag:s24], $0x800  }
0x37: {  	s9 =	sand.u32 $0x70, s5;
	s1 =	sshrl.u32 s28, $0x2;
	[sflag:s24] =	ssyncset.done $0x0  }
0x38: {  	s1 =	sor.u32 s9, s1;
	[sflag:s24] =	ssyncadd.s32 $0xFFFFF800  }
0x39: {  	v1 =	vld [tilespmem:s1+$0x19000];
	_ =	sdelay $0x4  }
0x3a: {  	s10 =	simm.s32 $0x40  }
0x3b: {  	s10 =	sand.u32 $0x1E00, s10;
	s9 =	simm.s32 $0x80;
	s1 =	simm.s32 $0x10  }
.LBB2_2:
0x3c: {  	p1 =	sne.s32 s9, $0x1FC0;
	s14 =	sand.u32 $0x70, s1;
	s10 =	sshrl.u32 s10, $0x2  }
0x3d: {  	s10 =	sor.u32 s14, s10;
	[tilespmem:v1+s26+$0x0] =	vst.idx.add.f32.msk $0xffff, v0  }
0x3e: {  	v1 =	vld [tilespmem:s10+$0x19000];
	_ =	sdelay $0x1  }
.Ltmp2:
0x3f: {  	(pc) =	sbr.rel @p1 .LBB2_2-.Ltmp2, $2  }
0x40: {  	_ =	sdelay $0x2  }
0x41: {  	s1 =	sadd.s32 $0x10, s1;
	s10 =	sand.u32 $0x1E00, s9;
	s9 =	sadd.s32 $0x40, s9  }
0x42: {  	_ =	sdelay $0x2  }
0x43: {  	s1 =	sand.u32 $0x70, s1;
	s9 =	sshrl.u32 s10, $0x2  }
0x44: {  	[tilespmem:v1+s26+$0x0] =	vst.idx.add.f32.msk $0xffff, v0;
	s1 =	sor.u32 s1, s9  }
0x45: {  	v1 =	vld [tilespmem:s1+$0x19000];
	_ =	sdelay $0x4  }
0x46: {  	s9 =	simm.s32 $0x0  }
0x47: {  	s28 =	sand.u32 $0x1E00, s9  }
0x48: {  	s1 =	sand.u32 $0x70, s9;
	s10 =	sshrl.u32 s28, $0x2  }
0x49: {  	s10 =	sor.u32 s1, s10;
	[tilespmem:v1+s26+$0x0] =	vst.idx.add.f32.msk $0xffff, v0  }
0x4a: {  	v1 =	vld [tilespmem:s10+$0x19C00];
	_ =	sdelay $0x4  }
0x4b: {  	s14 =	simm.s32 $0x40  }
0x4c: {  	s17 =	sand.u32 $0x1E00, s14;
	s14 =	simm.s32 $0x80;
	s10 =	simm.s32 $0x10  }
.LBB2_4:
0x4d: {  	p1 =	sne.s32 s14, $0x1FC0;
	s18 =	sand.u32 $0x70, s10;
	s17 =	sshrl.u32 s17, $0x2  }
0x4e: {  	s17 =	sor.u32 s18, s17;
	[tilespmem:v1+s26+$0x0] =	vst.idx.add.f32.msk $0xffff, v0  }
0x4f: {  	v1 =	vld [tilespmem:s17+$0x19C00];
	_ =	sdelay $0x1  }
.Ltmp3:
0x50: {  	(pc) =	sbr.rel @p1 .LBB2_4-.Ltmp3, $2  }
0x51: {  	_ =	sdelay $0x2  }
0x52: {  	s10 =	sadd.s32 $0x10, s10;
	s17 =	sand.u32 $0x1E00, s14;
	s14 =	sadd.s32 $0x40, s14  }
0x53: {  	_ =	sdelay $0x2  }
0x54: {  	s10 =	sand.u32 $0x70, s10;
	s14 =	sshrl.u32 s17, $0x2  }
0x55: {  	[tilespmem:v1+s26+$0x0] =	vst.idx.add.f32.msk $0xffff, v0;
	s10 =	sor.u32 s10, s14  }
0x56: {  	v1 =	vld [tilespmem:s10+$0x19C00];
	_ =	sdelay $0x4  }
0x57: {  	s23 =	sadd.s32 $0x0, s8  }
0x58: {  	s10 =	sshll.u32 s23, $0x7  }
0x59: {  	s28 =	sand.u32 $0x3FFFFF80, s10  }
0x5a: {  	s14 =	sor.u32 s1, s28;
	[tilespmem:v1+s26+$0x0] =	vst.idx.add.f32.msk $0xffff, v0  }
0x5b: {  	v1 =	vld [tilespmem:s14+$0xC800];
	_ =	sdelay $0x2  }
0x5c: {  	s18 =	simm.s32 $0x0  }
0x5d: {  	s17 =	simm.s32 $0x2;
	s10 =	simm.s32 $0x1;
	s14 =	simm.s32 $0x0  }
.LBB2_6:
0x5e: {  	p1 =	sne.s32 s17, $0xC7;
	s18 =	sadd.s32 s8, s18;
	v1 =	vmin.f32 v1, $1.000000000e+00;
	s9 =	sshll.u32 s9, $0x4  }
0x5f: {  	s14 =	sadd.s32 $0x10, s14;
	s18 =	sshll.u32 s18, $0x7;
	v1 =	vsub.f32 $1.000000000e+00, v1;
	s9 =	sand.u32 $0x3FFFFF80, s9  }
0x60: {  	s18 =	sand.u32 $0x3FFFFF80, s18;
	s9 =	sor.u32 s1, s9;
	s1 =	sand.u32 $0x70, s14  }
0x61: {  	s18 =	sor.u32 s1, s18;
	[tilespmem:s9+$0x1BC80] =	vst v1;
	s9 =	smov.u32 s10;
	s10 =	smov.u32 s17  }
.Ltmp4:
0x62: {  	v1 =	vld [tilespmem:s18+$0xC800];
	(pc) =	sbr.rel @p1 .LBB2_6-.Ltmp4, $2  }
0x63: {  	_ =	sdelay $0x2  }
0x64: {  	s17 =	sadd.s32 $0x1, s17;
	s18 =	sshrl.u32 s10, $0x3  }
0x65: {  	s17 =	sadd.s32 s8, s18;
	v1 =	vmin.f32 v1, $1.000000000e+00;
	s9 =	sshll.u32 s9, $0x4  }
0x66: {  	s14 =	sadd.s32 $0x10, s14;
	s17 =	sshll.u32 s17, $0x7;
	v1 =	vsub.f32 $1.000000000e+00, v1;
	s9 =	sand.u32 $0x3FFFFF80, s9  }
0x67: {  	s14 =	sand.u32 $0x70, s14;
	s17 =	sand.u32 $0x3FFFFF80, s17;
	s1 =	sor.u32 s1, s9  }
0x68: {  	s20 =	sor.u32 s14, s17;
	[tilespmem:s1+$0x1BC80] =	vst v1  }
0x69: {  	v1 =	vld [tilespmem:s20+$0xC800];
	_ =	sdelay $0x4  }
0x6a: {  	s21 =	sshll.u32 s10, $0x4;
	v1 =	vmin.f32 v1, $1.000000000e+00  }
0x6b: {  	s1 =	sand.u32 $0x3FFFFF80, s21;
	v1 =	vsub.f32 $1.000000000e+00, v1  }
0x6c: {  	s1 =	sor.u32 s14, s1  }
0x6d: {  	s2 =	rddreg [dreg:$0x3];
	[tilespmem:s1+$0x1BC80] =	vst v1;
	s1 =	simm.s32 $0x0  }
0x6e: {  	[tilespmem:s26], [sflag:$0x3] =	stream.linear.gather [hbm4b:s2+s1], $0xC800, $0x38;
	[tilespmem:$0x1F900] =	vst v63  }
0x6f: {  	s23 =	rddreg [dreg:$0xa];
	s28 =	simm.s32 $0x19000  }
0x70: {  	[tilespmem:s28], [sflag:$0x1] =	stream.linear.gather [hbm4b:s23+s1], $0xA00, $0x38;
	[tilespmem:$0x1F900] =	vst v63  }
0x71: {  	_ =	swait.ge [sflag:s30], $0xC800  }
0x72: {  	[sflag:s30] =	ssyncset.done $0x0  }
0x73: {  	[sflag:s30] =	ssyncadd.s32 $0xFFFF3800  }
0x74: {  	[spmem:s4] =	stream.indirect.scatter [tilespmem:s26], [sflag:$0x5], $0x80, s25, s31, $0xb8;
	[tilespmem:$0x1F900] =	vst v63  }
0x75: {  	_ =	swait.ge [sflag:s24], $0xC80  }
0x76: {  	[sflag:s24] =	ssyncset.done $0x0  }
0x77: {  	s18 =	simm.s32 $0x0;
	[sflag:s24] =	ssyncadd.s32 $0xFFFFF380  }
.LBB2_8:
0x78: {  	s9 =	sshll.u32 s18, $0x1  }
0x79: {  	s10 =	sadd.s32 s9, s12  }
0x7a: {  	s10 =	smul.u32 $0x180, s10;
	_ =	sdelay $0x1  }
0x7b: {  	s11 =	simm.s32 $0x0;
	s10 =	sadd.s32 s7, s10  }
0x7c: {  	[tilespmem:s29], [sflag:$0x2] =	stream.linear.gather [hbm4b:s10+s1], $0xA00, $0x38;
	[tilespmem:$0x1F900] =	vst v63  }
0x7d: {  	s14 =	sand.u32 $0x40, s1;
	s10 =	sand.u32 $0x780, s11;
	_ =	swait.ge [sflag:s0], $0xA00  }
0x7e: {  	s19 =	sor.u32 $0x30, s14;
	s17 =	sor.u32 $0x19000, s10;
	[sflag:s0] =	ssyncset.done $0x0  }
0x7f: {  	s20 =	sor.u32 s19, s17;
	[sflag:s0] =	ssyncadd.s32 $0xFFFFF600  }
0x80: {  	v1 =	vld [tilespmem:s20+$0x0]  }
0x81: {  	s21 =	sor.u32 s14, s17  }
0x82: {  	s15 =	sor.u32 $0x10, s14;
	v2 =	vld [tilespmem:s21+$0x0]  }
0x83: {  	s10 =	sadd.s32 $0x19500, s10;
	s23 =	sor.u32 s15, s17  }
0x84: {  	s16 =	sor.u32 $0x20, s14;
	s19 =	sor.u32 s19, s10;
	v8 =	vld [tilespmem:s23+$0x0]  }
0x85: {  	s17 =	sor.u32 s16, s17;
	v10 =	vld [tilespmem:s19+$0x0];
	v11 =	vand.u32 $0xFFFF, v1  }
0x86: {  	s14 =	sor.u32 s14, s10;
	v12 =	vld [tilespmem:s17+$0x0];
	v13 =	vshrl.u32 v1, $0x10  }
0x87: {  	s28 =	sor.u32 s15, s10;
	s10 =	sor.u32 s16, s10;
	v5 =	vld [tilespmem:s14+$0x0];
	v9 =	vand.u32 $0xFFFF, v2  }
0x88: {  	v6 =	vld [tilespmem:s10+$0x0];
	v7 =	vshrl.u32 v2, $0x10  }
0x89: {  	v3 =	vld [tilespmem:s28+$0x0];
	v4 =	vshrl.u32 v8, $0x10;
	v8 =	vand.u32 $0xFFFF, v8  }
0x8a: {  	[tilespmem:v11+s26+$0x0] =	vst.idx.add.f32.msk $0xffff, v10  }
0x8b: {  	s10 =	simm.s32 $0x0;
	s14 =	simm.s32 $0x100;
	s20 =	simm.s32 $0x0;
	v1 =	vshrl.u32 v12, $0x10;
	v2 =	vand.u32 $0xFFFF, v12;
	[tilespmem:v13+s26+$0x0] =	vst.idx.add.f32.msk $0xffff, v10  }
.LBB2_9:
0x8c: {  	s17 =	sshrl.u32 s14, $0x2;
	[tilespmem:v9+s26+$0x0] =	vst.idx.add.f32.msk $0xffff, v5;
	s20 =	sadd.s32 $0x40, s20  }
0x8d: {  	s10 =	sadd.s32 $0x4, s10;
	s19 =	sand.u32 $0x40, s20;
	s17 =	sand.u32 $0x780, s17;
	[tilespmem:v7+s26+$0x0] =	vst.idx.add.f32.msk $0xffff, v5;
	v10 =	vmov v6  }
0x8e: {  	p1 =	slt.u32 s10, $0x4C;
	s21 =	sor.u32 $0x19000, s17;
	s23 =	sor.u32 $0x30, s19;
	[tilespmem:v8+s26+$0x0] =	vst.idx.add.f32.msk $0xffff, v3  }
0x8f: {  	s28 =	sor.u32 $0x10, s19;
	s2 =	sor.u32 $0x20, s19;
	s16 =	sor.u32 s23, s21;
	[tilespmem:v4+s26+$0x0] =	vst.idx.add.f32.msk $0xffff, v3  }
0x90: {  	s11 =	sor.u32 s19, s21;
	s15 =	sor.u32 s28, s21;
	s21 =	sor.u32 s2, s21;
	v3 =	vld [tilespmem:s16+$0x0]  }
0x91: {  	v4 =	vld [tilespmem:s11+$0x0]  }
0x92: {  	v6 =	vld [tilespmem:s15+$0x0]  }
0x93: {  	s11 =	sadd.s32 $0x19500, s17;
	v11 =	vld [tilespmem:s21+$0x0]  }
0x94: {  	s15 =	sor.u32 s19, s11;
	s16 =	sor.u32 s28, s11;
	s17 =	sor.u32 s23, s11;
	[tilespmem:v2+s26+$0x0] =	vst.idx.add.f32.msk $0xffff, v10  }
0x95: {  	s2 =	sor.u32 s2, s11;
	v12 =	vld [tilespmem:s17+$0x0];
	v13 =	vand.u32 $0xFFFF, v3  }
0x96: {  	v14 =	vshrl.u32 v3, $0x10;
	v5 =	vld [tilespmem:s15+$0x0];
	v7 =	vshrl.u32 v4, $0x10;
	v9 =	vand.u32 $0xFFFF, v4  }
.Ltmp5:
0x97: {  	v3 =	vld [tilespmem:s16+$0x0];
	v4 =	vshrl.u32 v6, $0x10;
	v8 =	vand.u32 $0xFFFF, v6;
	(pc) =	sbr.rel @p1 .LBB2_9-.Ltmp5, $4  }
0x98: {  	v6 =	vld [tilespmem:s2+$0x0];
	v15 =	vshrl.u32 v11, $0x10;
	v2 =	vand.u32 $0xFFFF, v11  }
0x99: {  	[tilespmem:v1+s26+$0x0] =	vst.idx.add.f32.msk $0xffff, v10;
	v1 =	vmov v15  }
0x9a: {  	[tilespmem:v13+s26+$0x0] =	vst.idx.add.f32.msk $0xffff, v12  }
0x9b: {  	s14 =	sadd.s32 $0x100, s14;
	[tilespmem:v14+s26+$0x0] =	vst.idx.add.f32.msk $0xffff, v12  }
0x9c: {  	_ =	sdelay $0x3  }
0x9d: {  	[tilespmem:v9+s26+$0x0] =	vst.idx.add.f32.msk $0xffff, v5  }
0x9e: {  	p1 =	seq.s32 s18, $0x13;
	[tilespmem:v8+s26+$0x0] =	vst.idx.add.f32.msk $0xffff, v3  }
0x9f: {  	[tilespmem:v7+s26+$0x0] =	vst.idx.add.f32.msk $0xffff, v5;
	s2 =	sadd.s32 @!p1 s9, s13  }
0xa0: {  	[tilespmem:v4+s26+$0x0] =	vst.idx.add.f32.msk $0xffff, v3;
	s2 =	smul.u32 @!p1 $0x180, s2  }
0xa1: {  	[tilespmem:v2+s26+$0x0] =	vst.idx.add.f32.msk $0xffff, v6  }
0xa2: {  	s9 =	simm.s32 @!p1 $0x0;
	s10 =	simm.s32 @!p1 $0x19000;
	[tilespmem:v1+s26+$0x0] =	vst.idx.add.f32.msk $0xffff, v6;
	s2 =	sadd.s32 @!p1 s7, s2  }
0xa3: {  	[tilespmem:s10], [sflag:$0x1] =	stream.linear.gather @!p1 [hbm4b:s2+s9], $0xA00, $0x38;
	[tilespmem:$0x1F900] =	vst v63  }
0xa4: {  	s19 =	simm.s32 $0x0;
	s9 =	simm.s32 $0x0  }
0xa5: {  	s2 =	sand.u32 $0x780, s19;
	_ =	swait.ge [sflag:s6], $0xA00;
	s20 =	sand.u32 $0x40, s9  }
0xa6: {  	s11 =	sadd.s32 $0x19C00, s2;
	[sflag:s6] =	ssyncset.done $0x0;
	s14 =	sor.u32 $0x30, s20  }
0xa7: {  	[sflag:s6] =	ssyncadd.s32 $0xFFFFF600;
	s15 =	sor.u32 s14, s11  }
0xa8: {  	v1 =	vld [tilespmem:s15+$0x0]  }
0xa9: {  	s16 =	sor.u32 s20, s11  }
0xaa: {  	s21 =	sor.u32 $0x10, s20;
	v2 =	vld [tilespmem:s16+$0x0]  }
0xab: {  	s2 =	sadd.s32 $0x1A100, s2;
	s17 =	sor.u32 s21, s11  }
0xac: {  	s23 =	sor.u32 $0x20, s20;
	s14 =	sor.u32 s14, s2;
	v8 =	vld [tilespmem:s17+$0x0]  }
0xad: {  	s11 =	sor.u32 s23, s11;
	v10 =	vld [tilespmem:s14+$0x0];
	v11 =	vand.u32 $0xFFFF, v1  }
0xae: {  	s10 =	sor.u32 s20, s2;
	v12 =	vld [tilespmem:s11+$0x0];
	v13 =	vshrl.u32 v1, $0x10  }
0xaf: {  	s28 =	sor.u32 s21, s2;
	s2 =	sor.u32 s23, s2;
	v5 =	vld [tilespmem:s10+$0x0];
	v9 =	vand.u32 $0xFFFF, v2  }
0xb0: {  	v7 =	vld [tilespmem:s2+$0x0];
	v6 =	vshrl.u32 v2, $0x10  }
0xb1: {  	v3 =	vld [tilespmem:s28+$0x0];
	v4 =	vshrl.u32 v8, $0x10;
	v8 =	vand.u32 $0xFFFF, v8  }
0xb2: {  	[tilespmem:v11+s26+$0x0] =	vst.idx.add.f32.msk $0xffff, v10  }
0xb3: {  	s10 =	simm.s32 $0x0;
	s14 =	simm.s32 $0x100;
	v1 =	vshrl.u32 v12, $0x10;
	v2 =	vand.u32 $0xFFFF, v12;
	[tilespmem:v13+s26+$0x0] =	vst.idx.add.f32.msk $0xffff, v10  }
.LBB2_11:
0xb4: {  	s2 =	sshrl.u32 s14, $0x2;
	[tilespmem:v9+s26+$0x0] =	vst.idx.add.f32.msk $0xffff, v5;
	s9 =	sadd.s32 $0x40, s9  }
0xb5: {  	s10 =	sadd.s32 $0x4, s10;
	s11 =	sand.u32 $0x40, s9;
	s2 =	sand.u32 $0x780, s2;
	[tilespmem:v6+s26+$0x0] =	vst.idx.add.f32.msk $0xffff, v5;
	v10 =	vmov v7  }
0xb6: {  	p1 =	slt.u32 s10, $0x4C;
	s15 =	sadd.s32 $0x19C00, s2;
	s16 =	sor.u32 $0x30, s11;
	[tilespmem:v8+s26+$0x0] =	vst.idx.add.f32.msk $0xffff, v3  }
0xb7: {  	s17 =	sor.u32 $0x10, s11;
	s19 =	sor.u32 $0x20, s11;
	s20 =	sor.u32 s16, s15;
	[tilespmem:v4+s26+$0x0] =	vst.idx.add.f32.msk $0xffff, v3  }
0xb8: {  	s21 =	sor.u32 s11, s15;
	s23 =	sor.u32 s17, s15;
	s15 =	sor.u32 s19, s15;
	v3 =	vld [tilespmem:s20+$0x0]  }
0xb9: {  	v4 =	vld [tilespmem:s21+$0x0]  }
0xba: {  	v7 =	vld [tilespmem:s23+$0x0]  }
0xbb: {  	s2 =	sadd.s32 $0x1A100, s2;
	v11 =	vld [tilespmem:s15+$0x0]  }
0xbc: {  	s11 =	sor.u32 s11, s2;
	s16 =	sor.u32 s16, s2;
	s15 =	sor.u32 s17, s2;
	[tilespmem:v2+s26+$0x0] =	vst.idx.add.f32.msk $0xffff, v10  }
0xbd: {  	s2 =	sor.u32 s19, s2;
	v12 =	vld [tilespmem:s16+$0x0];
	v13 =	vand.u32 $0xFFFF, v3  }
0xbe: {  	v14 =	vshrl.u32 v3, $0x10;
	v5 =	vld [tilespmem:s11+$0x0];
	v6 =	vshrl.u32 v4, $0x10;
	v9 =	vand.u32 $0xFFFF, v4  }
.Ltmp6:
0xbf: {  	v3 =	vld [tilespmem:s15+$0x0];
	v4 =	vshrl.u32 v7, $0x10;
	v8 =	vand.u32 $0xFFFF, v7;
	(pc) =	sbr.rel @p1 .LBB2_11-.Ltmp6, $4  }
0xc0: {  	v7 =	vld [tilespmem:s2+$0x0];
	v15 =	vshrl.u32 v11, $0x10;
	v2 =	vand.u32 $0xFFFF, v11  }
0xc1: {  	[tilespmem:v1+s26+$0x0] =	vst.idx.add.f32.msk $0xffff, v10;
	v1 =	vmov v15  }
0xc2: {  	[tilespmem:v13+s26+$0x0] =	vst.idx.add.f32.msk $0xffff, v12  }
0xc3: {  	s14 =	sadd.s32 $0x100, s14;
	[tilespmem:v14+s26+$0x0] =	vst.idx.add.f32.msk $0xffff, v12  }
0xc4: {  	_ =	sdelay $0x2  }
0xc5: {  	s18 =	sadd.s32 $0x1, s18  }
0xc6: {  	[tilespmem:v9+s26+$0x0] =	vst.idx.add.f32.msk $0xffff, v5;
	p1 =	sne.s32 s18, $0x14  }
.Ltmp7:
0xc7: {  	[tilespmem:v8+s26+$0x0] =	vst.idx.add.f32.msk $0xffff, v3;
	(pc) =	sbr.rel @p1 .LBB2_8-.Ltmp7, $4  }
0xc8: {  	[tilespmem:v6+s26+$0x0] =	vst.idx.add.f32.msk $0xffff, v5  }
0xc9: {  	[tilespmem:v4+s26+$0x0] =	vst.idx.add.f32.msk $0xffff, v3  }
0xca: {  	[tilespmem:v2+s26+$0x0] =	vst.idx.add.f32.msk $0xffff, v7  }
0xcb: {  	[tilespmem:v1+s26+$0x0] =	vst.idx.add.f32.msk $0xffff, v7  }
0xcc: {  	[bflag:$0x0] =	sbarrier.arrive $0xFFFF;
	s1 =	simm.s32 $0x1A800  }
0xcd: {  	[spmem:s4] =	stream.indirect.scatter.add.f32 [tilespmem:s26], [sflag:$0x4], $0x80, s1, s3, $0xb8;
	[tilespmem:$0x1F900] =	vst v63  }
0xce: {  	s14 =	simm.s32 $0x1A880;
	s2 =	simm.s32 $0xF000  }
0xcf: {  	[spmem:s4] =	stream.indirect.scatter.add.f32 [tilespmem:s2], [sflag:$0x4], $0x80, s14, s3, $0xb8;
	[tilespmem:$0x1F900] =	vst v63  }
0xd0: {  	s15 =	simm.s32 $0x1A900;
	s16 =	simm.s32 $0x11800  }
0xd1: {  	[spmem:s4] =	stream.indirect.scatter.add.f32 [tilespmem:s16], [sflag:$0x4], $0x80, s15, s3, $0xb8;
	[tilespmem:$0x1F900] =	vst v63  }
0xd2: {  	s17 =	simm.s32 $0x1A980;
	s18 =	simm.s32 $0x14000  }
0xd3: {  	[spmem:s4] =	stream.indirect.scatter.add.f32 [tilespmem:s18], [sflag:$0x4], $0x80, s17, s3, $0xb8;
	[tilespmem:$0x1F900] =	vst v63  }
0xd4: {  	s19 =	simm.s32 $0x1AA00;
	s20 =	simm.s32 $0x16800  }
0xd5: {  	[spmem:s4] =	stream.indirect.scatter.add.f32 [tilespmem:s20], [sflag:$0x4], $0x80, s19, s3, $0xb8;
	[tilespmem:$0x1F900] =	vst v63  }
0xd6: {  	_ =	swait.ge [sflag:s22], $0x2800  }
0xd7: {  	[sflag:s22] =	ssyncset.done $0x0  }
0xd8: {  	[sflag:s22] =	ssyncadd.s32 $0xFFFFD800  }
0xd9: {  	_ =	swait.ge [sflag:s22], $0x2800  }
0xda: {  	[sflag:s22] =	ssyncset.done $0x0  }
0xdb: {  	[sflag:s22] =	ssyncadd.s32 $0xFFFFD800  }
0xdc: {  	_ =	swait.ge [sflag:s22], $0x2800  }
0xdd: {  	[sflag:s22] =	ssyncset.done $0x0  }
0xde: {  	[sflag:s22] =	ssyncadd.s32 $0xFFFFD800  }
0xdf: {  	_ =	swait.ge [sflag:s22], $0x2800  }
0xe0: {  	[sflag:s22] =	ssyncset.done $0x0  }
0xe1: {  	[sflag:s22] =	ssyncadd.s32 $0xFFFFD800  }
0xe2: {  	_ =	swait.ge [sflag:s22], $0x2800  }
0xe3: {  	[sflag:s22] =	ssyncset.done $0x0  }
0xe4: {  	[sflag:s22] =	ssyncadd.s32 $0xFFFFD800  }
0xe5: {  	s21 =	simm.s32 $0x0;
	s23 =	rddreg [dreg:$0x3]  }
0xe6: {  	[tilespmem:s26], [sflag:$0x3] =	stream.linear.gather [hbm4b:s23+s21], $0xC800, $0x38;
	[tilespmem:$0x1F900] =	vst v63  }
0xe7: {  	s28 =	simm.s32 $0x1DC80;
	[bflag:$0x0] =	sbarrier.arrive $0xFFFF  }
0xe8: {  	[tilespmem:s28], [sflag:$0x5] =	stream.indirect.gather [spmem:s4], $0x80, s25, s31, $0xb8;
	[tilespmem:$0x1F900] =	vst v63  }
0xe9: {  	_ =	swait.ge [sflag:s24], $0xC80  }
0xea: {  	[sflag:s24] =	ssyncset.done $0x0  }
0xeb: {  	s9 =	simm.s32 $0x0;
	[sflag:s24] =	ssyncadd.s32 $0xFFFFF380  }
0xec: {  	v1 =	vld [tilespmem:s9+$0x1DC80];
	_ =	sdelay $0x4  }
0xed: {  	v1 =	vadd.f32 $9.999999970e-07, v1;
	_ =	sdelay $0x1  }
0xee: {  	s1 =	simm.s32 $0x10;
	[tilespmem:s9+$0x1AC80] =	vst v1  }
0xef: {  	(erf) = vrcp.f32 v1;
	v2 =	vld [tilespmem:s1+$0x1DC80];
	_ =	sdelay $0x4  }
0xf0: {  	v1 =	vld [tilespmem:s9+$0x1BC80];
	v2 =	vadd.f32 $9.999999970e-07, v2;
	_ =	sdelay $0x1  }
0xf1: {  	(erf) = vrcp.f32 v2  }
0xf2: {  	s10 =	simm.s32 $0x20;
	s14 =	simm.s32 $0xC0;
	[tilespmem:s1+$0x1AC80] =	vst v2  }
.LBB2_14:
0xf3: {  	p1 =	sne.s32 s14, $0x31C0;
	v2 =	vld [tilespmem:s10+$0x1DC80];
	v3 =	vpop (erf)  }
0xf4: {  	v1 =	vmul.f32 v3, v1;
	_ =	sdelay $0x1  }
.Ltmp8:
0xf5: {  	[tilespmem:s9+$0x1BC80] =	vst v1;
	s9 =	smov.u32 s1;
	s1 =	smov.u32 s10;
	(pc) =	sbr.rel @p1 .LBB2_14-.Ltmp8, $3  }
0xf6: {  	v1 =	vld [tilespmem:s9+$0x1BC80]  }
0xf7: {  	v2 =	vadd.f32 $9.999999970e-07, v2;
	_ =	sdelay $0x1  }
0xf8: {  	s10 =	sshra.s32 s14, $0x2;
	s14 =	sadd.s32 $0x40, s14;
	[tilespmem:s1+$0x1AC80] =	vst v2;
	(erf) = vrcp.f32 v2  }
0xf9: {  	v2 =	vld [tilespmem:s10+$0x1DC80];
	v3 =	vpop (erf)  }
0xfa: {  	v1 =	vmul.f32 v3, v1;
	_ =	sdelay $0x1  }
0xfb: {  	[tilespmem:s9+$0x1BC80] =	vst v1  }
0xfc: {  	v1 =	vld [tilespmem:s1+$0x1BC80]  }
0xfd: {  	v2 =	vadd.f32 $9.999999970e-07, v2;
	_ =	sdelay $0x1  }
0xfe: {  	(erf) = vrcp.f32 v2  }
0xff: {  	v3 =	vpop (erf)  }
0x100: {  	v1 =	vmul.f32 v3, v1  }
0x101: {  	[tilespmem:s10+$0x1AC80] =	vst v2  }
0x102: {  	[tilespmem:s1+$0x1BC80] =	vst v1  }
0x103: {  	v1 =	vld [tilespmem:s10+$0x1BC80];
	_ =	sdelay $0x3  }
0x104: {  	v2 =	vpop (erf)  }
0x105: {  	v1 =	vmul.f32 v2, v1;
	_ =	sdelay $0x1  }
0x106: {  	[tilespmem:s10+$0x1BC80] =	vst v1  }
0x107: {  	[bflag:$0x0] =	sbarrier.arrive $0xFFFF  }
0x108: {  	s18 =	simm.s32 $0x0;
	s2 =	rddreg [dreg:$0xb]  }
0x109: {  	[tilespmem:s18], [sflag:$0x5] =	stream.linear.gather [hbm4b:s2+s18], $0xC800, $0x38;
	[tilespmem:$0x1F900] =	vst v63  }
0x10a: {  	_ =	swait.ge [sflag:s24], $0xC800  }
0x10b: {  	[sflag:s24] =	ssyncset.done $0x0  }
0x10c: {  	s20 =	simm.s32 $0x1CC80;
	s19 =	rddreg [dreg:$0xc];
	[sflag:s24] =	ssyncadd.s32 $0xFFFF3800  }
0x10d: {  	[tilespmem:s20], [sflag:$0x5] =	stream.linear.gather [hbm4b:s19+s18], $0xC80, $0x38;
	[tilespmem:$0x1F900] =	vst v63  }
0x10e: {  	_ =	swait.ge [sflag:s24], $0xC80  }
0x10f: {  	s23 =	simm.s32 $0x0;
	s21 =	sand.u32 $0x70, s18;
	[sflag:s24] =	ssyncset.done $0x0  }
0x110: {  	s1 =	sor.u32 s21, s23;
	[sflag:s24] =	ssyncadd.s32 $0xFFFFF380  }
0x111: {  	v1 =	vld [tilespmem:s1+$0x1BC80]  }
0x112: {  	v2 =	vld [tilespmem:s1+$0x1AC80]  }
0x113: {  	s28 =	sadd.s32 $0x0, s8  }
0x114: {  	s9 =	sshll.u32 s28, $0x7  }
0x115: {  	s9 =	sand.u32 $0x3FFFFF80, s9  }
0x116: {  	s2 =	sor.u32 s21, s9;
	v3 =	vld [tilespmem:s1+$0x1CC80]  }
0x117: {  	v4 =	vmul.f32 v2, v1;
	v2 =	vld [tilespmem:s2+$0x0];
	_ =	sdelay $0x2  }
0x118: {  	s17 =	simm.s32 $0x0;
	s9 =	simm.s32 $0x10;
	v4 =	vsub.f32 $1.000000000e+00, v4  }
0x119: {  	s10 =	simm.s32 $0x2;
	s14 =	sand.u32 $0x70, s9;
	s18 =	simm.s32 $0x0  }
.LBB2_16:
0x11a: {  	p1 =	sne.s32 s10, $0xC7;
	s2 =	sor.u32 s14, s18;
	v2 =	vmul.f32 v4, v2;
	v3 =	vmul.f32 v3, v1  }
0x11b: {  	s11 =	sadd.s32 s8, s17;
	v1 =	vld [tilespmem:s2+$0x1BC80]  }
0x11c: {  	s11 =	sshll.u32 s11, $0x7;
	v4 =	vld [tilespmem:s2+$0x1AC80];
	v2 =	vadd.f32 v3, v2  }
0x11d: {  	s11 =	sand.u32 $0x3FFFFF80, s11  }
0x11e: {  	s11 =	sor.u32 s14, s11;
	[tilespmem:s1+$0x1CC80] =	vst v2;
	s1 =	smov.u32 s2  }
0x11f: {  	v2 =	vld [tilespmem:s11+$0x0]  }
.Ltmp9:
0x120: {  	v3 =	vld [tilespmem:s1+$0x1CC80];
	(pc) =	sbr.rel @p1 .LBB2_16-.Ltmp9, $3  }
0x121: {  	v4 =	vmul.f32 v4, v1;
	_ =	sdelay $0x1  }
0x122: {  	s17 =	sshrl.u32 s10, $0x3;
	s9 =	sadd.s32 $0x10, s9;
	v4 =	vsub.f32 $1.000000000e+00, v4  }
0x123: {  	s10 =	sadd.s32 $0x1, s10;
	s18 =	sshll.u32 s17, $0x7;
	s14 =	sand.u32 $0x70, s9  }
0x124: {  	s2 =	sor.u32 s14, s18;
	v2 =	vmul.f32 v4, v2;
	v1 =	vmul.f32 v3, v1  }
0x125: {  	s9 =	sadd.s32 s8, s17;
	v3 =	vld [tilespmem:s2+$0x1BC80]  }
0x126: {  	v63 =	vld [tilespmem:s2+$0x1AC80];
	s9 =	sshll.u32 s9, $0x7;
	v1 =	vadd.f32 v1, v2  }
0x127: {  	s9 =	sand.u32 $0x3FFFFF80, s9  }
0x128: {  	s9 =	sor.u32 s14, s9;
	[tilespmem:s1+$0x1CC80] =	vst v1  }
0x129: {  	v1 =	vld [tilespmem:s9+$0x0]  }
0x12a: {  	v2 =	vld [tilespmem:s2+$0x1CC80]  }
0x12b: {  	v4 =	vmul.f32 v63, v3;
	_ =	sdelay $0x1  }
0x12c: {  	v4 =	vsub.f32 $1.000000000e+00, v4;
	_ =	sdelay $0x1  }
0x12d: {  	v1 =	vmul.f32 v4, v1;
	v2 =	vmul.f32 v2, v3;
	_ =	sdelay $0x1  }
0x12e: {  	v1 =	vadd.f32 v2, v1;
	_ =	sdelay $0x1  }
0x12f: {  	[tilespmem:s2+$0x1CC80] =	vst v1  }
0x130: {  	s20 =	simm.s32 $0x0;
	s1 =	simm.s32 $0x0;
	[bflag:$0x0] =	sbarrier.arrive $0xFFFF  }
.LBB2_18:
0x131: {  	s2 =	rddreg [dreg:$0xa];
	s9 =	simm.s32 $0x19000  }
0x132: {  	[tilespmem:s9], [sflag:$0x1] =	stream.linear.gather [hbm4b:s2+s20], $0xA00, $0x38;
	[tilespmem:$0x1F900] =	vst v63  }
0x133: {  	_ =	swait.ge [sflag:s30], $0xC800  }
0x134: {  	[sflag:s30] =	ssyncset.done $0x0  }
0x135: {  	[sflag:s30] =	ssyncadd.s32 $0xFFFF3800  }
0x136: {  	[spmem:s4] =	stream.indirect.scatter [tilespmem:s26], [sflag:$0x5], $0x80, s25, s31, $0xb8;
	[tilespmem:$0x1F900] =	vst v63  }
0x137: {  	_ =	swait.ge [sflag:s24], $0xC80  }
0x138: {  	[sflag:s24] =	ssyncset.done $0x0  }
0x139: {  	s18 =	simm.s32 $0x0;
	[sflag:s24] =	ssyncadd.s32 $0xFFFFF380  }
.LBB2_19:
0x13a: {  	s21 =	sshll.u32 s18, $0x1  }
0x13b: {  	s2 =	sadd.s32 s21, s12  }
0x13c: {  	s2 =	smul.u32 $0x180, s2;
	_ =	sdelay $0x1  }
0x13d: {  	s9 =	simm.s32 $0x0;
	s23 =	simm.s32 $0x0;
	s2 =	sadd.s32 s7, s2  }
0x13e: {  	[tilespmem:s29], [sflag:$0x2] =	stream.linear.gather [hbm4b:s2+s9], $0xA00, $0x38;
	[tilespmem:$0x1F900] =	vst v63  }
0x13f: {  	s9 =	sand.u32 $0x40, s9;
	s2 =	sand.u32 $0x780, s23;
	_ =	swait.ge [sflag:s0], $0xA00  }
0x140: {  	s10 =	sor.u32 $0x19000, s2;
	s11 =	sor.u32 $0x30, s9;
	[sflag:s0] =	ssyncset.done $0x0  }
0x141: {  	s14 =	sor.u32 s11, s10;
	[sflag:s0] =	ssyncadd.s32 $0xFFFFF600  }
0x142: {  	v1 =	vld [tilespmem:s14+$0x0];
	_ =	sdelay $0x1  }
0x143: {  	s28 =	sor.u32 s9, s10  }
0x144: {  	s15 =	sor.u32 $0x10, s9;
	v2 =	vld [tilespmem:s28+$0x0]  }
0x145: {  	s31 =	sor.u32 s15, s10  }
0x146: {  	v3 =	vld [tilespmem:s31+$0x0];
	v4 =	vshrl.u32 v1, $0x10  }
0x147: {  	s16 =	sor.u32 $0x20, s9  }
0x148: {  	s2 =	sadd.s32 $0x19500, s2;
	s10 =	sor.u32 s16, s10;
	v6 =	vand.u32 $0xFFFF, v1  }
0x149: {  	s17 =	sor.u32 s11, s2;
	v5 =	vld [tilespmem:s10+$0x0];
	v7 =	vshrl.u32 v2, $0x10  }
0x14a: {  	v9 =	vld [tilespmem:s17+$0x0];
	v2 =	vand.u32 $0xFFFF, v2  }
0x14b: {  	s19 =	sor.u32 s9, s2;
	s28 =	sor.u32 s15, s2;
	s2 =	sor.u32 s16, s2;
	v8 =	vshrl.u32 v3, $0x10;
	v10 =	vld.idx.msk [tilespmem:v4+s5+$0x0], $0xffff  }
0x14c: {  	v18 =	vld [tilespmem:s2+$0x0];
	v3 =	vand.u32 $0xFFFF, v3  }
0x14d: {  	v11 =	vld.idx.msk [tilespmem:v6+s5+$0x0], $0xffff  }
0x14e: {  	v12 =	vld.idx.msk [tilespmem:v7+s5+$0x0], $0xffff  }
0x14f: {  	v13 =	vld.idx.msk [tilespmem:v2+s5+$0x0], $0xffff  }
0x150: {  	v14 =	vld.idx.msk [tilespmem:v8+s5+$0x0], $0xffff;
	v10 =	vmul.f32 v10, v9  }
0x151: {  	v1 =	vshrl.u32 v5, $0x10;
	v15 =	vld.idx.msk [tilespmem:v3+s5+$0x0], $0xffff  }
0x152: {  	v5 =	vand.u32 $0xFFFF, v5;
	v9 =	vmul.f32 v11, v9;
	[tilespmem:v6+s26+$0x0] =	vst.idx.add.f32.msk $0xffff, v10  }
0x153: {  	v6 =	vld [tilespmem:s28+$0x0]  }
0x154: {  	s23 =	simm.s32 $0x40;
	s9 =	simm.s32 $0x40;
	[tilespmem:v4+s26+$0x0] =	vst.idx.add.f32.msk $0xffff, v9  }
0x155: {  	s15 =	sand.u32 $0x40, s9;
	s31 =	sand.u32 $0x780, s23;
	v4 =	vld [tilespmem:s19+$0x0]  }
0x156: {  	s11 =	sor.u32 $0x19000, s31;
	s14 =	sor.u32 $0x30, s15;
	v16 =	vld.idx.msk [tilespmem:v1+s5+$0x0], $0xffff  }
0x157: {  	s23 =	sor.u32 s14, s11;
	v17 =	vld.idx.msk [tilespmem:v5+s5+$0x0], $0xffff  }
0x158: {  	s16 =	sor.u32 $0x10, s15;
	s17 =	sor.u32 s15, s11;
	v9 =	vld [tilespmem:s23+$0x0]  }
0x159: {  	s28 =	sor.u32 $0x20, s15;
	v10 =	vld [tilespmem:s17+$0x0];
	s19 =	sor.u32 s16, s11  }
0x15a: {  	s11 =	sor.u32 s28, s11;
	v14 =	vmul.f32 v14, v6;
	v11 =	vmul.f32 v12, v4;
	v12 =	vld [tilespmem:s19+$0x0]  }
0x15b: {  	v4 =	vmul.f32 v13, v4;
	v13 =	vld [tilespmem:s11+$0x0]  }
0x15c: {  	[tilespmem:v3+s26+$0x0] =	vst.idx.add.f32.msk $0xffff, v14  }
0x15d: {  	v63 =	vand.u32 $0xFFFF, v9;
	[tilespmem:v2+s26+$0x0] =	vst.idx.add.f32.msk $0xffff, v11;
	v2 =	vmul.f32 v15, v6  }
0x15e: {  	s31 =	sadd.s32 $0x19500, s31;
	v15 =	vshrl.u32 v9, $0x10;
	[tilespmem:v7+s26+$0x0] =	vst.idx.add.f32.msk $0xffff, v4  }
0x15f: {  	s10 =	sor.u32 s14, s31;
	v3 =	vshrl.u32 v10, $0x10;
	v4 =	vmul.f32 v16, v18;
	[tilespmem:v8+s26+$0x0] =	vst.idx.add.f32.msk $0xffff, v2  }
0x160: {  	v6 =	vand.u32 $0xFFFF, v10;
	v8 =	vld [tilespmem:s10+$0x0]  }
0x161: {  	[tilespmem:v5+s26+$0x0] =	vst.idx.add.f32.msk $0xffff, v4;
	v2 =	vshrl.u32 v12, $0x10  }
0x162: {  	v5 =	vand.u32 $0xFFFF, v12;
	v19 =	vld.idx.msk [tilespmem:v63+s5+$0x0], $0xffff  }
0x163: {  	v7 =	vshrl.u32 v13, $0x10;
	v10 =	vld.idx.msk [tilespmem:v15+s5+$0x0], $0xffff  }
0x164: {  	v4 =	vand.u32 $0xFFFF, v13;
	v13 =	vld.idx.msk [tilespmem:v3+s5+$0x0], $0xffff  }
0x165: {  	v14 =	vld.idx.msk [tilespmem:v6+s5+$0x0], $0xffff  }
0x166: {  	v11 =	vld.idx.msk [tilespmem:v2+s5+$0x0], $0xffff  }
0x167: {  	v12 =	vld.idx.msk [tilespmem:v5+s5+$0x0], $0xffff  }
0x168: {  	v9 =	vld.idx.msk [tilespmem:v7+s5+$0x0], $0xffff;
	v20 =	vmul.f32 v10, v8  }
0x169: {  	v19 =	vmul.f32 v19, v8;
	v10 =	vld.idx.msk [tilespmem:v4+s5+$0x0], $0xffff  }
0x16a: {  	s14 =	simm.s32 $0x200;
	s17 =	sor.u32 s16, s31;
	[tilespmem:v63+s26+$0x0] =	vst.idx.add.f32.msk $0xffff, v20  }
0x16b: {  	s23 =	sor.u32 s15, s31;
	s19 =	sor.u32 s28, s31;
	s10 =	simm.s32 $0x4;
	v8 =	vmul.f32 v17, v18;
	[tilespmem:v15+s26+$0x0] =	vst.idx.add.f32.msk $0xffff, v19  }
.LBB2_20:
0x16c: {  	s2 =	sshrl.u32 s14, $0x2;
	v15 =	vld [tilespmem:s23+$0x0];
	s9 =	sadd.s32 $0x40, s9  }
0x16d: {  	s10 =	sadd.s32 $0x4, s10;
	s11 =	sand.u32 $0x40, s9;
	s2 =	sand.u32 $0x780, s2;
	v16 =	vld [tilespmem:s17+$0x0]  }
0x16e: {  	p1 =	slt.u32 s10, $0x4C;
	s15 =	sor.u32 $0x19000, s2;
	s16 =	sor.u32 $0x30, s11;
	v17 =	vld [tilespmem:s19+$0x0]  }
0x16f: {  	s17 =	sor.u32 $0x10, s11;
	s19 =	sor.u32 $0x20, s11;
	s23 =	sor.u32 s16, s15;
	[tilespmem:v1+s26+$0x0] =	vst.idx.add.f32.msk $0xffff, v8;
	v1 =	vmov v7  }
0x170: {  	s28 =	sor.u32 s11, s15;
	s31 =	sor.u32 s17, s15;
	s15 =	sor.u32 s19, s15;
	v7 =	vld [tilespmem:s23+$0x0]  }
0x171: {  	v18 =	vld [tilespmem:s28+$0x0];
	v13 =	vmul.f32 v13, v15;
	v14 =	vmul.f32 v14, v15  }
0x172: {  	v15 =	vld [tilespmem:s31+$0x0];
	v11 =	vmul.f32 v11, v16;
	v12 =	vmul.f32 v12, v16  }
0x173: {  	v16 =	vld [tilespmem:s15+$0x0];
	v9 =	vmul.f32 v9, v17;
	v8 =	vmul.f32 v10, v17  }
0x174: {  	[tilespmem:v6+s26+$0x0] =	vst.idx.add.f32.msk $0xffff, v13  }
0x175: {  	v17 =	vshrl.u32 v7, $0x10;
	[tilespmem:v3+s26+$0x0] =	vst.idx.add.f32.msk $0xffff, v14  }
0x176: {  	v3 =	vshrl.u32 v18, $0x10;
	v6 =	vand.u32 $0xFFFF, v18;
	v18 =	vand.u32 $0xFFFF, v7;
	[tilespmem:v5+s26+$0x0] =	vst.idx.add.f32.msk $0xffff, v11  }
0x177: {  	s2 =	sadd.s32 $0x19500, s2;
	v5 =	vand.u32 $0xFFFF, v15;
	[tilespmem:v2+s26+$0x0] =	vst.idx.add.f32.msk $0xffff, v12;
	v2 =	vshrl.u32 v15, $0x10  }
0x178: {  	s17 =	sor.u32 s17, s2;
	s23 =	sor.u32 s11, s2;
	s11 =	sor.u32 s16, s2;
	v7 =	vshrl.u32 v16, $0x10;
	[tilespmem:v4+s26+$0x0] =	vst.idx.add.f32.msk $0xffff, v9;
	v4 =	vand.u32 $0xFFFF, v16  }
0x179: {  	s19 =	sor.u32 s19, s2;
	v15 =	vld [tilespmem:s11+$0x0]  }
0x17a: {  	v10 =	vld.idx.msk [tilespmem:v17+s5+$0x0], $0xffff  }
0x17b: {  	v16 =	vld.idx.msk [tilespmem:v18+s5+$0x0], $0xffff  }
0x17c: {  	v13 =	vld.idx.msk [tilespmem:v3+s5+$0x0], $0xffff  }
0x17d: {  	v14 =	vld.idx.msk [tilespmem:v6+s5+$0x0], $0xffff  }
0x17e: {  	v11 =	vld.idx.msk [tilespmem:v2+s5+$0x0], $0xffff  }
.Ltmp10:
0x17f: {  	v12 =	vld.idx.msk [tilespmem:v5+s5+$0x0], $0xffff;
	(pc) =	sbr.rel @p1 .LBB2_20-.Ltmp10, $4  }
0x180: {  	v19 =	vmul.f32 v10, v15;
	v9 =	vld.idx.msk [tilespmem:v7+s5+$0x0], $0xffff  }
0x181: {  	v15 =	vmul.f32 v16, v15;
	v10 =	vld.idx.msk [tilespmem:v4+s5+$0x0], $0xffff  }
0x182: {  	[tilespmem:v18+s26+$0x0] =	vst.idx.add.f32.msk $0xffff, v19  }
0x183: {  	s14 =	sadd.s32 $0x100, s14;
	[tilespmem:v17+s26+$0x0] =	vst.idx.add.f32.msk $0xffff, v15  }
0x184: {  	v15 =	vld [tilespmem:s23+$0x0]  }
0x185: {  	v16 =	vld [tilespmem:s17+$0x0];
	_ =	sdelay $0x2  }
0x186: {  	v17 =	vld [tilespmem:s19+$0x0]  }
0x187: {  	v13 =	vmul.f32 v13, v15  }
0x188: {  	[tilespmem:v1+s26+$0x0] =	vst.idx.add.f32.msk $0xffff, v8;
	v8 =	vmul.f32 v11, v16  }
0x189: {  	v1 =	vmul.f32 v14, v15;
	[tilespmem:v6+s26+$0x0] =	vst.idx.add.f32.msk $0xffff, v13  }
0x18a: {  	p1 =	seq.s32 s18, $0x13;
	v6 =	vmul.f32 v12, v16;
	[tilespmem:v5+s26+$0x0] =	vst.idx.add.f32.msk $0xffff, v8  }
0x18b: {  	s2 =	sadd.s32 @!p1 s21, s13;
	[tilespmem:v3+s26+$0x0] =	vst.idx.add.f32.msk $0xffff, v1;
	v1 =	vmul.f32 v9, v17  }
0x18c: {  	s2 =	smul.u32 @!p1 $0x180, s2;
	v3 =	vmul.f32 v10, v17;
	[tilespmem:v2+s26+$0x0] =	vst.idx.add.f32.msk $0xffff, v6  }
0x18d: {  	s15 =	simm.s32 $0x0;
	s16 =	simm.s32 $0x0;
	[tilespmem:v4+s26+$0x0] =	vst.idx.add.f32.msk $0xffff, v1  }
0x18e: {  	s9 =	simm.s32 @!p1 $0x0;
	s10 =	simm.s32 @!p1 $0x19000;
	s2 =	sadd.s32 @!p1 s7, s2;
	[tilespmem:v7+s26+$0x0] =	vst.idx.add.f32.msk $0xffff, v3  }
0x18f: {  	[tilespmem:s10], [sflag:$0x1] =	stream.linear.gather @!p1 [hbm4b:s2+s9], $0xA00, $0x38;
	[tilespmem:$0x1F900] =	vst v63  }
0x190: {  	s2 =	sand.u32 $0x40, s15;
	s9 =	sand.u32 $0x780, s16;
	_ =	swait.ge [sflag:s6], $0xA00  }
0x191: {  	s17 =	sadd.s32 $0x19C00, s9;
	s11 =	sor.u32 $0x30, s2;
	[sflag:s6] =	ssyncset.done $0x0  }
0x192: {  	s14 =	sor.u32 s11, s17;
	[sflag:s6] =	ssyncadd.s32 $0xFFFFF600  }
0x193: {  	v1 =	vld [tilespmem:s14+$0x0];
	_ =	sdelay $0x1  }
0x194: {  	s19 =	sor.u32 s2, s17  }
0x195: {  	s15 =	sor.u32 $0x10, s2;
	v2 =	vld [tilespmem:s19+$0x0]  }
0x196: {  	s21 =	sor.u32 s15, s17  }
0x197: {  	v3 =	vld [tilespmem:s21+$0x0];
	v4 =	vshrl.u32 v1, $0x10  }
0x198: {  	s16 =	sor.u32 $0x20, s2  }
0x199: {  	s23 =	sadd.s32 $0x1A100, s9;
	s10 =	sor.u32 s16, s17;
	v6 =	vand.u32 $0xFFFF, v1  }
0x19a: {  	s9 =	sor.u32 s11, s23;
	v5 =	vld [tilespmem:s10+$0x0];
	v7 =	vshrl.u32 v2, $0x10  }
0x19b: {  	v9 =	vld [tilespmem:s9+$0x0];
	v2 =	vand.u32 $0xFFFF, v2  }
0x19c: {  	s10 =	sor.u32 s16, s23;
	v8 =	vshrl.u32 v3, $0x10;
	v10 =	vld.idx.msk [tilespmem:v4+s5+$0x0], $0xffff  }
0x19d: {  	v18 =	vld [tilespmem:s10+$0x0];
	v3 =	vand.u32 $0xFFFF, v3  }
0x19e: {  	v11 =	vld.idx.msk [tilespmem:v6+s5+$0x0], $0xffff  }
0x19f: {  	v12 =	vld.idx.msk [tilespmem:v7+s5+$0x0], $0xffff  }
0x1a0: {  	v13 =	vld.idx.msk [tilespmem:v2+s5+$0x0], $0xffff  }
0x1a1: {  	v14 =	vld.idx.msk [tilespmem:v8+s5+$0x0], $0xffff;
	v10 =	vmul.f32 v10, v9  }
0x1a2: {  	v1 =	vshrl.u32 v5, $0x10;
	v15 =	vld.idx.msk [tilespmem:v3+s5+$0x0], $0xffff  }
0x1a3: {  	s31 =	sor.u32 s15, s23;
	v5 =	vand.u32 $0xFFFF, v5;
	v9 =	vmul.f32 v11, v9;
	[tilespmem:v6+s26+$0x0] =	vst.idx.add.f32.msk $0xffff, v10  }
0x1a4: {  	v6 =	vld [tilespmem:s31+$0x0]  }
0x1a5: {  	s28 =	simm.s32 $0x40;
	s2 =	sor.u32 s2, s23;
	[tilespmem:v4+s26+$0x0] =	vst.idx.add.f32.msk $0xffff, v9  }
0x1a6: {  	s11 =	sand.u32 $0x780, s28;
	s9 =	simm.s32 $0x40;
	v4 =	vld [tilespmem:s2+$0x0]  }
0x1a7: {  	s15 =	sadd.s32 $0x19C00, s11;
	v61 =	vld.idx.msk [tilespmem:v1+s5+$0x0], $0xffff;
	s2 =	sand.u32 $0x40, s9  }
0x1a8: {  	v62 =	vld.idx.msk [tilespmem:v5+s5+$0x0], $0xffff;
	s16 =	sor.u32 $0x30, s2;
	s21 =	sor.u32 s2, s15  }
0x1a9: {  	s19 =	sor.u32 $0x10, s2;
	s17 =	sor.u32 s16, s15;
	v10 =	vld [tilespmem:s21+$0x0]  }
0x1aa: {  	s23 =	sor.u32 $0x20, s2;
	s28 =	sor.u32 s19, s15;
	v9 =	vld [tilespmem:s17+$0x0]  }
0x1ab: {  	s14 =	sor.u32 s23, s15;
	v14 =	vmul.f32 v14, v6;
	v11 =	vmul.f32 v12, v4;
	v12 =	vld [tilespmem:s28+$0x0]  }
0x1ac: {  	v4 =	vmul.f32 v13, v4;
	v13 =	vld [tilespmem:s14+$0x0]  }
0x1ad: {  	v6 =	vmul.f32 v15, v6;
	[tilespmem:v3+s26+$0x0] =	vst.idx.add.f32.msk $0xffff, v14  }
0x1ae: {  	[tilespmem:v2+s26+$0x0] =	vst.idx.add.f32.msk $0xffff, v11;
	v2 =	vshrl.u32 v10, $0x10  }
0x1af: {  	s11 =	sadd.s32 $0x1A100, s11;
	[tilespmem:v8+s26+$0x0] =	vst.idx.add.f32.msk $0xffff, v6;
	v15 =	vshrl.u32 v9, $0x10  }
0x1b0: {  	s31 =	sor.u32 s16, s11;
	[tilespmem:v7+s26+$0x0] =	vst.idx.add.f32.msk $0xffff, v4;
	v4 =	vmul.f32 v61, v18;
	v63 =	vand.u32 $0xFFFF, v9  }
0x1b1: {  	v6 =	vand.u32 $0xFFFF, v10;
	v8 =	vld [tilespmem:s31+$0x0]  }
0x1b2: {  	[tilespmem:v5+s26+$0x0] =	vst.idx.add.f32.msk $0xffff, v4;
	v3 =	vshrl.u32 v12, $0x10  }
0x1b3: {  	v5 =	vand.u32 $0xFFFF, v12;
	v12 =	vld.idx.msk [tilespmem:v2+s5+$0x0], $0xffff  }
0x1b4: {  	v7 =	vshrl.u32 v13, $0x10;
	v14 =	vld.idx.msk [tilespmem:v15+s5+$0x0], $0xffff  }
0x1b5: {  	v4 =	vand.u32 $0xFFFF, v13;
	v19 =	vld.idx.msk [tilespmem:v63+s5+$0x0], $0xffff  }
0x1b6: {  	v13 =	vld.idx.msk [tilespmem:v6+s5+$0x0], $0xffff  }
0x1b7: {  	v10 =	vld.idx.msk [tilespmem:v3+s5+$0x0], $0xffff  }
0x1b8: {  	v11 =	vld.idx.msk [tilespmem:v5+s5+$0x0], $0xffff  }
0x1b9: {  	v9 =	vld.idx.msk [tilespmem:v7+s5+$0x0], $0xffff;
	v20 =	vmul.f32 v14, v8  }
0x1ba: {  	v19 =	vmul.f32 v19, v8;
	v14 =	vld.idx.msk [tilespmem:v4+s5+$0x0], $0xffff  }
0x1bb: {  	s10 =	simm.s32 $0x4;
	s21 =	sor.u32 s2, s11;
	[tilespmem:v63+s26+$0x0] =	vst.idx.add.f32.msk $0xffff, v20  }
0x1bc: {  	s17 =	sor.u32 s19, s11;
	s19 =	sor.u32 s23, s11;
	s14 =	simm.s32 $0x200;
	v8 =	vmul.f32 v62, v18;
	[tilespmem:v15+s26+$0x0] =	vst.idx.add.f32.msk $0xffff, v19  }
.LBB2_22:
0x1bd: {  	s2 =	sshrl.u32 s14, $0x2;
	v15 =	vld [tilespmem:s21+$0x0];
	s9 =	sadd.s32 $0x40, s9  }
0x1be: {  	s10 =	sadd.s32 $0x4, s10;
	s11 =	sand.u32 $0x40, s9;
	s2 =	sand.u32 $0x780, s2;
	v16 =	vld [tilespmem:s17+$0x0]  }
0x1bf: {  	p1 =	slt.u32 s10, $0x4C;
	s15 =	sadd.s32 $0x19C00, s2;
	s16 =	sor.u32 $0x30, s11;
	v17 =	vld [tilespmem:s19+$0x0]  }
0x1c0: {  	s17 =	sor.u32 $0x10, s11;
	s19 =	sor.u32 $0x20, s11;
	s21 =	sor.u32 s16, s15;
	[tilespmem:v1+s26+$0x0] =	vst.idx.add.f32.msk $0xffff, v8;
	v1 =	vmov v7  }
0x1c1: {  	s23 =	sor.u32 s11, s15;
	s28 =	sor.u32 s17, s15;
	s15 =	sor.u32 s19, s15;
	v7 =	vld [tilespmem:s21+$0x0]  }
0x1c2: {  	v18 =	vld [tilespmem:s23+$0x0];
	v12 =	vmul.f32 v12, v15;
	v13 =	vmul.f32 v13, v15  }
0x1c3: {  	v15 =	vld [tilespmem:s28+$0x0];
	v10 =	vmul.f32 v10, v16;
	v11 =	vmul.f32 v11, v16  }
0x1c4: {  	v16 =	vld [tilespmem:s15+$0x0];
	v9 =	vmul.f32 v9, v17;
	v8 =	vmul.f32 v14, v17  }
0x1c5: {  	[tilespmem:v6+s26+$0x0] =	vst.idx.add.f32.msk $0xffff, v12  }
0x1c6: {  	v17 =	vshrl.u32 v7, $0x10;
	[tilespmem:v2+s26+$0x0] =	vst.idx.add.f32.msk $0xffff, v13  }
0x1c7: {  	v2 =	vshrl.u32 v18, $0x10;
	v6 =	vand.u32 $0xFFFF, v18;
	v18 =	vand.u32 $0xFFFF, v7;
	[tilespmem:v5+s26+$0x0] =	vst.idx.add.f32.msk $0xffff, v10  }
0x1c8: {  	s2 =	sadd.s32 $0x1A100, s2;
	v5 =	vand.u32 $0xFFFF, v15;
	[tilespmem:v3+s26+$0x0] =	vst.idx.add.f32.msk $0xffff, v11;
	v3 =	vshrl.u32 v15, $0x10  }
0x1c9: {  	s17 =	sor.u32 s17, s2;
	s21 =	sor.u32 s11, s2;
	s11 =	sor.u32 s16, s2;
	v7 =	vshrl.u32 v16, $0x10;
	[tilespmem:v4+s26+$0x0] =	vst.idx.add.f32.msk $0xffff, v9;
	v4 =	vand.u32 $0xFFFF, v16  }
0x1ca: {  	s19 =	sor.u32 s19, s2;
	v15 =	vld [tilespmem:s11+$0x0]  }
0x1cb: {  	v14 =	vld.idx.msk [tilespmem:v17+s5+$0x0], $0xffff  }
0x1cc: {  	v16 =	vld.idx.msk [tilespmem:v18+s5+$0x0], $0xffff  }
0x1cd: {  	v12 =	vld.idx.msk [tilespmem:v2+s5+$0x0], $0xffff  }
0x1ce: {  	v13 =	vld.idx.msk [tilespmem:v6+s5+$0x0], $0xffff  }
0x1cf: {  	v10 =	vld.idx.msk [tilespmem:v3+s5+$0x0], $0xffff  }
.Ltmp11:
0x1d0: {  	v11 =	vld.idx.msk [tilespmem:v5+s5+$0x0], $0xffff;
	(pc) =	sbr.rel @p1 .LBB2_22-.Ltmp11, $4  }
0x1d1: {  	v19 =	vmul.f32 v14, v15;
	v9 =	vld.idx.msk [tilespmem:v7+s5+$0x0], $0xffff  }
0x1d2: {  	v15 =	vmul.f32 v16, v15;
	v14 =	vld.idx.msk [tilespmem:v4+s5+$0x0], $0xffff  }
0x1d3: {  	[tilespmem:v18+s26+$0x0] =	vst.idx.add.f32.msk $0xffff, v19  }
0x1d4: {  	s14 =	sadd.s32 $0x100, s14;
	[tilespmem:v17+s26+$0x0] =	vst.idx.add.f32.msk $0xffff, v15  }
0x1d5: {  	v15 =	vld [tilespmem:s21+$0x0]  }
0x1d6: {  	v16 =	vld [tilespmem:s17+$0x0];
	_ =	sdelay $0x2  }
0x1d7: {  	v17 =	vld [tilespmem:s19+$0x0]  }
0x1d8: {  	v12 =	vmul.f32 v12, v15  }
0x1d9: {  	[tilespmem:v1+s26+$0x0] =	vst.idx.add.f32.msk $0xffff, v8;
	s18 =	sadd.s32 $0x1, s18;
	v62 =	vmul.f32 v10, v16  }
0x1da: {  	p1 =	sne.s32 s18, $0x14;
	v1 =	vmul.f32 v13, v15;
	[tilespmem:v6+s26+$0x0] =	vst.idx.add.f32.msk $0xffff, v12  }
.Ltmp12:
0x1db: {  	v63 =	vmul.f32 v11, v16;
	[tilespmem:v5+s26+$0x0] =	vst.idx.add.f32.msk $0xffff, v62;
	(pc) =	sbr.rel @p1 .LBB2_19-.Ltmp12, $4  }
0x1dc: {  	[tilespmem:v2+s26+$0x0] =	vst.idx.add.f32.msk $0xffff, v1;
	v1 =	vmul.f32 v9, v17  }
0x1dd: {  	v2 =	vmul.f32 v14, v17;
	[tilespmem:v3+s26+$0x0] =	vst.idx.add.f32.msk $0xffff, v63  }
0x1de: {  	[tilespmem:v4+s26+$0x0] =	vst.idx.add.f32.msk $0xffff, v1  }
0x1df: {  	[tilespmem:v7+s26+$0x0] =	vst.idx.add.f32.msk $0xffff, v2  }
0x1e0: {  	[bflag:$0x0] =	sbarrier.arrive $0xFFFF;
	s2 =	simm.s32 $0x1A800  }
0x1e1: {  	[spmem:s4] =	stream.indirect.scatter.add.f32 [tilespmem:s26], [sflag:$0x4], $0x80, s2, s3, $0xb8;
	[tilespmem:$0x1F900] =	vst v63  }
0x1e2: {  	s11 =	simm.s32 $0x1A880;
	s9 =	simm.s32 $0xF000  }
0x1e3: {  	[spmem:s4] =	stream.indirect.scatter.add.f32 [tilespmem:s9], [sflag:$0x4], $0x80, s11, s3, $0xb8;
	[tilespmem:$0x1F900] =	vst v63  }
0x1e4: {  	s14 =	simm.s32 $0x1A900;
	s15 =	simm.s32 $0x11800  }
0x1e5: {  	[spmem:s4] =	stream.indirect.scatter.add.f32 [tilespmem:s15], [sflag:$0x4], $0x80, s14, s3, $0xb8;
	[tilespmem:$0x1F900] =	vst v63  }
0x1e6: {  	s16 =	simm.s32 $0x1A980;
	s17 =	simm.s32 $0x14000  }
0x1e7: {  	[spmem:s4] =	stream.indirect.scatter.add.f32 [tilespmem:s17], [sflag:$0x4], $0x80, s16, s3, $0xb8;
	[tilespmem:$0x1F900] =	vst v63  }
0x1e8: {  	s18 =	simm.s32 $0x1AA00;
	s19 =	simm.s32 $0x16800  }
0x1e9: {  	[spmem:s4] =	stream.indirect.scatter.add.f32 [tilespmem:s19], [sflag:$0x4], $0x80, s18, s3, $0xb8;
	[tilespmem:$0x1F900] =	vst v63  }
0x1ea: {  	_ =	swait.ge [sflag:s22], $0x2800  }
0x1eb: {  	[sflag:s22] =	ssyncset.done $0x0  }
0x1ec: {  	[sflag:s22] =	ssyncadd.s32 $0xFFFFD800  }
0x1ed: {  	_ =	swait.ge [sflag:s22], $0x2800  }
0x1ee: {  	[sflag:s22] =	ssyncset.done $0x0  }
0x1ef: {  	[sflag:s22] =	ssyncadd.s32 $0xFFFFD800  }
0x1f0: {  	_ =	swait.ge [sflag:s22], $0x2800  }
0x1f1: {  	[sflag:s22] =	ssyncset.done $0x0  }
0x1f2: {  	[sflag:s22] =	ssyncadd.s32 $0xFFFFD800  }
0x1f3: {  	_ =	swait.ge [sflag:s22], $0x2800  }
0x1f4: {  	[sflag:s22] =	ssyncset.done $0x0  }
0x1f5: {  	[sflag:s22] =	ssyncadd.s32 $0xFFFFD800  }
0x1f6: {  	_ =	swait.ge [sflag:s22], $0x2800  }
0x1f7: {  	[sflag:s22] =	ssyncset.done $0x0  }
0x1f8: {  	[sflag:s22] =	ssyncadd.s32 $0xFFFFD800  }
0x1f9: {  	s21 =	simm.s32 $0x0;
	s23 =	rddreg [dreg:$0x3]  }
0x1fa: {  	[tilespmem:s26], [sflag:$0x3] =	stream.linear.gather [hbm4b:s23+s21], $0xC800, $0x38;
	[tilespmem:$0x1F900] =	vst v63  }
0x1fb: {  	s31 =	simm.s32 $0x19;
	s28 =	simm.s32 $0x1DC80;
	[bflag:$0x0] =	sbarrier.arrive $0xFFFF  }
0x1fc: {  	[tilespmem:s28], [sflag:$0x5] =	stream.indirect.gather [spmem:s4], $0x80, s25, s31, $0xb8;
	[tilespmem:$0x1F900] =	vst v63  }
0x1fd: {  	_ =	swait.ge [sflag:s24], $0xC80  }
0x1fe: {  	[sflag:s24] =	ssyncset.done $0x0  }
0x1ff: {  	s9 =	simm.s32 $0x0;
	[sflag:s24] =	ssyncadd.s32 $0xFFFFF380  }
0x200: {  	s10 =	simm.s32 $0x40;
	v1 =	vld [tilespmem:s9+$0x1BC80]  }
.LBB2_25:
0x201: {  	p1 =	sne.s32 s10, $0x31C0;
	v2 =	vld [tilespmem:s9+$0x1DC80];
	_ =	sdelay $0x1  }
0x202: {  	v3 =	vld [tilespmem:s9+$0x1CC80];
	_ =	sdelay $0x2  }
.Ltmp13:
0x203: {  	v1 =	vmul.f32 v2, v1;
	(pc) =	sbr.rel @p1 .LBB2_25-.Ltmp13, $4  }
0x204: {  	_ = 	snop  }
0x205: {  	v2 =	vadd.f32 v1, v3  }
0x206: {  	s2 =	sshra.s32 s10, $0x2  }
0x207: {  	s10 =	sadd.s32 $0x40, s10;
	v1 =	vld [tilespmem:s2+$0x1BC80];
	[tilespmem:s9+$0x1DC80] =	vst v2;
	s9 =	smov.u32 s2  }
0x208: {  	v2 =	vld [tilespmem:s9+$0x1DC80];
	_ =	sdelay $0x1  }
0x209: {  	v3 =	vld [tilespmem:s9+$0x1CC80];
	_ =	sdelay $0x2  }
0x20a: {  	v1 =	vmul.f32 v2, v1;
	_ =	sdelay $0x1  }
0x20b: {  	v1 =	vadd.f32 v1, v3;
	_ =	sdelay $0x1  }
0x20c: {  	s2 =	simm.s32 $0x1DC80;
	[tilespmem:s9+$0x1DC80] =	vst v1  }
0x20d: {  	[spmem:s4] =	stream.indirect.scatter [tilespmem:s2], [sflag:$0x5], $0x80, s25, s31, $0xb8;
	[tilespmem:$0x1F900] =	vst v63  }
0x20e: {  	p1 =	sne.s32 s1, $0x7;
	_ =	swait.ge [sflag:s24], $0xC80  }
0x20f: {  	s9 =	simm.s32 @!p1 $0x1DC80;
	[sflag:s24] =	ssyncset.done $0x0  }
0x210: {  	s2 =	simm.s32 @!p1 $0x0;
	s10 =	rddreg [dreg:$0xd];
	[sflag:s24] =	ssyncadd.s32 $0xFFFFF380  }
0x211: {  	[hbm4b:s10+s2] =	stream.linear.scatter @!p1 [tilespmem:s9], [sflag:$0x5], $0xC80, $0x38;
	[tilespmem:$0x1F900] =	vst v63  }
0x212: {  	s2 =	simm.s32 @!p1 $0x5  }
0x213: {  	_ =	swait.ge @!p1 [sflag:s2], $0xC80  }
0x214: {  	[sflag:s2] =	ssyncset.done @!p1 $0x0  }
0x215: {  	s1 =	sadd.s32 $0x1, s1;
	[sflag:s2] =	ssyncadd.s32 @!p1 $0xFFFFF380  }
0x216: {  	p1 =	sne.s32 s1, $0x8;
	[bflag:$0x0] =	sbarrier.arrive $0xFFFF  }
0x217: {  	[tilespmem:s5], [sflag:$0x5] =	stream.linear.gather [spmem:s4], $0xC800, $0x38;
	[tilespmem:$0x1F900] =	vst v63  }
.Ltmp14:
0x218: {  	_ =	swait.ge [sflag:s24], $0xC800;
	(pc) =	sbr.rel @p1 .LBB2_18-.Ltmp14, $3  }
0x219: {  	[sflag:s24] =	ssyncset.done $0x0  }
0x21a: {  	[sflag:s24] =	ssyncadd.s32 $0xFFFF3800  }
0x21b: {  	[bflag:$0x0] =	sbarrier.arrive $0xFFFF;
	_ =	sdelay $0x1  }
0x21c: {  	s1 =	simm.s32 $0x0;
	s2 =	rddreg [dreg:$0xa];
	s9 =	simm.s32 $0x19000  }
0x21d: {  	[tilespmem:s9], [sflag:$0x1] =	stream.linear.gather [hbm4b:s2+s1], $0xA00, $0x38;
	[tilespmem:$0x1F900] =	vst v63  }
0x21e: {  	_ =	swait.ge [sflag:s30], $0xC800  }
0x21f: {  	[sflag:s30] =	ssyncset.done $0x0  }
0x220: {  	[sflag:s30] =	ssyncadd.s32 $0xFFFF3800  }
0x221: {  	[spmem:s4] =	stream.indirect.scatter [tilespmem:s26], [sflag:$0x5], $0x80, s25, s31, $0xb8;
	[tilespmem:$0x1F900] =	vst v63  }
0x222: {  	_ =	swait.ge [sflag:s24], $0xC80  }
0x223: {  	[sflag:s24] =	ssyncset.done $0x0  }
0x224: {  	s18 =	simm.s32 $0x0;
	[sflag:s24] =	ssyncadd.s32 $0xFFFFF380  }
.LBB2_28:
0x225: {  	s20 =	sshll.u32 s18, $0x1  }
0x226: {  	s2 =	sadd.s32 s20, s12  }
0x227: {  	s2 =	smul.u32 $0x180, s2;
	_ =	sdelay $0x1  }
0x228: {  	s21 =	simm.s32 $0x0;
	s2 =	sadd.s32 s7, s2  }
0x229: {  	[tilespmem:s29], [sflag:$0x2] =	stream.linear.gather [hbm4b:s2+s1], $0xA00, $0x38;
	[tilespmem:$0x1F900] =	vst v63  }
0x22a: {  	s9 =	sand.u32 $0x40, s1;
	s2 =	sand.u32 $0x780, s21;
	_ =	swait.ge [sflag:s0], $0xA00  }
0x22b: {  	s11 =	sor.u32 $0x30, s9;
	s10 =	sor.u32 $0x19000, s2;
	[sflag:s0] =	ssyncset.done $0x0  }
0x22c: {  	s14 =	sor.u32 s11, s10;
	[sflag:s0] =	ssyncadd.s32 $0xFFFFF600  }
0x22d: {  	v1 =	vld [tilespmem:s14+$0x0];
	_ =	sdelay $0x1  }
0x22e: {  	s23 =	sor.u32 s9, s10  }
0x22f: {  	s15 =	sor.u32 $0x10, s9;
	v2 =	vld [tilespmem:s23+$0x0]  }
0x230: {  	s28 =	sor.u32 s15, s10  }
0x231: {  	v3 =	vld [tilespmem:s28+$0x0];
	v4 =	vshrl.u32 v1, $0x10  }
0x232: {  	s16 =	sor.u32 $0x20, s9  }
0x233: {  	s2 =	sadd.s32 $0x19500, s2;
	s10 =	sor.u32 s16, s10;
	v6 =	vand.u32 $0xFFFF, v1  }
0x234: {  	s17 =	sor.u32 s11, s2;
	v5 =	vld [tilespmem:s10+$0x0];
	v7 =	vshrl.u32 v2, $0x10  }
0x235: {  	v9 =	vld [tilespmem:s17+$0x0];
	v2 =	vand.u32 $0xFFFF, v2  }
0x236: {  	s19 =	sor.u32 s9, s2;
	s23 =	sor.u32 s15, s2;
	s2 =	sor.u32 s16, s2;
	v8 =	vshrl.u32 v3, $0x10;
	v10 =	vld.idx.msk [tilespmem:v4+s5+$0x0], $0xffff  }
0x237: {  	v18 =	vld [tilespmem:s2+$0x0];
	v3 =	vand.u32 $0xFFFF, v3  }
0x238: {  	v11 =	vld.idx.msk [tilespmem:v6+s5+$0x0], $0xffff  }
0x239: {  	v12 =	vld.idx.msk [tilespmem:v7+s5+$0x0], $0xffff  }
0x23a: {  	v13 =	vld.idx.msk [tilespmem:v2+s5+$0x0], $0xffff  }
0x23b: {  	v14 =	vld.idx.msk [tilespmem:v8+s5+$0x0], $0xffff;
	v10 =	vmul.f32 v10, v9  }
0x23c: {  	v1 =	vshrl.u32 v5, $0x10;
	v15 =	vld.idx.msk [tilespmem:v3+s5+$0x0], $0xffff  }
0x23d: {  	v5 =	vand.u32 $0xFFFF, v5;
	v9 =	vmul.f32 v11, v9;
	[tilespmem:v6+s26+$0x0] =	vst.idx.add.f32.msk $0xffff, v10  }
0x23e: {  	v6 =	vld [tilespmem:s23+$0x0]  }
0x23f: {  	s21 =	simm.s32 $0x40;
	s9 =	simm.s32 $0x40;
	[tilespmem:v4+s26+$0x0] =	vst.idx.add.f32.msk $0xffff, v9  }
0x240: {  	s15 =	sand.u32 $0x40, s9;
	s28 =	sand.u32 $0x780, s21;
	v4 =	vld [tilespmem:s19+$0x0]  }
0x241: {  	s11 =	sor.u32 $0x19000, s28;
	s14 =	sor.u32 $0x30, s15;
	v16 =	vld.idx.msk [tilespmem:v1+s5+$0x0], $0xffff  }
0x242: {  	s21 =	sor.u32 s14, s11;
	v17 =	vld.idx.msk [tilespmem:v5+s5+$0x0], $0xffff  }
0x243: {  	s16 =	sor.u32 $0x10, s15;
	s17 =	sor.u32 s15, s11;
	v9 =	vld [tilespmem:s21+$0x0]  }
0x244: {  	s23 =	sor.u32 $0x20, s15;
	v10 =	vld [tilespmem:s17+$0x0];
	s19 =	sor.u32 s16, s11  }
0x245: {  	s11 =	sor.u32 s23, s11;
	v14 =	vmul.f32 v14, v6;
	v11 =	vmul.f32 v12, v4;
	v12 =	vld [tilespmem:s19+$0x0]  }
0x246: {  	v4 =	vmul.f32 v13, v4;
	v13 =	vld [tilespmem:s11+$0x0]  }
0x247: {  	[tilespmem:v3+s26+$0x0] =	vst.idx.add.f32.msk $0xffff, v14  }
0x248: {  	v63 =	vand.u32 $0xFFFF, v9;
	[tilespmem:v2+s26+$0x0] =	vst.idx.add.f32.msk $0xffff, v11;
	v2 =	vmul.f32 v15, v6  }
0x249: {  	s28 =	sadd.s32 $0x19500, s28;
	v15 =	vshrl.u32 v9, $0x10;
	[tilespmem:v7+s26+$0x0] =	vst.idx.add.f32.msk $0xffff, v4  }
0x24a: {  	s10 =	sor.u32 s14, s28;
	v3 =	vshrl.u32 v10, $0x10;
	v4 =	vmul.f32 v16, v18;
	[tilespmem:v8+s26+$0x0] =	vst.idx.add.f32.msk $0xffff, v2  }
0x24b: {  	v6 =	vand.u32 $0xFFFF, v10;
	v8 =	vld [tilespmem:s10+$0x0]  }
0x24c: {  	[tilespmem:v5+s26+$0x0] =	vst.idx.add.f32.msk $0xffff, v4;
	v2 =	vshrl.u32 v12, $0x10  }
0x24d: {  	v5 =	vand.u32 $0xFFFF, v12;
	v19 =	vld.idx.msk [tilespmem:v63+s5+$0x0], $0xffff  }
0x24e: {  	v7 =	vshrl.u32 v13, $0x10;
	v10 =	vld.idx.msk [tilespmem:v15+s5+$0x0], $0xffff  }
0x24f: {  	v4 =	vand.u32 $0xFFFF, v13;
	v13 =	vld.idx.msk [tilespmem:v3+s5+$0x0], $0xffff  }
0x250: {  	v14 =	vld.idx.msk [tilespmem:v6+s5+$0x0], $0xffff  }
0x251: {  	v11 =	vld.idx.msk [tilespmem:v2+s5+$0x0], $0xffff  }
0x252: {  	v12 =	vld.idx.msk [tilespmem:v5+s5+$0x0], $0xffff  }
0x253: {  	v9 =	vld.idx.msk [tilespmem:v7+s5+$0x0], $0xffff;
	v20 =	vmul.f32 v10, v8  }
0x254: {  	v19 =	vmul.f32 v19, v8;
	v10 =	vld.idx.msk [tilespmem:v4+s5+$0x0], $0xffff  }
0x255: {  	s14 =	simm.s32 $0x200;
	s17 =	sor.u32 s16, s28;
	[tilespmem:v63+s26+$0x0] =	vst.idx.add.f32.msk $0xffff, v20  }
0x256: {  	s21 =	sor.u32 s15, s28;
	s19 =	sor.u32 s23, s28;
	s10 =	simm.s32 $0x4;
	v8 =	vmul.f32 v17, v18;
	[tilespmem:v15+s26+$0x0] =	vst.idx.add.f32.msk $0xffff, v19  }
.LBB2_29:
0x257: {  	s2 =	sshrl.u32 s14, $0x2;
	v15 =	vld [tilespmem:s21+$0x0];
	s9 =	sadd.s32 $0x40, s9  }
0x258: {  	s10 =	sadd.s32 $0x4, s10;
	s11 =	sand.u32 $0x40, s9;
	s2 =	sand.u32 $0x780, s2;
	v16 =	vld [tilespmem:s17+$0x0]  }
0x259: {  	p1 =	slt.u32 s10, $0x4C;
	s15 =	sor.u32 $0x19000, s2;
	s16 =	sor.u32 $0x30, s11;
	v17 =	vld [tilespmem:s19+$0x0]  }
0x25a: {  	s17 =	sor.u32 $0x10, s11;
	s19 =	sor.u32 $0x20, s11;
	s21 =	sor.u32 s16, s15;
	[tilespmem:v1+s26+$0x0] =	vst.idx.add.f32.msk $0xffff, v8;
	v1 =	vmov v7  }
0x25b: {  	s23 =	sor.u32 s11, s15;
	s28 =	sor.u32 s17, s15;
	s15 =	sor.u32 s19, s15;
	v7 =	vld [tilespmem:s21+$0x0]  }
0x25c: {  	v18 =	vld [tilespmem:s23+$0x0];
	v13 =	vmul.f32 v13, v15;
	v14 =	vmul.f32 v14, v15  }
0x25d: {  	v15 =	vld [tilespmem:s28+$0x0];
	v11 =	vmul.f32 v11, v16;
	v12 =	vmul.f32 v12, v16  }
0x25e: {  	v16 =	vld [tilespmem:s15+$0x0];
	v9 =	vmul.f32 v9, v17;
	v8 =	vmul.f32 v10, v17  }
0x25f: {  	[tilespmem:v6+s26+$0x0] =	vst.idx.add.f32.msk $0xffff, v13  }
0x260: {  	v17 =	vshrl.u32 v7, $0x10;
	[tilespmem:v3+s26+$0x0] =	vst.idx.add.f32.msk $0xffff, v14  }
0x261: {  	v3 =	vshrl.u32 v18, $0x10;
	v6 =	vand.u32 $0xFFFF, v18;
	v18 =	vand.u32 $0xFFFF, v7;
	[tilespmem:v5+s26+$0x0] =	vst.idx.add.f32.msk $0xffff, v11  }
0x262: {  	s2 =	sadd.s32 $0x19500, s2;
	v5 =	vand.u32 $0xFFFF, v15;
	[tilespmem:v2+s26+$0x0] =	vst.idx.add.f32.msk $0xffff, v12;
	v2 =	vshrl.u32 v15, $0x10  }
0x263: {  	s17 =	sor.u32 s17, s2;
	s21 =	sor.u32 s11, s2;
	s11 =	sor.u32 s16, s2;
	v7 =	vshrl.u32 v16, $0x10;
	[tilespmem:v4+s26+$0x0] =	vst.idx.add.f32.msk $0xffff, v9;
	v4 =	vand.u32 $0xFFFF, v16  }
0x264: {  	s19 =	sor.u32 s19, s2;
	v15 =	vld [tilespmem:s11+$0x0]  }
0x265: {  	v10 =	vld.idx.msk [tilespmem:v17+s5+$0x0], $0xffff  }
0x266: {  	v16 =	vld.idx.msk [tilespmem:v18+s5+$0x0], $0xffff  }
0x267: {  	v13 =	vld.idx.msk [tilespmem:v3+s5+$0x0], $0xffff  }
0x268: {  	v14 =	vld.idx.msk [tilespmem:v6+s5+$0x0], $0xffff  }
0x269: {  	v11 =	vld.idx.msk [tilespmem:v2+s5+$0x0], $0xffff  }
.Ltmp15:
0x26a: {  	v12 =	vld.idx.msk [tilespmem:v5+s5+$0x0], $0xffff;
	(pc) =	sbr.rel @p1 .LBB2_29-.Ltmp15, $4  }
0x26b: {  	v19 =	vmul.f32 v10, v15;
	v9 =	vld.idx.msk [tilespmem:v7+s5+$0x0], $0xffff  }
0x26c: {  	v15 =	vmul.f32 v16, v15;
	v10 =	vld.idx.msk [tilespmem:v4+s5+$0x0], $0xffff  }
0x26d: {  	[tilespmem:v18+s26+$0x0] =	vst.idx.add.f32.msk $0xffff, v19  }
0x26e: {  	s14 =	sadd.s32 $0x100, s14;
	[tilespmem:v17+s26+$0x0] =	vst.idx.add.f32.msk $0xffff, v15  }
0x26f: {  	v15 =	vld [tilespmem:s21+$0x0]  }
0x270: {  	v16 =	vld [tilespmem:s17+$0x0];
	_ =	sdelay $0x2  }
0x271: {  	v17 =	vld [tilespmem:s19+$0x0]  }
0x272: {  	v13 =	vmul.f32 v13, v15  }
0x273: {  	[tilespmem:v1+s26+$0x0] =	vst.idx.add.f32.msk $0xffff, v8;
	v8 =	vmul.f32 v11, v16  }
0x274: {  	v1 =	vmul.f32 v14, v15;
	[tilespmem:v6+s26+$0x0] =	vst.idx.add.f32.msk $0xffff, v13  }
0x275: {  	p1 =	seq.s32 s18, $0x13;
	v6 =	vmul.f32 v12, v16;
	[tilespmem:v5+s26+$0x0] =	vst.idx.add.f32.msk $0xffff, v8  }
0x276: {  	s2 =	sadd.s32 @!p1 s20, s13;
	[tilespmem:v3+s26+$0x0] =	vst.idx.add.f32.msk $0xffff, v1;
	v1 =	vmul.f32 v9, v17  }
0x277: {  	s2 =	smul.u32 @!p1 $0x180, s2;
	v3 =	vmul.f32 v10, v17;
	[tilespmem:v2+s26+$0x0] =	vst.idx.add.f32.msk $0xffff, v6  }
0x278: {  	s15 =	simm.s32 $0x0;
	s16 =	simm.s32 $0x0;
	[tilespmem:v4+s26+$0x0] =	vst.idx.add.f32.msk $0xffff, v1  }
0x279: {  	s9 =	simm.s32 @!p1 $0x0;
	s10 =	simm.s32 @!p1 $0x19000;
	s2 =	sadd.s32 @!p1 s7, s2;
	[tilespmem:v7+s26+$0x0] =	vst.idx.add.f32.msk $0xffff, v3  }
0x27a: {  	[tilespmem:s10], [sflag:$0x1] =	stream.linear.gather @!p1 [hbm4b:s2+s9], $0xA00, $0x38;
	[tilespmem:$0x1F900] =	vst v63  }
0x27b: {  	s2 =	sand.u32 $0x40, s15;
	s9 =	sand.u32 $0x780, s16;
	_ =	swait.ge [sflag:s6], $0xA00  }
0x27c: {  	s17 =	sadd.s32 $0x19C00, s9;
	s11 =	sor.u32 $0x30, s2;
	[sflag:s6] =	ssyncset.done $0x0  }
0x27d: {  	s14 =	sor.u32 s11, s17;
	[sflag:s6] =	ssyncadd.s32 $0xFFFFF600  }
0x27e: {  	v1 =	vld [tilespmem:s14+$0x0];
	_ =	sdelay $0x1  }
0x27f: {  	s19 =	sor.u32 s2, s17  }
0x280: {  	s15 =	sor.u32 $0x10, s2;
	v2 =	vld [tilespmem:s19+$0x0]  }
0x281: {  	s20 =	sor.u32 s15, s17  }
0x282: {  	v3 =	vld [tilespmem:s20+$0x0];
	v4 =	vshrl.u32 v1, $0x10  }
0x283: {  	s16 =	sor.u32 $0x20, s2  }
0x284: {  	s21 =	sadd.s32 $0x1A100, s9;
	s10 =	sor.u32 s16, s17;
	v6 =	vand.u32 $0xFFFF, v1  }
0x285: {  	s9 =	sor.u32 s11, s21;
	v5 =	vld [tilespmem:s10+$0x0];
	v7 =	vshrl.u32 v2, $0x10  }
0x286: {  	v9 =	vld [tilespmem:s9+$0x0];
	v2 =	vand.u32 $0xFFFF, v2  }
0x287: {  	s10 =	sor.u32 s16, s21;
	v8 =	vshrl.u32 v3, $0x10;
	v10 =	vld.idx.msk [tilespmem:v4+s5+$0x0], $0xffff  }
0x288: {  	v18 =	vld [tilespmem:s10+$0x0];
	v3 =	vand.u32 $0xFFFF, v3  }
0x289: {  	v11 =	vld.idx.msk [tilespmem:v6+s5+$0x0], $0xffff  }
0x28a: {  	v12 =	vld.idx.msk [tilespmem:v7+s5+$0x0], $0xffff  }
0x28b: {  	v13 =	vld.idx.msk [tilespmem:v2+s5+$0x0], $0xffff  }
0x28c: {  	v14 =	vld.idx.msk [tilespmem:v8+s5+$0x0], $0xffff;
	v10 =	vmul.f32 v10, v9  }
0x28d: {  	v1 =	vshrl.u32 v5, $0x10;
	v15 =	vld.idx.msk [tilespmem:v3+s5+$0x0], $0xffff  }
0x28e: {  	s28 =	sor.u32 s15, s21;
	v5 =	vand.u32 $0xFFFF, v5;
	v9 =	vmul.f32 v11, v9;
	[tilespmem:v6+s26+$0x0] =	vst.idx.add.f32.msk $0xffff, v10  }
0x28f: {  	v6 =	vld [tilespmem:s28+$0x0]  }
0x290: {  	s23 =	simm.s32 $0x40;
	s2 =	sor.u32 s2, s21;
	[tilespmem:v4+s26+$0x0] =	vst.idx.add.f32.msk $0xffff, v9  }
0x291: {  	s11 =	sand.u32 $0x780, s23;
	s9 =	simm.s32 $0x40;
	v4 =	vld [tilespmem:s2+$0x0]  }
0x292: {  	s15 =	sadd.s32 $0x19C00, s11;
	v61 =	vld.idx.msk [tilespmem:v1+s5+$0x0], $0xffff;
	s2 =	sand.u32 $0x40, s9  }
0x293: {  	v62 =	vld.idx.msk [tilespmem:v5+s5+$0x0], $0xffff;
	s16 =	sor.u32 $0x30, s2;
	s20 =	sor.u32 s2, s15  }
0x294: {  	s19 =	sor.u32 $0x10, s2;
	s17 =	sor.u32 s16, s15;
	v10 =	vld [tilespmem:s20+$0x0]  }
0x295: {  	s21 =	sor.u32 $0x20, s2;
	s23 =	sor.u32 s19, s15;
	v9 =	vld [tilespmem:s17+$0x0]  }
0x296: {  	s14 =	sor.u32 s21, s15;
	v14 =	vmul.f32 v14, v6;
	v11 =	vmul.f32 v12, v4;
	v12 =	vld [tilespmem:s23+$0x0]  }
0x297: {  	v4 =	vmul.f32 v13, v4;
	v13 =	vld [tilespmem:s14+$0x0]  }
0x298: {  	v6 =	vmul.f32 v15, v6;
	[tilespmem:v3+s26+$0x0] =	vst.idx.add.f32.msk $0xffff, v14  }
0x299: {  	[tilespmem:v2+s26+$0x0] =	vst.idx.add.f32.msk $0xffff, v11;
	v2 =	vshrl.u32 v10, $0x10  }
0x29a: {  	s11 =	sadd.s32 $0x1A100, s11;
	[tilespmem:v8+s26+$0x0] =	vst.idx.add.f32.msk $0xffff, v6;
	v15 =	vshrl.u32 v9, $0x10  }
0x29b: {  	s28 =	sor.u32 s16, s11;
	[tilespmem:v7+s26+$0x0] =	vst.idx.add.f32.msk $0xffff, v4;
	v4 =	vmul.f32 v61, v18;
	v63 =	vand.u32 $0xFFFF, v9  }
0x29c: {  	v6 =	vand.u32 $0xFFFF, v10;
	v8 =	vld [tilespmem:s28+$0x0]  }
0x29d: {  	[tilespmem:v5+s26+$0x0] =	vst.idx.add.f32.msk $0xffff, v4;
	v3 =	vshrl.u32 v12, $0x10  }
0x29e: {  	v5 =	vand.u32 $0xFFFF, v12;
	v12 =	vld.idx.msk [tilespmem:v2+s5+$0x0], $0xffff  }
0x29f: {  	v7 =	vshrl.u32 v13, $0x10;
	v14 =	vld.idx.msk [tilespmem:v15+s5+$0x0], $0xffff  }
0x2a0: {  	v4 =	vand.u32 $0xFFFF, v13;
	v19 =	vld.idx.msk [tilespmem:v63+s5+$0x0], $0xffff  }
0x2a1: {  	v13 =	vld.idx.msk [tilespmem:v6+s5+$0x0], $0xffff  }
0x2a2: {  	v10 =	vld.idx.msk [tilespmem:v3+s5+$0x0], $0xffff  }
0x2a3: {  	v11 =	vld.idx.msk [tilespmem:v5+s5+$0x0], $0xffff  }
0x2a4: {  	v9 =	vld.idx.msk [tilespmem:v7+s5+$0x0], $0xffff;
	v20 =	vmul.f32 v14, v8  }
0x2a5: {  	v19 =	vmul.f32 v19, v8;
	v14 =	vld.idx.msk [tilespmem:v4+s5+$0x0], $0xffff  }
0x2a6: {  	s10 =	simm.s32 $0x4;
	s20 =	sor.u32 s2, s11;
	[tilespmem:v63+s26+$0x0] =	vst.idx.add.f32.msk $0xffff, v20  }
0x2a7: {  	s17 =	sor.u32 s19, s11;
	s19 =	sor.u32 s21, s11;
	s14 =	simm.s32 $0x200;
	v8 =	vmul.f32 v62, v18;
	[tilespmem:v15+s26+$0x0] =	vst.idx.add.f32.msk $0xffff, v19  }
.LBB2_31:
0x2a8: {  	s2 =	sshrl.u32 s14, $0x2;
	v15 =	vld [tilespmem:s20+$0x0];
	s9 =	sadd.s32 $0x40, s9  }
0x2a9: {  	s10 =	sadd.s32 $0x4, s10;
	s11 =	sand.u32 $0x40, s9;
	s2 =	sand.u32 $0x780, s2;
	v16 =	vld [tilespmem:s17+$0x0]  }
0x2aa: {  	p1 =	slt.u32 s10, $0x4C;
	s15 =	sadd.s32 $0x19C00, s2;
	s16 =	sor.u32 $0x30, s11;
	v17 =	vld [tilespmem:s19+$0x0]  }
0x2ab: {  	s17 =	sor.u32 $0x10, s11;
	s19 =	sor.u32 $0x20, s11;
	s20 =	sor.u32 s16, s15;
	[tilespmem:v1+s26+$0x0] =	vst.idx.add.f32.msk $0xffff, v8;
	v1 =	vmov v7  }
0x2ac: {  	s21 =	sor.u32 s11, s15;
	s23 =	sor.u32 s17, s15;
	s15 =	sor.u32 s19, s15;
	v7 =	vld [tilespmem:s20+$0x0]  }
0x2ad: {  	v18 =	vld [tilespmem:s21+$0x0];
	v12 =	vmul.f32 v12, v15;
	v13 =	vmul.f32 v13, v15  }
0x2ae: {  	v15 =	vld [tilespmem:s23+$0x0];
	v10 =	vmul.f32 v10, v16;
	v11 =	vmul.f32 v11, v16  }
0x2af: {  	v16 =	vld [tilespmem:s15+$0x0];
	v9 =	vmul.f32 v9, v17;
	v8 =	vmul.f32 v14, v17  }
0x2b0: {  	[tilespmem:v6+s26+$0x0] =	vst.idx.add.f32.msk $0xffff, v12  }
0x2b1: {  	v17 =	vshrl.u32 v7, $0x10;
	[tilespmem:v2+s26+$0x0] =	vst.idx.add.f32.msk $0xffff, v13  }
0x2b2: {  	v2 =	vshrl.u32 v18, $0x10;
	v6 =	vand.u32 $0xFFFF, v18;
	v18 =	vand.u32 $0xFFFF, v7;
	[tilespmem:v5+s26+$0x0] =	vst.idx.add.f32.msk $0xffff, v10  }
0x2b3: {  	s2 =	sadd.s32 $0x1A100, s2;
	v5 =	vand.u32 $0xFFFF, v15;
	[tilespmem:v3+s26+$0x0] =	vst.idx.add.f32.msk $0xffff, v11;
	v3 =	vshrl.u32 v15, $0x10  }
0x2b4: {  	s17 =	sor.u32 s17, s2;
	s20 =	sor.u32 s11, s2;
	s11 =	sor.u32 s16, s2;
	v7 =	vshrl.u32 v16, $0x10;
	[tilespmem:v4+s26+$0x0] =	vst.idx.add.f32.msk $0xffff, v9;
	v4 =	vand.u32 $0xFFFF, v16  }
0x2b5: {  	s19 =	sor.u32 s19, s2;
	v15 =	vld [tilespmem:s11+$0x0]  }
0x2b6: {  	v14 =	vld.idx.msk [tilespmem:v17+s5+$0x0], $0xffff  }
0x2b7: {  	v16 =	vld.idx.msk [tilespmem:v18+s5+$0x0], $0xffff  }
0x2b8: {  	v12 =	vld.idx.msk [tilespmem:v2+s5+$0x0], $0xffff  }
0x2b9: {  	v13 =	vld.idx.msk [tilespmem:v6+s5+$0x0], $0xffff  }
0x2ba: {  	v10 =	vld.idx.msk [tilespmem:v3+s5+$0x0], $0xffff  }
.Ltmp16:
0x2bb: {  	v11 =	vld.idx.msk [tilespmem:v5+s5+$0x0], $0xffff;
	(pc) =	sbr.rel @p1 .LBB2_31-.Ltmp16, $4  }
0x2bc: {  	v19 =	vmul.f32 v14, v15;
	v9 =	vld.idx.msk [tilespmem:v7+s5+$0x0], $0xffff  }
0x2bd: {  	v15 =	vmul.f32 v16, v15;
	v14 =	vld.idx.msk [tilespmem:v4+s5+$0x0], $0xffff  }
0x2be: {  	[tilespmem:v18+s26+$0x0] =	vst.idx.add.f32.msk $0xffff, v19  }
0x2bf: {  	s14 =	sadd.s32 $0x100, s14;
	[tilespmem:v17+s26+$0x0] =	vst.idx.add.f32.msk $0xffff, v15  }
0x2c0: {  	v15 =	vld [tilespmem:s20+$0x0]  }
0x2c1: {  	v16 =	vld [tilespmem:s17+$0x0];
	_ =	sdelay $0x2  }
0x2c2: {  	v17 =	vld [tilespmem:s19+$0x0]  }
0x2c3: {  	v12 =	vmul.f32 v12, v15  }
0x2c4: {  	[tilespmem:v1+s26+$0x0] =	vst.idx.add.f32.msk $0xffff, v8;
	s18 =	sadd.s32 $0x1, s18;
	v62 =	vmul.f32 v10, v16  }
0x2c5: {  	p1 =	sne.s32 s18, $0x14;
	v1 =	vmul.f32 v13, v15;
	[tilespmem:v6+s26+$0x0] =	vst.idx.add.f32.msk $0xffff, v12  }
.Ltmp17:
0x2c6: {  	v63 =	vmul.f32 v11, v16;
	[tilespmem:v5+s26+$0x0] =	vst.idx.add.f32.msk $0xffff, v62;
	(pc) =	sbr.rel @p1 .LBB2_28-.Ltmp17, $4  }
0x2c7: {  	[tilespmem:v2+s26+$0x0] =	vst.idx.add.f32.msk $0xffff, v1;
	v1 =	vmul.f32 v9, v17  }
0x2c8: {  	v2 =	vmul.f32 v14, v17;
	[tilespmem:v3+s26+$0x0] =	vst.idx.add.f32.msk $0xffff, v63  }
0x2c9: {  	[tilespmem:v4+s26+$0x0] =	vst.idx.add.f32.msk $0xffff, v1  }
0x2ca: {  	[tilespmem:v7+s26+$0x0] =	vst.idx.add.f32.msk $0xffff, v2  }
0x2cb: {  	[bflag:$0x0] =	sbarrier.arrive $0xFFFF;
	s1 =	simm.s32 $0x1A800  }
0x2cc: {  	[spmem:s4] =	stream.indirect.scatter.add.f32 [tilespmem:s26], [sflag:$0x4], $0x80, s1, s3, $0xb8;
	[tilespmem:$0x1F900] =	vst v63  }
0x2cd: {  	s28 =	simm.s32 $0x1A880;
	s2 =	simm.s32 $0xF000  }
0x2ce: {  	[spmem:s4] =	stream.indirect.scatter.add.f32 [tilespmem:s2], [sflag:$0x4], $0x80, s28, s3, $0xb8;
	[tilespmem:$0x1F900] =	vst v63  }
0x2cf: {  	s9 =	simm.s32 $0x1A900;
	s10 =	simm.s32 $0x11800  }
0x2d0: {  	[spmem:s4] =	stream.indirect.scatter.add.f32 [tilespmem:s10], [sflag:$0x4], $0x80, s9, s3, $0xb8;
	[tilespmem:$0x1F900] =	vst v63  }
0x2d1: {  	s11 =	simm.s32 $0x1A980;
	s14 =	simm.s32 $0x14000  }
0x2d2: {  	[spmem:s4] =	stream.indirect.scatter.add.f32 [tilespmem:s14], [sflag:$0x4], $0x80, s11, s3, $0xb8;
	[tilespmem:$0x1F900] =	vst v63  }
0x2d3: {  	s15 =	simm.s32 $0x1AA00;
	s16 =	simm.s32 $0x16800  }
0x2d4: {  	[spmem:s4] =	stream.indirect.scatter.add.f32 [tilespmem:s16], [sflag:$0x4], $0x80, s15, s3, $0xb8;
	[tilespmem:$0x1F900] =	vst v63  }
0x2d5: {  	_ =	swait.ge [sflag:s22], $0x2800  }
0x2d6: {  	[sflag:s22] =	ssyncset.done $0x0  }
0x2d7: {  	[sflag:s22] =	ssyncadd.s32 $0xFFFFD800  }
0x2d8: {  	_ =	swait.ge [sflag:s22], $0x2800  }
0x2d9: {  	[sflag:s22] =	ssyncset.done $0x0  }
0x2da: {  	[sflag:s22] =	ssyncadd.s32 $0xFFFFD800  }
0x2db: {  	_ =	swait.ge [sflag:s22], $0x2800  }
0x2dc: {  	[sflag:s22] =	ssyncset.done $0x0  }
0x2dd: {  	[sflag:s22] =	ssyncadd.s32 $0xFFFFD800  }
0x2de: {  	_ =	swait.ge [sflag:s22], $0x2800  }
0x2df: {  	[sflag:s22] =	ssyncset.done $0x0  }
0x2e0: {  	[sflag:s22] =	ssyncadd.s32 $0xFFFFD800  }
0x2e1: {  	_ =	swait.ge [sflag:s22], $0x2800  }
0x2e2: {  	[sflag:s22] =	ssyncset.done $0x0  }
0x2e3: {  	[sflag:s22] =	ssyncadd.s32 $0xFFFFD800  }
0x2e4: {  	s17 =	simm.s32 $0x0;
	s18 =	rddreg [dreg:$0x3]  }
0x2e5: {  	[tilespmem:s26], [sflag:$0x3] =	stream.linear.gather [hbm4b:s18+s17], $0xC800, $0x38;
	[tilespmem:$0x1F900] =	vst v63  }
0x2e6: {  	s19 =	simm.s32 $0x1DC80;
	[bflag:$0x0] =	sbarrier.arrive $0xFFFF  }
0x2e7: {  	[tilespmem:s19], [sflag:$0x5] =	stream.indirect.gather [spmem:s4], $0x80, s25, s31, $0xb8;
	[tilespmem:$0x1F900] =	vst v63  }
0x2e8: {  	_ =	swait.ge [sflag:s24], $0xC80  }
0x2e9: {  	[sflag:s24] =	ssyncset.done $0x0  }
0x2ea: {  	s9 =	simm.s32 $0x1CC80;
	s20 =	rddreg [dreg:$0xc];
	[sflag:s24] =	ssyncadd.s32 $0xFFFFF380  }
0x2eb: {  	[tilespmem:s9], [sflag:$0x5] =	stream.linear.gather [hbm4b:s20+s17], $0xC80, $0x38;
	[tilespmem:$0x1F900] =	vst v63  }
0x2ec: {  	_ =	swait.ge [sflag:s24], $0xC80  }
0x2ed: {  	s23 =	simm.s32 $0x0;
	s21 =	sand.u32 $0x70, s17;
	[sflag:s24] =	ssyncset.done $0x0  }
0x2ee: {  	s1 =	sor.u32 s21, s23;
	s28 =	sadd.s32 $0x0, s8;
	[sflag:s24] =	ssyncadd.s32 $0xFFFFF380  }
0x2ef: {  	s9 =	sshll.u32 s28, $0x7;
	v1 =	vld [tilespmem:s1+$0x1CC80]  }
0x2f0: {  	s9 =	sand.u32 $0x3FFFFF80, s9;
	v2 =	vld [tilespmem:s1+$0x1AC80]  }
0x2f1: {  	s2 =	sor.u32 s21, s9;
	v3 =	vld [tilespmem:s1+$0x1DC80]  }
0x2f2: {  	v4 =	vld [tilespmem:s2+$0x0];
	_ =	sdelay $0x4  }
0x2f3: {  	s10 =	simm.s32 $0x2;
	s9 =	simm.s32 $0x10;
	v1 =	vadd.f32 v3, v1;
	v2 =	vmul.f32 v2, v4  }
0x2f4: {  	s18 =	simm.s32 $0x0;
	s17 =	simm.s32 $0x0;
	s14 =	sand.u32 $0x70, s9  }
.LBB2_34:
0x2f5: {  	p1 =	sne.s32 s10, $0xC7;
	s2 =	sadd.s32 s8, s17;
	s11 =	sor.u32 s14, s18;
	v1 =	vsub.f32 v1, v2  }
0x2f6: {  	s2 =	sshll.u32 s2, $0x7;
	v2 =	vld [tilespmem:s11+$0x1CC80]  }
0x2f7: {  	s2 =	sand.u32 $0x3FFFFF80, s2;
	v3 =	vld [tilespmem:s11+$0x1AC80];
	[tilespmem:s1+$0x1DC80] =	vst v1;
	s1 =	smov.u32 s11  }
0x2f8: {  	s2 =	sor.u32 s14, s2;
	v1 =	vld [tilespmem:s1+$0x1DC80]  }
0x2f9: {  	v4 =	vld [tilespmem:s2+$0x0];
	_ =	sdelay $0x1  }
.Ltmp18:
0x2fa: {  	(pc) =	sbr.rel @p1 .LBB2_34-.Ltmp18, $3  }
0x2fb: {  	_ =	sdelay $0x1  }
0x2fc: {  	s17 =	sshrl.u32 s10, $0x3;
	s9 =	sadd.s32 $0x10, s9;
	v1 =	vadd.f32 v1, v2;
	v2 =	vmul.f32 v3, v4  }
0x2fd: {  	s10 =	sadd.s32 $0x1, s10;
	s18 =	sshll.u32 s17, $0x7;
	s14 =	sand.u32 $0x70, s9  }
0x2fe: {  	s2 =	sor.u32 s14, s18;
	s9 =	sadd.s32 s8, s17;
	v1 =	vsub.f32 v1, v2  }
0x2ff: {  	v2 =	vld [tilespmem:s2+$0x1CC80];
	s9 =	sshll.u32 s9, $0x7  }
0x300: {  	v3 =	vld [tilespmem:s2+$0x1AC80];
	s9 =	sand.u32 $0x3FFFFF80, s9;
	[tilespmem:s1+$0x1DC80] =	vst v1  }
0x301: {  	s21 =	sor.u32 s14, s9;
	v1 =	vld [tilespmem:s2+$0x1DC80]  }
0x302: {  	v4 =	vld [tilespmem:s21+$0x0];
	_ =	sdelay $0x4  }
0x303: {  	v1 =	vadd.f32 v1, v2;
	v2 =	vmul.f32 v3, v4;
	_ =	sdelay $0x1  }
0x304: {  	v1 =	vsub.f32 v1, v2;
	_ =	sdelay $0x1  }
.Ltmp19:
0x305: {  	s23 =	rddreg [dreg:$0xe];
	s28 =	simm.s32 $0x1DC80;
	[tilespmem:s2+$0x1DC80] =	vst v1;
	(pc) =	sbr.rel @p0 .LBB2_57-.Ltmp19, $4  }
0x306: {  	[hbm4b:s23+s5] =	stream.linear.scatter [tilespmem:s28], [sflag:$0x5], $0xC80, $0x38;
	[tilespmem:$0x1F900] =	vst v63  }
0x307: {  	_ =	swait.ge [sflag:s24], $0xC80  }
0x308: {  	[sflag:s24] =	ssyncset.done $0x0  }
0x309: {  	s2 =	rddreg [dreg:$0x14];
	[sflag:s24] =	ssyncadd.s32 $0xFFFFF380  }
0x30a: {  	s1 =	simm.s32 $0x0;
	s2 =	rddreg [dreg:$0xf]  }
0x30b: {  	[tilespmem:s1], [sflag:$0x5] =	stream.linear.gather [hbm4b:s2+s1], $0xC800, $0x38;
	[tilespmem:$0x1F900] =	vst v63  }
0x30c: {  	_ =	swait.ge [sflag:s24], $0xC800  }
0x30d: {  	[sflag:s24] =	ssyncset.done $0x0  }
0x30e: {  	s9 =	simm.s32 $0x1CC80;
	s20 =	rddreg [dreg:$0x10];
	[sflag:s24] =	ssyncadd.s32 $0xFFFF3800  }
0x30f: {  	[tilespmem:s9], [sflag:$0x5] =	stream.linear.gather [hbm4b:s20+s1], $0xC80, $0x38;
	[tilespmem:$0x1F900] =	vst v63  }
0x310: {  	_ =	swait.ge [sflag:s24], $0xC80  }
0x311: {  	s23 =	simm.s32 $0x0;
	s21 =	sand.u32 $0x70, s1;
	[sflag:s24] =	ssyncset.done $0x0  }
0x312: {  	s1 =	sor.u32 s21, s23;
	[sflag:s24] =	ssyncadd.s32 $0xFFFFF380  }
0x313: {  	v1 =	vld [tilespmem:s1+$0x1BC80]  }
0x314: {  	v2 =	vld [tilespmem:s1+$0x1AC80]  }
0x315: {  	s28 =	sadd.s32 $0x0, s8  }
0x316: {  	s9 =	sshll.u32 s28, $0x7  }
0x317: {  	s9 =	sand.u32 $0x3FFFFF80, s9  }
0x318: {  	s2 =	sor.u32 s21, s9;
	v3 =	vld [tilespmem:s1+$0x1CC80]  }
0x319: {  	v4 =	vmul.f32 v2, v1;
	v2 =	vld [tilespmem:s2+$0x0];
	_ =	sdelay $0x2  }
0x31a: {  	s17 =	simm.s32 $0x0;
	s9 =	simm.s32 $0x10;
	v4 =	vsub.f32 $1.000000000e+00, v4  }
0x31b: {  	s18 =	simm.s32 $0x0;
	s10 =	simm.s32 $0x2;
	s14 =	sand.u32 $0x70, s9  }
.LBB2_37:
0x31c: {  	p1 =	sne.s32 s10, $0xC7;
	s2 =	sor.u32 s14, s18;
	v2 =	vmul.f32 v4, v2;
	v3 =	vmul.f32 v3, v1  }
0x31d: {  	s11 =	sadd.s32 s8, s17;
	v1 =	vld [tilespmem:s2+$0x1BC80]  }
0x31e: {  	s11 =	sshll.u32 s11, $0x7;
	v4 =	vld [tilespmem:s2+$0x1AC80];
	v2 =	vadd.f32 v3, v2  }
0x31f: {  	s11 =	sand.u32 $0x3FFFFF80, s11  }
0x320: {  	s11 =	sor.u32 s14, s11;
	[tilespmem:s1+$0x1CC80] =	vst v2;
	s1 =	smov.u32 s2  }
0x321: {  	v2 =	vld [tilespmem:s11+$0x0]  }
.Ltmp20:
0x322: {  	v3 =	vld [tilespmem:s1+$0x1CC80];
	(pc) =	sbr.rel @p1 .LBB2_37-.Ltmp20, $3  }
0x323: {  	v4 =	vmul.f32 v4, v1;
	_ =	sdelay $0x1  }
0x324: {  	s17 =	sshrl.u32 s10, $0x3;
	s9 =	sadd.s32 $0x10, s9;
	v4 =	vsub.f32 $1.000000000e+00, v4  }
0x325: {  	s10 =	sadd.s32 $0x1, s10;
	s18 =	sshll.u32 s17, $0x7;
	s14 =	sand.u32 $0x70, s9  }
0x326: {  	s2 =	sor.u32 s14, s18;
	v2 =	vmul.f32 v4, v2;
	v1 =	vmul.f32 v3, v1  }
0x327: {  	s9 =	sadd.s32 s8, s17;
	v3 =	vld [tilespmem:s2+$0x1BC80]  }
0x328: {  	v63 =	vld [tilespmem:s2+$0x1AC80];
	s9 =	sshll.u32 s9, $0x7;
	v1 =	vadd.f32 v1, v2  }
0x329: {  	s9 =	sand.u32 $0x3FFFFF80, s9  }
0x32a: {  	s9 =	sor.u32 s14, s9;
	[tilespmem:s1+$0x1CC80] =	vst v1  }
0x32b: {  	v1 =	vld [tilespmem:s9+$0x0]  }
0x32c: {  	v2 =	vld [tilespmem:s2+$0x1CC80]  }
0x32d: {  	v4 =	vmul.f32 v63, v3;
	_ =	sdelay $0x1  }
0x32e: {  	v4 =	vsub.f32 $1.000000000e+00, v4;
	_ =	sdelay $0x1  }
0x32f: {  	v1 =	vmul.f32 v4, v1;
	v2 =	vmul.f32 v2, v3;
	_ =	sdelay $0x1  }
0x330: {  	v1 =	vadd.f32 v2, v1;
	_ =	sdelay $0x1  }
0x331: {  	[tilespmem:s2+$0x1CC80] =	vst v1  }
0x332: {  	s20 =	simm.s32 $0x0;
	s1 =	simm.s32 $0x0;
	[bflag:$0x0] =	sbarrier.arrive $0xFFFF  }
.LBB2_39:
0x333: {  	s2 =	rddreg [dreg:$0xa];
	s9 =	simm.s32 $0x19000  }
0x334: {  	[tilespmem:s9], [sflag:$0x1] =	stream.linear.gather [hbm4b:s2+s20], $0xA00, $0x38;
	[tilespmem:$0x1F900] =	vst v63  }
0x335: {  	_ =	swait.ge [sflag:s30], $0xC800  }
0x336: {  	[sflag:s30] =	ssyncset.done $0x0  }
0x337: {  	[sflag:s30] =	ssyncadd.s32 $0xFFFF3800  }
0x338: {  	[spmem:s4] =	stream.indirect.scatter [tilespmem:s26], [sflag:$0x5], $0x80, s25, s31, $0xb8;
	[tilespmem:$0x1F900] =	vst v63  }
0x339: {  	_ =	swait.ge [sflag:s24], $0xC80  }
0x33a: {  	[sflag:s24] =	ssyncset.done $0x0  }
0x33b: {  	s18 =	simm.s32 $0x0;
	[sflag:s24] =	ssyncadd.s32 $0xFFFFF380  }
.LBB2_40:
0x33c: {  	s21 =	sshll.u32 s18, $0x1  }
0x33d: {  	s2 =	sadd.s32 s21, s12  }
0x33e: {  	s2 =	smul.u32 $0x180, s2;
	_ =	sdelay $0x1  }
0x33f: {  	s9 =	simm.s32 $0x0;
	s23 =	simm.s32 $0x0;
	s2 =	sadd.s32 s7, s2  }
0x340: {  	[tilespmem:s29], [sflag:$0x2] =	stream.linear.gather [hbm4b:s2+s9], $0xA00, $0x38;
	[tilespmem:$0x1F900] =	vst v63  }
0x341: {  	s9 =	sand.u32 $0x40, s9;
	s2 =	sand.u32 $0x780, s23;
	_ =	swait.ge [sflag:s0], $0xA00  }
0x342: {  	s10 =	sor.u32 $0x19000, s2;
	s11 =	sor.u32 $0x30, s9;
	[sflag:s0] =	ssyncset.done $0x0  }
0x343: {  	s14 =	sor.u32 s11, s10;
	[sflag:s0] =	ssyncadd.s32 $0xFFFFF600  }
0x344: {  	v1 =	vld [tilespmem:s14+$0x0];
	_ =	sdelay $0x1  }
0x345: {  	s28 =	sor.u32 s9, s10  }
0x346: {  	s15 =	sor.u32 $0x10, s9;
	v2 =	vld [tilespmem:s28+$0x0]  }
0x347: {  	s31 =	sor.u32 s15, s10  }
0x348: {  	v3 =	vld [tilespmem:s31+$0x0];
	v4 =	vshrl.u32 v1, $0x10  }
0x349: {  	s16 =	sor.u32 $0x20, s9  }
0x34a: {  	s2 =	sadd.s32 $0x19500, s2;
	s10 =	sor.u32 s16, s10;
	v6 =	vand.u32 $0xFFFF, v1  }
0x34b: {  	s17 =	sor.u32 s11, s2;
	v5 =	vld [tilespmem:s10+$0x0];
	v7 =	vshrl.u32 v2, $0x10  }
0x34c: {  	v9 =	vld [tilespmem:s17+$0x0];
	v2 =	vand.u32 $0xFFFF, v2  }
0x34d: {  	s19 =	sor.u32 s9, s2;
	s28 =	sor.u32 s15, s2;
	s2 =	sor.u32 s16, s2;
	v8 =	vshrl.u32 v3, $0x10;
	v10 =	vld.idx.msk [tilespmem:v4+s5+$0x0], $0xffff  }
0x34e: {  	v18 =	vld [tilespmem:s2+$0x0];
	v3 =	vand.u32 $0xFFFF, v3  }
0x34f: {  	v11 =	vld.idx.msk [tilespmem:v6+s5+$0x0], $0xffff  }
0x350: {  	v12 =	vld.idx.msk [tilespmem:v7+s5+$0x0], $0xffff  }
0x351: {  	v13 =	vld.idx.msk [tilespmem:v2+s5+$0x0], $0xffff  }
0x352: {  	v14 =	vld.idx.msk [tilespmem:v8+s5+$0x0], $0xffff;
	v10 =	vmul.f32 v10, v9  }
0x353: {  	v1 =	vshrl.u32 v5, $0x10;
	v15 =	vld.idx.msk [tilespmem:v3+s5+$0x0], $0xffff  }
0x354: {  	v5 =	vand.u32 $0xFFFF, v5;
	v9 =	vmul.f32 v11, v9;
	[tilespmem:v6+s26+$0x0] =	vst.idx.add.f32.msk $0xffff, v10  }
0x355: {  	v6 =	vld [tilespmem:s28+$0x0]  }
0x356: {  	s23 =	simm.s32 $0x40;
	s9 =	simm.s32 $0x40;
	[tilespmem:v4+s26+$0x0] =	vst.idx.add.f32.msk $0xffff, v9  }
0x357: {  	s15 =	sand.u32 $0x40, s9;
	s31 =	sand.u32 $0x780, s23;
	v4 =	vld [tilespmem:s19+$0x0]  }
0x358: {  	s11 =	sor.u32 $0x19000, s31;
	s14 =	sor.u32 $0x30, s15;
	v16 =	vld.idx.msk [tilespmem:v1+s5+$0x0], $0xffff  }
0x359: {  	s23 =	sor.u32 s14, s11;
	v17 =	vld.idx.msk [tilespmem:v5+s5+$0x0], $0xffff  }
0x35a: {  	s16 =	sor.u32 $0x10, s15;
	s17 =	sor.u32 s15, s11;
	v9 =	vld [tilespmem:s23+$0x0]  }
0x35b: {  	s28 =	sor.u32 $0x20, s15;
	v10 =	vld [tilespmem:s17+$0x0];
	s19 =	sor.u32 s16, s11  }
0x35c: {  	s11 =	sor.u32 s28, s11;
	v14 =	vmul.f32 v14, v6;
	v11 =	vmul.f32 v12, v4;
	v12 =	vld [tilespmem:s19+$0x0]  }
0x35d: {  	v4 =	vmul.f32 v13, v4;
	v13 =	vld [tilespmem:s11+$0x0]  }
0x35e: {  	[tilespmem:v3+s26+$0x0] =	vst.idx.add.f32.msk $0xffff, v14  }
0x35f: {  	v63 =	vand.u32 $0xFFFF, v9;
	[tilespmem:v2+s26+$0x0] =	vst.idx.add.f32.msk $0xffff, v11;
	v2 =	vmul.f32 v15, v6  }
0x360: {  	s31 =	sadd.s32 $0x19500, s31;
	v15 =	vshrl.u32 v9, $0x10;
	[tilespmem:v7+s26+$0x0] =	vst.idx.add.f32.msk $0xffff, v4  }
0x361: {  	s10 =	sor.u32 s14, s31;
	v3 =	vshrl.u32 v10, $0x10;
	v4 =	vmul.f32 v16, v18;
	[tilespmem:v8+s26+$0x0] =	vst.idx.add.f32.msk $0xffff, v2  }
0x362: {  	v6 =	vand.u32 $0xFFFF, v10;
	v8 =	vld [tilespmem:s10+$0x0]  }
0x363: {  	[tilespmem:v5+s26+$0x0] =	vst.idx.add.f32.msk $0xffff, v4;
	v2 =	vshrl.u32 v12, $0x10  }
0x364: {  	v5 =	vand.u32 $0xFFFF, v12;
	v19 =	vld.idx.msk [tilespmem:v63+s5+$0x0], $0xffff  }
0x365: {  	v7 =	vshrl.u32 v13, $0x10;
	v10 =	vld.idx.msk [tilespmem:v15+s5+$0x0], $0xffff  }
0x366: {  	v4 =	vand.u32 $0xFFFF, v13;
	v13 =	vld.idx.msk [tilespmem:v3+s5+$0x0], $0xffff  }
0x367: {  	v14 =	vld.idx.msk [tilespmem:v6+s5+$0x0], $0xffff  }
0x368: {  	v11 =	vld.idx.msk [tilespmem:v2+s5+$0x0], $0xffff  }
0x369: {  	v12 =	vld.idx.msk [tilespmem:v5+s5+$0x0], $0xffff  }
0x36a: {  	v9 =	vld.idx.msk [tilespmem:v7+s5+$0x0], $0xffff;
	v20 =	vmul.f32 v10, v8  }
0x36b: {  	v19 =	vmul.f32 v19, v8;
	v10 =	vld.idx.msk [tilespmem:v4+s5+$0x0], $0xffff  }
0x36c: {  	s14 =	simm.s32 $0x200;
	s17 =	sor.u32 s16, s31;
	[tilespmem:v63+s26+$0x0] =	vst.idx.add.f32.msk $0xffff, v20  }
0x36d: {  	s23 =	sor.u32 s15, s31;
	s19 =	sor.u32 s28, s31;
	s10 =	simm.s32 $0x4;
	v8 =	vmul.f32 v17, v18;
	[tilespmem:v15+s26+$0x0] =	vst.idx.add.f32.msk $0xffff, v19  }
.LBB2_41:
0x36e: {  	s2 =	sshrl.u32 s14, $0x2;
	v15 =	vld [tilespmem:s23+$0x0];
	s9 =	sadd.s32 $0x40, s9  }
0x36f: {  	s10 =	sadd.s32 $0x4, s10;
	s11 =	sand.u32 $0x40, s9;
	s2 =	sand.u32 $0x780, s2;
	v16 =	vld [tilespmem:s17+$0x0]  }
0x370: {  	p1 =	slt.u32 s10, $0x4C;
	s15 =	sor.u32 $0x19000, s2;
	s16 =	sor.u32 $0x30, s11;
	v17 =	vld [tilespmem:s19+$0x0]  }
0x371: {  	s17 =	sor.u32 $0x10, s11;
	s19 =	sor.u32 $0x20, s11;
	s23 =	sor.u32 s16, s15;
	[tilespmem:v1+s26+$0x0] =	vst.idx.add.f32.msk $0xffff, v8;
	v1 =	vmov v7  }
0x372: {  	s28 =	sor.u32 s11, s15;
	s31 =	sor.u32 s17, s15;
	s15 =	sor.u32 s19, s15;
	v7 =	vld [tilespmem:s23+$0x0]  }
0x373: {  	v18 =	vld [tilespmem:s28+$0x0];
	v13 =	vmul.f32 v13, v15;
	v14 =	vmul.f32 v14, v15  }
0x374: {  	v15 =	vld [tilespmem:s31+$0x0];
	v11 =	vmul.f32 v11, v16;
	v12 =	vmul.f32 v12, v16  }
0x375: {  	v16 =	vld [tilespmem:s15+$0x0];
	v9 =	vmul.f32 v9, v17;
	v8 =	vmul.f32 v10, v17  }
0x376: {  	[tilespmem:v6+s26+$0x0] =	vst.idx.add.f32.msk $0xffff, v13  }
0x377: {  	v17 =	vshrl.u32 v7, $0x10;
	[tilespmem:v3+s26+$0x0] =	vst.idx.add.f32.msk $0xffff, v14  }
0x378: {  	v3 =	vshrl.u32 v18, $0x10;
	v6 =	vand.u32 $0xFFFF, v18;
	v18 =	vand.u32 $0xFFFF, v7;
	[tilespmem:v5+s26+$0x0] =	vst.idx.add.f32.msk $0xffff, v11  }
0x379: {  	s2 =	sadd.s32 $0x19500, s2;
	v5 =	vand.u32 $0xFFFF, v15;
	[tilespmem:v2+s26+$0x0] =	vst.idx.add.f32.msk $0xffff, v12;
	v2 =	vshrl.u32 v15, $0x10  }
0x37a: {  	s17 =	sor.u32 s17, s2;
	s23 =	sor.u32 s11, s2;
	s11 =	sor.u32 s16, s2;
	v7 =	vshrl.u32 v16, $0x10;
	[tilespmem:v4+s26+$0x0] =	vst.idx.add.f32.msk $0xffff, v9;
	v4 =	vand.u32 $0xFFFF, v16  }
0x37b: {  	s19 =	sor.u32 s19, s2;
	v15 =	vld [tilespmem:s11+$0x0]  }
0x37c: {  	v10 =	vld.idx.msk [tilespmem:v17+s5+$0x0], $0xffff  }
0x37d: {  	v16 =	vld.idx.msk [tilespmem:v18+s5+$0x0], $0xffff  }
0x37e: {  	v13 =	vld.idx.msk [tilespmem:v3+s5+$0x0], $0xffff  }
0x37f: {  	v14 =	vld.idx.msk [tilespmem:v6+s5+$0x0], $0xffff  }
0x380: {  	v11 =	vld.idx.msk [tilespmem:v2+s5+$0x0], $0xffff  }
.Ltmp21:
0x381: {  	v12 =	vld.idx.msk [tilespmem:v5+s5+$0x0], $0xffff;
	(pc) =	sbr.rel @p1 .LBB2_41-.Ltmp21, $4  }
0x382: {  	v19 =	vmul.f32 v10, v15;
	v9 =	vld.idx.msk [tilespmem:v7+s5+$0x0], $0xffff  }
0x383: {  	v15 =	vmul.f32 v16, v15;
	v10 =	vld.idx.msk [tilespmem:v4+s5+$0x0], $0xffff  }
0x384: {  	[tilespmem:v18+s26+$0x0] =	vst.idx.add.f32.msk $0xffff, v19  }
0x385: {  	s14 =	sadd.s32 $0x100, s14;
	[tilespmem:v17+s26+$0x0] =	vst.idx.add.f32.msk $0xffff, v15  }
0x386: {  	v15 =	vld [tilespmem:s23+$0x0]  }
0x387: {  	v16 =	vld [tilespmem:s17+$0x0];
	_ =	sdelay $0x2  }
0x388: {  	v17 =	vld [tilespmem:s19+$0x0]  }
0x389: {  	v13 =	vmul.f32 v13, v15  }
0x38a: {  	[tilespmem:v1+s26+$0x0] =	vst.idx.add.f32.msk $0xffff, v8;
	v8 =	vmul.f32 v11, v16  }
0x38b: {  	v1 =	vmul.f32 v14, v15;
	[tilespmem:v6+s26+$0x0] =	vst.idx.add.f32.msk $0xffff, v13  }
0x38c: {  	p1 =	seq.s32 s18, $0x13;
	v6 =	vmul.f32 v12, v16;
	[tilespmem:v5+s26+$0x0] =	vst.idx.add.f32.msk $0xffff, v8  }
0x38d: {  	s2 =	sadd.s32 @!p1 s21, s13;
	[tilespmem:v3+s26+$0x0] =	vst.idx.add.f32.msk $0xffff, v1;
	v1 =	vmul.f32 v9, v17  }
0x38e: {  	s2 =	smul.u32 @!p1 $0x180, s2;
	v3 =	vmul.f32 v10, v17;
	[tilespmem:v2+s26+$0x0] =	vst.idx.add.f32.msk $0xffff, v6  }
0x38f: {  	s15 =	simm.s32 $0x0;
	s16 =	simm.s32 $0x0;
	[tilespmem:v4+s26+$0x0] =	vst.idx.add.f32.msk $0xffff, v1  }
0x390: {  	s9 =	simm.s32 @!p1 $0x0;
	s10 =	simm.s32 @!p1 $0x19000;
	s2 =	sadd.s32 @!p1 s7, s2;
	[tilespmem:v7+s26+$0x0] =	vst.idx.add.f32.msk $0xffff, v3  }
0x391: {  	[tilespmem:s10], [sflag:$0x1] =	stream.linear.gather @!p1 [hbm4b:s2+s9], $0xA00, $0x38;
	[tilespmem:$0x1F900] =	vst v63  }
0x392: {  	s2 =	sand.u32 $0x40, s15;
	s9 =	sand.u32 $0x780, s16;
	_ =	swait.ge [sflag:s6], $0xA00  }
0x393: {  	s17 =	sadd.s32 $0x19C00, s9;
	s11 =	sor.u32 $0x30, s2;
	[sflag:s6] =	ssyncset.done $0x0  }
0x394: {  	s14 =	sor.u32 s11, s17;
	[sflag:s6] =	ssyncadd.s32 $0xFFFFF600  }
0x395: {  	v1 =	vld [tilespmem:s14+$0x0];
	_ =	sdelay $0x1  }
0x396: {  	s19 =	sor.u32 s2, s17  }
0x397: {  	s15 =	sor.u32 $0x10, s2;
	v2 =	vld [tilespmem:s19+$0x0]  }
0x398: {  	s21 =	sor.u32 s15, s17  }
0x399: {  	v3 =	vld [tilespmem:s21+$0x0];
	v4 =	vshrl.u32 v1, $0x10  }
0x39a: {  	s16 =	sor.u32 $0x20, s2  }
0x39b: {  	s23 =	sadd.s32 $0x1A100, s9;
	s10 =	sor.u32 s16, s17;
	v6 =	vand.u32 $0xFFFF, v1  }
0x39c: {  	s9 =	sor.u32 s11, s23;
	v5 =	vld [tilespmem:s10+$0x0];
	v7 =	vshrl.u32 v2, $0x10  }
0x39d: {  	v9 =	vld [tilespmem:s9+$0x0];
	v2 =	vand.u32 $0xFFFF, v2  }
0x39e: {  	s10 =	sor.u32 s16, s23;
	v8 =	vshrl.u32 v3, $0x10;
	v10 =	vld.idx.msk [tilespmem:v4+s5+$0x0], $0xffff  }
0x39f: {  	v18 =	vld [tilespmem:s10+$0x0];
	v3 =	vand.u32 $0xFFFF, v3  }
0x3a0: {  	v11 =	vld.idx.msk [tilespmem:v6+s5+$0x0], $0xffff  }
0x3a1: {  	v12 =	vld.idx.msk [tilespmem:v7+s5+$0x0], $0xffff  }
0x3a2: {  	v13 =	vld.idx.msk [tilespmem:v2+s5+$0x0], $0xffff  }
0x3a3: {  	v14 =	vld.idx.msk [tilespmem:v8+s5+$0x0], $0xffff;
	v10 =	vmul.f32 v10, v9  }
0x3a4: {  	v1 =	vshrl.u32 v5, $0x10;
	v15 =	vld.idx.msk [tilespmem:v3+s5+$0x0], $0xffff  }
0x3a5: {  	s31 =	sor.u32 s15, s23;
	v5 =	vand.u32 $0xFFFF, v5;
	v9 =	vmul.f32 v11, v9;
	[tilespmem:v6+s26+$0x0] =	vst.idx.add.f32.msk $0xffff, v10  }
0x3a6: {  	v6 =	vld [tilespmem:s31+$0x0]  }
0x3a7: {  	s28 =	simm.s32 $0x40;
	s2 =	sor.u32 s2, s23;
	[tilespmem:v4+s26+$0x0] =	vst.idx.add.f32.msk $0xffff, v9  }
0x3a8: {  	s11 =	sand.u32 $0x780, s28;
	s9 =	simm.s32 $0x40;
	v4 =	vld [tilespmem:s2+$0x0]  }
0x3a9: {  	s15 =	sadd.s32 $0x19C00, s11;
	v61 =	vld.idx.msk [tilespmem:v1+s5+$0x0], $0xffff;
	s2 =	sand.u32 $0x40, s9  }
0x3aa: {  	v62 =	vld.idx.msk [tilespmem:v5+s5+$0x0], $0xffff;
	s16 =	sor.u32 $0x30, s2;
	s21 =	sor.u32 s2, s15  }
0x3ab: {  	s19 =	sor.u32 $0x10, s2;
	s17 =	sor.u32 s16, s15;
	v10 =	vld [tilespmem:s21+$0x0]  }
0x3ac: {  	s23 =	sor.u32 $0x20, s2;
	s28 =	sor.u32 s19, s15;
	v9 =	vld [tilespmem:s17+$0x0]  }
0x3ad: {  	s14 =	sor.u32 s23, s15;
	v14 =	vmul.f32 v14, v6;
	v11 =	vmul.f32 v12, v4;
	v12 =	vld [tilespmem:s28+$0x0]  }
0x3ae: {  	v4 =	vmul.f32 v13, v4;
	v13 =	vld [tilespmem:s14+$0x0]  }
0x3af: {  	v6 =	vmul.f32 v15, v6;
	[tilespmem:v3+s26+$0x0] =	vst.idx.add.f32.msk $0xffff, v14  }
0x3b0: {  	[tilespmem:v2+s26+$0x0] =	vst.idx.add.f32.msk $0xffff, v11;
	v2 =	vshrl.u32 v10, $0x10  }
0x3b1: {  	s11 =	sadd.s32 $0x1A100, s11;
	[tilespmem:v8+s26+$0x0] =	vst.idx.add.f32.msk $0xffff, v6;
	v15 =	vshrl.u32 v9, $0x10  }
0x3b2: {  	s31 =	sor.u32 s16, s11;
	[tilespmem:v7+s26+$0x0] =	vst.idx.add.f32.msk $0xffff, v4;
	v4 =	vmul.f32 v61, v18;
	v63 =	vand.u32 $0xFFFF, v9  }
0x3b3: {  	v6 =	vand.u32 $0xFFFF, v10;
	v8 =	vld [tilespmem:s31+$0x0]  }
0x3b4: {  	[tilespmem:v5+s26+$0x0] =	vst.idx.add.f32.msk $0xffff, v4;
	v3 =	vshrl.u32 v12, $0x10  }
0x3b5: {  	v5 =	vand.u32 $0xFFFF, v12;
	v12 =	vld.idx.msk [tilespmem:v2+s5+$0x0], $0xffff  }
0x3b6: {  	v7 =	vshrl.u32 v13, $0x10;
	v14 =	vld.idx.msk [tilespmem:v15+s5+$0x0], $0xffff  }
0x3b7: {  	v4 =	vand.u32 $0xFFFF, v13;
	v19 =	vld.idx.msk [tilespmem:v63+s5+$0x0], $0xffff  }
0x3b8: {  	v13 =	vld.idx.msk [tilespmem:v6+s5+$0x0], $0xffff  }
0x3b9: {  	v10 =	vld.idx.msk [tilespmem:v3+s5+$0x0], $0xffff  }
0x3ba: {  	v11 =	vld.idx.msk [tilespmem:v5+s5+$0x0], $0xffff  }
0x3bb: {  	v9 =	vld.idx.msk [tilespmem:v7+s5+$0x0], $0xffff;
	v20 =	vmul.f32 v14, v8  }
0x3bc: {  	v19 =	vmul.f32 v19, v8;
	v14 =	vld.idx.msk [tilespmem:v4+s5+$0x0], $0xffff  }
0x3bd: {  	s10 =	simm.s32 $0x4;
	s21 =	sor.u32 s2, s11;
	[tilespmem:v63+s26+$0x0] =	vst.idx.add.f32.msk $0xffff, v20  }
0x3be: {  	s17 =	sor.u32 s19, s11;
	s19 =	sor.u32 s23, s11;
	s14 =	simm.s32 $0x200;
	v8 =	vmul.f32 v62, v18;
	[tilespmem:v15+s26+$0x0] =	vst.idx.add.f32.msk $0xffff, v19  }
.LBB2_43:
0x3bf: {  	s2 =	sshrl.u32 s14, $0x2;
	v15 =	vld [tilespmem:s21+$0x0];
	s9 =	sadd.s32 $0x40, s9  }
0x3c0: {  	s10 =	sadd.s32 $0x4, s10;
	s11 =	sand.u32 $0x40, s9;
	s2 =	sand.u32 $0x780, s2;
	v16 =	vld [tilespmem:s17+$0x0]  }
0x3c1: {  	p1 =	slt.u32 s10, $0x4C;
	s15 =	sadd.s32 $0x19C00, s2;
	s16 =	sor.u32 $0x30, s11;
	v17 =	vld [tilespmem:s19+$0x0]  }
0x3c2: {  	s17 =	sor.u32 $0x10, s11;
	s19 =	sor.u32 $0x20, s11;
	s21 =	sor.u32 s16, s15;
	[tilespmem:v1+s26+$0x0] =	vst.idx.add.f32.msk $0xffff, v8;
	v1 =	vmov v7  }
0x3c3: {  	s23 =	sor.u32 s11, s15;
	s28 =	sor.u32 s17, s15;
	s15 =	sor.u32 s19, s15;
	v7 =	vld [tilespmem:s21+$0x0]  }
0x3c4: {  	v18 =	vld [tilespmem:s23+$0x0];
	v12 =	vmul.f32 v12, v15;
	v13 =	vmul.f32 v13, v15  }
0x3c5: {  	v15 =	vld [tilespmem:s28+$0x0];
	v10 =	vmul.f32 v10, v16;
	v11 =	vmul.f32 v11, v16  }
0x3c6: {  	v16 =	vld [tilespmem:s15+$0x0];
	v9 =	vmul.f32 v9, v17;
	v8 =	vmul.f32 v14, v17  }
0x3c7: {  	[tilespmem:v6+s26+$0x0] =	vst.idx.add.f32.msk $0xffff, v12  }
0x3c8: {  	v17 =	vshrl.u32 v7, $0x10;
	[tilespmem:v2+s26+$0x0] =	vst.idx.add.f32.msk $0xffff, v13  }
0x3c9: {  	v2 =	vshrl.u32 v18, $0x10;
	v6 =	vand.u32 $0xFFFF, v18;
	v18 =	vand.u32 $0xFFFF, v7;
	[tilespmem:v5+s26+$0x0] =	vst.idx.add.f32.msk $0xffff, v10  }
0x3ca: {  	s2 =	sadd.s32 $0x1A100, s2;
	v5 =	vand.u32 $0xFFFF, v15;
	[tilespmem:v3+s26+$0x0] =	vst.idx.add.f32.msk $0xffff, v11;
	v3 =	vshrl.u32 v15, $0x10  }
0x3cb: {  	s17 =	sor.u32 s17, s2;
	s21 =	sor.u32 s11, s2;
	s11 =	sor.u32 s16, s2;
	v7 =	vshrl.u32 v16, $0x10;
	[tilespmem:v4+s26+$0x0] =	vst.idx.add.f32.msk $0xffff, v9;
	v4 =	vand.u32 $0xFFFF, v16  }
0x3cc: {  	s19 =	sor.u32 s19, s2;
	v15 =	vld [tilespmem:s11+$0x0]  }
0x3cd: {  	v14 =	vld.idx.msk [tilespmem:v17+s5+$0x0], $0xffff  }
0x3ce: {  	v16 =	vld.idx.msk [tilespmem:v18+s5+$0x0], $0xffff  }
0x3cf: {  	v12 =	vld.idx.msk [tilespmem:v2+s5+$0x0], $0xffff  }
0x3d0: {  	v13 =	vld.idx.msk [tilespmem:v6+s5+$0x0], $0xffff  }
0x3d1: {  	v10 =	vld.idx.msk [tilespmem:v3+s5+$0x0], $0xffff  }
.Ltmp22:
0x3d2: {  	v11 =	vld.idx.msk [tilespmem:v5+s5+$0x0], $0xffff;
	(pc) =	sbr.rel @p1 .LBB2_43-.Ltmp22, $4  }
0x3d3: {  	v19 =	vmul.f32 v14, v15;
	v9 =	vld.idx.msk [tilespmem:v7+s5+$0x0], $0xffff  }
0x3d4: {  	v15 =	vmul.f32 v16, v15;
	v14 =	vld.idx.msk [tilespmem:v4+s5+$0x0], $0xffff  }
0x3d5: {  	[tilespmem:v18+s26+$0x0] =	vst.idx.add.f32.msk $0xffff, v19  }
0x3d6: {  	s14 =	sadd.s32 $0x100, s14;
	[tilespmem:v17+s26+$0x0] =	vst.idx.add.f32.msk $0xffff, v15  }
0x3d7: {  	v15 =	vld [tilespmem:s21+$0x0]  }
0x3d8: {  	v16 =	vld [tilespmem:s17+$0x0];
	_ =	sdelay $0x2  }
0x3d9: {  	v17 =	vld [tilespmem:s19+$0x0]  }
0x3da: {  	v12 =	vmul.f32 v12, v15  }
0x3db: {  	[tilespmem:v1+s26+$0x0] =	vst.idx.add.f32.msk $0xffff, v8;
	s18 =	sadd.s32 $0x1, s18;
	v62 =	vmul.f32 v10, v16  }
0x3dc: {  	p1 =	sne.s32 s18, $0x14;
	v1 =	vmul.f32 v13, v15;
	[tilespmem:v6+s26+$0x0] =	vst.idx.add.f32.msk $0xffff, v12  }
.Ltmp23:
0x3dd: {  	v63 =	vmul.f32 v11, v16;
	[tilespmem:v5+s26+$0x0] =	vst.idx.add.f32.msk $0xffff, v62;
	(pc) =	sbr.rel @p1 .LBB2_40-.Ltmp23, $4  }
0x3de: {  	[tilespmem:v2+s26+$0x0] =	vst.idx.add.f32.msk $0xffff, v1;
	v1 =	vmul.f32 v9, v17  }
0x3df: {  	v2 =	vmul.f32 v14, v17;
	[tilespmem:v3+s26+$0x0] =	vst.idx.add.f32.msk $0xffff, v63  }
0x3e0: {  	[tilespmem:v4+s26+$0x0] =	vst.idx.add.f32.msk $0xffff, v1  }
0x3e1: {  	[tilespmem:v7+s26+$0x0] =	vst.idx.add.f32.msk $0xffff, v2  }
0x3e2: {  	[bflag:$0x0] =	sbarrier.arrive $0xFFFF;
	s2 =	simm.s32 $0x1A800  }
0x3e3: {  	[spmem:s4] =	stream.indirect.scatter.add.f32 [tilespmem:s26], [sflag:$0x4], $0x80, s2, s3, $0xb8;
	[tilespmem:$0x1F900] =	vst v63  }
0x3e4: {  	s11 =	simm.s32 $0x1A880;
	s9 =	simm.s32 $0xF000  }
0x3e5: {  	[spmem:s4] =	stream.indirect.scatter.add.f32 [tilespmem:s9], [sflag:$0x4], $0x80, s11, s3, $0xb8;
	[tilespmem:$0x1F900] =	vst v63  }
0x3e6: {  	s14 =	simm.s32 $0x1A900;
	s15 =	simm.s32 $0x11800  }
0x3e7: {  	[spmem:s4] =	stream.indirect.scatter.add.f32 [tilespmem:s15], [sflag:$0x4], $0x80, s14, s3, $0xb8;
	[tilespmem:$0x1F900] =	vst v63  }
0x3e8: {  	s16 =	simm.s32 $0x1A980;
	s17 =	simm.s32 $0x14000  }
0x3e9: {  	[spmem:s4] =	stream.indirect.scatter.add.f32 [tilespmem:s17], [sflag:$0x4], $0x80, s16, s3, $0xb8;
	[tilespmem:$0x1F900] =	vst v63  }
0x3ea: {  	s18 =	simm.s32 $0x1AA00;
	s19 =	simm.s32 $0x16800  }
0x3eb: {  	[spmem:s4] =	stream.indirect.scatter.add.f32 [tilespmem:s19], [sflag:$0x4], $0x80, s18, s3, $0xb8;
	[tilespmem:$0x1F900] =	vst v63  }
0x3ec: {  	_ =	swait.ge [sflag:s22], $0x2800  }
0x3ed: {  	[sflag:s22] =	ssyncset.done $0x0  }
0x3ee: {  	[sflag:s22] =	ssyncadd.s32 $0xFFFFD800  }
0x3ef: {  	_ =	swait.ge [sflag:s22], $0x2800  }
0x3f0: {  	[sflag:s22] =	ssyncset.done $0x0  }
0x3f1: {  	[sflag:s22] =	ssyncadd.s32 $0xFFFFD800  }
0x3f2: {  	_ =	swait.ge [sflag:s22], $0x2800  }
0x3f3: {  	[sflag:s22] =	ssyncset.done $0x0  }
0x3f4: {  	[sflag:s22] =	ssyncadd.s32 $0xFFFFD800  }
0x3f5: {  	_ =	swait.ge [sflag:s22], $0x2800  }
0x3f6: {  	[sflag:s22] =	ssyncset.done $0x0  }
0x3f7: {  	[sflag:s22] =	ssyncadd.s32 $0xFFFFD800  }
0x3f8: {  	_ =	swait.ge [sflag:s22], $0x2800  }
0x3f9: {  	[sflag:s22] =	ssyncset.done $0x0  }
0x3fa: {  	[sflag:s22] =	ssyncadd.s32 $0xFFFFD800  }
0x3fb: {  	s21 =	simm.s32 $0x0;
	s23 =	rddreg [dreg:$0x3]  }
0x3fc: {  	[tilespmem:s26], [sflag:$0x3] =	stream.linear.gather [hbm4b:s23+s21], $0xC800, $0x38;
	[tilespmem:$0x1F900] =	vst v63  }
0x3fd: {  	s31 =	simm.s32 $0x19;
	s28 =	simm.s32 $0x1DC80;
	[bflag:$0x0] =	sbarrier.arrive $0xFFFF  }
0x3fe: {  	[tilespmem:s28], [sflag:$0x5] =	stream.indirect.gather [spmem:s4], $0x80, s25, s31, $0xb8;
	[tilespmem:$0x1F900] =	vst v63  }
0x3ff: {  	_ =	swait.ge [sflag:s24], $0xC80  }
0x400: {  	[sflag:s24] =	ssyncset.done $0x0  }
0x401: {  	s9 =	simm.s32 $0x0;
	[sflag:s24] =	ssyncadd.s32 $0xFFFFF380  }
0x402: {  	s10 =	simm.s32 $0x40;
	v1 =	vld [tilespmem:s9+$0x1BC80]  }
.LBB2_46:
0x403: {  	p1 =	sne.s32 s10, $0x31C0;
	v2 =	vld [tilespmem:s9+$0x1DC80];
	_ =	sdelay $0x1  }
0x404: {  	v3 =	vld [tilespmem:s9+$0x1CC80];
	_ =	sdelay $0x2  }
.Ltmp24:
0x405: {  	v1 =	vmul.f32 v2, v1;
	(pc) =	sbr.rel @p1 .LBB2_46-.Ltmp24, $4  }
0x406: {  	_ = 	snop  }
0x407: {  	v2 =	vadd.f32 v1, v3  }
0x408: {  	s2 =	sshra.s32 s10, $0x2  }
0x409: {  	s10 =	sadd.s32 $0x40, s10;
	v1 =	vld [tilespmem:s2+$0x1BC80];
	[tilespmem:s9+$0x1DC80] =	vst v2;
	s9 =	smov.u32 s2  }
0x40a: {  	v2 =	vld [tilespmem:s9+$0x1DC80];
	_ =	sdelay $0x1  }
0x40b: {  	v3 =	vld [tilespmem:s9+$0x1CC80];
	_ =	sdelay $0x2  }
0x40c: {  	v1 =	vmul.f32 v2, v1;
	_ =	sdelay $0x1  }
0x40d: {  	v1 =	vadd.f32 v1, v3;
	_ =	sdelay $0x1  }
0x40e: {  	s2 =	simm.s32 $0x1DC80;
	[tilespmem:s9+$0x1DC80] =	vst v1  }
0x40f: {  	[spmem:s4] =	stream.indirect.scatter [tilespmem:s2], [sflag:$0x5], $0x80, s25, s31, $0xb8;
	[tilespmem:$0x1F900] =	vst v63  }
0x410: {  	p1 =	sne.s32 s1, $0x7;
	_ =	swait.ge [sflag:s24], $0xC80  }
0x411: {  	s9 =	simm.s32 @!p1 $0x1DC80;
	[sflag:s24] =	ssyncset.done $0x0  }
0x412: {  	s2 =	simm.s32 @!p1 $0x0;
	s10 =	rddreg [dreg:$0x11];
	[sflag:s24] =	ssyncadd.s32 $0xFFFFF380  }
0x413: {  	[hbm4b:s10+s2] =	stream.linear.scatter @!p1 [tilespmem:s9], [sflag:$0x5], $0xC80, $0x38;
	[tilespmem:$0x1F900] =	vst v63  }
0x414: {  	s2 =	simm.s32 @!p1 $0x5  }
0x415: {  	_ =	swait.ge @!p1 [sflag:s2], $0xC80  }
0x416: {  	[sflag:s2] =	ssyncset.done @!p1 $0x0  }
0x417: {  	s1 =	sadd.s32 $0x1, s1;
	[sflag:s2] =	ssyncadd.s32 @!p1 $0xFFFFF380  }
0x418: {  	p1 =	sne.s32 s1, $0x8;
	[bflag:$0x0] =	sbarrier.arrive $0xFFFF  }
0x419: {  	[tilespmem:s5], [sflag:$0x5] =	stream.linear.gather [spmem:s4], $0xC800, $0x38;
	[tilespmem:$0x1F900] =	vst v63  }
.Ltmp25:
0x41a: {  	_ =	swait.ge [sflag:s24], $0xC800;
	(pc) =	sbr.rel @p1 .LBB2_39-.Ltmp25, $3  }
0x41b: {  	[sflag:s24] =	ssyncset.done $0x0  }
0x41c: {  	[sflag:s24] =	ssyncadd.s32 $0xFFFF3800  }
0x41d: {  	[bflag:$0x0] =	sbarrier.arrive $0xFFFF;
	_ =	sdelay $0x1  }
0x41e: {  	s1 =	simm.s32 $0x0;
	s2 =	rddreg [dreg:$0xa];
	s9 =	simm.s32 $0x19000  }
0x41f: {  	[tilespmem:s9], [sflag:$0x1] =	stream.linear.gather [hbm4b:s2+s1], $0xA00, $0x38;
	[tilespmem:$0x1F900] =	vst v63  }
0x420: {  	_ =	swait.ge [sflag:s30], $0xC800  }
0x421: {  	[sflag:s30] =	ssyncset.done $0x0  }
0x422: {  	[sflag:s30] =	ssyncadd.s32 $0xFFFF3800  }
0x423: {  	[spmem:s4] =	stream.indirect.scatter [tilespmem:s26], [sflag:$0x5], $0x80, s25, s31, $0xb8;
	[tilespmem:$0x1F900] =	vst v63  }
0x424: {  	_ =	swait.ge [sflag:s24], $0xC80  }
0x425: {  	[sflag:s24] =	ssyncset.done $0x0  }
0x426: {  	s18 =	simm.s32 $0x0;
	[sflag:s24] =	ssyncadd.s32 $0xFFFFF380  }
.LBB2_49:
0x427: {  	s20 =	sshll.u32 s18, $0x1  }
0x428: {  	s2 =	sadd.s32 s20, s12  }
0x429: {  	s2 =	smul.u32 $0x180, s2;
	_ =	sdelay $0x1  }
0x42a: {  	s21 =	simm.s32 $0x0;
	s2 =	sadd.s32 s7, s2  }
0x42b: {  	[tilespmem:s29], [sflag:$0x2] =	stream.linear.gather [hbm4b:s2+s1], $0xA00, $0x38;
	[tilespmem:$0x1F900] =	vst v63  }
0x42c: {  	s9 =	sand.u32 $0x40, s1;
	s2 =	sand.u32 $0x780, s21;
	_ =	swait.ge [sflag:s0], $0xA00  }
0x42d: {  	s11 =	sor.u32 $0x30, s9;
	s10 =	sor.u32 $0x19000, s2;
	[sflag:s0] =	ssyncset.done $0x0  }
0x42e: {  	s14 =	sor.u32 s11, s10;
	[sflag:s0] =	ssyncadd.s32 $0xFFFFF600  }
0x42f: {  	v1 =	vld [tilespmem:s14+$0x0];
	_ =	sdelay $0x1  }
0x430: {  	s23 =	sor.u32 s9, s10  }
0x431: {  	s15 =	sor.u32 $0x10, s9;
	v2 =	vld [tilespmem:s23+$0x0]  }
0x432: {  	s28 =	sor.u32 s15, s10  }
0x433: {  	v3 =	vld [tilespmem:s28+$0x0];
	v4 =	vshrl.u32 v1, $0x10  }
0x434: {  	s16 =	sor.u32 $0x20, s9  }
0x435: {  	s2 =	sadd.s32 $0x19500, s2;
	s10 =	sor.u32 s16, s10;
	v6 =	vand.u32 $0xFFFF, v1  }
0x436: {  	s17 =	sor.u32 s11, s2;
	v5 =	vld [tilespmem:s10+$0x0];
	v7 =	vshrl.u32 v2, $0x10  }
0x437: {  	v9 =	vld [tilespmem:s17+$0x0];
	v2 =	vand.u32 $0xFFFF, v2  }
0x438: {  	s19 =	sor.u32 s9, s2;
	s23 =	sor.u32 s15, s2;
	s2 =	sor.u32 s16, s2;
	v8 =	vshrl.u32 v3, $0x10;
	v10 =	vld.idx.msk [tilespmem:v4+s5+$0x0], $0xffff  }
0x439: {  	v18 =	vld [tilespmem:s2+$0x0];
	v3 =	vand.u32 $0xFFFF, v3  }
0x43a: {  	v11 =	vld.idx.msk [tilespmem:v6+s5+$0x0], $0xffff  }
0x43b: {  	v12 =	vld.idx.msk [tilespmem:v7+s5+$0x0], $0xffff  }
0x43c: {  	v13 =	vld.idx.msk [tilespmem:v2+s5+$0x0], $0xffff  }
0x43d: {  	v14 =	vld.idx.msk [tilespmem:v8+s5+$0x0], $0xffff;
	v10 =	vmul.f32 v10, v9  }
0x43e: {  	v1 =	vshrl.u32 v5, $0x10;
	v15 =	vld.idx.msk [tilespmem:v3+s5+$0x0], $0xffff  }
0x43f: {  	v5 =	vand.u32 $0xFFFF, v5;
	v9 =	vmul.f32 v11, v9;
	[tilespmem:v6+s26+$0x0] =	vst.idx.add.f32.msk $0xffff, v10  }
0x440: {  	v6 =	vld [tilespmem:s23+$0x0]  }
0x441: {  	s21 =	simm.s32 $0x40;
	s9 =	simm.s32 $0x40;
	[tilespmem:v4+s26+$0x0] =	vst.idx.add.f32.msk $0xffff, v9  }
0x442: {  	s15 =	sand.u32 $0x40, s9;
	s28 =	sand.u32 $0x780, s21;
	v4 =	vld [tilespmem:s19+$0x0]  }
0x443: {  	s11 =	sor.u32 $0x19000, s28;
	s14 =	sor.u32 $0x30, s15;
	v16 =	vld.idx.msk [tilespmem:v1+s5+$0x0], $0xffff  }
0x444: {  	s21 =	sor.u32 s14, s11;
	v17 =	vld.idx.msk [tilespmem:v5+s5+$0x0], $0xffff  }
0x445: {  	s16 =	sor.u32 $0x10, s15;
	s17 =	sor.u32 s15, s11;
	v9 =	vld [tilespmem:s21+$0x0]  }
0x446: {  	s23 =	sor.u32 $0x20, s15;
	v10 =	vld [tilespmem:s17+$0x0];
	s19 =	sor.u32 s16, s11  }
0x447: {  	s11 =	sor.u32 s23, s11;
	v14 =	vmul.f32 v14, v6;
	v11 =	vmul.f32 v12, v4;
	v12 =	vld [tilespmem:s19+$0x0]  }
0x448: {  	v4 =	vmul.f32 v13, v4;
	v13 =	vld [tilespmem:s11+$0x0]  }
0x449: {  	[tilespmem:v3+s26+$0x0] =	vst.idx.add.f32.msk $0xffff, v14  }
0x44a: {  	v63 =	vand.u32 $0xFFFF, v9;
	[tilespmem:v2+s26+$0x0] =	vst.idx.add.f32.msk $0xffff, v11;
	v2 =	vmul.f32 v15, v6  }
0x44b: {  	s28 =	sadd.s32 $0x19500, s28;
	v15 =	vshrl.u32 v9, $0x10;
	[tilespmem:v7+s26+$0x0] =	vst.idx.add.f32.msk $0xffff, v4  }
0x44c: {  	s10 =	sor.u32 s14, s28;
	v3 =	vshrl.u32 v10, $0x10;
	v4 =	vmul.f32 v16, v18;
	[tilespmem:v8+s26+$0x0] =	vst.idx.add.f32.msk $0xffff, v2  }
0x44d: {  	v6 =	vand.u32 $0xFFFF, v10;
	v8 =	vld [tilespmem:s10+$0x0]  }
0x44e: {  	[tilespmem:v5+s26+$0x0] =	vst.idx.add.f32.msk $0xffff, v4;
	v2 =	vshrl.u32 v12, $0x10  }
0x44f: {  	v5 =	vand.u32 $0xFFFF, v12;
	v19 =	vld.idx.msk [tilespmem:v63+s5+$0x0], $0xffff  }
0x450: {  	v7 =	vshrl.u32 v13, $0x10;
	v10 =	vld.idx.msk [tilespmem:v15+s5+$0x0], $0xffff  }
0x451: {  	v4 =	vand.u32 $0xFFFF, v13;
	v13 =	vld.idx.msk [tilespmem:v3+s5+$0x0], $0xffff  }
0x452: {  	v14 =	vld.idx.msk [tilespmem:v6+s5+$0x0], $0xffff  }
0x453: {  	v11 =	vld.idx.msk [tilespmem:v2+s5+$0x0], $0xffff  }
0x454: {  	v12 =	vld.idx.msk [tilespmem:v5+s5+$0x0], $0xffff  }
0x455: {  	v9 =	vld.idx.msk [tilespmem:v7+s5+$0x0], $0xffff;
	v20 =	vmul.f32 v10, v8  }
0x456: {  	v19 =	vmul.f32 v19, v8;
	v10 =	vld.idx.msk [tilespmem:v4+s5+$0x0], $0xffff  }
0x457: {  	s14 =	simm.s32 $0x200;
	s17 =	sor.u32 s16, s28;
	[tilespmem:v63+s26+$0x0] =	vst.idx.add.f32.msk $0xffff, v20  }
0x458: {  	s21 =	sor.u32 s15, s28;
	s19 =	sor.u32 s23, s28;
	s10 =	simm.s32 $0x4;
	v8 =	vmul.f32 v17, v18;
	[tilespmem:v15+s26+$0x0] =	vst.idx.add.f32.msk $0xffff, v19  }
.LBB2_50:
0x459: {  	s2 =	sshrl.u32 s14, $0x2;
	v15 =	vld [tilespmem:s21+$0x0];
	s9 =	sadd.s32 $0x40, s9  }
0x45a: {  	s10 =	sadd.s32 $0x4, s10;
	s11 =	sand.u32 $0x40, s9;
	s2 =	sand.u32 $0x780, s2;
	v16 =	vld [tilespmem:s17+$0x0]  }
0x45b: {  	p1 =	slt.u32 s10, $0x4C;
	s15 =	sor.u32 $0x19000, s2;
	s16 =	sor.u32 $0x30, s11;
	v17 =	vld [tilespmem:s19+$0x0]  }
0x45c: {  	s17 =	sor.u32 $0x10, s11;
	s19 =	sor.u32 $0x20, s11;
	s21 =	sor.u32 s16, s15;
	[tilespmem:v1+s26+$0x0] =	vst.idx.add.f32.msk $0xffff, v8;
	v1 =	vmov v7  }
0x45d: {  	s23 =	sor.u32 s11, s15;
	s28 =	sor.u32 s17, s15;
	s15 =	sor.u32 s19, s15;
	v7 =	vld [tilespmem:s21+$0x0]  }
0x45e: {  	v18 =	vld [tilespmem:s23+$0x0];
	v13 =	vmul.f32 v13, v15;
	v14 =	vmul.f32 v14, v15  }
0x45f: {  	v15 =	vld [tilespmem:s28+$0x0];
	v11 =	vmul.f32 v11, v16;
	v12 =	vmul.f32 v12, v16  }
0x460: {  	v16 =	vld [tilespmem:s15+$0x0];
	v9 =	vmul.f32 v9, v17;
	v8 =	vmul.f32 v10, v17  }
0x461: {  	[tilespmem:v6+s26+$0x0] =	vst.idx.add.f32.msk $0xffff, v13  }
0x462: {  	v17 =	vshrl.u32 v7, $0x10;
	[tilespmem:v3+s26+$0x0] =	vst.idx.add.f32.msk $0xffff, v14  }
0x463: {  	v3 =	vshrl.u32 v18, $0x10;
	v6 =	vand.u32 $0xFFFF, v18;
	v18 =	vand.u32 $0xFFFF, v7;
	[tilespmem:v5+s26+$0x0] =	vst.idx.add.f32.msk $0xffff, v11  }
0x464: {  	s2 =	sadd.s32 $0x19500, s2;
	v5 =	vand.u32 $0xFFFF, v15;
	[tilespmem:v2+s26+$0x0] =	vst.idx.add.f32.msk $0xffff, v12;
	v2 =	vshrl.u32 v15, $0x10  }
0x465: {  	s17 =	sor.u32 s17, s2;
	s21 =	sor.u32 s11, s2;
	s11 =	sor.u32 s16, s2;
	v7 =	vshrl.u32 v16, $0x10;
	[tilespmem:v4+s26+$0x0] =	vst.idx.add.f32.msk $0xffff, v9;
	v4 =	vand.u32 $0xFFFF, v16  }
0x466: {  	s19 =	sor.u32 s19, s2;
	v15 =	vld [tilespmem:s11+$0x0]  }
0x467: {  	v10 =	vld.idx.msk [tilespmem:v17+s5+$0x0], $0xffff  }
0x468: {  	v16 =	vld.idx.msk [tilespmem:v18+s5+$0x0], $0xffff  }
0x469: {  	v13 =	vld.idx.msk [tilespmem:v3+s5+$0x0], $0xffff  }
0x46a: {  	v14 =	vld.idx.msk [tilespmem:v6+s5+$0x0], $0xffff  }
0x46b: {  	v11 =	vld.idx.msk [tilespmem:v2+s5+$0x0], $0xffff  }
.Ltmp26:
0x46c: {  	v12 =	vld.idx.msk [tilespmem:v5+s5+$0x0], $0xffff;
	(pc) =	sbr.rel @p1 .LBB2_50-.Ltmp26, $4  }
0x46d: {  	v19 =	vmul.f32 v10, v15;
	v9 =	vld.idx.msk [tilespmem:v7+s5+$0x0], $0xffff  }
0x46e: {  	v15 =	vmul.f32 v16, v15;
	v10 =	vld.idx.msk [tilespmem:v4+s5+$0x0], $0xffff  }
0x46f: {  	[tilespmem:v18+s26+$0x0] =	vst.idx.add.f32.msk $0xffff, v19  }
0x470: {  	s14 =	sadd.s32 $0x100, s14;
	[tilespmem:v17+s26+$0x0] =	vst.idx.add.f32.msk $0xffff, v15  }
0x471: {  	v15 =	vld [tilespmem:s21+$0x0]  }
0x472: {  	v16 =	vld [tilespmem:s17+$0x0];
	_ =	sdelay $0x2  }
0x473: {  	v17 =	vld [tilespmem:s19+$0x0]  }
0x474: {  	v13 =	vmul.f32 v13, v15  }
0x475: {  	[tilespmem:v1+s26+$0x0] =	vst.idx.add.f32.msk $0xffff, v8;
	v8 =	vmul.f32 v11, v16  }
0x476: {  	v1 =	vmul.f32 v14, v15;
	[tilespmem:v6+s26+$0x0] =	vst.idx.add.f32.msk $0xffff, v13  }
0x477: {  	p1 =	seq.s32 s18, $0x13;
	v6 =	vmul.f32 v12, v16;
	[tilespmem:v5+s26+$0x0] =	vst.idx.add.f32.msk $0xffff, v8  }
0x478: {  	s2 =	sadd.s32 @!p1 s20, s13;
	[tilespmem:v3+s26+$0x0] =	vst.idx.add.f32.msk $0xffff, v1;
	v1 =	vmul.f32 v9, v17  }
0x479: {  	s2 =	smul.u32 @!p1 $0x180, s2;
	v3 =	vmul.f32 v10, v17;
	[tilespmem:v2+s26+$0x0] =	vst.idx.add.f32.msk $0xffff, v6  }
0x47a: {  	s15 =	simm.s32 $0x0;
	s16 =	simm.s32 $0x0;
	[tilespmem:v4+s26+$0x0] =	vst.idx.add.f32.msk $0xffff, v1  }
0x47b: {  	s9 =	simm.s32 @!p1 $0x0;
	s10 =	simm.s32 @!p1 $0x19000;
	s2 =	sadd.s32 @!p1 s7, s2;
	[tilespmem:v7+s26+$0x0] =	vst.idx.add.f32.msk $0xffff, v3  }
0x47c: {  	[tilespmem:s10], [sflag:$0x1] =	stream.linear.gather @!p1 [hbm4b:s2+s9], $0xA00, $0x38;
	[tilespmem:$0x1F900] =	vst v63  }
0x47d: {  	s2 =	sand.u32 $0x40, s15;
	s9 =	sand.u32 $0x780, s16;
	_ =	swait.ge [sflag:s6], $0xA00  }
0x47e: {  	s17 =	sadd.s32 $0x19C00, s9;
	s11 =	sor.u32 $0x30, s2;
	[sflag:s6] =	ssyncset.done $0x0  }
0x47f: {  	s14 =	sor.u32 s11, s17;
	[sflag:s6] =	ssyncadd.s32 $0xFFFFF600  }
0x480: {  	v1 =	vld [tilespmem:s14+$0x0];
	_ =	sdelay $0x1  }
0x481: {  	s19 =	sor.u32 s2, s17  }
0x482: {  	s15 =	sor.u32 $0x10, s2;
	v2 =	vld [tilespmem:s19+$0x0]  }
0x483: {  	s20 =	sor.u32 s15, s17  }
0x484: {  	v3 =	vld [tilespmem:s20+$0x0];
	v4 =	vshrl.u32 v1, $0x10  }
0x485: {  	s16 =	sor.u32 $0x20, s2  }
0x486: {  	s21 =	sadd.s32 $0x1A100, s9;
	s10 =	sor.u32 s16, s17;
	v6 =	vand.u32 $0xFFFF, v1  }
0x487: {  	s9 =	sor.u32 s11, s21;
	v5 =	vld [tilespmem:s10+$0x0];
	v7 =	vshrl.u32 v2, $0x10  }
0x488: {  	v9 =	vld [tilespmem:s9+$0x0];
	v2 =	vand.u32 $0xFFFF, v2  }
0x489: {  	s10 =	sor.u32 s16, s21;
	v8 =	vshrl.u32 v3, $0x10;
	v10 =	vld.idx.msk [tilespmem:v4+s5+$0x0], $0xffff  }
0x48a: {  	v18 =	vld [tilespmem:s10+$0x0];
	v3 =	vand.u32 $0xFFFF, v3  }
0x48b: {  	v11 =	vld.idx.msk [tilespmem:v6+s5+$0x0], $0xffff  }
0x48c: {  	v12 =	vld.idx.msk [tilespmem:v7+s5+$0x0], $0xffff  }
0x48d: {  	v13 =	vld.idx.msk [tilespmem:v2+s5+$0x0], $0xffff  }
0x48e: {  	v14 =	vld.idx.msk [tilespmem:v8+s5+$0x0], $0xffff;
	v10 =	vmul.f32 v10, v9  }
0x48f: {  	v1 =	vshrl.u32 v5, $0x10;
	v15 =	vld.idx.msk [tilespmem:v3+s5+$0x0], $0xffff  }
0x490: {  	s28 =	sor.u32 s15, s21;
	v5 =	vand.u32 $0xFFFF, v5;
	v9 =	vmul.f32 v11, v9;
	[tilespmem:v6+s26+$0x0] =	vst.idx.add.f32.msk $0xffff, v10  }
0x491: {  	v6 =	vld [tilespmem:s28+$0x0]  }
0x492: {  	s23 =	simm.s32 $0x40;
	s2 =	sor.u32 s2, s21;
	[tilespmem:v4+s26+$0x0] =	vst.idx.add.f32.msk $0xffff, v9  }
0x493: {  	s11 =	sand.u32 $0x780, s23;
	s9 =	simm.s32 $0x40;
	v4 =	vld [tilespmem:s2+$0x0]  }
0x494: {  	s15 =	sadd.s32 $0x19C00, s11;
	v61 =	vld.idx.msk [tilespmem:v1+s5+$0x0], $0xffff;
	s2 =	sand.u32 $0x40, s9  }
0x495: {  	v62 =	vld.idx.msk [tilespmem:v5+s5+$0x0], $0xffff;
	s16 =	sor.u32 $0x30, s2;
	s20 =	sor.u32 s2, s15  }
0x496: {  	s19 =	sor.u32 $0x10, s2;
	s17 =	sor.u32 s16, s15;
	v10 =	vld [tilespmem:s20+$0x0]  }
0x497: {  	s21 =	sor.u32 $0x20, s2;
	s23 =	sor.u32 s19, s15;
	v9 =	vld [tilespmem:s17+$0x0]  }
0x498: {  	s14 =	sor.u32 s21, s15;
	v14 =	vmul.f32 v14, v6;
	v11 =	vmul.f32 v12, v4;
	v12 =	vld [tilespmem:s23+$0x0]  }
0x499: {  	v4 =	vmul.f32 v13, v4;
	v13 =	vld [tilespmem:s14+$0x0]  }
0x49a: {  	v6 =	vmul.f32 v15, v6;
	[tilespmem:v3+s26+$0x0] =	vst.idx.add.f32.msk $0xffff, v14  }
0x49b: {  	[tilespmem:v2+s26+$0x0] =	vst.idx.add.f32.msk $0xffff, v11;
	v2 =	vshrl.u32 v10, $0x10  }
0x49c: {  	s11 =	sadd.s32 $0x1A100, s11;
	[tilespmem:v8+s26+$0x0] =	vst.idx.add.f32.msk $0xffff, v6;
	v15 =	vshrl.u32 v9, $0x10  }
0x49d: {  	s28 =	sor.u32 s16, s11;
	[tilespmem:v7+s26+$0x0] =	vst.idx.add.f32.msk $0xffff, v4;
	v4 =	vmul.f32 v61, v18;
	v63 =	vand.u32 $0xFFFF, v9  }
0x49e: {  	v6 =	vand.u32 $0xFFFF, v10;
	v8 =	vld [tilespmem:s28+$0x0]  }
0x49f: {  	[tilespmem:v5+s26+$0x0] =	vst.idx.add.f32.msk $0xffff, v4;
	v3 =	vshrl.u32 v12, $0x10  }
0x4a0: {  	v5 =	vand.u32 $0xFFFF, v12;
	v12 =	vld.idx.msk [tilespmem:v2+s5+$0x0], $0xffff  }
0x4a1: {  	v7 =	vshrl.u32 v13, $0x10;
	v14 =	vld.idx.msk [tilespmem:v15+s5+$0x0], $0xffff  }
0x4a2: {  	v4 =	vand.u32 $0xFFFF, v13;
	v19 =	vld.idx.msk [tilespmem:v63+s5+$0x0], $0xffff  }
0x4a3: {  	v13 =	vld.idx.msk [tilespmem:v6+s5+$0x0], $0xffff  }
0x4a4: {  	v10 =	vld.idx.msk [tilespmem:v3+s5+$0x0], $0xffff  }
0x4a5: {  	v11 =	vld.idx.msk [tilespmem:v5+s5+$0x0], $0xffff  }
0x4a6: {  	v9 =	vld.idx.msk [tilespmem:v7+s5+$0x0], $0xffff;
	v20 =	vmul.f32 v14, v8  }
0x4a7: {  	v19 =	vmul.f32 v19, v8;
	v14 =	vld.idx.msk [tilespmem:v4+s5+$0x0], $0xffff  }
0x4a8: {  	s10 =	simm.s32 $0x4;
	s20 =	sor.u32 s2, s11;
	[tilespmem:v63+s26+$0x0] =	vst.idx.add.f32.msk $0xffff, v20  }
0x4a9: {  	s17 =	sor.u32 s19, s11;
	s19 =	sor.u32 s21, s11;
	s14 =	simm.s32 $0x200;
	v8 =	vmul.f32 v62, v18;
	[tilespmem:v15+s26+$0x0] =	vst.idx.add.f32.msk $0xffff, v19  }
.LBB2_52:
0x4aa: {  	s2 =	sshrl.u32 s14, $0x2;
	v15 =	vld [tilespmem:s20+$0x0];
	s9 =	sadd.s32 $0x40, s9  }
0x4ab: {  	s10 =	sadd.s32 $0x4, s10;
	s11 =	sand.u32 $0x40, s9;
	s2 =	sand.u32 $0x780, s2;
	v16 =	vld [tilespmem:s17+$0x0]  }
0x4ac: {  	p1 =	slt.u32 s10, $0x4C;
	s15 =	sadd.s32 $0x19C00, s2;
	s16 =	sor.u32 $0x30, s11;
	v17 =	vld [tilespmem:s19+$0x0]  }
0x4ad: {  	s17 =	sor.u32 $0x10, s11;
	s19 =	sor.u32 $0x20, s11;
	s20 =	sor.u32 s16, s15;
	[tilespmem:v1+s26+$0x0] =	vst.idx.add.f32.msk $0xffff, v8;
	v1 =	vmov v7  }
0x4ae: {  	s21 =	sor.u32 s11, s15;
	s23 =	sor.u32 s17, s15;
	s15 =	sor.u32 s19, s15;
	v7 =	vld [tilespmem:s20+$0x0]  }
0x4af: {  	v18 =	vld [tilespmem:s21+$0x0];
	v12 =	vmul.f32 v12, v15;
	v13 =	vmul.f32 v13, v15  }
0x4b0: {  	v15 =	vld [tilespmem:s23+$0x0];
	v10 =	vmul.f32 v10, v16;
	v11 =	vmul.f32 v11, v16  }
0x4b1: {  	v16 =	vld [tilespmem:s15+$0x0];
	v9 =	vmul.f32 v9, v17;
	v8 =	vmul.f32 v14, v17  }
0x4b2: {  	[tilespmem:v6+s26+$0x0] =	vst.idx.add.f32.msk $0xffff, v12  }
0x4b3: {  	v17 =	vshrl.u32 v7, $0x10;
	[tilespmem:v2+s26+$0x0] =	vst.idx.add.f32.msk $0xffff, v13  }
0x4b4: {  	v2 =	vshrl.u32 v18, $0x10;
	v6 =	vand.u32 $0xFFFF, v18;
	v18 =	vand.u32 $0xFFFF, v7;
	[tilespmem:v5+s26+$0x0] =	vst.idx.add.f32.msk $0xffff, v10  }
0x4b5: {  	s2 =	sadd.s32 $0x1A100, s2;
	v5 =	vand.u32 $0xFFFF, v15;
	[tilespmem:v3+s26+$0x0] =	vst.idx.add.f32.msk $0xffff, v11;
	v3 =	vshrl.u32 v15, $0x10  }
0x4b6: {  	s17 =	sor.u32 s17, s2;
	s20 =	sor.u32 s11, s2;
	s11 =	sor.u32 s16, s2;
	v7 =	vshrl.u32 v16, $0x10;
	[tilespmem:v4+s26+$0x0] =	vst.idx.add.f32.msk $0xffff, v9;
	v4 =	vand.u32 $0xFFFF, v16  }
0x4b7: {  	s19 =	sor.u32 s19, s2;
	v15 =	vld [tilespmem:s11+$0x0]  }
0x4b8: {  	v14 =	vld.idx.msk [tilespmem:v17+s5+$0x0], $0xffff  }
0x4b9: {  	v16 =	vld.idx.msk [tilespmem:v18+s5+$0x0], $0xffff  }
0x4ba: {  	v12 =	vld.idx.msk [tilespmem:v2+s5+$0x0], $0xffff  }
0x4bb: {  	v13 =	vld.idx.msk [tilespmem:v6+s5+$0x0], $0xffff  }
0x4bc: {  	v10 =	vld.idx.msk [tilespmem:v3+s5+$0x0], $0xffff  }
.Ltmp27:
0x4bd: {  	v11 =	vld.idx.msk [tilespmem:v5+s5+$0x0], $0xffff;
	(pc) =	sbr.rel @p1 .LBB2_52-.Ltmp27, $4  }
0x4be: {  	v19 =	vmul.f32 v14, v15;
	v9 =	vld.idx.msk [tilespmem:v7+s5+$0x0], $0xffff  }
0x4bf: {  	v15 =	vmul.f32 v16, v15;
	v14 =	vld.idx.msk [tilespmem:v4+s5+$0x0], $0xffff  }
0x4c0: {  	[tilespmem:v18+s26+$0x0] =	vst.idx.add.f32.msk $0xffff, v19  }
0x4c1: {  	s14 =	sadd.s32 $0x100, s14;
	[tilespmem:v17+s26+$0x0] =	vst.idx.add.f32.msk $0xffff, v15  }
0x4c2: {  	v15 =	vld [tilespmem:s20+$0x0]  }
0x4c3: {  	v16 =	vld [tilespmem:s17+$0x0];
	_ =	sdelay $0x2  }
0x4c4: {  	v17 =	vld [tilespmem:s19+$0x0]  }
0x4c5: {  	v12 =	vmul.f32 v12, v15  }
0x4c6: {  	[tilespmem:v1+s26+$0x0] =	vst.idx.add.f32.msk $0xffff, v8;
	s18 =	sadd.s32 $0x1, s18;
	v62 =	vmul.f32 v10, v16  }
0x4c7: {  	p1 =	sne.s32 s18, $0x14;
	v1 =	vmul.f32 v13, v15;
	[tilespmem:v6+s26+$0x0] =	vst.idx.add.f32.msk $0xffff, v12  }
.Ltmp28:
0x4c8: {  	v63 =	vmul.f32 v11, v16;
	[tilespmem:v5+s26+$0x0] =	vst.idx.add.f32.msk $0xffff, v62;
	(pc) =	sbr.rel @p1 .LBB2_49-.Ltmp28, $4  }
0x4c9: {  	[tilespmem:v2+s26+$0x0] =	vst.idx.add.f32.msk $0xffff, v1;
	v1 =	vmul.f32 v9, v17  }
0x4ca: {  	v2 =	vmul.f32 v14, v17;
	[tilespmem:v3+s26+$0x0] =	vst.idx.add.f32.msk $0xffff, v63  }
0x4cb: {  	[tilespmem:v4+s26+$0x0] =	vst.idx.add.f32.msk $0xffff, v1  }
0x4cc: {  	[tilespmem:v7+s26+$0x0] =	vst.idx.add.f32.msk $0xffff, v2  }
0x4cd: {  	[bflag:$0x0] =	sbarrier.arrive $0xFFFF;
	s1 =	simm.s32 $0x1A800  }
0x4ce: {  	[spmem:s4] =	stream.indirect.scatter.add.f32 [tilespmem:s26], [sflag:$0x4], $0x80, s1, s3, $0xb8;
	[tilespmem:$0x1F900] =	vst v63  }
0x4cf: {  	s28 =	simm.s32 $0x1A880;
	s2 =	simm.s32 $0xF000  }
0x4d0: {  	[spmem:s4] =	stream.indirect.scatter.add.f32 [tilespmem:s2], [sflag:$0x4], $0x80, s28, s3, $0xb8;
	[tilespmem:$0x1F900] =	vst v63  }
0x4d1: {  	s9 =	simm.s32 $0x1A900;
	s10 =	simm.s32 $0x11800  }
0x4d2: {  	[spmem:s4] =	stream.indirect.scatter.add.f32 [tilespmem:s10], [sflag:$0x4], $0x80, s9, s3, $0xb8;
	[tilespmem:$0x1F900] =	vst v63  }
0x4d3: {  	s11 =	simm.s32 $0x1A980;
	s14 =	simm.s32 $0x14000  }
0x4d4: {  	[spmem:s4] =	stream.indirect.scatter.add.f32 [tilespmem:s14], [sflag:$0x4], $0x80, s11, s3, $0xb8;
	[tilespmem:$0x1F900] =	vst v63  }
0x4d5: {  	s15 =	simm.s32 $0x1AA00;
	s16 =	simm.s32 $0x16800  }
0x4d6: {  	[spmem:s4] =	stream.indirect.scatter.add.f32 [tilespmem:s16], [sflag:$0x4], $0x80, s15, s3, $0xb8;
	[tilespmem:$0x1F900] =	vst v63  }
0x4d7: {  	_ =	swait.ge [sflag:s22], $0x2800  }
0x4d8: {  	[sflag:s22] =	ssyncset.done $0x0  }
0x4d9: {  	[sflag:s22] =	ssyncadd.s32 $0xFFFFD800  }
0x4da: {  	_ =	swait.ge [sflag:s22], $0x2800  }
0x4db: {  	[sflag:s22] =	ssyncset.done $0x0  }
0x4dc: {  	[sflag:s22] =	ssyncadd.s32 $0xFFFFD800  }
0x4dd: {  	_ =	swait.ge [sflag:s22], $0x2800  }
0x4de: {  	[sflag:s22] =	ssyncset.done $0x0  }
0x4df: {  	[sflag:s22] =	ssyncadd.s32 $0xFFFFD800  }
0x4e0: {  	_ =	swait.ge [sflag:s22], $0x2800  }
0x4e1: {  	[sflag:s22] =	ssyncset.done $0x0  }
0x4e2: {  	[sflag:s22] =	ssyncadd.s32 $0xFFFFD800  }
0x4e3: {  	_ =	swait.ge [sflag:s22], $0x2800  }
0x4e4: {  	[sflag:s22] =	ssyncset.done $0x0  }
0x4e5: {  	[sflag:s22] =	ssyncadd.s32 $0xFFFFD800  }
0x4e6: {  	s17 =	simm.s32 $0x0;
	s18 =	rddreg [dreg:$0x3]  }
0x4e7: {  	[tilespmem:s26], [sflag:$0x3] =	stream.linear.gather [hbm4b:s18+s17], $0xC800, $0x38;
	[tilespmem:$0x1F900] =	vst v63  }
0x4e8: {  	s19 =	simm.s32 $0x1DC80;
	[bflag:$0x0] =	sbarrier.arrive $0xFFFF  }
0x4e9: {  	[tilespmem:s19], [sflag:$0x5] =	stream.indirect.gather [spmem:s4], $0x80, s25, s31, $0xb8;
	[tilespmem:$0x1F900] =	vst v63  }
0x4ea: {  	_ =	swait.ge [sflag:s24], $0xC80  }
0x4eb: {  	[sflag:s24] =	ssyncset.done $0x0  }
0x4ec: {  	s9 =	simm.s32 $0x1CC80;
	s20 =	rddreg [dreg:$0x10];
	[sflag:s24] =	ssyncadd.s32 $0xFFFFF380  }
0x4ed: {  	[tilespmem:s9], [sflag:$0x5] =	stream.linear.gather [hbm4b:s20+s17], $0xC80, $0x38;
	[tilespmem:$0x1F900] =	vst v63  }
0x4ee: {  	_ =	swait.ge [sflag:s24], $0xC80  }
0x4ef: {  	s23 =	simm.s32 $0x0;
	s21 =	sand.u32 $0x70, s17;
	[sflag:s24] =	ssyncset.done $0x0  }
0x4f0: {  	s1 =	sor.u32 s21, s23;
	s28 =	sadd.s32 $0x0, s8;
	[sflag:s24] =	ssyncadd.s32 $0xFFFFF380  }
0x4f1: {  	s9 =	sshll.u32 s28, $0x7;
	v1 =	vld [tilespmem:s1+$0x1CC80]  }
0x4f2: {  	s9 =	sand.u32 $0x3FFFFF80, s9;
	v2 =	vld [tilespmem:s1+$0x1AC80]  }
0x4f3: {  	s2 =	sor.u32 s21, s9;
	v3 =	vld [tilespmem:s1+$0x1DC80]  }
0x4f4: {  	v4 =	vld [tilespmem:s2+$0x0];
	_ =	sdelay $0x4  }
0x4f5: {  	s10 =	simm.s32 $0x2;
	s9 =	simm.s32 $0x10;
	v1 =	vadd.f32 v3, v1;
	v2 =	vmul.f32 v2, v4  }
0x4f6: {  	s18 =	simm.s32 $0x0;
	s17 =	simm.s32 $0x0;
	s14 =	sand.u32 $0x70, s9  }
.LBB2_55:
0x4f7: {  	p1 =	sne.s32 s10, $0xC7;
	s2 =	sadd.s32 s8, s17;
	s11 =	sor.u32 s14, s18;
	v1 =	vsub.f32 v1, v2  }
0x4f8: {  	s2 =	sshll.u32 s2, $0x7;
	v2 =	vld [tilespmem:s11+$0x1CC80]  }
0x4f9: {  	s2 =	sand.u32 $0x3FFFFF80, s2;
	v3 =	vld [tilespmem:s11+$0x1AC80];
	[tilespmem:s1+$0x1DC80] =	vst v1;
	s1 =	smov.u32 s11  }
0x4fa: {  	s2 =	sor.u32 s14, s2;
	v1 =	vld [tilespmem:s1+$0x1DC80]  }
0x4fb: {  	v4 =	vld [tilespmem:s2+$0x0];
	_ =	sdelay $0x1  }
.Ltmp29:
0x4fc: {  	(pc) =	sbr.rel @p1 .LBB2_55-.Ltmp29, $3  }
0x4fd: {  	_ =	sdelay $0x1  }
0x4fe: {  	s17 =	sshrl.u32 s10, $0x3;
	s9 =	sadd.s32 $0x10, s9;
	v1 =	vadd.f32 v1, v2;
	v2 =	vmul.f32 v3, v4  }
0x4ff: {  	s10 =	sadd.s32 $0x1, s10;
	s18 =	sshll.u32 s17, $0x7;
	s14 =	sand.u32 $0x70, s9  }
0x500: {  	s2 =	sor.u32 s14, s18;
	s9 =	sadd.s32 s8, s17;
	v1 =	vsub.f32 v1, v2  }
0x501: {  	v2 =	vld [tilespmem:s2+$0x1CC80];
	s9 =	sshll.u32 s9, $0x7  }
0x502: {  	v3 =	vld [tilespmem:s2+$0x1AC80];
	s9 =	sand.u32 $0x3FFFFF80, s9;
	[tilespmem:s1+$0x1DC80] =	vst v1  }
0x503: {  	s21 =	sor.u32 s14, s9;
	v1 =	vld [tilespmem:s2+$0x1DC80]  }
0x504: {  	v4 =	vld [tilespmem:s21+$0x0];
	_ =	sdelay $0x4  }
0x505: {  	v1 =	vadd.f32 v1, v2;
	v2 =	vmul.f32 v3, v4;
	_ =	sdelay $0x1  }
0x506: {  	v1 =	vsub.f32 v1, v2;
	_ =	sdelay $0x1  }
.Ltmp30:
0x507: {  	s23 =	rddreg [dreg:$0x12];
	s28 =	simm.s32 $0x1DC80;
	[tilespmem:s2+$0x1DC80] =	vst v1;
	(pc) =	sbr.rel .LBB2_57-.Ltmp30, $4  }
0x508: {  	[hbm4b:s23+s5] =	stream.linear.scatter [tilespmem:s28], [sflag:$0x5], $0xC80, $0x38;
	[tilespmem:$0x1F900] =	vst v63  }
0x509: {  	_ =	swait.ge [sflag:s24], $0xC80  }
0x50a: {  	[sflag:s24] =	ssyncset.done $0x0  }
0x50b: {  	s2 =	rddreg [dreg:$0x14];
	[sflag:s24] =	ssyncadd.s32 $0xFFFFF380  }
.LBB2_58:
0x50c: {  	_ =	sfence.sel $0x180000  }
0x50d: {  	[bflag:$0x0] =	sbarrier.arrive $0xFFFF  }
0x50e: {  	_ =	strace $0x90000047  }
0x50f: {  	s0 =	stileid.u32;
	[bflag:$0x2] =	sbarrier.arrive $0xFFFF  }
0x510: {  	p0 =	sne.s32 s0, $0x0;
	s0 =	rddreg [dreg:$0x7]  }
0x511: {  	s0 =	sadd.s32 @!p0 $0x100000, s0  }
0x512: {  	[sflag:s0] =	ssyncadd.tile.s32 @!p0 $0x1;
	_ =	shalt  }
.Lfunc_end2:
_tile_overlayer_lowered:
.L_overlay_start_2:
0x513: {  	(tag) =	ssettag $0x2  }
0x514: {  	s0 =	rddreg [dreg:$0x0];
	s2 =	stileid.u32  }
0x515: {  	s1 =	rddreg [dreg:$0x1];
	p0 =	sne.s32 s2, $0x0  }
0x516: {  	s3 =	rddreg [dreg:$0x2];
	[bflag:$0x3] =	sbarrier.arrive $0xFFFF;
	s2 =	simm.s32 @!p0 $0x1C05  }
0x517: {  	[timem:s3], [sflag:s2] =	dma.local @!p0 [hbm:s0], s1  }
0x518: {  	s0 =	simm.s32 @!p0 $0x5  }
0x519: {  	_ =	swait.ge @!p0 [sflag:s0], s1  }
0x51a: {  	s1 =	ssub.s32 @!p0 $0x0, s1;
	[sflag:s0] =	ssyncset.done @!p0 $0x0  }
0x51b: {  	[sflag:s0] =	ssyncadd.s32 @!p0 s1  }
0x51c: {  	[bflag:$0x3] =	sbarrier.arrive $0xFFFF  }
0x51d: {  	_ =	shalt  }

</sc_bundles>
